<compile_context>
chip_gen: v7x
topology: tpu7x:2x2x1
jax: 0.10.2.dev20260603
libtpu: 0.0.44.dev20260713+nightly
codegen_flags: <defaults>
</compile_context>

<pallas_src>
import functools

import jax
import jax.numpy as jnp
from jax import lax
from jax.experimental import pallas as pl
from jax.experimental.pallas import tpu as pltpu
from jax.experimental.pallas import tpu_sc as plsc

N_NODES = 10000
N_PAD = 10240
IN_CH = 128
OUT_CH = 128
NUM_HEADS = 8
NUM_BASES = 4
NUM_AGGS = 3
D_HEAD = 16
FLAT = NUM_BASES * D_HEAD
FAN = NUM_HEADS * NUM_BASES * NUM_AGGS

N_EDGES = 320000
CH = 1600
NCHUNK = N_EDGES // CH
MCAP = 6144
GB = 128
NTILES = 32
R = N_PAD // NTILES
BLK = 512
NBLK = N_PAD // BLK

NEG_INF = float("-inf")


def _pre_body(x_ref, w2_ref, cwt_ref, cb_ref, sblk_ref, flat_ref, w_ref):
    x = x_ref[...]
    flat_ref[...] = jnp.dot(x, w2_ref[...], preferred_element_type=jnp.float32)
    logits = jnp.dot(x, cwt_ref[...], preferred_element_type=jnp.float32)
    logits = logits + cb_ref[...]
    m = jnp.max(logits, axis=1, keepdims=True)
    e = jnp.exp(logits - m)
    gsum = jnp.dot(e, sblk_ref[...], preferred_element_type=jnp.float32,
                   precision=lax.Precision.HIGHEST)
    w_ref[...] = e / gsum


def _pre(xp, w2, cwt, cb, sblk):
    return pl.pallas_call(
        _pre_body,
        grid=(NBLK,),
        in_specs=[
            pl.BlockSpec((BLK, IN_CH), lambda i: (i, 0)),
            pl.BlockSpec((IN_CH, FLAT), lambda i: (0, 0)),
            pl.BlockSpec((IN_CH, FAN), lambda i: (0, 0)),
            pl.BlockSpec((1, FAN), lambda i: (0, 0)),
            pl.BlockSpec((FAN, FAN), lambda i: (0, 0)),
        ],
        out_specs=[
            pl.BlockSpec((BLK, FLAT), lambda i: (i, 0)),
            pl.BlockSpec((BLK, FAN), lambda i: (i, 0)),
        ],
        out_shape=[
            jax.ShapeDtypeStruct((N_PAD, FLAT), jnp.float32),
            jax.ShapeDtypeStruct((N_PAD, FAN), jnp.float32),
        ],
    )(xp, w2, cwt, cb, sblk)


def _sc_body(dst_hbm, src_hbm, flat_hbm, addcnt_hbm, max_hbm,
             dsta, srca, dstb, srcb, lsrc, ldst, perm, hist, bnd, offs, rows,
             acc_add, acc_max, sem, sema, semb):
    wid = lax.axis_index("s") * 2 + lax.axis_index("c")
    lo = wid * R

    zeros16 = jnp.zeros((16,), jnp.float32)
    ones16 = jnp.ones((16,), jnp.float32)
    ninf16 = jnp.full((16,), NEG_INF, jnp.float32)
    izeros16 = jnp.zeros((16,), jnp.int32)
    sent16 = jnp.full((16,), R, jnp.int32)

    def init_acc(r, _):
        for j in range(FLAT // 16 + 1):
            acc_add[r, pl.ds(j * 16, 16)] = zeros16
        for j in range(FLAT // 16):
            acc_max[r, pl.ds(j * 16, 16)] = ninf16
        return 0

    lax.fori_loop(0, R, init_acc, 0)

    def init_lsrc(i, _):
        lsrc[pl.ds(i * 16, 16)] = izeros16
        return 0

    lax.fori_loop(0, (MCAP + 16) // 16, init_lsrc, 0)

    def init_perm(i, _):
        perm[pl.ds(i * 16, 16)] = izeros16
        return 0

    lax.fori_loop(0, (MCAP + 48) // 16, init_perm, 0)

    def flush(k):
        ldst[pl.ds(k, 16)] = sent16
        nv = (k + 15) // 16

        def zh(i, _):
            hist[pl.ds(i * 16, 16)] = izeros16
            return 0

        lax.fori_loop(0, (R + 32) // 16, zh, 0)

        def cnt_v(i, _):
            ldv = ldst[pl.ds(i * 16, 16)]
            rank, last = plsc.scan_count(ldv)
            base = plsc.load_gather(hist, [ldv])
            plsc.store_scatter(hist, [ldv], base + rank, mask=last)
            return 0

        lax.fori_loop(0, nv, cnt_v, 0)

        def pf(i, carry):
            h = hist[pl.ds(i * 16, 16)]
            cs = plsc.cumsum(h)
            ex = (carry + cs) - h
            bnd[pl.ds(i * 16, 16)] = ex
            offs[pl.ds(i * 16, 16)] = ex
            return carry + cs[15]

        lax.fori_loop(0, (R + 32) // 16, pf, 0)

        def place_v(i, _):
            ldv = ldst[pl.ds(i * 16, 16)]
            sv = lsrc[pl.ds(i * 16, 16)]
            rank, last = plsc.scan_count(ldv)
            base = plsc.load_gather(offs, [ldv])
            pos = (base + rank) - 1
            plsc.store_scatter(perm, [pos], sv)
            plsc.store_scatter(offs, [ldv], base + rank, mask=last)
            return 0

        lax.fori_loop(0, nv, place_v, 0)

        nb = (k + (GB - 1)) // GB

        for t in range(3):
            @pl.when(t < nb)
            def _(t=t):
                pltpu.async_copy(
                    flat_hbm.at[perm.at[pl.ds(t * GB, GB)]],
                    rows.at[pl.ds(t * GB, GB)], sem,
                )

        zf = jnp.zeros((16,), jnp.float32)
        nf = jnp.full((16,), NEG_INF, jnp.float32)
        carry0 = (0, zf, zf, zf, zf, nf, nf, nf, nf)

        def blk(b, carry):
            par = (b % 4) * GB
            nxt = ((b + 3) % 4) * GB

            @pl.when(b + 3 < nb)
            def _():
                pltpu.async_copy(
                    flat_hbm.at[perm.at[pl.ds((b + 3) * GB, GB)]],
                    rows.at[pl.ds(nxt, GB)], sem,
                )

            pltpu.make_async_copy(
                flat_hbm.at[pl.ds(0, GB)], rows.at[pl.ds(par, GB)], sem
            ).wait()
            base_p = b * GB
            nedge = jnp.minimum(GB, k - base_p)
            lim = base_p + nedge

            def wcond(carry):
                r = carry[0]
                return (r < R) & (bnd[pl.ds(r + 1, 16)][0] <= lim)

            def wbody(carry):
                r, a0, a1, a2, a3, m0, m1, m2, m3 = carry
                start = bnd[pl.ds(r, 16)][0]
                end = bnd[pl.ds(r + 1, 16)][0]
                cur = jnp.maximum(start, base_p)

                def edge(e, regs):
                    a0, a1, a2, a3, m0, m1, m2, m3 = regs
                    le = (par + e) - base_p
                    r0 = rows[le, pl.ds(0, 16)]
                    r1 = rows[le, pl.ds(16, 16)]
                    r2 = rows[le, pl.ds(32, 16)]
                    r3 = rows[le, pl.ds(48, 16)]
                    return (a0 + r0, a1 + r1, a2 + r2, a3 + r3,
                            jnp.maximum(m0, r0), jnp.maximum(m1, r1),
                            jnp.maximum(m2, r2), jnp.maximum(m3, r3))

                a0, a1, a2, a3, m0, m1, m2, m3 = lax.fori_loop(
                    cur, end, edge, (a0, a1, a2, a3, m0, m1, m2, m3))
                for j, aj in enumerate((a0, a1, a2, a3)):
                    acc_add[r, pl.ds(j * 16, 16)] = (
                        acc_add[r, pl.ds(j * 16, 16)] + aj)
                for j, mj in enumerate((m0, m1, m2, m3)):
                    acc_max[r, pl.ds(j * 16, 16)] = jnp.maximum(
                        acc_max[r, pl.ds(j * 16, 16)], mj)
                cntf = (end - start).astype(jnp.float32)
                acc_add[r, pl.ds(FLAT, 16)] = (
                    acc_add[r, pl.ds(FLAT, 16)] + cntf)
                return (r + 1, zf, zf, zf, zf, nf, nf, nf, nf)

            carry = lax.while_loop(wcond, wbody, carry)
            r = carry[0]

            def partial(carry):
                r, a0, a1, a2, a3, m0, m1, m2, m3 = carry
                start = bnd[pl.ds(r, 16)][0]
                cur = jnp.maximum(start, base_p)

                def edge(e, regs):
                    a0, a1, a2, a3, m0, m1, m2, m3 = regs
                    le = (par + e) - base_p
                    r0 = rows[le, pl.ds(0, 16)]
                    r1 = rows[le, pl.ds(16, 16)]
                    r2 = rows[le, pl.ds(32, 16)]
                    r3 = rows[le, pl.ds(48, 16)]
                    return (a0 + r0, a1 + r1, a2 + r2, a3 + r3,
                            jnp.maximum(m0, r0), jnp.maximum(m1, r1),
                            jnp.maximum(m2, r2), jnp.maximum(m3, r3))

                regs = lax.fori_loop(cur, lim, edge,
                                     (a0, a1, a2, a3, m0, m1, m2, m3))
                return (r,) + regs

            carry = lax.cond(r < R, lambda: partial(carry), lambda: carry)
            return carry

        lax.fori_loop(0, nb, blk, carry0)

    def scan_chunk(db, sb, mv):
        def scan(i, mv):
            for u in range(4):
                ii = i * 4 + u
                d = db[pl.ds(ii * 16, 16)]
                s = sb[pl.ds(ii * 16, 16)]
                ldv = d - lo
                msk = (ldv >= 0) & (ldv < R)
                cs = plsc.cumsum(jnp.where(msk, 1, 0))
                pos = (mv + cs) - 1
                plsc.store_scatter(lsrc, [pos], s, mask=msk)
                plsc.store_scatter(ldst, [pos], ldv, mask=msk)
                mv = mv + plsc.all_reduce_population_count(msk)
            return mv

        mv = lax.fori_loop(0, CH // 64, scan, mv)

        def do_flush():
            flush(mv[0])

        return lax.cond(
            mv[0] > MCAP - CH,
            lambda: (do_flush(), jnp.zeros((16,), jnp.int32))[1],
            lambda: mv,
        )

    pltpu.async_copy(dst_hbm.at[pl.ds(0, CH)], dsta, sema)
    pltpu.async_copy(src_hbm.at[pl.ds(0, CH)], srca, sema)

    def pair(p, m):
        c0 = 2 * p
        pltpu.async_copy(dst_hbm.at[pl.ds((c0 + 1) * CH, CH)], dstb, semb)
        pltpu.async_copy(src_hbm.at[pl.ds((c0 + 1) * CH, CH)], srcb, semb)
        pltpu.make_async_copy(dst_hbm.at[pl.ds(c0 * CH, CH)], dsta, sema).wait()
        pltpu.make_async_copy(src_hbm.at[pl.ds(c0 * CH, CH)], srca, sema).wait()
        m = scan_chunk(dsta, srca, m)

        @pl.when(c0 + 2 < NCHUNK)
        def _():
            pltpu.async_copy(dst_hbm.at[pl.ds((c0 + 2) * CH, CH)], dsta, sema)
            pltpu.async_copy(src_hbm.at[pl.ds((c0 + 2) * CH, CH)], srca, sema)

        pltpu.make_async_copy(dst_hbm.at[pl.ds((c0 + 1) * CH, CH)], dstb, semb).wait()
        pltpu.make_async_copy(src_hbm.at[pl.ds((c0 + 1) * CH, CH)], srcb, semb).wait()
        m = scan_chunk(dstb, srcb, m)
        return m

    m = lax.fori_loop(0, NCHUNK // 2, pair, jnp.zeros((16,), jnp.int32))
    flush(m[0])

    pltpu.sync_copy(acc_add.at[pl.ds(0, R)], addcnt_hbm.at[pl.ds(lo, R)])
    pltpu.sync_copy(acc_max.at[pl.ds(0, R)], max_hbm.at[pl.ds(lo, R)])


@functools.partial(jax.jit)
def _sc_agg(dst, src, flat):
    mesh = plsc.VectorSubcoreMesh(core_axis_name="c", subcore_axis_name="s")
    kern = pl.kernel(
        _sc_body,
        mesh=mesh,
        compiler_params=pltpu.CompilerParams(
            needs_layout_passes=False, use_tc_tiling_on_sc=False
        ),
        out_type=[
            jax.ShapeDtypeStruct((N_PAD, FLAT + 16), jnp.float32),
            jax.ShapeDtypeStruct((N_PAD, FLAT), jnp.float32),
        ],
        scratch_types=[
            pltpu.VMEM((CH,), jnp.int32),
            pltpu.VMEM((CH,), jnp.int32),
            pltpu.VMEM((CH,), jnp.int32),
            pltpu.VMEM((CH,), jnp.int32),
            pltpu.VMEM((MCAP + 16,), jnp.int32),
            pltpu.VMEM((MCAP + 16,), jnp.int32),
            pltpu.VMEM((MCAP + 48,), jnp.int32),
            pltpu.VMEM((R + 32,), jnp.int32),
            pltpu.VMEM((R + 32,), jnp.int32),
            pltpu.VMEM((R + 32,), jnp.int32),
            pltpu.VMEM((4 * GB, FLAT), jnp.float32),
            pltpu.VMEM((R + 1, FLAT + 16), jnp.float32),
            pltpu.VMEM((R + 1, FLAT), jnp.float32),
            pltpu.SemaphoreType.DMA,
            pltpu.SemaphoreType.DMA,
            pltpu.SemaphoreType.DMA,
        ],
    )
    return kern(dst, src, flat)


def _comb_body(addcnt_ref, max_ref, w_ref, bias_ref, sel0_ref, sel1_ref,
               sel2_ref, ecat_ref, tacat_ref, tmcat_ref, z_ref):
    addcnt = addcnt_ref[...]
    cnt = addcnt[:, FLAT:FLAT + 1]
    recip = 1.0 / jnp.maximum(cnt, 1.0)
    maxf = jnp.where(cnt > 0.0, max_ref[...], 0.0)
    w = w_ref[...]
    dot = lambda a, b: jnp.dot(a, b, preferred_element_type=jnp.float32,
                               precision=lax.Precision.HIGHEST)
    wa = dot(w, sel0_ref[...]) + dot(w, sel1_ref[...]) * recip
    wm = dot(w, sel2_ref[...])
    waexp = dot(wa, ecat_ref[...])
    wmexp = dot(wm, ecat_ref[...])
    addexp = dot(addcnt, tacat_ref[...])
    maxexp = dot(maxf, tmcat_ref[...])
    z = bias_ref[...]
    for b in range(NUM_BASES):
        c = slice(b * OUT_CH, (b + 1) * OUT_CH)
        z = z + waexp[:, c] * addexp[:, c] + wmexp[:, c] * maxexp[:, c]
    z_ref[...] = z


def _comb(addcnt, mx, w, bias2, consts):
    return pl.pallas_call(
        _comb_body,
        grid=(NBLK,),
        in_specs=[
            pl.BlockSpec((BLK, FLAT + 16), lambda i: (i, 0)),
            pl.BlockSpec((BLK, FLAT), lambda i: (i, 0)),
            pl.BlockSpec((BLK, FAN), lambda i: (i, 0)),
            pl.BlockSpec((1, OUT_CH), lambda i: (0, 0)),
            pl.BlockSpec((FAN, 32), lambda i: (0, 0)),
            pl.BlockSpec((FAN, 32), lambda i: (0, 0)),
            pl.BlockSpec((FAN, 32), lambda i: (0, 0)),
            pl.BlockSpec((32, NUM_BASES * OUT_CH), lambda i: (0, 0)),
            pl.BlockSpec((FLAT + 16, NUM_BASES * OUT_CH), lambda i: (0, 0)),
            pl.BlockSpec((FLAT, NUM_BASES * OUT_CH), lambda i: (0, 0)),
        ],
        out_specs=pl.BlockSpec((BLK, OUT_CH), lambda i: (i, 0)),
        out_shape=jax.ShapeDtypeStruct((N_PAD, OUT_CH), jnp.float32),
    )(addcnt, mx, w, bias2, *consts)


import numpy as _np

_SBLK = _np.kron(_np.eye(NUM_HEADS, dtype=_np.float32),
                 _np.ones((12, 12), _np.float32))

_SEL = _np.zeros((NUM_AGGS, FAN, 32), _np.float32)
for _h in range(NUM_HEADS):
    for _b in range(NUM_BASES):
        for _a in range(NUM_AGGS):
            _SEL[_a, _h * 12 + _b * NUM_AGGS + _a, _h * NUM_BASES + _b] = 1.0

_ECAT = _np.zeros((32, NUM_BASES * OUT_CH), _np.float32)
for _h in range(NUM_HEADS):
    for _b in range(NUM_BASES):
        for _d in range(D_HEAD):
            _ECAT[_h * NUM_BASES + _b, _b * OUT_CH + _h * D_HEAD + _d] = 1.0

_TACAT = _np.zeros((FLAT + 16, NUM_BASES * OUT_CH), _np.float32)
_TMCAT = _np.zeros((FLAT, NUM_BASES * OUT_CH), _np.float32)
for _b in range(NUM_BASES):
    for _h in range(NUM_HEADS):
        for _d in range(D_HEAD):
            _TACAT[_b * D_HEAD + _d, _b * OUT_CH + _h * D_HEAD + _d] = 1.0
            _TMCAT[_b * D_HEAD + _d, _b * OUT_CH + _h * D_HEAD + _d] = 1.0


def kernel(x, edge_index, W_bases, comb_W, comb_b, bias):
    xp = jnp.pad(x, ((0, N_PAD - N_NODES), (0, 0)))
    w2 = W_bases.transpose(1, 0, 2).reshape(IN_CH, FLAT)
    cwt = comb_W.T
    cb = comb_b.reshape(1, FAN)
    src = edge_index[0].astype(jnp.int32)
    dst = edge_index[1].astype(jnp.int32)

    flat, w = _pre(xp, w2, cwt, cb, jnp.asarray(_SBLK))
    addcnt, mx = _sc_agg(dst, src, flat)
    consts = (jnp.asarray(_SEL[0]), jnp.asarray(_SEL[1]), jnp.asarray(_SEL[2]),
              jnp.asarray(_ECAT), jnp.asarray(_TACAT), jnp.asarray(_TMCAT))
    z = _comb(addcnt, mx, w, bias.reshape(1, OUT_CH), consts)
    return z[:N_NODES]

# --- scband reference (transcript-rebuilt; emitter-appended) ---
"""Pipeline reference for scband-efficient-graph-conv-4398046511507 (READ-ONLY COPY).

The authoritative reference and input builder live on the scoring server;
editing this copy changes nothing except your own understanding.
"""

import jax, jax.numpy as jnp
import numpy as np

N_NODES = 10000
N_EDGES = 320000
IN_CH = 128
OUT_CH = 128
NUM_HEADS = 8
NUM_BASES = 4
NUM_AGGS = 3  # ['add', 'mean', 'max']
D_HEAD = OUT_CH // NUM_HEADS  # 16


def setup_inputs(seed: int = 0) -> dict:
    key = jax.random.key(seed)
    k_x, k_ei, k_wb, k_cw, k_cb = jax.random.split(key, 5)
    x = jax.random.normal(k_x, (N_NODES, IN_CH), dtype=jnp.float32)
    edge_index = jax.random.randint(k_ei, (2, N_EDGES), 0, N_NODES, dtype=jnp.int64)
    # glorot for bases weights [num_bases, in, out//heads]
    limit = np.sqrt(6.0 / (IN_CH + D_HEAD))
    W_bases = jax.random.uniform(k_wb, (NUM_BASES, IN_CH, D_HEAD), dtype=jnp.float32, minval=-limit, maxval=limit)
    # comb_weights: nn.Linear(in_channels, H*B*A)
    fan = NUM_HEADS * NUM_BASES * NUM_AGGS
    lim2 = np.sqrt(1.0 / IN_CH)
    comb_W = jax.random.uniform(k_cw, (fan, IN_CH), dtype=jnp.float32, minval=-lim2, maxval=lim2)
    comb_b = jax.random.uniform(k_cb, (fan,), dtype=jnp.float32, minval=-lim2, maxval=lim2)
    bias = jnp.zeros((OUT_CH,), dtype=jnp.float32)
    return {"x": x, "edge_index": edge_index, "W_bases": W_bases, "comb_W": comb_W, "comb_b": comb_b, "bias": bias}


def reference(x, edge_index, W_bases, comb_W, comb_b, bias):
    N = x.shape[0]
    src = edge_index[0]
    dst = edge_index[1]
    # bases: per-basis projection, [N, B, d_head] -> flattened [N, B*d_head]
    bases = jnp.einsum('ni,bio->nbo', x, W_bases)
    flat = bases.reshape(N, NUM_BASES * D_HEAD)
    # messages gathered at source nodes
    msgs = jnp.take(flat, src, axis=0)
    ones = jnp.ones((src.shape[0],), dtype=flat.dtype)
    cnt = jax.ops.segment_sum(ones, dst, num_segments=N)
    # aggregator: add
    agg_add = jax.ops.segment_sum(msgs, dst, num_segments=N)
    # aggregator: mean (PyG divides by count, clamp >=1)
    agg_mean = agg_add / jnp.maximum(cnt, 1.0)[:, None]
    # aggregator: max (empty segments -> 0, matching PyG fill)
    agg_max = jax.ops.segment_max(msgs, dst, num_segments=N)
    agg_max = jnp.where(cnt[:, None] > 0, agg_max, 0.0)
    # y: [N, num_bases, num_aggs, d_head]
    y = jnp.stack([a.reshape(N, NUM_BASES, D_HEAD) for a in (agg_add, agg_mean, agg_max)], axis=2)
    # combination weights with softmax over (num_bases * num_aggs)
    w = x @ comb_W.T + comb_b
    w = w.reshape(N, NUM_HEADS, NUM_BASES * NUM_AGGS)
    w = jax.nn.softmax(w, axis=-1)
    w = w.reshape(N, NUM_HEADS, NUM_BASES, NUM_AGGS, 1)
    z = (w * y[:, None, :, :, :]).sum(axis=(2, 3))  # [N, H, d_head]
    z = z.reshape(N, OUT_CH) + bias
    return z

if __name__ == "__main__":
    import jax
    _d = setup_inputs()
    print(jax.jit(kernel)(*tuple(_d.values())))

</pallas_src>

<mosaic_0001>
#map = affine_map<(d0, d1) -> (0)>
#map1 = affine_map<(d0, d1) -> (0, 0)>
module attributes {stable_mosaic.version = 14 : i64} {
  func.func @_sc_body(%arg0: i32, %arg1: i32, %arg2: memref<320000xi32, #tpu.memory_space<hbm>>, %arg3: memref<320000xi32, #tpu.memory_space<hbm>>, %arg4: memref<10240x64xf32, #tpu.memory_space<hbm>>, %arg5: memref<10240x80xf32, #tpu.memory_space<hbm>>, %arg6: memref<10240x64xf32, #tpu.memory_space<hbm>>, %arg7: memref<1600xi32, #tpu.memory_space<vmem>>, %arg8: memref<1600xi32, #tpu.memory_space<vmem>>, %arg9: memref<1600xi32, #tpu.memory_space<vmem>>, %arg10: memref<1600xi32, #tpu.memory_space<vmem>>, %arg11: memref<6160xi32, #tpu.memory_space<vmem>>, %arg12: memref<6160xi32, #tpu.memory_space<vmem>>, %arg13: memref<6192xi32, #tpu.memory_space<vmem>>, %arg14: memref<352xi32, #tpu.memory_space<vmem>>, %arg15: memref<352xi32, #tpu.memory_space<vmem>>, %arg16: memref<352xi32, #tpu.memory_space<vmem>>, %arg17: memref<512x64xf32, #tpu.memory_space<vmem>>, %arg18: memref<321x80xf32, #tpu.memory_space<vmem>>, %arg19: memref<321x64xf32, #tpu.memory_space<vmem>>, %arg20: memref<!tpu.dma_semaphore, #tpu.memory_space<semaphore_mem>>, %arg21: memref<!tpu.dma_semaphore, #tpu.memory_space<semaphore_mem>>, %arg22: memref<!tpu.dma_semaphore, #tpu.memory_space<semaphore_mem>>) attributes {dimension_semantics = [#tpu.dimension_semantics<core_parallel>, #tpu.dimension_semantics<subcore_parallel>], iteration_bounds = array<i64: 2, 16>, scalar_prefetch = 0 : i64, scratch_operands = 16 : i64, tpu.core_type = #tpu.core_type<sc_vector_subcore>, window_params = [{transform_indices = #map}, {transform_indices = #map}, {transform_indices = #map1}, {transform_indices = #map1}, {transform_indices = #map1}]} {
    %mul3A = arith.constant 2 : i32
    %mul3A_0 = arith.muli %arg1, %mul3A : i32
    %add3A = arith.addi %mul3A_0, %arg0 : i32
    %mul3A_1 = arith.constant 320 : i32
    %mul3A_2 = arith.muli %add3A, %mul3A_1 : i32
    %broadcast_in_dim3A = arith.constant 0.000000e+00 : f32
    %broadcast_in_dim3A_3 = vector.broadcast %broadcast_in_dim3A : f32 to vector<16xf32>
    %broadcast_in_dim3A_4 = arith.constant 1.000000e+00 : f32
    %broadcast_in_dim3A_5 = vector.broadcast %broadcast_in_dim3A_4 : f32 to vector<16xf32>
    %broadcast_in_dim3A_6 = arith.constant 0xFF800000 : f32
    %broadcast_in_dim3A_7 = vector.broadcast %broadcast_in_dim3A_6 : f32 to vector<16xf32>
    %broadcast_in_dim3A_8 = arith.constant 0 : i32
    %broadcast_in_dim3A_9 = vector.broadcast %broadcast_in_dim3A_8 : i32 to vector<16xi32>
    %broadcast_in_dim3A_10 = arith.constant 320 : i32
    %broadcast_in_dim3A_11 = vector.broadcast %broadcast_in_dim3A_10 : i32 to vector<16xi32>
    %scan3A = arith.constant 0 : i32
    %scan3A_12 = arith.constant 0 : i32
    %scan3A_13 = arith.constant 320 : i32
    %scan3A_14 = arith.addi %scan3A_12, %scan3A_13 : i32
    %scan3A_15 = arith.constant 1 : i32
    %scan3A_16 = scf.for %scan3A_157 = %scan3A_12 to %scan3A_14 step %scan3A_15 iter_args(%scan3A_158 = %scan3A) -> (i32)  : i32 {
      %swap3A_159 = arith.index_cast %scan3A_157 : i32 to index
      %swap3A_160 = arith.constant 0 : index
      %swap3A_161 = tpu.vector_load %arg18[%swap3A_159, %swap3A_160] {strides = array<i32>} : memref<321x80xf32, #tpu.memory_space<vmem>>, vector<16xf32>,
      tpu.vector_store %arg18[%swap3A_159, %swap3A_160], %broadcast_in_dim3A_3 {strides = array<i32>} : memref<321x80xf32, #tpu.memory_space<vmem>>, vector<16xf32>,
      %swap3A_162 = arith.index_cast %scan3A_157 : i32 to index
      %swap3A_163 = arith.constant 16 : index
      %swap3A_164 = tpu.vector_load %arg18[%swap3A_162, %swap3A_163] {strides = array<i32>} : memref<321x80xf32, #tpu.memory_space<vmem>>, vector<16xf32>,
      tpu.vector_store %arg18[%swap3A_162, %swap3A_163], %broadcast_in_dim3A_3 {strides = array<i32>} : memref<321x80xf32, #tpu.memory_space<vmem>>, vector<16xf32>,
      %swap3A_165 = arith.index_cast %scan3A_157 : i32 to index
      %swap3A_166 = arith.constant 32 : index
      %swap3A_167 = tpu.vector_load %arg18[%swap3A_165, %swap3A_166] {strides = array<i32>} : memref<321x80xf32, #tpu.memory_space<vmem>>, vector<16xf32>,
      tpu.vector_store %arg18[%swap3A_165, %swap3A_166], %broadcast_in_dim3A_3 {strides = array<i32>} : memref<321x80xf32, #tpu.memory_space<vmem>>, vector<16xf32>,
      %swap3A_168 = arith.index_cast %scan3A_157 : i32 to index
      %swap3A_169 = arith.constant 48 : index
      %swap3A_170 = tpu.vector_load %arg18[%swap3A_168, %swap3A_169] {strides = array<i32>} : memref<321x80xf32, #tpu.memory_space<vmem>>, vector<16xf32>,
      tpu.vector_store %arg18[%swap3A_168, %swap3A_169], %broadcast_in_dim3A_3 {strides = array<i32>} : memref<321x80xf32, #tpu.memory_space<vmem>>, vector<16xf32>,
      %swap3A_171 = arith.index_cast %scan3A_157 : i32 to index
      %swap3A_172 = arith.constant 64 : index
      %swap3A_173 = tpu.vector_load %arg18[%swap3A_171, %swap3A_172] {strides = array<i32>} : memref<321x80xf32, #tpu.memory_space<vmem>>, vector<16xf32>,
      tpu.vector_store %arg18[%swap3A_171, %swap3A_172], %broadcast_in_dim3A_3 {strides = array<i32>} : memref<321x80xf32, #tpu.memory_space<vmem>>, vector<16xf32>,
      %swap3A_174 = arith.index_cast %scan3A_157 : i32 to index
      %swap3A_175 = arith.constant 0 : index
      %swap3A_176 = tpu.vector_load %arg19[%swap3A_174, %swap3A_175] {strides = array<i32>} : memref<321x64xf32, #tpu.memory_space<vmem>>, vector<16xf32>,
      tpu.vector_store %arg19[%swap3A_174, %swap3A_175], %broadcast_in_dim3A_7 {strides = array<i32>} : memref<321x64xf32, #tpu.memory_space<vmem>>, vector<16xf32>,
      %swap3A_177 = arith.index_cast %scan3A_157 : i32 to index
      %swap3A_178 = arith.constant 16 : index
      %swap3A_179 = tpu.vector_load %arg19[%swap3A_177, %swap3A_178] {strides = array<i32>} : memref<321x64xf32, #tpu.memory_space<vmem>>, vector<16xf32>,
      tpu.vector_store %arg19[%swap3A_177, %swap3A_178], %broadcast_in_dim3A_7 {strides = array<i32>} : memref<321x64xf32, #tpu.memory_space<vmem>>, vector<16xf32>,
      %swap3A_180 = arith.index_cast %scan3A_157 : i32 to index
      %swap3A_181 = arith.constant 32 : index
      %swap3A_182 = tpu.vector_load %arg19[%swap3A_180, %swap3A_181] {strides = array<i32>} : memref<321x64xf32, #tpu.memory_space<vmem>>, vector<16xf32>,
      tpu.vector_store %arg19[%swap3A_180, %swap3A_181], %broadcast_in_dim3A_7 {strides = array<i32>} : memref<321x64xf32, #tpu.memory_space<vmem>>, vector<16xf32>,
      %swap3A_183 = arith.index_cast %scan3A_157 : i32 to index
      %swap3A_184 = arith.constant 48 : index
      %swap3A_185 = tpu.vector_load %arg19[%swap3A_183, %swap3A_184] {strides = array<i32>} : memref<321x64xf32, #tpu.memory_space<vmem>>, vector<16xf32>,
      tpu.vector_store %arg19[%swap3A_183, %swap3A_184], %broadcast_in_dim3A_7 {strides = array<i32>} : memref<321x64xf32, #tpu.memory_space<vmem>>, vector<16xf32>,
      %scan3A_186 = arith.constant 0 : i32
      scf.yield %scan3A_186 : i32
    }
    %scan3A_17 = arith.constant 320 : i32
    %scan3A_18 = arith.constant 0 : i32
    %scan3A_19 = arith.constant 0 : i32
    %scan3A_20 = arith.constant 385 : i32
    %scan3A_21 = arith.addi %scan3A_19, %scan3A_20 : i32
    %scan3A_22 = arith.constant 1 : i32
    %scan3A_23 = scf.for %scan3A_157 = %scan3A_19 to %scan3A_21 step %scan3A_22 iter_args(%scan3A_158 = %scan3A_18) -> (i32)  : i32 {
      %mul3A_159 = arith.constant 16 : i32
      %mul3A_160 = arith.muli %scan3A_157, %mul3A_159 : i32
      %swap3A_161 = arith.index_cast %mul3A_160 : i32 to index
      %swap3A_162 = tpu.vector_load %arg11[%swap3A_161] {strides = array<i32>} : memref<6160xi32, #tpu.memory_space<vmem>>, vector<16xi32>,
      tpu.vector_store %arg11[%swap3A_161], %broadcast_in_dim3A_9 {strides = array<i32>} : memref<6160xi32, #tpu.memory_space<vmem>>, vector<16xi32>,
      %scan3A_163 = arith.constant 0 : i32
      scf.yield %scan3A_163 : i32
    }
    %scan3A_24 = arith.constant 385 : i32
    %scan3A_25 = arith.constant 0 : i32
    %scan3A_26 = arith.constant 0 : i32
    %scan3A_27 = arith.constant 387 : i32
    %scan3A_28 = arith.addi %scan3A_26, %scan3A_27 : i32
    %scan3A_29 = arith.constant 1 : i32
    %scan3A_30 = scf.for %scan3A_157 = %scan3A_26 to %scan3A_28 step %scan3A_29 iter_args(%scan3A_158 = %scan3A_25) -> (i32)  : i32 {
      %mul3A_159 = arith.constant 16 : i32
      %mul3A_160 = arith.muli %scan3A_157, %mul3A_159 : i32
      %swap3A_161 = arith.index_cast %mul3A_160 : i32 to index
      %swap3A_162 = tpu.vector_load %arg13[%swap3A_161] {strides = array<i32>} : memref<6192xi32, #tpu.memory_space<vmem>>, vector<16xi32>,
      tpu.vector_store %arg13[%swap3A_161], %broadcast_in_dim3A_9 {strides = array<i32>} : memref<6192xi32, #tpu.memory_space<vmem>>, vector<16xi32>,
      %scan3A_163 = arith.constant 0 : i32
      scf.yield %scan3A_163 : i32
    }
    %scan3A_31 = arith.constant 387 : i32
    %dma_start3A = arith.constant 0 : i32
    %dma_start3A_32 = tpu.memref_slice %arg2[%dma_start3A] : memref<320000xi32, #tpu.memory_space<hbm>> -> memref<1600xi32, #tpu.memory_space<hbm>>
    %dma_start3A_33 = arith.constant 0 : i32
    %dma_start3A_34 = tpu.memref_slice %arg2[%dma_start3A_33] : memref<320000xi32, #tpu.memory_space<hbm>> -> memref<1600xi32, #tpu.memory_space<hbm>>
    tpu.enqueue_dma source(%dma_start3A_34 : memref<1600xi32, #tpu.memory_space<hbm>>) target(%arg7 : memref<1600xi32, #tpu.memory_space<vmem>>) target_semaphore(%arg21 : memref<!tpu.dma_semaphore, #tpu.memory_space<semaphore_mem>>)
    %dma_start3A_35 = arith.constant 0 : i32
    %dma_start3A_36 = tpu.memref_slice %arg3[%dma_start3A_35] : memref<320000xi32, #tpu.memory_space<hbm>> -> memref<1600xi32, #tpu.memory_space<hbm>>
    %dma_start3A_37 = arith.constant 0 : i32
    %dma_start3A_38 = tpu.memref_slice %arg3[%dma_start3A_37] : memref<320000xi32, #tpu.memory_space<hbm>> -> memref<1600xi32, #tpu.memory_space<hbm>>
    tpu.enqueue_dma source(%dma_start3A_38 : memref<1600xi32, #tpu.memory_space<hbm>>) target(%arg8 : memref<1600xi32, #tpu.memory_space<vmem>>) target_semaphore(%arg21 : memref<!tpu.dma_semaphore, #tpu.memory_space<semaphore_mem>>)
    %broadcast_in_dim3A_39 = arith.constant 0 : i32
    %broadcast_in_dim3A_40 = vector.broadcast %broadcast_in_dim3A_39 : i32 to vector<16xi32>
    %scan3A_41 = arith.constant 0 : i32
    %scan3A_42 = arith.constant 100 : i32
    %scan3A_43 = arith.addi %scan3A_41, %scan3A_42 : i32
    %scan3A_44 = arith.constant 1 : i32
    %scan3A_45 = scf.for %scan3A_157 = %scan3A_41 to %scan3A_43 step %scan3A_44 iter_args(%scan3A_158 = %broadcast_in_dim3A_40) -> (vector<16xi32>)  : i32 {
      %mul3A_159 = arith.constant 2 : i32
      %mul3A_160 = arith.muli %mul3A_159, %scan3A_157 : i32
      %add3A_161 = arith.constant 1 : i32
      %add3A_162 = arith.addi %mul3A_160, %add3A_161 : i32
      %mul3A_163 = arith.constant 1600 : i32
      %mul3A_164 = arith.muli %add3A_162, %mul3A_163 : i32
      %dma_start3A_165 = tpu.memref_slice %arg2[%mul3A_164] : memref<320000xi32, #tpu.memory_space<hbm>> -> memref<1600xi32, #tpu.memory_space<hbm>>
      %dma_start3A_166 = tpu.memref_slice %arg2[%mul3A_164] : memref<320000xi32, #tpu.memory_space<hbm>> -> memref<1600xi32, #tpu.memory_space<hbm>>
      tpu.enqueue_dma source(%dma_start3A_166 : memref<1600xi32, #tpu.memory_space<hbm>>) target(%arg9 : memref<1600xi32, #tpu.memory_space<vmem>>) target_semaphore(%arg22 : memref<!tpu.dma_semaphore, #tpu.memory_space<semaphore_mem>>)
      %add3A_167 = arith.constant 1 : i32
      %add3A_168 = arith.addi %mul3A_160, %add3A_167 : i32
      %mul3A_169 = arith.constant 1600 : i32
      %mul3A_170 = arith.muli %add3A_168, %mul3A_169 : i32
      %dma_start3A_171 = tpu.memref_slice %arg3[%mul3A_170] : memref<320000xi32, #tpu.memory_space<hbm>> -> memref<1600xi32, #tpu.memory_space<hbm>>
      %dma_start3A_172 = tpu.memref_slice %arg3[%mul3A_170] : memref<320000xi32, #tpu.memory_space<hbm>> -> memref<1600xi32, #tpu.memory_space<hbm>>
      tpu.enqueue_dma source(%dma_start3A_172 : memref<1600xi32, #tpu.memory_space<hbm>>) target(%arg10 : memref<1600xi32, #tpu.memory_space<vmem>>) target_semaphore(%arg22 : memref<!tpu.dma_semaphore, #tpu.memory_space<semaphore_mem>>)
      %mul3A_173 = arith.constant 1600 : i32
      %mul3A_174 = arith.muli %mul3A_160, %mul3A_173 : i32
      %dma_wait3A = tpu.memref_slice %arg2[%mul3A_174] : memref<320000xi32, #tpu.memory_space<hbm>> -> memref<1600xi32, #tpu.memory_space<hbm>>
      %dma_wait3A_175 = tpu.memref_slice %arg2[%mul3A_174] : memref<320000xi32, #tpu.memory_space<hbm>> -> memref<1600xi32, #tpu.memory_space<hbm>>
      tpu.wait_dma2 semaphore(%arg21 : memref<!tpu.dma_semaphore, #tpu.memory_space<semaphore_mem>>) src(%dma_wait3A_175 : memref<1600xi32, #tpu.memory_space<hbm>>) dst(%arg7 : memref<1600xi32, #tpu.memory_space<vmem>>)
      %mul3A_176 = arith.constant 1600 : i32
      %mul3A_177 = arith.muli %mul3A_160, %mul3A_176 : i32
      %dma_wait3A_178 = tpu.memref_slice %arg3[%mul3A_177] : memref<320000xi32, #tpu.memory_space<hbm>> -> memref<1600xi32, #tpu.memory_space<hbm>>
      %dma_wait3A_179 = tpu.memref_slice %arg3[%mul3A_177] : memref<320000xi32, #tpu.memory_space<hbm>> -> memref<1600xi32, #tpu.memory_space<hbm>>
      tpu.wait_dma2 semaphore(%arg21 : memref<!tpu.dma_semaphore, #tpu.memory_space<semaphore_mem>>) src(%dma_wait3A_179 : memref<1600xi32, #tpu.memory_space<hbm>>) dst(%arg8 : memref<1600xi32, #tpu.memory_space<vmem>>)
      %scan3A_180 = arith.constant 0 : i32
      %scan3A_181 = arith.constant 25 : i32
      %scan3A_182 = arith.addi %scan3A_180, %scan3A_181 : i32
      %scan3A_183 = arith.constant 1 : i32
      %scan3A_184 = scf.for %scan3A_226 = %scan3A_180 to %scan3A_182 step %scan3A_183 iter_args(%scan3A_227 = %scan3A_158) -> (vector<16xi32>)  : i32 {
        %mul3A_228 = arith.constant 4 : i32
        %mul3A_229 = arith.muli %scan3A_226, %mul3A_228 : i32
        %add3A_230 = arith.constant 0 : i32
        %add3A_231 = arith.addi %mul3A_229, %add3A_230 : i32
        %mul3A_232 = arith.constant 16 : i32
        %mul3A_233 = arith.muli %add3A_231, %mul3A_232 : i32
        %get3A = arith.index_cast %mul3A_233 : i32 to index
        %get3A_234 = tpu.vector_load %arg7[%get3A] {strides = array<i32>} : memref<1600xi32, #tpu.memory_space<vmem>>, vector<16xi32>,
        %mul3A_235 = arith.constant 16 : i32
        %mul3A_236 = arith.muli %add3A_231, %mul3A_235 : i32
        %get3A_237 = arith.index_cast %mul3A_236 : i32 to index
        %get3A_238 = tpu.vector_load %arg8[%get3A_237] {strides = array<i32>} : memref<1600xi32, #tpu.memory_space<vmem>>, vector<16xi32>,
        %sub3A_239 = vector.broadcast %mul3A_2 : i32 to vector<16xi32>
        %sub3A_240 = arith.subi %get3A_234, %sub3A_239 : vector<16xi32>
        %ge3A = arith.constant 0 : i32
        %ge3A_241 = vector.broadcast %ge3A : i32 to vector<16xi32>
        %ge3A_242 = arith.cmpi sge, %sub3A_240, %ge3A_241 : vector<16xi32>
        %lt3A_243 = arith.constant 320 : i32
        %lt3A_244 = vector.broadcast %lt3A_243 : i32 to vector<16xi32>
        %lt3A_245 = arith.cmpi slt, %sub3A_240, %lt3A_244 : vector<16xi32>
        %and3A_246 = arith.andi %ge3A_242, %lt3A_245 : vector<16xi1>
        %jit3A_247 = arith.constant 1 : i32
        %jit3A_248 = arith.constant 0 : i32
        %broadcast_in_dim3A_249 = vector.broadcast %jit3A_247 : i32 to vector<16xi32>
        %broadcast_in_dim3A_250 = vector.broadcast %jit3A_248 : i32 to vector<16xi32>
        %select_n3A_251 = arith.select %and3A_246, %broadcast_in_dim3A_249, %broadcast_in_dim3A_250 : vector<16xi1>, vector<16xi32>
        %broadcast_in_dim3A_252 = arith.constant true
        %broadcast_in_dim3A_253 = vector.broadcast %broadcast_in_dim3A_252 : i1 to vector<16xi1>
        %masked_cumsum3A = tpu.scan <sum>, %select_n3A_251 masked %broadcast_in_dim3A_253 : vector<16xi32>, vector<16xi1> -> vector<16xi32>
        %add3A_254 = arith.addi %scan3A_227, %masked_cumsum3A : vector<16xi32>
        %sub3A_255 = arith.constant 1 : i32
        %sub3A_256 = vector.broadcast %sub3A_255 : i32 to vector<16xi32>
        %sub3A_257 = arith.subi %add3A_254, %sub3A_256 : vector<16xi32>
        tpu.vector_store_idx %arg11[%sub3A_257], %get3A_238 masked %and3A_246 : memref<6160xi32, #tpu.memory_space<vmem>>[vector<16xi32>], vector<16xi32>, vector<16xi1>
        tpu.vector_store_idx %arg12[%sub3A_257], %sub3A_240 masked %and3A_246 : memref<6160xi32, #tpu.memory_space<vmem>>[vector<16xi32>], vector<16xi32>, vector<16xi1>
        %all_reduce_population_count3A = tpu.all_reduce %and3A_246 {dim = 0 : i64, kind = #tpu.reduction_kind<sum>} : vector<16xi1> -> vector<16xi32>
        %add3A_258 = arith.addi %scan3A_227, %all_reduce_population_count3A : vector<16xi32>
        %mul3A_259 = arith.constant 4 : i32
        %mul3A_260 = arith.muli %scan3A_226, %mul3A_259 : i32
        %add3A_261 = arith.constant 1 : i32
        %add3A_262 = arith.addi %mul3A_260, %add3A_261 : i32
        %mul3A_263 = arith.constant 16 : i32
        %mul3A_264 = arith.muli %add3A_262, %mul3A_263 : i32
        %get3A_265 = arith.index_cast %mul3A_264 : i32 to index
        %get3A_266 = tpu.vector_load %arg7[%get3A_265] {strides = array<i32>} : memref<1600xi32, #tpu.memory_space<vmem>>, vector<16xi32>,
        %mul3A_267 = arith.constant 16 : i32
        %mul3A_268 = arith.muli %add3A_262, %mul3A_267 : i32
        %get3A_269 = arith.index_cast %mul3A_268 : i32 to index
        %get3A_270 = tpu.vector_load %arg8[%get3A_269] {strides = array<i32>} : memref<1600xi32, #tpu.memory_space<vmem>>, vector<16xi32>,
        %sub3A_271 = vector.broadcast %mul3A_2 : i32 to vector<16xi32>
        %sub3A_272 = arith.subi %get3A_266, %sub3A_271 : vector<16xi32>
        %ge3A_273 = arith.constant 0 : i32
        %ge3A_274 = vector.broadcast %ge3A_273 : i32 to vector<16xi32>
        %ge3A_275 = arith.cmpi sge, %sub3A_272, %ge3A_274 : vector<16xi32>
        %lt3A_276 = arith.constant 320 : i32
        %lt3A_277 = vector.broadcast %lt3A_276 : i32 to vector<16xi32>
        %lt3A_278 = arith.cmpi slt, %sub3A_272, %lt3A_277 : vector<16xi32>
        %and3A_279 = arith.andi %ge3A_275, %lt3A_278 : vector<16xi1>
        %jit3A_280 = arith.constant 1 : i32
        %jit3A_281 = arith.constant 0 : i32
        %broadcast_in_dim3A_282 = vector.broadcast %jit3A_280 : i32 to vector<16xi32>
        %broadcast_in_dim3A_283 = vector.broadcast %jit3A_281 : i32 to vector<16xi32>
        %select_n3A_284 = arith.select %and3A_279, %broadcast_in_dim3A_282, %broadcast_in_dim3A_283 : vector<16xi1>, vector<16xi32>
        %broadcast_in_dim3A_285 = arith.constant true
        %broadcast_in_dim3A_286 = vector.broadcast %broadcast_in_dim3A_285 : i1 to vector<16xi1>
        %masked_cumsum3A_287 = tpu.scan <sum>, %select_n3A_284 masked %broadcast_in_dim3A_286 : vector<16xi32>, vector<16xi1> -> vector<16xi32>
        %add3A_288 = arith.addi %add3A_258, %masked_cumsum3A_287 : vector<16xi32>
        %sub3A_289 = arith.constant 1 : i32
        %sub3A_290 = vector.broadcast %sub3A_289 : i32 to vector<16xi32>
        %sub3A_291 = arith.subi %add3A_288, %sub3A_290 : vector<16xi32>
        tpu.vector_store_idx %arg11[%sub3A_291], %get3A_270 masked %and3A_279 : memref<6160xi32, #tpu.memory_space<vmem>>[vector<16xi32>], vector<16xi32>, vector<16xi1>
        tpu.vector_store_idx %arg12[%sub3A_291], %sub3A_272 masked %and3A_279 : memref<6160xi32, #tpu.memory_space<vmem>>[vector<16xi32>], vector<16xi32>, vector<16xi1>
        %all_reduce_population_count3A_292 = tpu.all_reduce %and3A_279 {dim = 0 : i64, kind = #tpu.reduction_kind<sum>} : vector<16xi1> -> vector<16xi32>
        %add3A_293 = arith.addi %add3A_258, %all_reduce_population_count3A_292 : vector<16xi32>
        %mul3A_294 = arith.constant 4 : i32
        %mul3A_295 = arith.muli %scan3A_226, %mul3A_294 : i32
        %add3A_296 = arith.constant 2 : i32
        %add3A_297 = arith.addi %mul3A_295, %add3A_296 : i32
        %mul3A_298 = arith.constant 16 : i32
        %mul3A_299 = arith.muli %add3A_297, %mul3A_298 : i32
        %get3A_300 = arith.index_cast %mul3A_299 : i32 to index
        %get3A_301 = tpu.vector_load %arg7[%get3A_300] {strides = array<i32>} : memref<1600xi32, #tpu.memory_space<vmem>>, vector<16xi32>,
        %mul3A_302 = arith.constant 16 : i32
        %mul3A_303 = arith.muli %add3A_297, %mul3A_302 : i32
        %get3A_304 = arith.index_cast %mul3A_303 : i32 to index
        %get3A_305 = tpu.vector_load %arg8[%get3A_304] {strides = array<i32>} : memref<1600xi32, #tpu.memory_space<vmem>>, vector<16xi32>,
        %sub3A_306 = vector.broadcast %mul3A_2 : i32 to vector<16xi32>
        %sub3A_307 = arith.subi %get3A_301, %sub3A_306 : vector<16xi32>
        %ge3A_308 = arith.constant 0 : i32
        %ge3A_309 = vector.broadcast %ge3A_308 : i32 to vector<16xi32>
        %ge3A_310 = arith.cmpi sge, %sub3A_307, %ge3A_309 : vector<16xi32>
        %lt3A_311 = arith.constant 320 : i32
        %lt3A_312 = vector.broadcast %lt3A_311 : i32 to vector<16xi32>
        %lt3A_313 = arith.cmpi slt, %sub3A_307, %lt3A_312 : vector<16xi32>
        %and3A_314 = arith.andi %ge3A_310, %lt3A_313 : vector<16xi1>
        %jit3A_315 = arith.constant 1 : i32
        %jit3A_316 = arith.constant 0 : i32
        %broadcast_in_dim3A_317 = vector.broadcast %jit3A_315 : i32 to vector<16xi32>
        %broadcast_in_dim3A_318 = vector.broadcast %jit3A_316 : i32 to vector<16xi32>
        %select_n3A_319 = arith.select %and3A_314, %broadcast_in_dim3A_317, %broadcast_in_dim3A_318 : vector<16xi1>, vector<16xi32>
        %broadcast_in_dim3A_320 = arith.constant true
        %broadcast_in_dim3A_321 = vector.broadcast %broadcast_in_dim3A_320 : i1 to vector<16xi1>
        %masked_cumsum3A_322 = tpu.scan <sum>, %select_n3A_319 masked %broadcast_in_dim3A_321 : vector<16xi32>, vector<16xi1> -> vector<16xi32>
        %add3A_323 = arith.addi %add3A_293, %masked_cumsum3A_322 : vector<16xi32>
        %sub3A_324 = arith.constant 1 : i32
        %sub3A_325 = vector.broadcast %sub3A_324 : i32 to vector<16xi32>
        %sub3A_326 = arith.subi %add3A_323, %sub3A_325 : vector<16xi32>
        tpu.vector_store_idx %arg11[%sub3A_326], %get3A_305 masked %and3A_314 : memref<6160xi32, #tpu.memory_space<vmem>>[vector<16xi32>], vector<16xi32>, vector<16xi1>
        tpu.vector_store_idx %arg12[%sub3A_326], %sub3A_307 masked %and3A_314 : memref<6160xi32, #tpu.memory_space<vmem>>[vector<16xi32>], vector<16xi32>, vector<16xi1>
        %all_reduce_population_count3A_327 = tpu.all_reduce %and3A_314 {dim = 0 : i64, kind = #tpu.reduction_kind<sum>} : vector<16xi1> -> vector<16xi32>
        %add3A_328 = arith.addi %add3A_293, %all_reduce_population_count3A_327 : vector<16xi32>
        %mul3A_329 = arith.constant 4 : i32
        %mul3A_330 = arith.muli %scan3A_226, %mul3A_329 : i32
        %add3A_331 = arith.constant 3 : i32
        %add3A_332 = arith.addi %mul3A_330, %add3A_331 : i32
        %mul3A_333 = arith.constant 16 : i32
        %mul3A_334 = arith.muli %add3A_332, %mul3A_333 : i32
        %get3A_335 = arith.index_cast %mul3A_334 : i32 to index
        %get3A_336 = tpu.vector_load %arg7[%get3A_335] {strides = array<i32>} : memref<1600xi32, #tpu.memory_space<vmem>>, vector<16xi32>,
        %mul3A_337 = arith.constant 16 : i32
        %mul3A_338 = arith.muli %add3A_332, %mul3A_337 : i32
        %get3A_339 = arith.index_cast %mul3A_338 : i32 to index
        %get3A_340 = tpu.vector_load %arg8[%get3A_339] {strides = array<i32>} : memref<1600xi32, #tpu.memory_space<vmem>>, vector<16xi32>,
        %sub3A_341 = vector.broadcast %mul3A_2 : i32 to vector<16xi32>
        %sub3A_342 = arith.subi %get3A_336, %sub3A_341 : vector<16xi32>
        %ge3A_343 = arith.constant 0 : i32
        %ge3A_344 = vector.broadcast %ge3A_343 : i32 to vector<16xi32>
        %ge3A_345 = arith.cmpi sge, %sub3A_342, %ge3A_344 : vector<16xi32>
        %lt3A_346 = arith.constant 320 : i32
        %lt3A_347 = vector.broadcast %lt3A_346 : i32 to vector<16xi32>
        %lt3A_348 = arith.cmpi slt, %sub3A_342, %lt3A_347 : vector<16xi32>
        %and3A_349 = arith.andi %ge3A_345, %lt3A_348 : vector<16xi1>
        %jit3A_350 = arith.constant 1 : i32
        %jit3A_351 = arith.constant 0 : i32
        %broadcast_in_dim3A_352 = vector.broadcast %jit3A_350 : i32 to vector<16xi32>
        %broadcast_in_dim3A_353 = vector.broadcast %jit3A_351 : i32 to vector<16xi32>
        %select_n3A_354 = arith.select %and3A_349, %broadcast_in_dim3A_352, %broadcast_in_dim3A_353 : vector<16xi1>, vector<16xi32>
        %broadcast_in_dim3A_355 = arith.constant true
        %broadcast_in_dim3A_356 = vector.broadcast %broadcast_in_dim3A_355 : i1 to vector<16xi1>
        %masked_cumsum3A_357 = tpu.scan <sum>, %select_n3A_354 masked %broadcast_in_dim3A_356 : vector<16xi32>, vector<16xi1> -> vector<16xi32>
        %add3A_358 = arith.addi %add3A_328, %masked_cumsum3A_357 : vector<16xi32>
        %sub3A_359 = arith.constant 1 : i32
        %sub3A_360 = vector.broadcast %sub3A_359 : i32 to vector<16xi32>
        %sub3A_361 = arith.subi %add3A_358, %sub3A_360 : vector<16xi32>
        tpu.vector_store_idx %arg11[%sub3A_361], %get3A_340 masked %and3A_349 : memref<6160xi32, #tpu.memory_space<vmem>>[vector<16xi32>], vector<16xi32>, vector<16xi1>
        tpu.vector_store_idx %arg12[%sub3A_361], %sub3A_342 masked %and3A_349 : memref<6160xi32, #tpu.memory_space<vmem>>[vector<16xi32>], vector<16xi32>, vector<16xi1>
        %all_reduce_population_count3A_362 = tpu.all_reduce %and3A_349 {dim = 0 : i64, kind = #tpu.reduction_kind<sum>} : vector<16xi1> -> vector<16xi32>
        %add3A_363 = arith.addi %add3A_328, %all_reduce_population_count3A_362 : vector<16xi32>
        scf.yield %add3A_363 : vector<16xi32>
      }
      %scan3A_185 = arith.constant 25 : i32
      %slice3A_186 = vector.extract_strided_slice %scan3A_184 {offsets = [0], sizes = [1], strides = [1]} : vector<16xi32> to vector<1xi32>
      %squeeze3A_187 = vector.extract %slice3A_186[0] : i32 from vector<1xi32>
      %gt3A_188 = arith.constant 4544 : i32
      %gt3A_189 = arith.cmpi sgt, %squeeze3A_187, %gt3A_188 : i32
      %convert_element_type3A_190 = arith.extui %gt3A_189 : i1 to i32
      %cond3A_191 = arith.constant 0 : i32
      %cond3A_192 = arith.cmpi ne, %convert_element_type3A_190, %cond3A_191 : i32
      %cond3A_193 = scf.if %cond3A_192 -> (vector<16xi32>) {
        %slice3A_226 = vector.extract_strided_slice %scan3A_184 {offsets = [0], sizes = [1], strides = [1]} : vector<16xi32> to vector<1xi32>
        %squeeze3A_227 = vector.extract %slice3A_226[0] : i32 from vector<1xi32>
        %swap3A_228 = arith.index_cast %squeeze3A_227 : i32 to index
        %swap3A_229 = tpu.vector_load %arg12[%swap3A_228] {strides = array<i32>} : memref<6160xi32, #tpu.memory_space<vmem>>, vector<16xi32>,
        tpu.vector_store %arg12[%swap3A_228], %broadcast_in_dim3A_11 {strides = array<i32>} : memref<6160xi32, #tpu.memory_space<vmem>>, vector<16xi32>,
        %add3A_230 = arith.constant 15 : i32
        %add3A_231 = arith.addi %squeeze3A_227, %add3A_230 : i32
        %jit3A_232 = arith.constant 16 : i32
        %div3A_233 = arith.divsi %add3A_231, %jit3A_232 : i32
        %sign3A_234 = arith.constant 0 : i32
        %sign3A_235 = arith.cmpi sgt, %add3A_231, %sign3A_234 : i32
        %sign3A_236 = arith.extui %sign3A_235 : i1 to i32
        %sign3A_237 = arith.constant 0 : i32
        %sign3A_238 = arith.cmpi slt, %add3A_231, %sign3A_237 : i32
        %sign3A_239 = arith.extui %sign3A_238 : i1 to i32
        %sign3A_240 = arith.subi %sign3A_236, %sign3A_239 : i32
        %sign3A_241 = arith.constant 0 : i32
        %sign3A_242 = arith.cmpi sgt, %jit3A_232, %sign3A_241 : i32
        %sign3A_243 = arith.extui %sign3A_242 : i1 to i32
        %sign3A_244 = arith.constant 0 : i32
        %sign3A_245 = arith.cmpi slt, %jit3A_232, %sign3A_244 : i32
        %sign3A_246 = arith.extui %sign3A_245 : i1 to i32
        %sign3A_247 = arith.subi %sign3A_243, %sign3A_246 : i32
        %ne3A_248 = arith.cmpi ne, %sign3A_240, %sign3A_247 : i32
        %rem3A_249 = arith.remsi %add3A_231, %jit3A_232 : i32
        %ne3A_250 = arith.constant 0 : i32
        %ne3A_251 = arith.cmpi ne, %rem3A_249, %ne3A_250 : i32
        %and3A_252 = arith.andi %ne3A_248, %ne3A_251 : i1
        %sub3A_253 = arith.constant 1 : i32
        %sub3A_254 = arith.subi %div3A_233, %sub3A_253 : i32
        %select_n3A_255 = arith.select %and3A_252, %sub3A_254, %div3A_233 : i32
        %scan3A_256 = arith.constant 0 : i32
        %scan3A_257 = arith.constant 0 : i32
        %scan3A_258 = arith.constant 22 : i32
        %scan3A_259 = arith.addi %scan3A_257, %scan3A_258 : i32
        %scan3A_260 = arith.constant 1 : i32
        %scan3A_261 = scf.for %scan3A_353 = %scan3A_257 to %scan3A_259 step %scan3A_260 iter_args(%scan3A_354 = %scan3A_256) -> (i32)  : i32 {
          %mul3A_355 = arith.constant 16 : i32
          %mul3A_356 = arith.muli %scan3A_353, %mul3A_355 : i32
          %swap3A_357 = arith.index_cast %mul3A_356 : i32 to index
          %swap3A_358 = tpu.vector_load %arg14[%swap3A_357] {strides = array<i32>} : memref<352xi32, #tpu.memory_space<vmem>>, vector<16xi32>,
          tpu.vector_store %arg14[%swap3A_357], %broadcast_in_dim3A_9 {strides = array<i32>} : memref<352xi32, #tpu.memory_space<vmem>>, vector<16xi32>,
          %scan3A_359 = arith.constant 0 : i32
          scf.yield %scan3A_359 : i32
        }
        %scan3A_262 = arith.constant 22 : i32
        %while3A_263 = arith.constant 0 : i32
        %while3A_264 = arith.constant 0 : i32
        %while3A_265 = arith.subi %select_n3A_255, %while3A_263 : i32
        %while3A_266 = arith.addi %while3A_263, %while3A_265 : i32
        %while3A_267 = arith.constant 1 : i32
        %while3A_268 = arith.divsi %while3A_265, %while3A_267 : i32
        %while3A_269 = arith.muli %while3A_268, %while3A_267 : i32
        %while3A_270 = arith.addi %while3A_263, %while3A_269 : i32
        %while3A_271 = arith.constant 1 : i32
        %while3A_272 = scf.for %while3A_353 = %while3A_263 to %while3A_270 step %while3A_271 iter_args(%while3A_354 = %while3A_264) -> (i32)  : i32 {
          %mul3A_355 = arith.constant 16 : i32
          %mul3A_356 = arith.muli %while3A_353, %mul3A_355 : i32
          %get3A = arith.index_cast %mul3A_356 : i32 to index
          %get3A_357 = tpu.vector_load %arg12[%get3A] {strides = array<i32>} : memref<6160xi32, #tpu.memory_space<vmem>>, vector<16xi32>,
          %broadcast_in_dim3A_358 = arith.constant true
          %broadcast_in_dim3A_359 = vector.broadcast %broadcast_in_dim3A_358 : i1 to vector<16xi1>
          %unique3A, %unique3A_360 = tpu.scan_count mask(%broadcast_in_dim3A_359 : vector<16xi1>) value(%get3A_357 : vector<16xi32>) : vector<16xi1>, vector<16xi32>
          %gather3A = tpu.vector_load_idx %arg14[%get3A_357] : memref<352xi32, #tpu.memory_space<vmem>>[vector<16xi32>], vector<16xi32>,
          %add3A_361 = arith.addi %gather3A, %unique3A_360 : vector<16xi32>
          tpu.vector_store_idx %arg14[%get3A_357], %add3A_361 masked %unique3A : memref<352xi32, #tpu.memory_space<vmem>>[vector<16xi32>], vector<16xi32>, vector<16xi1>
          %while3A_362 = arith.constant 0 : i32
          scf.yield %while3A_362 : i32
        }
        %while3A_273 = arith.constant 1 : i32
        %while3A_274 = scf.for %while3A_353 = %while3A_270 to %while3A_266 step %while3A_273 iter_args(%while3A_354 = %while3A_272) -> (i32)  : i32 {
          %mul3A_355 = arith.constant 16 : i32
          %mul3A_356 = arith.muli %while3A_353, %mul3A_355 : i32
          %get3A = arith.index_cast %mul3A_356 : i32 to index
          %get3A_357 = tpu.vector_load %arg12[%get3A] {strides = array<i32>} : memref<6160xi32, #tpu.memory_space<vmem>>, vector<16xi32>,
          %broadcast_in_dim3A_358 = arith.constant true
          %broadcast_in_dim3A_359 = vector.broadcast %broadcast_in_dim3A_358 : i1 to vector<16xi1>
          %unique3A, %unique3A_360 = tpu.scan_count mask(%broadcast_in_dim3A_359 : vector<16xi1>) value(%get3A_357 : vector<16xi32>) : vector<16xi1>, vector<16xi32>
          %gather3A = tpu.vector_load_idx %arg14[%get3A_357] : memref<352xi32, #tpu.memory_space<vmem>>[vector<16xi32>], vector<16xi32>,
          %add3A_361 = arith.addi %gather3A, %unique3A_360 : vector<16xi32>
          tpu.vector_store_idx %arg14[%get3A_357], %add3A_361 masked %unique3A : memref<352xi32, #tpu.memory_space<vmem>>[vector<16xi32>], vector<16xi32>, vector<16xi1>
          %while3A_362 = arith.constant 0 : i32
          scf.yield %while3A_362 : i32
        }
        %scan3A_275 = arith.constant 0 : i32
        %scan3A_276 = arith.constant 0 : i32
        %scan3A_277 = arith.constant 22 : i32
        %scan3A_278 = arith.addi %scan3A_276, %scan3A_277 : i32
        %scan3A_279 = arith.constant 1 : i32
        %scan3A_280 = scf.for %scan3A_353 = %scan3A_276 to %scan3A_278 step %scan3A_279 iter_args(%scan3A_354 = %scan3A_275) -> (i32)  : i32 {
          %mul3A_355 = arith.constant 16 : i32
          %mul3A_356 = arith.muli %scan3A_353, %mul3A_355 : i32
          %get3A = arith.index_cast %mul3A_356 : i32 to index
          %get3A_357 = tpu.vector_load %arg14[%get3A] {strides = array<i32>} : memref<352xi32, #tpu.memory_space<vmem>>, vector<16xi32>,
          %broadcast_in_dim3A_358 = arith.constant true
          %broadcast_in_dim3A_359 = vector.broadcast %broadcast_in_dim3A_358 : i1 to vector<16xi1>
          %masked_cumsum3A = tpu.scan <sum>, %get3A_357 masked %broadcast_in_dim3A_359 : vector<16xi32>, vector<16xi1> -> vector<16xi32>
          %add3A_360 = vector.broadcast %scan3A_354 : i32 to vector<16xi32>
          %add3A_361 = arith.addi %add3A_360, %masked_cumsum3A : vector<16xi32>
          %sub3A_362 = arith.subi %add3A_361, %get3A_357 : vector<16xi32>
          %mul3A_363 = arith.constant 16 : i32
          %mul3A_364 = arith.muli %scan3A_353, %mul3A_363 : i32
          %swap3A_365 = arith.index_cast %mul3A_364 : i32 to index
          %swap3A_366 = tpu.vector_load %arg15[%swap3A_365] {strides = array<i32>} : memref<352xi32, #tpu.memory_space<vmem>>, vector<16xi32>,
          tpu.vector_store %arg15[%swap3A_365], %sub3A_362 {strides = array<i32>} : memref<352xi32, #tpu.memory_space<vmem>>, vector<16xi32>,
          %mul3A_367 = arith.constant 16 : i32
          %mul3A_368 = arith.muli %scan3A_353, %mul3A_367 : i32
          %swap3A_369 = arith.index_cast %mul3A_368 : i32 to index
          %swap3A_370 = tpu.vector_load %arg16[%swap3A_369] {strides = array<i32>} : memref<352xi32, #tpu.memory_space<vmem>>, vector<16xi32>,
          tpu.vector_store %arg16[%swap3A_369], %sub3A_362 {strides = array<i32>} : memref<352xi32, #tpu.memory_space<vmem>>, vector<16xi32>,
          %slice3A_371 = vector.extract_strided_slice %masked_cumsum3A {offsets = [15], sizes = [1], strides = [1]} : vector<16xi32> to vector<1xi32>
          %squeeze3A_372 = vector.extract %slice3A_371[0] : i32 from vector<1xi32>
          %add3A_373 = arith.addi %scan3A_354, %squeeze3A_372 : i32
          scf.yield %add3A_373 : i32
        }
        %scan3A_281 = arith.constant 22 : i32
        %while3A_282 = arith.constant 0 : i32
        %while3A_283 = arith.constant 0 : i32
        %while3A_284 = arith.subi %select_n3A_255, %while3A_282 : i32
        %while3A_285 = arith.addi %while3A_282, %while3A_284 : i32
        %while3A_286 = arith.constant 1 : i32
        %while3A_287 = arith.divsi %while3A_284, %while3A_286 : i32
        %while3A_288 = arith.muli %while3A_287, %while3A_286 : i32
        %while3A_289 = arith.addi %while3A_282, %while3A_288 : i32
        %while3A_290 = arith.constant 1 : i32
        %while3A_291 = scf.for %while3A_353 = %while3A_282 to %while3A_289 step %while3A_290 iter_args(%while3A_354 = %while3A_283) -> (i32)  : i32 {
          %mul3A_355 = arith.constant 16 : i32
          %mul3A_356 = arith.muli %while3A_353, %mul3A_355 : i32
          %get3A = arith.index_cast %mul3A_356 : i32 to index
          %get3A_357 = tpu.vector_load %arg12[%get3A] {strides = array<i32>} : memref<6160xi32, #tpu.memory_space<vmem>>, vector<16xi32>,
          %mul3A_358 = arith.constant 16 : i32
          %mul3A_359 = arith.muli %while3A_353, %mul3A_358 : i32
          %get3A_360 = arith.index_cast %mul3A_359 : i32 to index
          %get3A_361 = tpu.vector_load %arg11[%get3A_360] {strides = array<i32>} : memref<6160xi32, #tpu.memory_space<vmem>>, vector<16xi32>,
          %broadcast_in_dim3A_362 = arith.constant true
          %broadcast_in_dim3A_363 = vector.broadcast %broadcast_in_dim3A_362 : i1 to vector<16xi1>
          %unique3A, %unique3A_364 = tpu.scan_count mask(%broadcast_in_dim3A_363 : vector<16xi1>) value(%get3A_357 : vector<16xi32>) : vector<16xi1>, vector<16xi32>
          %gather3A = tpu.vector_load_idx %arg16[%get3A_357] : memref<352xi32, #tpu.memory_space<vmem>>[vector<16xi32>], vector<16xi32>,
          %add3A_365 = arith.addi %gather3A, %unique3A_364 : vector<16xi32>
          %sub3A_366 = arith.constant 1 : i32
          %sub3A_367 = vector.broadcast %sub3A_366 : i32 to vector<16xi32>
          %sub3A_368 = arith.subi %add3A_365, %sub3A_367 : vector<16xi32>
          tpu.vector_store_idx %arg13[%sub3A_368], %get3A_361 : memref<6192xi32, #tpu.memory_space<vmem>>[vector<16xi32>], vector<16xi32>,
          %add3A_369 = arith.addi %gather3A, %unique3A_364 : vector<16xi32>
          tpu.vector_store_idx %arg16[%get3A_357], %add3A_369 masked %unique3A : memref<352xi32, #tpu.memory_space<vmem>>[vector<16xi32>], vector<16xi32>, vector<16xi1>
          %while3A_370 = arith.constant 0 : i32
          scf.yield %while3A_370 : i32
        }
        %while3A_292 = arith.constant 1 : i32
        %while3A_293 = scf.for %while3A_353 = %while3A_289 to %while3A_285 step %while3A_292 iter_args(%while3A_354 = %while3A_291) -> (i32)  : i32 {
          %mul3A_355 = arith.constant 16 : i32
          %mul3A_356 = arith.muli %while3A_353, %mul3A_355 : i32
          %get3A = arith.index_cast %mul3A_356 : i32 to index
          %get3A_357 = tpu.vector_load %arg12[%get3A] {strides = array<i32>} : memref<6160xi32, #tpu.memory_space<vmem>>, vector<16xi32>,
          %mul3A_358 = arith.constant 16 : i32
          %mul3A_359 = arith.muli %while3A_353, %mul3A_358 : i32
          %get3A_360 = arith.index_cast %mul3A_359 : i32 to index
          %get3A_361 = tpu.vector_load %arg11[%get3A_360] {strides = array<i32>} : memref<6160xi32, #tpu.memory_space<vmem>>, vector<16xi32>,
          %broadcast_in_dim3A_362 = arith.constant true
          %broadcast_in_dim3A_363 = vector.broadcast %broadcast_in_dim3A_362 : i1 to vector<16xi1>
          %unique3A, %unique3A_364 = tpu.scan_count mask(%broadcast_in_dim3A_363 : vector<16xi1>) value(%get3A_357 : vector<16xi32>) : vector<16xi1>, vector<16xi32>
          %gather3A = tpu.vector_load_idx %arg16[%get3A_357] : memref<352xi32, #tpu.memory_space<vmem>>[vector<16xi32>], vector<16xi32>,
          %add3A_365 = arith.addi %gather3A, %unique3A_364 : vector<16xi32>
          %sub3A_366 = arith.constant 1 : i32
          %sub3A_367 = vector.broadcast %sub3A_366 : i32 to vector<16xi32>
          %sub3A_368 = arith.subi %add3A_365, %sub3A_367 : vector<16xi32>
          tpu.vector_store_idx %arg13[%sub3A_368], %get3A_361 : memref<6192xi32, #tpu.memory_space<vmem>>[vector<16xi32>], vector<16xi32>,
          %add3A_369 = arith.addi %gather3A, %unique3A_364 : vector<16xi32>
          tpu.vector_store_idx %arg16[%get3A_357], %add3A_369 masked %unique3A : memref<352xi32, #tpu.memory_space<vmem>>[vector<16xi32>], vector<16xi32>, vector<16xi1>
          %while3A_370 = arith.constant 0 : i32
          scf.yield %while3A_370 : i32
        }
        %add3A_294 = arith.constant 127 : i32
        %add3A_295 = arith.addi %squeeze3A_227, %add3A_294 : i32
        %jit3A_296 = arith.constant 128 : i32
        %div3A_297 = arith.divsi %add3A_295, %jit3A_296 : i32
        %sign3A_298 = arith.constant 0 : i32
        %sign3A_299 = arith.cmpi sgt, %add3A_295, %sign3A_298 : i32
        %sign3A_300 = arith.extui %sign3A_299 : i1 to i32
        %sign3A_301 = arith.constant 0 : i32
        %sign3A_302 = arith.cmpi slt, %add3A_295, %sign3A_301 : i32
        %sign3A_303 = arith.extui %sign3A_302 : i1 to i32
        %sign3A_304 = arith.subi %sign3A_300, %sign3A_303 : i32
        %sign3A_305 = arith.constant 0 : i32
        %sign3A_306 = arith.cmpi sgt, %jit3A_296, %sign3A_305 : i32
        %sign3A_307 = arith.extui %sign3A_306 : i1 to i32
        %sign3A_308 = arith.constant 0 : i32
        %sign3A_309 = arith.cmpi slt, %jit3A_296, %sign3A_308 : i32
        %sign3A_310 = arith.extui %sign3A_309 : i1 to i32
        %sign3A_311 = arith.subi %sign3A_307, %sign3A_310 : i32
        %ne3A_312 = arith.cmpi ne, %sign3A_304, %sign3A_311 : i32
        %rem3A_313 = arith.remsi %add3A_295, %jit3A_296 : i32
        %ne3A_314 = arith.constant 0 : i32
        %ne3A_315 = arith.cmpi ne, %rem3A_313, %ne3A_314 : i32
        %and3A_316 = arith.andi %ne3A_312, %ne3A_315 : i1
        %sub3A_317 = arith.constant 1 : i32
        %sub3A_318 = arith.subi %div3A_297, %sub3A_317 : i32
        %select_n3A_319 = arith.select %and3A_316, %sub3A_318, %div3A_297 : i32
        %gt3A_320 = arith.constant 0 : i32
        %gt3A_321 = arith.cmpi sgt, %select_n3A_319, %gt3A_320 : i32
        %convert_element_type3A_322 = arith.extui %gt3A_321 : i1 to i32
        %cond3A_323 = arith.constant 0 : i32
        %cond3A_324 = arith.cmpi ne, %convert_element_type3A_322, %cond3A_323 : i32
        scf.if %cond3A_324 {
          %dma_start3A_353 = arith.constant 0 : i32
          %dma_start3A_354 = arith.constant 0 : i32
          %dma_start3A_355 = tpu.memref_slice %arg17[%dma_start3A_353, %dma_start3A_354] : memref<512x64xf32, #tpu.memory_space<vmem>> -> memref<128x64xf32, #tpu.memory_space<vmem>>
          %dma_start3A_356 = arith.constant 0 : i32
          %dma_start3A_357 = tpu.memref_slice %arg13[%dma_start3A_356] : memref<6192xi32, #tpu.memory_space<vmem>> -> memref<128xi32, #tpu.memory_space<vmem>>
          %dma_start3A_358 = arith.constant 0 : i32
          %dma_start3A_359 = arith.constant 0 : i32
          %dma_start3A_360 = tpu.memref_slice %arg4[%dma_start3A_358, %dma_start3A_359] : memref<10240x64xf32, #tpu.memory_space<hbm>> -> memref<10240x64xf32, #tpu.memory_space<hbm>>
          tpu.enqueue_indirect_dma source(%dma_start3A_360 : memref<10240x64xf32, #tpu.memory_space<hbm>>) target(%dma_start3A_355 : memref<128x64xf32, #tpu.memory_space<vmem>>) offsets(%dma_start3A_357 : memref<128xi32, #tpu.memory_space<vmem>>) semaphore(%arg20 : memref<!tpu.dma_semaphore, #tpu.memory_space<semaphore_mem>>)
        } else {
        }
        %gt3A_325 = arith.constant 1 : i32
        %gt3A_326 = arith.cmpi sgt, %select_n3A_319, %gt3A_325 : i32
        %convert_element_type3A_327 = arith.extui %gt3A_326 : i1 to i32
        %cond3A_328 = arith.constant 0 : i32
        %cond3A_329 = arith.cmpi ne, %convert_element_type3A_327, %cond3A_328 : i32
        scf.if %cond3A_329 {
          %dma_start3A_353 = arith.constant 128 : i32
          %dma_start3A_354 = arith.constant 0 : i32
          %dma_start3A_355 = tpu.memref_slice %arg17[%dma_start3A_353, %dma_start3A_354] : memref<512x64xf32, #tpu.memory_space<vmem>> -> memref<128x64xf32, #tpu.memory_space<vmem>>
          %dma_start3A_356 = arith.constant 128 : i32
          %dma_start3A_357 = tpu.memref_slice %arg13[%dma_start3A_356] : memref<6192xi32, #tpu.memory_space<vmem>> -> memref<128xi32, #tpu.memory_space<vmem>>
          %dma_start3A_358 = arith.constant 0 : i32
          %dma_start3A_359 = arith.constant 0 : i32
          %dma_start3A_360 = tpu.memref_slice %arg4[%dma_start3A_358, %dma_start3A_359] : memref<10240x64xf32, #tpu.memory_space<hbm>> -> memref<10240x64xf32, #tpu.memory_space<hbm>>
          tpu.enqueue_indirect_dma source(%dma_start3A_360 : memref<10240x64xf32, #tpu.memory_space<hbm>>) target(%dma_start3A_355 : memref<128x64xf32, #tpu.memory_space<vmem>>) offsets(%dma_start3A_357 : memref<128xi32, #tpu.memory_space<vmem>>) semaphore(%arg20 : memref<!tpu.dma_semaphore, #tpu.memory_space<semaphore_mem>>)
        } else {
        }
        %gt3A_330 = arith.constant 2 : i32
        %gt3A_331 = arith.cmpi sgt, %select_n3A_319, %gt3A_330 : i32
        %convert_element_type3A_332 = arith.extui %gt3A_331 : i1 to i32
        %cond3A_333 = arith.constant 0 : i32
        %cond3A_334 = arith.cmpi ne, %convert_element_type3A_332, %cond3A_333 : i32
        scf.if %cond3A_334 {
          %dma_start3A_353 = arith.constant 256 : i32
          %dma_start3A_354 = arith.constant 0 : i32
          %dma_start3A_355 = tpu.memref_slice %arg17[%dma_start3A_353, %dma_start3A_354] : memref<512x64xf32, #tpu.memory_space<vmem>> -> memref<128x64xf32, #tpu.memory_space<vmem>>
          %dma_start3A_356 = arith.constant 256 : i32
          %dma_start3A_357 = tpu.memref_slice %arg13[%dma_start3A_356] : memref<6192xi32, #tpu.memory_space<vmem>> -> memref<128xi32, #tpu.memory_space<vmem>>
          %dma_start3A_358 = arith.constant 0 : i32
          %dma_start3A_359 = arith.constant 0 : i32
          %dma_start3A_360 = tpu.memref_slice %arg4[%dma_start3A_358, %dma_start3A_359] : memref<10240x64xf32, #tpu.memory_space<hbm>> -> memref<10240x64xf32, #tpu.memory_space<hbm>>
          tpu.enqueue_indirect_dma source(%dma_start3A_360 : memref<10240x64xf32, #tpu.memory_space<hbm>>) target(%dma_start3A_355 : memref<128x64xf32, #tpu.memory_space<vmem>>) offsets(%dma_start3A_357 : memref<128xi32, #tpu.memory_space<vmem>>) semaphore(%arg20 : memref<!tpu.dma_semaphore, #tpu.memory_space<semaphore_mem>>)
        } else {
        }
        %broadcast_in_dim3A_335 = arith.constant 0.000000e+00 : f32
        %broadcast_in_dim3A_336 = vector.broadcast %broadcast_in_dim3A_335 : f32 to vector<16xf32>
        %broadcast_in_dim3A_337 = arith.constant 0xFF800000 : f32
        %broadcast_in_dim3A_338 = vector.broadcast %broadcast_in_dim3A_337 : f32 to vector<16xf32>
        %while3A_339 = arith.constant 0 : i32
        %while3A_340 = arith.constant 0 : i32
        %while3A_341 = arith.subi %select_n3A_319, %while3A_339 : i32
        %while3A_342 = arith.addi %while3A_339, %while3A_341 : i32
        %while3A_343 = arith.constant 1 : i32
        %while3A_344 = arith.divsi %while3A_341, %while3A_343 : i32
        %while3A_345 = arith.muli %while3A_344, %while3A_343 : i32
        %while3A_346 = arith.addi %while3A_339, %while3A_345 : i32
        %while3A_347 = arith.constant 1 : i32
        %while3A_348:9 = scf.for %while3A_353 = %while3A_339 to %while3A_346 step %while3A_347 iter_args(%while3A_354 = %while3A_340, %while3A_355 = %broadcast_in_dim3A_336, %while3A_356 = %broadcast_in_dim3A_336, %while3A_357 = %broadcast_in_dim3A_336, %while3A_358 = %broadcast_in_dim3A_336, %while3A_359 = %broadcast_in_dim3A_338, %while3A_360 = %broadcast_in_dim3A_338, %while3A_361 = %broadcast_in_dim3A_338, %while3A_362 = %broadcast_in_dim3A_338) -> (i32, vector<16xf32>, vector<16xf32>, vector<16xf32>, vector<16xf32>, vector<16xf32>, vector<16xf32>, vector<16xf32>, vector<16xf32>)  : i32 {
          %jit3A_363 = arith.constant 4 : i32
          %eq3A = arith.constant 0 : i32
          %eq3A_364 = arith.cmpi eq, %jit3A_363, %eq3A : i32
          %jit3A_365 = arith.constant 1 : i32
          %select_n3A_366 = arith.select %eq3A_364, %jit3A_365, %jit3A_363 : i32
          %rem3A_367 = arith.remsi %while3A_353, %select_n3A_366 : i32
          %ne3A_368 = arith.constant 0 : i32
          %ne3A_369 = arith.cmpi ne, %rem3A_367, %ne3A_368 : i32
          %lt3A_370 = arith.constant 0 : i32
          %lt3A_371 = arith.cmpi slt, %rem3A_367, %lt3A_370 : i32
          %lt3A_372 = arith.constant 0 : i32
          %lt3A_373 = arith.cmpi slt, %select_n3A_366, %lt3A_372 : i32
          %ne3A_374 = arith.xori %lt3A_371, %lt3A_373 : i1
          %and3A_375 = arith.andi %ne3A_374, %ne3A_369 : i1
          %add3A_376 = arith.addi %rem3A_367, %select_n3A_366 : i32
          %select_n3A_377 = arith.select %and3A_375, %add3A_376, %rem3A_367 : i32
          %mul3A_378 = arith.constant 128 : i32
          %mul3A_379 = arith.muli %select_n3A_377, %mul3A_378 : i32
          %add3A_380 = arith.constant 3 : i32
          %add3A_381 = arith.addi %while3A_353, %add3A_380 : i32
          %jit3A_382 = arith.constant 4 : i32
          %eq3A_383 = arith.constant 0 : i32
          %eq3A_384 = arith.cmpi eq, %jit3A_382, %eq3A_383 : i32
          %jit3A_385 = arith.constant 1 : i32
          %select_n3A_386 = arith.select %eq3A_384, %jit3A_385, %jit3A_382 : i32
          %rem3A_387 = arith.remsi %add3A_381, %select_n3A_386 : i32
          %ne3A_388 = arith.constant 0 : i32
          %ne3A_389 = arith.cmpi ne, %rem3A_387, %ne3A_388 : i32
          %lt3A_390 = arith.constant 0 : i32
          %lt3A_391 = arith.cmpi slt, %rem3A_387, %lt3A_390 : i32
          %lt3A_392 = arith.constant 0 : i32
          %lt3A_393 = arith.cmpi slt, %select_n3A_386, %lt3A_392 : i32
          %ne3A_394 = arith.xori %lt3A_391, %lt3A_393 : i1
          %and3A_395 = arith.andi %ne3A_394, %ne3A_389 : i1
          %add3A_396 = arith.addi %rem3A_387, %select_n3A_386 : i32
          %select_n3A_397 = arith.select %and3A_395, %add3A_396, %rem3A_387 : i32
          %mul3A_398 = arith.constant 128 : i32
          %mul3A_399 = arith.muli %select_n3A_397, %mul3A_398 : i32
          %add3A_400 = arith.constant 3 : i32
          %add3A_401 = arith.addi %while3A_353, %add3A_400 : i32
          %lt3A_402 = arith.cmpi slt, %add3A_401, %select_n3A_319 : i32
          %convert_element_type3A_403 = arith.extui %lt3A_402 : i1 to i32
          %cond3A_404 = arith.constant 0 : i32
          %cond3A_405 = arith.cmpi ne, %convert_element_type3A_403, %cond3A_404 : i32
          scf.if %cond3A_405 {
            %add3A_428 = arith.constant 3 : i32
            %add3A_429 = arith.addi %while3A_353, %add3A_428 : i32
            %mul3A_430 = arith.constant 128 : i32
            %mul3A_431 = arith.muli %add3A_429, %mul3A_430 : i32
            %dma_start3A_432 = arith.constant 0 : i32
            %dma_start3A_433 = tpu.memref_slice %arg17[%mul3A_399, %dma_start3A_432] : memref<512x64xf32, #tpu.memory_space<vmem>> -> memref<128x64xf32, #tpu.memory_space<vmem>>
            %dma_start3A_434 = tpu.memref_slice %arg13[%mul3A_431] : memref<6192xi32, #tpu.memory_space<vmem>> -> memref<128xi32, #tpu.memory_space<vmem>>
            %dma_start3A_435 = arith.constant 0 : i32
            %dma_start3A_436 = arith.constant 0 : i32
            %dma_start3A_437 = tpu.memref_slice %arg4[%dma_start3A_435, %dma_start3A_436] : memref<10240x64xf32, #tpu.memory_space<hbm>> -> memref<10240x64xf32, #tpu.memory_space<hbm>>
            tpu.enqueue_indirect_dma source(%dma_start3A_437 : memref<10240x64xf32, #tpu.memory_space<hbm>>) target(%dma_start3A_433 : memref<128x64xf32, #tpu.memory_space<vmem>>) offsets(%dma_start3A_434 : memref<128xi32, #tpu.memory_space<vmem>>) semaphore(%arg20 : memref<!tpu.dma_semaphore, #tpu.memory_space<semaphore_mem>>)
          } else {
          }
          %dma_wait3A_406 = arith.constant 0 : i32
          %dma_wait3A_407 = tpu.memref_slice %arg17[%mul3A_379, %dma_wait3A_406] : memref<512x64xf32, #tpu.memory_space<vmem>> -> memref<128x64xf32, #tpu.memory_space<vmem>>
          %dma_wait3A_408 = arith.constant 0 : i32
          %dma_wait3A_409 = arith.constant 0 : i32
          %dma_wait3A_410 = tpu.memref_slice %arg4[%dma_wait3A_408, %dma_wait3A_409] : memref<10240x64xf32, #tpu.memory_space<hbm>> -> memref<128x64xf32, #tpu.memory_space<hbm>>
          %dma_wait3A_411 = arith.constant 0 : i32
          %dma_wait3A_412 = tpu.memref_slice %arg17[%mul3A_379, %dma_wait3A_411] : memref<512x64xf32, #tpu.memory_space<vmem>> -> memref<128x64xf32, #tpu.memory_space<vmem>>
          %dma_wait3A_413 = arith.constant 0 : i32
          %dma_wait3A_414 = arith.constant 0 : i32
          %dma_wait3A_415 = tpu.memref_slice %arg4[%dma_wait3A_413, %dma_wait3A_414] : memref<10240x64xf32, #tpu.memory_space<hbm>> -> memref<128x64xf32, #tpu.memory_space<hbm>>
          tpu.wait_dma2 semaphore(%arg20 : memref<!tpu.dma_semaphore, #tpu.memory_space<semaphore_mem>>) src(%dma_wait3A_415 : memref<128x64xf32, #tpu.memory_space<hbm>>) dst(%dma_wait3A_412 : memref<128x64xf32, #tpu.memory_space<vmem>>)
          %mul3A_416 = arith.constant 128 : i32
          %mul3A_417 = arith.muli %while3A_353, %mul3A_416 : i32
          %sub3A_418 = arith.subi %squeeze3A_227, %mul3A_417 : i32
          %min3A = arith.constant 128 : i32
          %min3A_419 = arith.minsi %min3A, %sub3A_418 : i32
          %add3A_420 = arith.addi %mul3A_417, %min3A_419 : i32
          %while3A_421:9 = scf.while (%while3A_428 = %while3A_354, %while3A_429 = %while3A_355, %while3A_430 = %while3A_356, %while3A_431 = %while3A_357, %while3A_432 = %while3A_358, %while3A_433 = %while3A_359, %while3A_434 = %while3A_360, %while3A_435 = %while3A_361, %while3A_436 = %while3A_362) : (i32, vector<16xf32>, vector<16xf32>, vector<16xf32>, vector<16xf32>, vector<16xf32>, vector<16xf32>, vector<16xf32>, vector<16xf32>) -> (i32, vector<16xf32>, vector<16xf32>, vector<16xf32>, vector<16xf32>, vector<16xf32>, vector<16xf32>, vector<16xf32>, vector<16xf32>) {
            %lt3A_437 = arith.constant 320 : i32
            %lt3A_438 = arith.cmpi slt, %while3A_428, %lt3A_437 : i32
            %add3A_439 = arith.constant 1 : i32
            %add3A_440 = arith.addi %while3A_428, %add3A_439 : i32
            %get3A = arith.index_cast %add3A_440 : i32 to index
            %get3A_441 = tpu.vector_load %arg15[%get3A] {strides = array<i32>} : memref<352xi32, #tpu.memory_space<vmem>>, vector<16xi32>,
            %slice3A_442 = vector.extract_strided_slice %get3A_441 {offsets = [0], sizes = [1], strides = [1]} : vector<16xi32> to vector<1xi32>
            %squeeze3A_443 = vector.extract %slice3A_442[0] : i32 from vector<1xi32>
            %le3A = arith.cmpi sle, %squeeze3A_443, %add3A_420 : i32
            %and3A_444 = arith.andi %lt3A_438, %le3A : i1
            scf.condition(%and3A_444) %while3A_428, %while3A_429, %while3A_430, %while3A_431, %while3A_432, %while3A_433, %while3A_434, %while3A_435, %while3A_436 : i32, vector<16xf32>, vector<16xf32>, vector<16xf32>, vector<16xf32>, vector<16xf32>, vector<16xf32>, vector<16xf32>, vector<16xf32>
          } do {
          ^bb0(%while3A_428: i32, %while3A_429: vector<16xf32>, %while3A_430: vector<16xf32>, %while3A_431: vector<16xf32>, %while3A_432: vector<16xf32>, %while3A_433: vector<16xf32>, %while3A_434: vector<16xf32>, %while3A_435: vector<16xf32>, %while3A_436: vector<16xf32>):
            %get3A = arith.index_cast %while3A_428 : i32 to index
            %get3A_437 = tpu.vector_load %arg15[%get3A] {strides = array<i32>} : memref<352xi32, #tpu.memory_space<vmem>>, vector<16xi32>,
            %slice3A_438 = vector.extract_strided_slice %get3A_437 {offsets = [0], sizes = [1], strides = [1]} : vector<16xi32> to vector<1xi32>
            %squeeze3A_439 = vector.extract %slice3A_438[0] : i32 from vector<1xi32>
            %add3A_440 = arith.constant 1 : i32
            %add3A_441 = arith.addi %while3A_428, %add3A_440 : i32
            %get3A_442 = arith.index_cast %add3A_441 : i32 to index
            %get3A_443 = tpu.vector_load %arg15[%get3A_442] {strides = array<i32>} : memref<352xi32, #tpu.memory_space<vmem>>, vector<16xi32>,
            %slice3A_444 = vector.extract_strided_slice %get3A_443 {offsets = [0], sizes = [1], strides = [1]} : vector<16xi32> to vector<1xi32>
            %squeeze3A_445 = vector.extract %slice3A_444[0] : i32 from vector<1xi32>
            %max3A = arith.maxsi %squeeze3A_439, %mul3A_417 : i32
            %while3A_446 = arith.subi %squeeze3A_445, %max3A : i32
            %while3A_447 = arith.addi %max3A, %while3A_446 : i32
            %while3A_448 = arith.constant 1 : i32
            %while3A_449 = arith.divsi %while3A_446, %while3A_448 : i32
            %while3A_450 = arith.muli %while3A_449, %while3A_448 : i32
            %while3A_451 = arith.addi %max3A, %while3A_450 : i32
            %while3A_452 = arith.constant 1 : i32
            %while3A_453:8 = scf.for %while3A_524 = %max3A to %while3A_451 step %while3A_452 iter_args(%while3A_525 = %while3A_429, %while3A_526 = %while3A_430, %while3A_527 = %while3A_431, %while3A_528 = %while3A_432, %while3A_529 = %while3A_433, %while3A_530 = %while3A_434, %while3A_531 = %while3A_435, %while3A_532 = %while3A_436) -> (vector<16xf32>, vector<16xf32>, vector<16xf32>, vector<16xf32>, vector<16xf32>, vector<16xf32>, vector<16xf32>, vector<16xf32>)  : i32 {
              %add3A_533 = arith.addi %mul3A_379, %while3A_524 : i32
              %sub3A_534 = arith.subi %add3A_533, %mul3A_417 : i32
              %get3A_535 = arith.index_cast %sub3A_534 : i32 to index
              %get3A_536 = arith.constant 0 : index
              %get3A_537 = tpu.vector_load %arg17[%get3A_535, %get3A_536] {strides = array<i32>} : memref<512x64xf32, #tpu.memory_space<vmem>>, vector<16xf32>,
              %get3A_538 = arith.index_cast %sub3A_534 : i32 to index
              %get3A_539 = arith.constant 16 : index
              %get3A_540 = tpu.vector_load %arg17[%get3A_538, %get3A_539] {strides = array<i32>} : memref<512x64xf32, #tpu.memory_space<vmem>>, vector<16xf32>,
              %get3A_541 = arith.index_cast %sub3A_534 : i32 to index
              %get3A_542 = arith.constant 32 : index
              %get3A_543 = tpu.vector_load %arg17[%get3A_541, %get3A_542] {strides = array<i32>} : memref<512x64xf32, #tpu.memory_space<vmem>>, vector<16xf32>,
              %get3A_544 = arith.index_cast %sub3A_534 : i32 to index
              %get3A_545 = arith.constant 48 : index
              %get3A_546 = tpu.vector_load %arg17[%get3A_544, %get3A_545] {strides = array<i32>} : memref<512x64xf32, #tpu.memory_space<vmem>>, vector<16xf32>,
              %add3A_547 = arith.addf %while3A_525, %get3A_537 : vector<16xf32>
              %add3A_548 = arith.addf %while3A_526, %get3A_540 : vector<16xf32>
              %add3A_549 = arith.addf %while3A_527, %get3A_543 : vector<16xf32>
              %add3A_550 = arith.addf %while3A_528, %get3A_546 : vector<16xf32>
              %max3A_551 = arith.maximumf %while3A_529, %get3A_537 : vector<16xf32>
              %max3A_552 = arith.maximumf %while3A_530, %get3A_540 : vector<16xf32>
              %max3A_553 = arith.maximumf %while3A_531, %get3A_543 : vector<16xf32>
              %max3A_554 = arith.maximumf %while3A_532, %get3A_546 : vector<16xf32>
              scf.yield %add3A_547, %add3A_548, %add3A_549, %add3A_550, %max3A_551, %max3A_552, %max3A_553, %max3A_554 : vector<16xf32>, vector<16xf32>, vector<16xf32>, vector<16xf32>, vector<16xf32>, vector<16xf32>, vector<16xf32>, vector<16xf32>
            }
            %while3A_454 = arith.constant 1 : i32
            %while3A_455:8 = scf.for %while3A_524 = %while3A_451 to %while3A_447 step %while3A_454 iter_args(%while3A_525 = %while3A_453#0, %while3A_526 = %while3A_453#1, %while3A_527 = %while3A_453#2, %while3A_528 = %while3A_453#3, %while3A_529 = %while3A_453#4, %while3A_530 = %while3A_453#5, %while3A_531 = %while3A_453#6, %while3A_532 = %while3A_453#7) -> (vector<16xf32>, vector<16xf32>, vector<16xf32>, vector<16xf32>, vector<16xf32>, vector<16xf32>, vector<16xf32>, vector<16xf32>)  : i32 {
              %add3A_533 = arith.addi %mul3A_379, %while3A_524 : i32
              %sub3A_534 = arith.subi %add3A_533, %mul3A_417 : i32
              %get3A_535 = arith.index_cast %sub3A_534 : i32 to index
              %get3A_536 = arith.constant 0 : index
              %get3A_537 = tpu.vector_load %arg17[%get3A_535, %get3A_536] {strides = array<i32>} : memref<512x64xf32, #tpu.memory_space<vmem>>, vector<16xf32>,
              %get3A_538 = arith.index_cast %sub3A_534 : i32 to index
              %get3A_539 = arith.constant 16 : index
              %get3A_540 = tpu.vector_load %arg17[%get3A_538, %get3A_539] {strides = array<i32>} : memref<512x64xf32, #tpu.memory_space<vmem>>, vector<16xf32>,
              %get3A_541 = arith.index_cast %sub3A_534 : i32 to index
              %get3A_542 = arith.constant 32 : index
              %get3A_543 = tpu.vector_load %arg17[%get3A_541, %get3A_542] {strides = array<i32>} : memref<512x64xf32, #tpu.memory_space<vmem>>, vector<16xf32>,
              %get3A_544 = arith.index_cast %sub3A_534 : i32 to index
              %get3A_545 = arith.constant 48 : index
              %get3A_546 = tpu.vector_load %arg17[%get3A_544, %get3A_545] {strides = array<i32>} : memref<512x64xf32, #tpu.memory_space<vmem>>, vector<16xf32>,
              %add3A_547 = arith.addf %while3A_525, %get3A_537 : vector<16xf32>
              %add3A_548 = arith.addf %while3A_526, %get3A_540 : vector<16xf32>
              %add3A_549 = arith.addf %while3A_527, %get3A_543 : vector<16xf32>
              %add3A_550 = arith.addf %while3A_528, %get3A_546 : vector<16xf32>
              %max3A_551 = arith.maximumf %while3A_529, %get3A_537 : vector<16xf32>
              %max3A_552 = arith.maximumf %while3A_530, %get3A_540 : vector<16xf32>
              %max3A_553 = arith.maximumf %while3A_531, %get3A_543 : vector<16xf32>
              %max3A_554 = arith.maximumf %while3A_532, %get3A_546 : vector<16xf32>
              scf.yield %add3A_547, %add3A_548, %add3A_549, %add3A_550, %max3A_551, %max3A_552, %max3A_553, %max3A_554 : vector<16xf32>, vector<16xf32>, vector<16xf32>, vector<16xf32>, vector<16xf32>, vector<16xf32>, vector<16xf32>, vector<16xf32>
            }
            %get3A_456 = arith.index_cast %while3A_428 : i32 to index
            %get3A_457 = arith.constant 0 : index
            %get3A_458 = tpu.vector_load %arg18[%get3A_456, %get3A_457] {strides = array<i32>} : memref<321x80xf32, #tpu.memory_space<vmem>>, vector<16xf32>,
            %add3A_459 = arith.addf %get3A_458, %while3A_455#0 : vector<16xf32>
            %swap3A_460 = arith.index_cast %while3A_428 : i32 to index
            %swap3A_461 = arith.constant 0 : index
            %swap3A_462 = tpu.vector_load %arg18[%swap3A_460, %swap3A_461] {strides = array<i32>} : memref<321x80xf32, #tpu.memory_space<vmem>>, vector<16xf32>,
            tpu.vector_store %arg18[%swap3A_460, %swap3A_461], %add3A_459 {strides = array<i32>} : memref<321x80xf32, #tpu.memory_space<vmem>>, vector<16xf32>,
            %get3A_463 = arith.index_cast %while3A_428 : i32 to index
            %get3A_464 = arith.constant 16 : index
            %get3A_465 = tpu.vector_load %arg18[%get3A_463, %get3A_464] {strides = array<i32>} : memref<321x80xf32, #tpu.memory_space<vmem>>, vector<16xf32>,
            %add3A_466 = arith.addf %get3A_465, %while3A_455#1 : vector<16xf32>
            %swap3A_467 = arith.index_cast %while3A_428 : i32 to index
            %swap3A_468 = arith.constant 16 : index
            %swap3A_469 = tpu.vector_load %arg18[%swap3A_467, %swap3A_468] {strides = array<i32>} : memref<321x80xf32, #tpu.memory_space<vmem>>, vector<16xf32>,
            tpu.vector_store %arg18[%swap3A_467, %swap3A_468], %add3A_466 {strides = array<i32>} : memref<321x80xf32, #tpu.memory_space<vmem>>, vector<16xf32>,
            %get3A_470 = arith.index_cast %while3A_428 : i32 to index
            %get3A_471 = arith.constant 32 : index
            %get3A_472 = tpu.vector_load %arg18[%get3A_470, %get3A_471] {strides = array<i32>} : memref<321x80xf32, #tpu.memory_space<vmem>>, vector<16xf32>,
            %add3A_473 = arith.addf %get3A_472, %while3A_455#2 : vector<16xf32>
            %swap3A_474 = arith.index_cast %while3A_428 : i32 to index
            %swap3A_475 = arith.constant 32 : index
            %swap3A_476 = tpu.vector_load %arg18[%swap3A_474, %swap3A_475] {strides = array<i32>} : memref<321x80xf32, #tpu.memory_space<vmem>>, vector<16xf32>,
            tpu.vector_store %arg18[%swap3A_474, %swap3A_475], %add3A_473 {strides = array<i32>} : memref<321x80xf32, #tpu.memory_space<vmem>>, vector<16xf32>,
            %get3A_477 = arith.index_cast %while3A_428 : i32 to index
            %get3A_478 = arith.constant 48 : index
            %get3A_479 = tpu.vector_load %arg18[%get3A_477, %get3A_478] {strides = array<i32>} : memref<321x80xf32, #tpu.memory_space<vmem>>, vector<16xf32>,
            %add3A_480 = arith.addf %get3A_479, %while3A_455#3 : vector<16xf32>
            %swap3A_481 = arith.index_cast %while3A_428 : i32 to index
            %swap3A_482 = arith.constant 48 : index
            %swap3A_483 = tpu.vector_load %arg18[%swap3A_481, %swap3A_482] {strides = array<i32>} : memref<321x80xf32, #tpu.memory_space<vmem>>, vector<16xf32>,
            tpu.vector_store %arg18[%swap3A_481, %swap3A_482], %add3A_480 {strides = array<i32>} : memref<321x80xf32, #tpu.memory_space<vmem>>, vector<16xf32>,
            %get3A_484 = arith.index_cast %while3A_428 : i32 to index
            %get3A_485 = arith.constant 0 : index
            %get3A_486 = tpu.vector_load %arg19[%get3A_484, %get3A_485] {strides = array<i32>} : memref<321x64xf32, #tpu.memory_space<vmem>>, vector<16xf32>,
            %max3A_487 = arith.maximumf %get3A_486, %while3A_455#4 : vector<16xf32>
            %swap3A_488 = arith.index_cast %while3A_428 : i32 to index
            %swap3A_489 = arith.constant 0 : index
            %swap3A_490 = tpu.vector_load %arg19[%swap3A_488, %swap3A_489] {strides = array<i32>} : memref<321x64xf32, #tpu.memory_space<vmem>>, vector<16xf32>,
            tpu.vector_store %arg19[%swap3A_488, %swap3A_489], %max3A_487 {strides = array<i32>} : memref<321x64xf32, #tpu.memory_space<vmem>>, vector<16xf32>,
            %get3A_491 = arith.index_cast %while3A_428 : i32 to index
            %get3A_492 = arith.constant 16 : index
            %get3A_493 = tpu.vector_load %arg19[%get3A_491, %get3A_492] {strides = array<i32>} : memref<321x64xf32, #tpu.memory_space<vmem>>, vector<16xf32>,
            %max3A_494 = arith.maximumf %get3A_493, %while3A_455#5 : vector<16xf32>
            %swap3A_495 = arith.index_cast %while3A_428 : i32 to index
            %swap3A_496 = arith.constant 16 : index
            %swap3A_497 = tpu.vector_load %arg19[%swap3A_495, %swap3A_496] {strides = array<i32>} : memref<321x64xf32, #tpu.memory_space<vmem>>, vector<16xf32>,
            tpu.vector_store %arg19[%swap3A_495, %swap3A_496], %max3A_494 {strides = array<i32>} : memref<321x64xf32, #tpu.memory_space<vmem>>, vector<16xf32>,
            %get3A_498 = arith.index_cast %while3A_428 : i32 to index
            %get3A_499 = arith.constant 32 : index
            %get3A_500 = tpu.vector_load %arg19[%get3A_498, %get3A_499] {strides = array<i32>} : memref<321x64xf32, #tpu.memory_space<vmem>>, vector<16xf32>,
            %max3A_501 = arith.maximumf %get3A_500, %while3A_455#6 : vector<16xf32>
            %swap3A_502 = arith.index_cast %while3A_428 : i32 to index
            %swap3A_503 = arith.constant 32 : index
            %swap3A_504 = tpu.vector_load %arg19[%swap3A_502, %swap3A_503] {strides = array<i32>} : memref<321x64xf32, #tpu.memory_space<vmem>>, vector<16xf32>,
            tpu.vector_store %arg19[%swap3A_502, %swap3A_503], %max3A_501 {strides = array<i32>} : memref<321x64xf32, #tpu.memory_space<vmem>>, vector<16xf32>,
            %get3A_505 = arith.index_cast %while3A_428 : i32 to index
            %get3A_506 = arith.constant 48 : index
            %get3A_507 = tpu.vector_load %arg19[%get3A_505, %get3A_506] {strides = array<i32>} : memref<321x64xf32, #tpu.memory_space<vmem>>, vector<16xf32>,
            %max3A_508 = arith.maximumf %get3A_507, %while3A_455#7 : vector<16xf32>
            %swap3A_509 = arith.index_cast %while3A_428 : i32 to index
            %swap3A_510 = arith.constant 48 : index
            %swap3A_511 = tpu.vector_load %arg19[%swap3A_509, %swap3A_510] {strides = array<i32>} : memref<321x64xf32, #tpu.memory_space<vmem>>, vector<16xf32>,
            tpu.vector_store %arg19[%swap3A_509, %swap3A_510], %max3A_508 {strides = array<i32>} : memref<321x64xf32, #tpu.memory_space<vmem>>, vector<16xf32>,
            %sub3A_512 = arith.subi %squeeze3A_445, %squeeze3A_439 : i32
            %convert_element_type3A_513 = arith.sitofp %sub3A_512 : i32 to f32
            %get3A_514 = arith.index_cast %while3A_428 : i32 to index
            %get3A_515 = arith.constant 64 : index
            %get3A_516 = tpu.vector_load %arg18[%get3A_514, %get3A_515] {strides = array<i32>} : memref<321x80xf32, #tpu.memory_space<vmem>>, vector<16xf32>,
            %add3A_517 = vector.broadcast %convert_element_type3A_513 : f32 to vector<16xf32>
            %add3A_518 = arith.addf %get3A_516, %add3A_517 : vector<16xf32>
            %swap3A_519 = arith.index_cast %while3A_428 : i32 to index
            %swap3A_520 = arith.constant 64 : index
            %swap3A_521 = tpu.vector_load %arg18[%swap3A_519, %swap3A_520] {strides = array<i32>} : memref<321x80xf32, #tpu.memory_space<vmem>>, vector<16xf32>,
            tpu.vector_store %arg18[%swap3A_519, %swap3A_520], %add3A_518 {strides = array<i32>} : memref<321x80xf32, #tpu.memory_space<vmem>>, vector<16xf32>,
            %add3A_522 = arith.constant 1 : i32
            %add3A_523 = arith.addi %while3A_428, %add3A_522 : i32
            scf.yield %add3A_523, %broadcast_in_dim3A_336, %broadcast_in_dim3A_336, %broadcast_in_dim3A_336, %broadcast_in_dim3A_336, %broadcast_in_dim3A_338, %broadcast_in_dim3A_338, %broadcast_in_dim3A_338, %broadcast_in_dim3A_338 : i32, vector<16xf32>, vector<16xf32>, vector<16xf32>, vector<16xf32>, vector<16xf32>, vector<16xf32>, vector<16xf32>, vector<16xf32>
          }
          %lt3A_422 = arith.constant 320 : i32
          %lt3A_423 = arith.cmpi slt, %while3A_421#0, %lt3A_422 : i32
          %convert_element_type3A_424 = arith.extui %lt3A_423 : i1 to i32
          %cond3A_425 = arith.constant 0 : i32
          %cond3A_426 = arith.cmpi ne, %convert_element_type3A_424, %cond3A_425 : i32
          %cond3A_427:8 = scf.if %cond3A_426 -> (vector<16xf32>, vector<16xf32>, vector<16xf32>, vector<16xf32>, vector<16xf32>, vector<16xf32>, vector<16xf32>, vector<16xf32>) {
            %get3A = arith.index_cast %while3A_421#0 : i32 to index
            %get3A_428 = tpu.vector_load %arg15[%get3A] {strides = array<i32>} : memref<352xi32, #tpu.memory_space<vmem>>, vector<16xi32>,
            %slice3A_429 = vector.extract_strided_slice %get3A_428 {offsets = [0], sizes = [1], strides = [1]} : vector<16xi32> to vector<1xi32>
            %squeeze3A_430 = vector.extract %slice3A_429[0] : i32 from vector<1xi32>
            %max3A = arith.maxsi %squeeze3A_430, %mul3A_417 : i32
            %while3A_431 = arith.subi %add3A_420, %max3A : i32
            %while3A_432 = arith.addi %max3A, %while3A_431 : i32
            %while3A_433 = arith.constant 1 : i32
            %while3A_434 = arith.divsi %while3A_431, %while3A_433 : i32
            %while3A_435 = arith.muli %while3A_434, %while3A_433 : i32
            %while3A_436 = arith.addi %max3A, %while3A_435 : i32
            %while3A_437 = arith.constant 1 : i32
            %while3A_438:8 = scf.for %while3A_441 = %max3A to %while3A_436 step %while3A_437 iter_args(%while3A_442 = %while3A_421#1, %while3A_443 = %while3A_421#2, %while3A_444 = %while3A_421#3, %while3A_445 = %while3A_421#4, %while3A_446 = %while3A_421#5, %while3A_447 = %while3A_421#6, %while3A_448 = %while3A_421#7, %while3A_449 = %while3A_421#8) -> (vector<16xf32>, vector<16xf32>, vector<16xf32>, vector<16xf32>, vector<16xf32>, vector<16xf32>, vector<16xf32>, vector<16xf32>)  : i32 {
              %add3A_450 = arith.addi %mul3A_379, %while3A_441 : i32
              %sub3A_451 = arith.subi %add3A_450, %mul3A_417 : i32
              %get3A_452 = arith.index_cast %sub3A_451 : i32 to index
              %get3A_453 = arith.constant 0 : index
              %get3A_454 = tpu.vector_load %arg17[%get3A_452, %get3A_453] {strides = array<i32>} : memref<512x64xf32, #tpu.memory_space<vmem>>, vector<16xf32>,
              %get3A_455 = arith.index_cast %sub3A_451 : i32 to index
              %get3A_456 = arith.constant 16 : index
              %get3A_457 = tpu.vector_load %arg17[%get3A_455, %get3A_456] {strides = array<i32>} : memref<512x64xf32, #tpu.memory_space<vmem>>, vector<16xf32>,
              %get3A_458 = arith.index_cast %sub3A_451 : i32 to index
              %get3A_459 = arith.constant 32 : index
              %get3A_460 = tpu.vector_load %arg17[%get3A_458, %get3A_459] {strides = array<i32>} : memref<512x64xf32, #tpu.memory_space<vmem>>, vector<16xf32>,
              %get3A_461 = arith.index_cast %sub3A_451 : i32 to index
              %get3A_462 = arith.constant 48 : index
              %get3A_463 = tpu.vector_load %arg17[%get3A_461, %get3A_462] {strides = array<i32>} : memref<512x64xf32, #tpu.memory_space<vmem>>, vector<16xf32>,
              %add3A_464 = arith.addf %while3A_442, %get3A_454 : vector<16xf32>
              %add3A_465 = arith.addf %while3A_443, %get3A_457 : vector<16xf32>
              %add3A_466 = arith.addf %while3A_444, %get3A_460 : vector<16xf32>
              %add3A_467 = arith.addf %while3A_445, %get3A_463 : vector<16xf32>
              %max3A_468 = arith.maximumf %while3A_446, %get3A_454 : vector<16xf32>
              %max3A_469 = arith.maximumf %while3A_447, %get3A_457 : vector<16xf32>
              %max3A_470 = arith.maximumf %while3A_448, %get3A_460 : vector<16xf32>
              %max3A_471 = arith.maximumf %while3A_449, %get3A_463 : vector<16xf32>
              scf.yield %add3A_464, %add3A_465, %add3A_466, %add3A_467, %max3A_468, %max3A_469, %max3A_470, %max3A_471 : vector<16xf32>, vector<16xf32>, vector<16xf32>, vector<16xf32>, vector<16xf32>, vector<16xf32>, vector<16xf32>, vector<16xf32>
            }
            %while3A_439 = arith.constant 1 : i32
            %while3A_440:8 = scf.for %while3A_441 = %while3A_436 to %while3A_432 step %while3A_439 iter_args(%while3A_442 = %while3A_438#0, %while3A_443 = %while3A_438#1, %while3A_444 = %while3A_438#2, %while3A_445 = %while3A_438#3, %while3A_446 = %while3A_438#4, %while3A_447 = %while3A_438#5, %while3A_448 = %while3A_438#6, %while3A_449 = %while3A_438#7) -> (vector<16xf32>, vector<16xf32>, vector<16xf32>, vector<16xf32>, vector<16xf32>, vector<16xf32>, vector<16xf32>, vector<16xf32>)  : i32 {
              %add3A_450 = arith.addi %mul3A_379, %while3A_441 : i32
              %sub3A_451 = arith.subi %add3A_450, %mul3A_417 : i32
              %get3A_452 = arith.index_cast %sub3A_451 : i32 to index
              %get3A_453 = arith.constant 0 : index
              %get3A_454 = tpu.vector_load %arg17[%get3A_452, %get3A_453] {strides = array<i32>} : memref<512x64xf32, #tpu.memory_space<vmem>>, vector<16xf32>,
              %get3A_455 = arith.index_cast %sub3A_451 : i32 to index
              %get3A_456 = arith.constant 16 : index
              %get3A_457 = tpu.vector_load %arg17[%get3A_455, %get3A_456] {strides = array<i32>} : memref<512x64xf32, #tpu.memory_space<vmem>>, vector<16xf32>,
              %get3A_458 = arith.index_cast %sub3A_451 : i32 to index
              %get3A_459 = arith.constant 32 : index
              %get3A_460 = tpu.vector_load %arg17[%get3A_458, %get3A_459] {strides = array<i32>} : memref<512x64xf32, #tpu.memory_space<vmem>>, vector<16xf32>,
              %get3A_461 = arith.index_cast %sub3A_451 : i32 to index
              %get3A_462 = arith.constant 48 : index
              %get3A_463 = tpu.vector_load %arg17[%get3A_461, %get3A_462] {strides = array<i32>} : memref<512x64xf32, #tpu.memory_space<vmem>>, vector<16xf32>,
              %add3A_464 = arith.addf %while3A_442, %get3A_454 : vector<16xf32>
              %add3A_465 = arith.addf %while3A_443, %get3A_457 : vector<16xf32>
              %add3A_466 = arith.addf %while3A_444, %get3A_460 : vector<16xf32>
              %add3A_467 = arith.addf %while3A_445, %get3A_463 : vector<16xf32>
              %max3A_468 = arith.maximumf %while3A_446, %get3A_454 : vector<16xf32>
              %max3A_469 = arith.maximumf %while3A_447, %get3A_457 : vector<16xf32>
              %max3A_470 = arith.maximumf %while3A_448, %get3A_460 : vector<16xf32>
              %max3A_471 = arith.maximumf %while3A_449, %get3A_463 : vector<16xf32>
              scf.yield %add3A_464, %add3A_465, %add3A_466, %add3A_467, %max3A_468, %max3A_469, %max3A_470, %max3A_471 : vector<16xf32>, vector<16xf32>, vector<16xf32>, vector<16xf32>, vector<16xf32>, vector<16xf32>, vector<16xf32>, vector<16xf32>
            }
            scf.yield %while3A_440#0, %while3A_440#1, %while3A_440#2, %while3A_440#3, %while3A_440#4, %while3A_440#5, %while3A_440#6, %while3A_440#7 : vector<16xf32>, vector<16xf32>, vector<16xf32>, vector<16xf32>, vector<16xf32>, vector<16xf32>, vector<16xf32>, vector<16xf32>
          } else {
            scf.yield %while3A_421#1, %while3A_421#2, %while3A_421#3, %while3A_421#4, %while3A_421#5, %while3A_421#6, %while3A_421#7, %while3A_421#8 : vector<16xf32>, vector<16xf32>, vector<16xf32>, vector<16xf32>, vector<16xf32>, vector<16xf32>, vector<16xf32>, vector<16xf32>
          }
          scf.yield %while3A_421#0, %cond3A_427#0, %cond3A_427#1, %cond3A_427#2, %cond3A_427#3, %cond3A_427#4, %cond3A_427#5, %cond3A_427#6, %cond3A_427#7 : i32, vector<16xf32>, vector<16xf32>, vector<16xf32>, vector<16xf32>, vector<16xf32>, vector<16xf32>, vector<16xf32>, vector<16xf32>
        }
        %while3A_349 = arith.constant 1 : i32
        %while3A_350:9 = scf.for %while3A_353 = %while3A_346 to %while3A_342 step %while3A_349 iter_args(%while3A_354 = %while3A_348#0, %while3A_355 = %while3A_348#1, %while3A_356 = %while3A_348#2, %while3A_357 = %while3A_348#3, %while3A_358 = %while3A_348#4, %while3A_359 = %while3A_348#5, %while3A_360 = %while3A_348#6, %while3A_361 = %while3A_348#7, %while3A_362 = %while3A_348#8) -> (i32, vector<16xf32>, vector<16xf32>, vector<16xf32>, vector<16xf32>, vector<16xf32>, vector<16xf32>, vector<16xf32>, vector<16xf32>)  : i32 {
          %jit3A_363 = arith.constant 4 : i32
          %eq3A = arith.constant 0 : i32
          %eq3A_364 = arith.cmpi eq, %jit3A_363, %eq3A : i32
          %jit3A_365 = arith.constant 1 : i32
          %select_n3A_366 = arith.select %eq3A_364, %jit3A_365, %jit3A_363 : i32
          %rem3A_367 = arith.remsi %while3A_353, %select_n3A_366 : i32
          %ne3A_368 = arith.constant 0 : i32
          %ne3A_369 = arith.cmpi ne, %rem3A_367, %ne3A_368 : i32
          %lt3A_370 = arith.constant 0 : i32
          %lt3A_371 = arith.cmpi slt, %rem3A_367, %lt3A_370 : i32
          %lt3A_372 = arith.constant 0 : i32
          %lt3A_373 = arith.cmpi slt, %select_n3A_366, %lt3A_372 : i32
          %ne3A_374 = arith.xori %lt3A_371, %lt3A_373 : i1
          %and3A_375 = arith.andi %ne3A_374, %ne3A_369 : i1
          %add3A_376 = arith.addi %rem3A_367, %select_n3A_366 : i32
          %select_n3A_377 = arith.select %and3A_375, %add3A_376, %rem3A_367 : i32
          %mul3A_378 = arith.constant 128 : i32
          %mul3A_379 = arith.muli %select_n3A_377, %mul3A_378 : i32
          %add3A_380 = arith.constant 3 : i32
          %add3A_381 = arith.addi %while3A_353, %add3A_380 : i32
          %jit3A_382 = arith.constant 4 : i32
          %eq3A_383 = arith.constant 0 : i32
          %eq3A_384 = arith.cmpi eq, %jit3A_382, %eq3A_383 : i32
          %jit3A_385 = arith.constant 1 : i32
          %select_n3A_386 = arith.select %eq3A_384, %jit3A_385, %jit3A_382 : i32
          %rem3A_387 = arith.remsi %add3A_381, %select_n3A_386 : i32
          %ne3A_388 = arith.constant 0 : i32
          %ne3A_389 = arith.cmpi ne, %rem3A_387, %ne3A_388 : i32
          %lt3A_390 = arith.constant 0 : i32
          %lt3A_391 = arith.cmpi slt, %rem3A_387, %lt3A_390 : i32
          %lt3A_392 = arith.constant 0 : i32
          %lt3A_393 = arith.cmpi slt, %select_n3A_386, %lt3A_392 : i32
          %ne3A_394 = arith.xori %lt3A_391, %lt3A_393 : i1
          %and3A_395 = arith.andi %ne3A_394, %ne3A_389 : i1
          %add3A_396 = arith.addi %rem3A_387, %select_n3A_386 : i32
          %select_n3A_397 = arith.select %and3A_395, %add3A_396, %rem3A_387 : i32
          %mul3A_398 = arith.constant 128 : i32
          %mul3A_399 = arith.muli %select_n3A_397, %mul3A_398 : i32
          %add3A_400 = arith.constant 3 : i32
          %add3A_401 = arith.addi %while3A_353, %add3A_400 : i32
          %lt3A_402 = arith.cmpi slt, %add3A_401, %select_n3A_319 : i32
          %convert_element_type3A_403 = arith.extui %lt3A_402 : i1 to i32
          %cond3A_404 = arith.constant 0 : i32
          %cond3A_405 = arith.cmpi ne, %convert_element_type3A_403, %cond3A_404 : i32
          scf.if %cond3A_405 {
            %add3A_428 = arith.constant 3 : i32
            %add3A_429 = arith.addi %while3A_353, %add3A_428 : i32
            %mul3A_430 = arith.constant 128 : i32
            %mul3A_431 = arith.muli %add3A_429, %mul3A_430 : i32
            %dma_start3A_432 = arith.constant 0 : i32
            %dma_start3A_433 = tpu.memref_slice %arg17[%mul3A_399, %dma_start3A_432] : memref<512x64xf32, #tpu.memory_space<vmem>> -> memref<128x64xf32, #tpu.memory_space<vmem>>
            %dma_start3A_434 = tpu.memref_slice %arg13[%mul3A_431] : memref<6192xi32, #tpu.memory_space<vmem>> -> memref<128xi32, #tpu.memory_space<vmem>>
            %dma_start3A_435 = arith.constant 0 : i32
            %dma_start3A_436 = arith.constant 0 : i32
            %dma_start3A_437 = tpu.memref_slice %arg4[%dma_start3A_435, %dma_start3A_436] : memref<10240x64xf32, #tpu.memory_space<hbm>> -> memref<10240x64xf32, #tpu.memory_space<hbm>>
            tpu.enqueue_indirect_dma source(%dma_start3A_437 : memref<10240x64xf32, #tpu.memory_space<hbm>>) target(%dma_start3A_433 : memref<128x64xf32, #tpu.memory_space<vmem>>) offsets(%dma_start3A_434 : memref<128xi32, #tpu.memory_space<vmem>>) semaphore(%arg20 : memref<!tpu.dma_semaphore, #tpu.memory_space<semaphore_mem>>)
          } else {
          }
          %dma_wait3A_406 = arith.constant 0 : i32
          %dma_wait3A_407 = tpu.memref_slice %arg17[%mul3A_379, %dma_wait3A_406] : memref<512x64xf32, #tpu.memory_space<vmem>> -> memref<128x64xf32, #tpu.memory_space<vmem>>
          %dma_wait3A_408 = arith.constant 0 : i32
          %dma_wait3A_409 = arith.constant 0 : i32
          %dma_wait3A_410 = tpu.memref_slice %arg4[%dma_wait3A_408, %dma_wait3A_409] : memref<10240x64xf32, #tpu.memory_space<hbm>> -> memref<128x64xf32, #tpu.memory_space<hbm>>
          %dma_wait3A_411 = arith.constant 0 : i32
          %dma_wait3A_412 = tpu.memref_slice %arg17[%mul3A_379, %dma_wait3A_411] : memref<512x64xf32, #tpu.memory_space<vmem>> -> memref<128x64xf32, #tpu.memory_space<vmem>>
          %dma_wait3A_413 = arith.constant 0 : i32
          %dma_wait3A_414 = arith.constant 0 : i32
          %dma_wait3A_415 = tpu.memref_slice %arg4[%dma_wait3A_413, %dma_wait3A_414] : memref<10240x64xf32, #tpu.memory_space<hbm>> -> memref<128x64xf32, #tpu.memory_space<hbm>>
          tpu.wait_dma2 semaphore(%arg20 : memref<!tpu.dma_semaphore, #tpu.memory_space<semaphore_mem>>) src(%dma_wait3A_415 : memref<128x64xf32, #tpu.memory_space<hbm>>) dst(%dma_wait3A_412 : memref<128x64xf32, #tpu.memory_space<vmem>>)
          %mul3A_416 = arith.constant 128 : i32
          %mul3A_417 = arith.muli %while3A_353, %mul3A_416 : i32
          %sub3A_418 = arith.subi %squeeze3A_227, %mul3A_417 : i32
          %min3A = arith.constant 128 : i32
          %min3A_419 = arith.minsi %min3A, %sub3A_418 : i32
          %add3A_420 = arith.addi %mul3A_417, %min3A_419 : i32
          %while3A_421:9 = scf.while (%while3A_428 = %while3A_354, %while3A_429 = %while3A_355, %while3A_430 = %while3A_356, %while3A_431 = %while3A_357, %while3A_432 = %while3A_358, %while3A_433 = %while3A_359, %while3A_434 = %while3A_360, %while3A_435 = %while3A_361, %while3A_436 = %while3A_362) : (i32, vector<16xf32>, vector<16xf32>, vector<16xf32>, vector<16xf32>, vector<16xf32>, vector<16xf32>, vector<16xf32>, vector<16xf32>) -> (i32, vector<16xf32>, vector<16xf32>, vector<16xf32>, vector<16xf32>, vector<16xf32>, vector<16xf32>, vector<16xf32>, vector<16xf32>) {
            %lt3A_437 = arith.constant 320 : i32
            %lt3A_438 = arith.cmpi slt, %while3A_428, %lt3A_437 : i32
            %add3A_439 = arith.constant 1 : i32
            %add3A_440 = arith.addi %while3A_428, %add3A_439 : i32
            %get3A = arith.index_cast %add3A_440 : i32 to index
            %get3A_441 = tpu.vector_load %arg15[%get3A] {strides = array<i32>} : memref<352xi32, #tpu.memory_space<vmem>>, vector<16xi32>,
            %slice3A_442 = vector.extract_strided_slice %get3A_441 {offsets = [0], sizes = [1], strides = [1]} : vector<16xi32> to vector<1xi32>
            %squeeze3A_443 = vector.extract %slice3A_442[0] : i32 from vector<1xi32>
            %le3A = arith.cmpi sle, %squeeze3A_443, %add3A_420 : i32
            %and3A_444 = arith.andi %lt3A_438, %le3A : i1
            scf.condition(%and3A_444) %while3A_428, %while3A_429, %while3A_430, %while3A_431, %while3A_432, %while3A_433, %while3A_434, %while3A_435, %while3A_436 : i32, vector<16xf32>, vector<16xf32>, vector<16xf32>, vector<16xf32>, vector<16xf32>, vector<16xf32>, vector<16xf32>, vector<16xf32>
          } do {
          ^bb0(%while3A_428: i32, %while3A_429: vector<16xf32>, %while3A_430: vector<16xf32>, %while3A_431: vector<16xf32>, %while3A_432: vector<16xf32>, %while3A_433: vector<16xf32>, %while3A_434: vector<16xf32>, %while3A_435: vector<16xf32>, %while3A_436: vector<16xf32>):
            %get3A = arith.index_cast %while3A_428 : i32 to index
            %get3A_437 = tpu.vector_load %arg15[%get3A] {strides = array<i32>} : memref<352xi32, #tpu.memory_space<vmem>>, vector<16xi32>,
            %slice3A_438 = vector.extract_strided_slice %get3A_437 {offsets = [0], sizes = [1], strides = [1]} : vector<16xi32> to vector<1xi32>
            %squeeze3A_439 = vector.extract %slice3A_438[0] : i32 from vector<1xi32>
            %add3A_440 = arith.constant 1 : i32
            %add3A_441 = arith.addi %while3A_428, %add3A_440 : i32
            %get3A_442 = arith.index_cast %add3A_441 : i32 to index
            %get3A_443 = tpu.vector_load %arg15[%get3A_442] {strides = array<i32>} : memref<352xi32, #tpu.memory_space<vmem>>, vector<16xi32>,
            %slice3A_444 = vector.extract_strided_slice %get3A_443 {offsets = [0], sizes = [1], strides = [1]} : vector<16xi32> to vector<1xi32>
            %squeeze3A_445 = vector.extract %slice3A_444[0] : i32 from vector<1xi32>
            %max3A = arith.maxsi %squeeze3A_439, %mul3A_417 : i32
            %while3A_446 = arith.subi %squeeze3A_445, %max3A : i32
            %while3A_447 = arith.addi %max3A, %while3A_446 : i32
            %while3A_448 = arith.constant 1 : i32
            %while3A_449 = arith.divsi %while3A_446, %while3A_448 : i32
            %while3A_450 = arith.muli %while3A_449, %while3A_448 : i32
            %while3A_451 = arith.addi %max3A, %while3A_450 : i32
            %while3A_452 = arith.constant 1 : i32
            %while3A_453:8 = scf.for %while3A_524 = %max3A to %while3A_451 step %while3A_452 iter_args(%while3A_525 = %while3A_429, %while3A_526 = %while3A_430, %while3A_527 = %while3A_431, %while3A_528 = %while3A_432, %while3A_529 = %while3A_433, %while3A_530 = %while3A_434, %while3A_531 = %while3A_435, %while3A_532 = %while3A_436) -> (vector<16xf32>, vector<16xf32>, vector<16xf32>, vector<16xf32>, vector<16xf32>, vector<16xf32>, vector<16xf32>, vector<16xf32>)  : i32 {
              %add3A_533 = arith.addi %mul3A_379, %while3A_524 : i32
              %sub3A_534 = arith.subi %add3A_533, %mul3A_417 : i32
              %get3A_535 = arith.index_cast %sub3A_534 : i32 to index
              %get3A_536 = arith.constant 0 : index
              %get3A_537 = tpu.vector_load %arg17[%get3A_535, %get3A_536] {strides = array<i32>} : memref<512x64xf32, #tpu.memory_space<vmem>>, vector<16xf32>,
              %get3A_538 = arith.index_cast %sub3A_534 : i32 to index
              %get3A_539 = arith.constant 16 : index
              %get3A_540 = tpu.vector_load %arg17[%get3A_538, %get3A_539] {strides = array<i32>} : memref<512x64xf32, #tpu.memory_space<vmem>>, vector<16xf32>,
              %get3A_541 = arith.index_cast %sub3A_534 : i32 to index
              %get3A_542 = arith.constant 32 : index
              %get3A_543 = tpu.vector_load %arg17[%get3A_541, %get3A_542] {strides = array<i32>} : memref<512x64xf32, #tpu.memory_space<vmem>>, vector<16xf32>,
              %get3A_544 = arith.index_cast %sub3A_534 : i32 to index
              %get3A_545 = arith.constant 48 : index
              %get3A_546 = tpu.vector_load %arg17[%get3A_544, %get3A_545] {strides = array<i32>} : memref<512x64xf32, #tpu.memory_space<vmem>>, vector<16xf32>,
              %add3A_547 = arith.addf %while3A_525, %get3A_537 : vector<16xf32>
              %add3A_548 = arith.addf %while3A_526, %get3A_540 : vector<16xf32>
              %add3A_549 = arith.addf %while3A_527, %get3A_543 : vector<16xf32>
              %add3A_550 = arith.addf %while3A_528, %get3A_546 : vector<16xf32>
              %max3A_551 = arith.maximumf %while3A_529, %get3A_537 : vector<16xf32>
              %max3A_552 = arith.maximumf %while3A_530, %get3A_540 : vector<16xf32>
              %max3A_553 = arith.maximumf %while3A_531, %get3A_543 : vector<16xf32>
              %max3A_554 = arith.maximumf %while3A_532, %get3A_546 : vector<16xf32>
              scf.yield %add3A_547, %add3A_548, %add3A_549, %add3A_550, %max3A_551, %max3A_552, %max3A_553, %max3A_554 : vector<16xf32>, vector<16xf32>, vector<16xf32>, vector<16xf32>, vector<16xf32>, vector<16xf32>, vector<16xf32>, vector<16xf32>
            }
            %while3A_454 = arith.constant 1 : i32
            %while3A_455:8 = scf.for %while3A_524 = %while3A_451 to %while3A_447 step %while3A_454 iter_args(%while3A_525 = %while3A_453#0, %while3A_526 = %while3A_453#1, %while3A_527 = %while3A_453#2, %while3A_528 = %while3A_453#3, %while3A_529 = %while3A_453#4, %while3A_530 = %while3A_453#5, %while3A_531 = %while3A_453#6, %while3A_532 = %while3A_453#7) -> (vector<16xf32>, vector<16xf32>, vector<16xf32>, vector<16xf32>, vector<16xf32>, vector<16xf32>, vector<16xf32>, vector<16xf32>)  : i32 {
              %add3A_533 = arith.addi %mul3A_379, %while3A_524 : i32
              %sub3A_534 = arith.subi %add3A_533, %mul3A_417 : i32
              %get3A_535 = arith.index_cast %sub3A_534 : i32 to index
              %get3A_536 = arith.constant 0 : index
              %get3A_537 = tpu.vector_load %arg17[%get3A_535, %get3A_536] {strides = array<i32>} : memref<512x64xf32, #tpu.memory_space<vmem>>, vector<16xf32>,
              %get3A_538 = arith.index_cast %sub3A_534 : i32 to index
              %get3A_539 = arith.constant 16 : index
              %get3A_540 = tpu.vector_load %arg17[%get3A_538, %get3A_539] {strides = array<i32>} : memref<512x64xf32, #tpu.memory_space<vmem>>, vector<16xf32>,
              %get3A_541 = arith.index_cast %sub3A_534 : i32 to index
              %get3A_542 = arith.constant 32 : index
              %get3A_543 = tpu.vector_load %arg17[%get3A_541, %get3A_542] {strides = array<i32>} : memref<512x64xf32, #tpu.memory_space<vmem>>, vector<16xf32>,
              %get3A_544 = arith.index_cast %sub3A_534 : i32 to index
              %get3A_545 = arith.constant 48 : index
              %get3A_546 = tpu.vector_load %arg17[%get3A_544, %get3A_545] {strides = array<i32>} : memref<512x64xf32, #tpu.memory_space<vmem>>, vector<16xf32>,
              %add3A_547 = arith.addf %while3A_525, %get3A_537 : vector<16xf32>
              %add3A_548 = arith.addf %while3A_526, %get3A_540 : vector<16xf32>
              %add3A_549 = arith.addf %while3A_527, %get3A_543 : vector<16xf32>
              %add3A_550 = arith.addf %while3A_528, %get3A_546 : vector<16xf32>
              %max3A_551 = arith.maximumf %while3A_529, %get3A_537 : vector<16xf32>
              %max3A_552 = arith.maximumf %while3A_530, %get3A_540 : vector<16xf32>
              %max3A_553 = arith.maximumf %while3A_531, %get3A_543 : vector<16xf32>
              %max3A_554 = arith.maximumf %while3A_532, %get3A_546 : vector<16xf32>
              scf.yield %add3A_547, %add3A_548, %add3A_549, %add3A_550, %max3A_551, %max3A_552, %max3A_553, %max3A_554 : vector<16xf32>, vector<16xf32>, vector<16xf32>, vector<16xf32>, vector<16xf32>, vector<16xf32>, vector<16xf32>, vector<16xf32>
            }
            %get3A_456 = arith.index_cast %while3A_428 : i32 to index
            %get3A_457 = arith.constant 0 : index
            %get3A_458 = tpu.vector_load %arg18[%get3A_456, %get3A_457] {strides = array<i32>} : memref<321x80xf32, #tpu.memory_space<vmem>>, vector<16xf32>,
            %add3A_459 = arith.addf %get3A_458, %while3A_455#0 : vector<16xf32>
            %swap3A_460 = arith.index_cast %while3A_428 : i32 to index
            %swap3A_461 = arith.constant 0 : index
            %swap3A_462 = tpu.vector_load %arg18[%swap3A_460, %swap3A_461] {strides = array<i32>} : memref<321x80xf32, #tpu.memory_space<vmem>>, vector<16xf32>,
            tpu.vector_store %arg18[%swap3A_460, %swap3A_461], %add3A_459 {strides = array<i32>} : memref<321x80xf32, #tpu.memory_space<vmem>>, vector<16xf32>,
            %get3A_463 = arith.index_cast %while3A_428 : i32 to index
            %get3A_464 = arith.constant 16 : index
            %get3A_465 = tpu.vector_load %arg18[%get3A_463, %get3A_464] {strides = array<i32>} : memref<321x80xf32, #tpu.memory_space<vmem>>, vector<16xf32>,
            %add3A_466 = arith.addf %get3A_465, %while3A_455#1 : vector<16xf32>
            %swap3A_467 = arith.index_cast %while3A_428 : i32 to index
            %swap3A_468 = arith.constant 16 : index
            %swap3A_469 = tpu.vector_load %arg18[%swap3A_467, %swap3A_468] {strides = array<i32>} : memref<321x80xf32, #tpu.memory_space<vmem>>, vector<16xf32>,
            tpu.vector_store %arg18[%swap3A_467, %swap3A_468], %add3A_466 {strides = array<i32>} : memref<321x80xf32, #tpu.memory_space<vmem>>, vector<16xf32>,
            %get3A_470 = arith.index_cast %while3A_428 : i32 to index
            %get3A_471 = arith.constant 32 : index
            %get3A_472 = tpu.vector_load %arg18[%get3A_470, %get3A_471] {strides = array<i32>} : memref<321x80xf32, #tpu.memory_space<vmem>>, vector<16xf32>,
            %add3A_473 = arith.addf %get3A_472, %while3A_455#2 : vector<16xf32>
            %swap3A_474 = arith.index_cast %while3A_428 : i32 to index
            %swap3A_475 = arith.constant 32 : index
            %swap3A_476 = tpu.vector_load %arg18[%swap3A_474, %swap3A_475] {strides = array<i32>} : memref<321x80xf32, #tpu.memory_space<vmem>>, vector<16xf32>,
            tpu.vector_store %arg18[%swap3A_474, %swap3A_475], %add3A_473 {strides = array<i32>} : memref<321x80xf32, #tpu.memory_space<vmem>>, vector<16xf32>,
            %get3A_477 = arith.index_cast %while3A_428 : i32 to index
            %get3A_478 = arith.constant 48 : index
            %get3A_479 = tpu.vector_load %arg18[%get3A_477, %get3A_478] {strides = array<i32>} : memref<321x80xf32, #tpu.memory_space<vmem>>, vector<16xf32>,
            %add3A_480 = arith.addf %get3A_479, %while3A_455#3 : vector<16xf32>
            %swap3A_481 = arith.index_cast %while3A_428 : i32 to index
            %swap3A_482 = arith.constant 48 : index
            %swap3A_483 = tpu.vector_load %arg18[%swap3A_481, %swap3A_482] {strides = array<i32>} : memref<321x80xf32, #tpu.memory_space<vmem>>, vector<16xf32>,
            tpu.vector_store %arg18[%swap3A_481, %swap3A_482], %add3A_480 {strides = array<i32>} : memref<321x80xf32, #tpu.memory_space<vmem>>, vector<16xf32>,
            %get3A_484 = arith.index_cast %while3A_428 : i32 to index
            %get3A_485 = arith.constant 0 : index
            %get3A_486 = tpu.vector_load %arg19[%get3A_484, %get3A_485] {strides = array<i32>} : memref<321x64xf32, #tpu.memory_space<vmem>>, vector<16xf32>,
            %max3A_487 = arith.maximumf %get3A_486, %while3A_455#4 : vector<16xf32>
            %swap3A_488 = arith.index_cast %while3A_428 : i32 to index
            %swap3A_489 = arith.constant 0 : index
            %swap3A_490 = tpu.vector_load %arg19[%swap3A_488, %swap3A_489] {strides = array<i32>} : memref<321x64xf32, #tpu.memory_space<vmem>>, vector<16xf32>,
            tpu.vector_store %arg19[%swap3A_488, %swap3A_489], %max3A_487 {strides = array<i32>} : memref<321x64xf32, #tpu.memory_space<vmem>>, vector<16xf32>,
            %get3A_491 = arith.index_cast %while3A_428 : i32 to index
            %get3A_492 = arith.constant 16 : index
            %get3A_493 = tpu.vector_load %arg19[%get3A_491, %get3A_492] {strides = array<i32>} : memref<321x64xf32, #tpu.memory_space<vmem>>, vector<16xf32>,
            %max3A_494 = arith.maximumf %get3A_493, %while3A_455#5 : vector<16xf32>
            %swap3A_495 = arith.index_cast %while3A_428 : i32 to index
            %swap3A_496 = arith.constant 16 : index
            %swap3A_497 = tpu.vector_load %arg19[%swap3A_495, %swap3A_496] {strides = array<i32>} : memref<321x64xf32, #tpu.memory_space<vmem>>, vector<16xf32>,
            tpu.vector_store %arg19[%swap3A_495, %swap3A_496], %max3A_494 {strides = array<i32>} : memref<321x64xf32, #tpu.memory_space<vmem>>, vector<16xf32>,
            %get3A_498 = arith.index_cast %while3A_428 : i32 to index
            %get3A_499 = arith.constant 32 : index
            %get3A_500 = tpu.vector_load %arg19[%get3A_498, %get3A_499] {strides = array<i32>} : memref<321x64xf32, #tpu.memory_space<vmem>>, vector<16xf32>,
            %max3A_501 = arith.maximumf %get3A_500, %while3A_455#6 : vector<16xf32>
            %swap3A_502 = arith.index_cast %while3A_428 : i32 to index
            %swap3A_503 = arith.constant 32 : index
            %swap3A_504 = tpu.vector_load %arg19[%swap3A_502, %swap3A_503] {strides = array<i32>} : memref<321x64xf32, #tpu.memory_space<vmem>>, vector<16xf32>,
            tpu.vector_store %arg19[%swap3A_502, %swap3A_503], %max3A_501 {strides = array<i32>} : memref<321x64xf32, #tpu.memory_space<vmem>>, vector<16xf32>,
            %get3A_505 = arith.index_cast %while3A_428 : i32 to index
            %get3A_506 = arith.constant 48 : index
            %get3A_507 = tpu.vector_load %arg19[%get3A_505, %get3A_506] {strides = array<i32>} : memref<321x64xf32, #tpu.memory_space<vmem>>, vector<16xf32>,
            %max3A_508 = arith.maximumf %get3A_507, %while3A_455#7 : vector<16xf32>
            %swap3A_509 = arith.index_cast %while3A_428 : i32 to index
            %swap3A_510 = arith.constant 48 : index
            %swap3A_511 = tpu.vector_load %arg19[%swap3A_509, %swap3A_510] {strides = array<i32>} : memref<321x64xf32, #tpu.memory_space<vmem>>, vector<16xf32>,
            tpu.vector_store %arg19[%swap3A_509, %swap3A_510], %max3A_508 {strides = array<i32>} : memref<321x64xf32, #tpu.memory_space<vmem>>, vector<16xf32>,
            %sub3A_512 = arith.subi %squeeze3A_445, %squeeze3A_439 : i32
            %convert_element_type3A_513 = arith.sitofp %sub3A_512 : i32 to f32
            %get3A_514 = arith.index_cast %while3A_428 : i32 to index
            %get3A_515 = arith.constant 64 : index
            %get3A_516 = tpu.vector_load %arg18[%get3A_514, %get3A_515] {strides = array<i32>} : memref<321x80xf32, #tpu.memory_space<vmem>>, vector<16xf32>,
            %add3A_517 = vector.broadcast %convert_element_type3A_513 : f32 to vector<16xf32>
            %add3A_518 = arith.addf %get3A_516, %add3A_517 : vector<16xf32>
            %swap3A_519 = arith.index_cast %while3A_428 : i32 to index
            %swap3A_520 = arith.constant 64 : index
            %swap3A_521 = tpu.vector_load %arg18[%swap3A_519, %swap3A_520] {strides = array<i32>} : memref<321x80xf32, #tpu.memory_space<vmem>>, vector<16xf32>,
            tpu.vector_store %arg18[%swap3A_519, %swap3A_520], %add3A_518 {strides = array<i32>} : memref<321x80xf32, #tpu.memory_space<vmem>>, vector<16xf32>,
            %add3A_522 = arith.constant 1 : i32
            %add3A_523 = arith.addi %while3A_428, %add3A_522 : i32
            scf.yield %add3A_523, %broadcast_in_dim3A_336, %broadcast_in_dim3A_336, %broadcast_in_dim3A_336, %broadcast_in_dim3A_336, %broadcast_in_dim3A_338, %broadcast_in_dim3A_338, %broadcast_in_dim3A_338, %broadcast_in_dim3A_338 : i32, vector<16xf32>, vector<16xf32>, vector<16xf32>, vector<16xf32>, vector<16xf32>, vector<16xf32>, vector<16xf32>, vector<16xf32>
          }
          %lt3A_422 = arith.constant 320 : i32
          %lt3A_423 = arith.cmpi slt, %while3A_421#0, %lt3A_422 : i32
          %convert_element_type3A_424 = arith.extui %lt3A_423 : i1 to i32
          %cond3A_425 = arith.constant 0 : i32
          %cond3A_426 = arith.cmpi ne, %convert_element_type3A_424, %cond3A_425 : i32
          %cond3A_427:8 = scf.if %cond3A_426 -> (vector<16xf32>, vector<16xf32>, vector<16xf32>, vector<16xf32>, vector<16xf32>, vector<16xf32>, vector<16xf32>, vector<16xf32>) {
            %get3A = arith.index_cast %while3A_421#0 : i32 to index
            %get3A_428 = tpu.vector_load %arg15[%get3A] {strides = array<i32>} : memref<352xi32, #tpu.memory_space<vmem>>, vector<16xi32>,
            %slice3A_429 = vector.extract_strided_slice %get3A_428 {offsets = [0], sizes = [1], strides = [1]} : vector<16xi32> to vector<1xi32>
            %squeeze3A_430 = vector.extract %slice3A_429[0] : i32 from vector<1xi32>
            %max3A = arith.maxsi %squeeze3A_430, %mul3A_417 : i32
            %while3A_431 = arith.subi %add3A_420, %max3A : i32
            %while3A_432 = arith.addi %max3A, %while3A_431 : i32
            %while3A_433 = arith.constant 1 : i32
            %while3A_434 = arith.divsi %while3A_431, %while3A_433 : i32
            %while3A_435 = arith.muli %while3A_434, %while3A_433 : i32
            %while3A_436 = arith.addi %max3A, %while3A_435 : i32
            %while3A_437 = arith.constant 1 : i32
            %while3A_438:8 = scf.for %while3A_441 = %max3A to %while3A_436 step %while3A_437 iter_args(%while3A_442 = %while3A_421#1, %while3A_443 = %while3A_421#2, %while3A_444 = %while3A_421#3, %while3A_445 = %while3A_421#4, %while3A_446 = %while3A_421#5, %while3A_447 = %while3A_421#6, %while3A_448 = %while3A_421#7, %while3A_449 = %while3A_421#8) -> (vector<16xf32>, vector<16xf32>, vector<16xf32>, vector<16xf32>, vector<16xf32>, vector<16xf32>, vector<16xf32>, vector<16xf32>)  : i32 {
              %add3A_450 = arith.addi %mul3A_379, %while3A_441 : i32
              %sub3A_451 = arith.subi %add3A_450, %mul3A_417 : i32
              %get3A_452 = arith.index_cast %sub3A_451 : i32 to index
              %get3A_453 = arith.constant 0 : index
              %get3A_454 = tpu.vector_load %arg17[%get3A_452, %get3A_453] {strides = array<i32>} : memref<512x64xf32, #tpu.memory_space<vmem>>, vector<16xf32>,
              %get3A_455 = arith.index_cast %sub3A_451 : i32 to index
              %get3A_456 = arith.constant 16 : index
              %get3A_457 = tpu.vector_load %arg17[%get3A_455, %get3A_456] {strides = array<i32>} : memref<512x64xf32, #tpu.memory_space<vmem>>, vector<16xf32>,
              %get3A_458 = arith.index_cast %sub3A_451 : i32 to index
              %get3A_459 = arith.constant 32 : index
              %get3A_460 = tpu.vector_load %arg17[%get3A_458, %get3A_459] {strides = array<i32>} : memref<512x64xf32, #tpu.memory_space<vmem>>, vector<16xf32>,
              %get3A_461 = arith.index_cast %sub3A_451 : i32 to index
              %get3A_462 = arith.constant 48 : index
              %get3A_463 = tpu.vector_load %arg17[%get3A_461, %get3A_462] {strides = array<i32>} : memref<512x64xf32, #tpu.memory_space<vmem>>, vector<16xf32>,
              %add3A_464 = arith.addf %while3A_442, %get3A_454 : vector<16xf32>
              %add3A_465 = arith.addf %while3A_443, %get3A_457 : vector<16xf32>
              %add3A_466 = arith.addf %while3A_444, %get3A_460 : vector<16xf32>
              %add3A_467 = arith.addf %while3A_445, %get3A_463 : vector<16xf32>
              %max3A_468 = arith.maximumf %while3A_446, %get3A_454 : vector<16xf32>
              %max3A_469 = arith.maximumf %while3A_447, %get3A_457 : vector<16xf32>
              %max3A_470 = arith.maximumf %while3A_448, %get3A_460 : vector<16xf32>
              %max3A_471 = arith.maximumf %while3A_449, %get3A_463 : vector<16xf32>
              scf.yield %add3A_464, %add3A_465, %add3A_466, %add3A_467, %max3A_468, %max3A_469, %max3A_470, %max3A_471 : vector<16xf32>, vector<16xf32>, vector<16xf32>, vector<16xf32>, vector<16xf32>, vector<16xf32>, vector<16xf32>, vector<16xf32>
            }
            %while3A_439 = arith.constant 1 : i32
            %while3A_440:8 = scf.for %while3A_441 = %while3A_436 to %while3A_432 step %while3A_439 iter_args(%while3A_442 = %while3A_438#0, %while3A_443 = %while3A_438#1, %while3A_444 = %while3A_438#2, %while3A_445 = %while3A_438#3, %while3A_446 = %while3A_438#4, %while3A_447 = %while3A_438#5, %while3A_448 = %while3A_438#6, %while3A_449 = %while3A_438#7) -> (vector<16xf32>, vector<16xf32>, vector<16xf32>, vector<16xf32>, vector<16xf32>, vector<16xf32>, vector<16xf32>, vector<16xf32>)  : i32 {
              %add3A_450 = arith.addi %mul3A_379, %while3A_441 : i32
              %sub3A_451 = arith.subi %add3A_450, %mul3A_417 : i32
              %get3A_452 = arith.index_cast %sub3A_451 : i32 to index
              %get3A_453 = arith.constant 0 : index
              %get3A_454 = tpu.vector_load %arg17[%get3A_452, %get3A_453] {strides = array<i32>} : memref<512x64xf32, #tpu.memory_space<vmem>>, vector<16xf32>,
              %get3A_455 = arith.index_cast %sub3A_451 : i32 to index
              %get3A_456 = arith.constant 16 : index
              %get3A_457 = tpu.vector_load %arg17[%get3A_455, %get3A_456] {strides = array<i32>} : memref<512x64xf32, #tpu.memory_space<vmem>>, vector<16xf32>,
              %get3A_458 = arith.index_cast %sub3A_451 : i32 to index
              %get3A_459 = arith.constant 32 : index
              %get3A_460 = tpu.vector_load %arg17[%get3A_458, %get3A_459] {strides = array<i32>} : memref<512x64xf32, #tpu.memory_space<vmem>>, vector<16xf32>,
              %get3A_461 = arith.index_cast %sub3A_451 : i32 to index
              %get3A_462 = arith.constant 48 : index
              %get3A_463 = tpu.vector_load %arg17[%get3A_461, %get3A_462] {strides = array<i32>} : memref<512x64xf32, #tpu.memory_space<vmem>>, vector<16xf32>,
              %add3A_464 = arith.addf %while3A_442, %get3A_454 : vector<16xf32>
              %add3A_465 = arith.addf %while3A_443, %get3A_457 : vector<16xf32>
              %add3A_466 = arith.addf %while3A_444, %get3A_460 : vector<16xf32>
              %add3A_467 = arith.addf %while3A_445, %get3A_463 : vector<16xf32>
              %max3A_468 = arith.maximumf %while3A_446, %get3A_454 : vector<16xf32>
              %max3A_469 = arith.maximumf %while3A_447, %get3A_457 : vector<16xf32>
              %max3A_470 = arith.maximumf %while3A_448, %get3A_460 : vector<16xf32>
              %max3A_471 = arith.maximumf %while3A_449, %get3A_463 : vector<16xf32>
              scf.yield %add3A_464, %add3A_465, %add3A_466, %add3A_467, %max3A_468, %max3A_469, %max3A_470, %max3A_471 : vector<16xf32>, vector<16xf32>, vector<16xf32>, vector<16xf32>, vector<16xf32>, vector<16xf32>, vector<16xf32>, vector<16xf32>
            }
            scf.yield %while3A_440#0, %while3A_440#1, %while3A_440#2, %while3A_440#3, %while3A_440#4, %while3A_440#5, %while3A_440#6, %while3A_440#7 : vector<16xf32>, vector<16xf32>, vector<16xf32>, vector<16xf32>, vector<16xf32>, vector<16xf32>, vector<16xf32>, vector<16xf32>
          } else {
            scf.yield %while3A_421#1, %while3A_421#2, %while3A_421#3, %while3A_421#4, %while3A_421#5, %while3A_421#6, %while3A_421#7, %while3A_421#8 : vector<16xf32>, vector<16xf32>, vector<16xf32>, vector<16xf32>, vector<16xf32>, vector<16xf32>, vector<16xf32>, vector<16xf32>
          }
          scf.yield %while3A_421#0, %cond3A_427#0, %cond3A_427#1, %cond3A_427#2, %cond3A_427#3, %cond3A_427#4, %cond3A_427#5, %cond3A_427#6, %cond3A_427#7 : i32, vector<16xf32>, vector<16xf32>, vector<16xf32>, vector<16xf32>, vector<16xf32>, vector<16xf32>, vector<16xf32>, vector<16xf32>
        }
        %broadcast_in_dim3A_351 = arith.constant 0 : i32
        %broadcast_in_dim3A_352 = vector.broadcast %broadcast_in_dim3A_351 : i32 to vector<16xi32>
        scf.yield %broadcast_in_dim3A_352 : vector<16xi32>
      } else {
        scf.yield %scan3A_184 : vector<16xi32>
      }
      %add3A_194 = arith.constant 2 : i32
      %add3A_195 = arith.addi %mul3A_160, %add3A_194 : i32
      %lt3A = arith.constant 200 : i32
      %lt3A_196 = arith.cmpi slt, %add3A_195, %lt3A : i32
      %convert_element_type3A_197 = arith.extui %lt3A_196 : i1 to i32
      %cond3A_198 = arith.constant 0 : i32
      %cond3A_199 = arith.cmpi ne, %convert_element_type3A_197, %cond3A_198 : i32
      scf.if %cond3A_199 {
        %add3A_226 = arith.constant 2 : i32
        %add3A_227 = arith.addi %mul3A_160, %add3A_226 : i32
        %mul3A_228 = arith.constant 1600 : i32
        %mul3A_229 = arith.muli %add3A_227, %mul3A_228 : i32
        %dma_start3A_230 = tpu.memref_slice %arg2[%mul3A_229] : memref<320000xi32, #tpu.memory_space<hbm>> -> memref<1600xi32, #tpu.memory_space<hbm>>
        %dma_start3A_231 = tpu.memref_slice %arg2[%mul3A_229] : memref<320000xi32, #tpu.memory_space<hbm>> -> memref<1600xi32, #tpu.memory_space<hbm>>
        tpu.enqueue_dma source(%dma_start3A_231 : memref<1600xi32, #tpu.memory_space<hbm>>) target(%arg7 : memref<1600xi32, #tpu.memory_space<vmem>>) target_semaphore(%arg21 : memref<!tpu.dma_semaphore, #tpu.memory_space<semaphore_mem>>)
        %add3A_232 = arith.constant 2 : i32
        %add3A_233 = arith.addi %mul3A_160, %add3A_232 : i32
        %mul3A_234 = arith.constant 1600 : i32
        %mul3A_235 = arith.muli %add3A_233, %mul3A_234 : i32
        %dma_start3A_236 = tpu.memref_slice %arg3[%mul3A_235] : memref<320000xi32, #tpu.memory_space<hbm>> -> memref<1600xi32, #tpu.memory_space<hbm>>
        %dma_start3A_237 = tpu.memref_slice %arg3[%mul3A_235] : memref<320000xi32, #tpu.memory_space<hbm>> -> memref<1600xi32, #tpu.memory_space<hbm>>
        tpu.enqueue_dma source(%dma_start3A_237 : memref<1600xi32, #tpu.memory_space<hbm>>) target(%arg8 : memref<1600xi32, #tpu.memory_space<vmem>>) target_semaphore(%arg21 : memref<!tpu.dma_semaphore, #tpu.memory_space<semaphore_mem>>)
      } else {
      }
      %add3A_200 = arith.constant 1 : i32
      %add3A_201 = arith.addi %mul3A_160, %add3A_200 : i32
      %mul3A_202 = arith.constant 1600 : i32
      %mul3A_203 = arith.muli %add3A_201, %mul3A_202 : i32
      %dma_wait3A_204 = tpu.memref_slice %arg2[%mul3A_203] : memref<320000xi32, #tpu.memory_space<hbm>> -> memref<1600xi32, #tpu.memory_space<hbm>>
      %dma_wait3A_205 = tpu.memref_slice %arg2[%mul3A_203] : memref<320000xi32, #tpu.memory_space<hbm>> -> memref<1600xi32, #tpu.memory_space<hbm>>
      tpu.wait_dma2 semaphore(%arg22 : memref<!tpu.dma_semaphore, #tpu.memory_space<semaphore_mem>>) src(%dma_wait3A_205 : memref<1600xi32, #tpu.memory_space<hbm>>) dst(%arg9 : memref<1600xi32, #tpu.memory_space<vmem>>)
      %add3A_206 = arith.constant 1 : i32
      %add3A_207 = arith.addi %mul3A_160, %add3A_206 : i32
      %mul3A_208 = arith.constant 1600 : i32
      %mul3A_209 = arith.muli %add3A_207, %mul3A_208 : i32
      %dma_wait3A_210 = tpu.memref_slice %arg3[%mul3A_209] : memref<320000xi32, #tpu.memory_space<hbm>> -> memref<1600xi32, #tpu.memory_space<hbm>>
      %dma_wait3A_211 = tpu.memref_slice %arg3[%mul3A_209] : memref<320000xi32, #tpu.memory_space<hbm>> -> memref<1600xi32, #tpu.memory_space<hbm>>
      tpu.wait_dma2 semaphore(%arg22 : memref<!tpu.dma_semaphore, #tpu.memory_space<semaphore_mem>>) src(%dma_wait3A_211 : memref<1600xi32, #tpu.memory_space<hbm>>) dst(%arg10 : memref<1600xi32, #tpu.memory_space<vmem>>)
      %scan3A_212 = arith.constant 0 : i32
      %scan3A_213 = arith.constant 25 : i32
      %scan3A_214 = arith.addi %scan3A_212, %scan3A_213 : i32
      %scan3A_215 = arith.constant 1 : i32
      %scan3A_216 = scf.for %scan3A_226 = %scan3A_212 to %scan3A_214 step %scan3A_215 iter_args(%scan3A_227 = %cond3A_193) -> (vector<16xi32>)  : i32 {
        %mul3A_228 = arith.constant 4 : i32
        %mul3A_229 = arith.muli %scan3A_226, %mul3A_228 : i32
        %add3A_230 = arith.constant 0 : i32
        %add3A_231 = arith.addi %mul3A_229, %add3A_230 : i32
        %mul3A_232 = arith.constant 16 : i32
        %mul3A_233 = arith.muli %add3A_231, %mul3A_232 : i32
        %get3A = arith.index_cast %mul3A_233 : i32 to index
        %get3A_234 = tpu.vector_load %arg9[%get3A] {strides = array<i32>} : memref<1600xi32, #tpu.memory_space<vmem>>, vector<16xi32>,
        %mul3A_235 = arith.constant 16 : i32
        %mul3A_236 = arith.muli %add3A_231, %mul3A_235 : i32
        %get3A_237 = arith.index_cast %mul3A_236 : i32 to index
        %get3A_238 = tpu.vector_load %arg10[%get3A_237] {strides = array<i32>} : memref<1600xi32, #tpu.memory_space<vmem>>, vector<16xi32>,
        %sub3A_239 = vector.broadcast %mul3A_2 : i32 to vector<16xi32>
        %sub3A_240 = arith.subi %get3A_234, %sub3A_239 : vector<16xi32>
        %ge3A = arith.constant 0 : i32
        %ge3A_241 = vector.broadcast %ge3A : i32 to vector<16xi32>
        %ge3A_242 = arith.cmpi sge, %sub3A_240, %ge3A_241 : vector<16xi32>
        %lt3A_243 = arith.constant 320 : i32
        %lt3A_244 = vector.broadcast %lt3A_243 : i32 to vector<16xi32>
        %lt3A_245 = arith.cmpi slt, %sub3A_240, %lt3A_244 : vector<16xi32>
        %and3A_246 = arith.andi %ge3A_242, %lt3A_245 : vector<16xi1>
        %jit3A_247 = arith.constant 1 : i32
        %jit3A_248 = arith.constant 0 : i32
        %broadcast_in_dim3A_249 = vector.broadcast %jit3A_247 : i32 to vector<16xi32>
        %broadcast_in_dim3A_250 = vector.broadcast %jit3A_248 : i32 to vector<16xi32>
        %select_n3A_251 = arith.select %and3A_246, %broadcast_in_dim3A_249, %broadcast_in_dim3A_250 : vector<16xi1>, vector<16xi32>
        %broadcast_in_dim3A_252 = arith.constant true
        %broadcast_in_dim3A_253 = vector.broadcast %broadcast_in_dim3A_252 : i1 to vector<16xi1>
        %masked_cumsum3A = tpu.scan <sum>, %select_n3A_251 masked %broadcast_in_dim3A_253 : vector<16xi32>, vector<16xi1> -> vector<16xi32>
        %add3A_254 = arith.addi %scan3A_227, %masked_cumsum3A : vector<16xi32>
        %sub3A_255 = arith.constant 1 : i32
        %sub3A_256 = vector.broadcast %sub3A_255 : i32 to vector<16xi32>
        %sub3A_257 = arith.subi %add3A_254, %sub3A_256 : vector<16xi32>
        tpu.vector_store_idx %arg11[%sub3A_257], %get3A_238 masked %and3A_246 : memref<6160xi32, #tpu.memory_space<vmem>>[vector<16xi32>], vector<16xi32>, vector<16xi1>
        tpu.vector_store_idx %arg12[%sub3A_257], %sub3A_240 masked %and3A_246 : memref<6160xi32, #tpu.memory_space<vmem>>[vector<16xi32>], vector<16xi32>, vector<16xi1>
        %all_reduce_population_count3A = tpu.all_reduce %and3A_246 {dim = 0 : i64, kind = #tpu.reduction_kind<sum>} : vector<16xi1> -> vector<16xi32>
        %add3A_258 = arith.addi %scan3A_227, %all_reduce_population_count3A : vector<16xi32>
        %mul3A_259 = arith.constant 4 : i32
        %mul3A_260 = arith.muli %scan3A_226, %mul3A_259 : i32
        %add3A_261 = arith.constant 1 : i32
        %add3A_262 = arith.addi %mul3A_260, %add3A_261 : i32
        %mul3A_263 = arith.constant 16 : i32
        %mul3A_264 = arith.muli %add3A_262, %mul3A_263 : i32
        %get3A_265 = arith.index_cast %mul3A_264 : i32 to index
        %get3A_266 = tpu.vector_load %arg9[%get3A_265] {strides = array<i32>} : memref<1600xi32, #tpu.memory_space<vmem>>, vector<16xi32>,
        %mul3A_267 = arith.constant 16 : i32
        %mul3A_268 = arith.muli %add3A_262, %mul3A_267 : i32
        %get3A_269 = arith.index_cast %mul3A_268 : i32 to index
        %get3A_270 = tpu.vector_load %arg10[%get3A_269] {strides = array<i32>} : memref<1600xi32, #tpu.memory_space<vmem>>, vector<16xi32>,
        %sub3A_271 = vector.broadcast %mul3A_2 : i32 to vector<16xi32>
        %sub3A_272 = arith.subi %get3A_266, %sub3A_271 : vector<16xi32>
        %ge3A_273 = arith.constant 0 : i32
        %ge3A_274 = vector.broadcast %ge3A_273 : i32 to vector<16xi32>
        %ge3A_275 = arith.cmpi sge, %sub3A_272, %ge3A_274 : vector<16xi32>
        %lt3A_276 = arith.constant 320 : i32
        %lt3A_277 = vector.broadcast %lt3A_276 : i32 to vector<16xi32>
        %lt3A_278 = arith.cmpi slt, %sub3A_272, %lt3A_277 : vector<16xi32>
        %and3A_279 = arith.andi %ge3A_275, %lt3A_278 : vector<16xi1>
        %jit3A_280 = arith.constant 1 : i32
        %jit3A_281 = arith.constant 0 : i32
        %broadcast_in_dim3A_282 = vector.broadcast %jit3A_280 : i32 to vector<16xi32>
        %broadcast_in_dim3A_283 = vector.broadcast %jit3A_281 : i32 to vector<16xi32>
        %select_n3A_284 = arith.select %and3A_279, %broadcast_in_dim3A_282, %broadcast_in_dim3A_283 : vector<16xi1>, vector<16xi32>
        %broadcast_in_dim3A_285 = arith.constant true
        %broadcast_in_dim3A_286 = vector.broadcast %broadcast_in_dim3A_285 : i1 to vector<16xi1>
        %masked_cumsum3A_287 = tpu.scan <sum>, %select_n3A_284 masked %broadcast_in_dim3A_286 : vector<16xi32>, vector<16xi1> -> vector<16xi32>
        %add3A_288 = arith.addi %add3A_258, %masked_cumsum3A_287 : vector<16xi32>
        %sub3A_289 = arith.constant 1 : i32
        %sub3A_290 = vector.broadcast %sub3A_289 : i32 to vector<16xi32>
        %sub3A_291 = arith.subi %add3A_288, %sub3A_290 : vector<16xi32>
        tpu.vector_store_idx %arg11[%sub3A_291], %get3A_270 masked %and3A_279 : memref<6160xi32, #tpu.memory_space<vmem>>[vector<16xi32>], vector<16xi32>, vector<16xi1>
        tpu.vector_store_idx %arg12[%sub3A_291], %sub3A_272 masked %and3A_279 : memref<6160xi32, #tpu.memory_space<vmem>>[vector<16xi32>], vector<16xi32>, vector<16xi1>
        %all_reduce_population_count3A_292 = tpu.all_reduce %and3A_279 {dim = 0 : i64, kind = #tpu.reduction_kind<sum>} : vector<16xi1> -> vector<16xi32>
        %add3A_293 = arith.addi %add3A_258, %all_reduce_population_count3A_292 : vector<16xi32>
        %mul3A_294 = arith.constant 4 : i32
        %mul3A_295 = arith.muli %scan3A_226, %mul3A_294 : i32
        %add3A_296 = arith.constant 2 : i32
        %add3A_297 = arith.addi %mul3A_295, %add3A_296 : i32
        %mul3A_298 = arith.constant 16 : i32
        %mul3A_299 = arith.muli %add3A_297, %mul3A_298 : i32
        %get3A_300 = arith.index_cast %mul3A_299 : i32 to index
        %get3A_301 = tpu.vector_load %arg9[%get3A_300] {strides = array<i32>} : memref<1600xi32, #tpu.memory_space<vmem>>, vector<16xi32>,
        %mul3A_302 = arith.constant 16 : i32
        %mul3A_303 = arith.muli %add3A_297, %mul3A_302 : i32
        %get3A_304 = arith.index_cast %mul3A_303 : i32 to index
        %get3A_305 = tpu.vector_load %arg10[%get3A_304] {strides = array<i32>} : memref<1600xi32, #tpu.memory_space<vmem>>, vector<16xi32>,
        %sub3A_306 = vector.broadcast %mul3A_2 : i32 to vector<16xi32>
        %sub3A_307 = arith.subi %get3A_301, %sub3A_306 : vector<16xi32>
        %ge3A_308 = arith.constant 0 : i32
        %ge3A_309 = vector.broadcast %ge3A_308 : i32 to vector<16xi32>
        %ge3A_310 = arith.cmpi sge, %sub3A_307, %ge3A_309 : vector<16xi32>
        %lt3A_311 = arith.constant 320 : i32
        %lt3A_312 = vector.broadcast %lt3A_311 : i32 to vector<16xi32>
        %lt3A_313 = arith.cmpi slt, %sub3A_307, %lt3A_312 : vector<16xi32>
        %and3A_314 = arith.andi %ge3A_310, %lt3A_313 : vector<16xi1>
        %jit3A_315 = arith.constant 1 : i32
        %jit3A_316 = arith.constant 0 : i32
        %broadcast_in_dim3A_317 = vector.broadcast %jit3A_315 : i32 to vector<16xi32>
        %broadcast_in_dim3A_318 = vector.broadcast %jit3A_316 : i32 to vector<16xi32>
        %select_n3A_319 = arith.select %and3A_314, %broadcast_in_dim3A_317, %broadcast_in_dim3A_318 : vector<16xi1>, vector<16xi32>
        %broadcast_in_dim3A_320 = arith.constant true
        %broadcast_in_dim3A_321 = vector.broadcast %broadcast_in_dim3A_320 : i1 to vector<16xi1>
        %masked_cumsum3A_322 = tpu.scan <sum>, %select_n3A_319 masked %broadcast_in_dim3A_321 : vector<16xi32>, vector<16xi1> -> vector<16xi32>
        %add3A_323 = arith.addi %add3A_293, %masked_cumsum3A_322 : vector<16xi32>
        %sub3A_324 = arith.constant 1 : i32
        %sub3A_325 = vector.broadcast %sub3A_324 : i32 to vector<16xi32>
        %sub3A_326 = arith.subi %add3A_323, %sub3A_325 : vector<16xi32>
        tpu.vector_store_idx %arg11[%sub3A_326], %get3A_305 masked %and3A_314 : memref<6160xi32, #tpu.memory_space<vmem>>[vector<16xi32>], vector<16xi32>, vector<16xi1>
        tpu.vector_store_idx %arg12[%sub3A_326], %sub3A_307 masked %and3A_314 : memref<6160xi32, #tpu.memory_space<vmem>>[vector<16xi32>], vector<16xi32>, vector<16xi1>
        %all_reduce_population_count3A_327 = tpu.all_reduce %and3A_314 {dim = 0 : i64, kind = #tpu.reduction_kind<sum>} : vector<16xi1> -> vector<16xi32>
        %add3A_328 = arith.addi %add3A_293, %all_reduce_population_count3A_327 : vector<16xi32>
        %mul3A_329 = arith.constant 4 : i32
        %mul3A_330 = arith.muli %scan3A_226, %mul3A_329 : i32
        %add3A_331 = arith.constant 3 : i32
        %add3A_332 = arith.addi %mul3A_330, %add3A_331 : i32
        %mul3A_333 = arith.constant 16 : i32
        %mul3A_334 = arith.muli %add3A_332, %mul3A_333 : i32
        %get3A_335 = arith.index_cast %mul3A_334 : i32 to index
        %get3A_336 = tpu.vector_load %arg9[%get3A_335] {strides = array<i32>} : memref<1600xi32, #tpu.memory_space<vmem>>, vector<16xi32>,
        %mul3A_337 = arith.constant 16 : i32
        %mul3A_338 = arith.muli %add3A_332, %mul3A_337 : i32
        %get3A_339 = arith.index_cast %mul3A_338 : i32 to index
        %get3A_340 = tpu.vector_load %arg10[%get3A_339] {strides = array<i32>} : memref<1600xi32, #tpu.memory_space<vmem>>, vector<16xi32>,
        %sub3A_341 = vector.broadcast %mul3A_2 : i32 to vector<16xi32>
        %sub3A_342 = arith.subi %get3A_336, %sub3A_341 : vector<16xi32>
        %ge3A_343 = arith.constant 0 : i32
        %ge3A_344 = vector.broadcast %ge3A_343 : i32 to vector<16xi32>
        %ge3A_345 = arith.cmpi sge, %sub3A_342, %ge3A_344 : vector<16xi32>
        %lt3A_346 = arith.constant 320 : i32
        %lt3A_347 = vector.broadcast %lt3A_346 : i32 to vector<16xi32>
        %lt3A_348 = arith.cmpi slt, %sub3A_342, %lt3A_347 : vector<16xi32>
        %and3A_349 = arith.andi %ge3A_345, %lt3A_348 : vector<16xi1>
        %jit3A_350 = arith.constant 1 : i32
        %jit3A_351 = arith.constant 0 : i32
        %broadcast_in_dim3A_352 = vector.broadcast %jit3A_350 : i32 to vector<16xi32>
        %broadcast_in_dim3A_353 = vector.broadcast %jit3A_351 : i32 to vector<16xi32>
        %select_n3A_354 = arith.select %and3A_349, %broadcast_in_dim3A_352, %broadcast_in_dim3A_353 : vector<16xi1>, vector<16xi32>
        %broadcast_in_dim3A_355 = arith.constant true
        %broadcast_in_dim3A_356 = vector.broadcast %broadcast_in_dim3A_355 : i1 to vector<16xi1>
        %masked_cumsum3A_357 = tpu.scan <sum>, %select_n3A_354 masked %broadcast_in_dim3A_356 : vector<16xi32>, vector<16xi1> -> vector<16xi32>
        %add3A_358 = arith.addi %add3A_328, %masked_cumsum3A_357 : vector<16xi32>
        %sub3A_359 = arith.constant 1 : i32
        %sub3A_360 = vector.broadcast %sub3A_359 : i32 to vector<16xi32>
        %sub3A_361 = arith.subi %add3A_358, %sub3A_360 : vector<16xi32>
        tpu.vector_store_idx %arg11[%sub3A_361], %get3A_340 masked %and3A_349 : memref<6160xi32, #tpu.memory_space<vmem>>[vector<16xi32>], vector<16xi32>, vector<16xi1>
        tpu.vector_store_idx %arg12[%sub3A_361], %sub3A_342 masked %and3A_349 : memref<6160xi32, #tpu.memory_space<vmem>>[vector<16xi32>], vector<16xi32>, vector<16xi1>
        %all_reduce_population_count3A_362 = tpu.all_reduce %and3A_349 {dim = 0 : i64, kind = #tpu.reduction_kind<sum>} : vector<16xi1> -> vector<16xi32>
        %add3A_363 = arith.addi %add3A_328, %all_reduce_population_count3A_362 : vector<16xi32>
        scf.yield %add3A_363 : vector<16xi32>
      }
      %scan3A_217 = arith.constant 25 : i32
      %slice3A_218 = vector.extract_strided_slice %scan3A_216 {offsets = [0], sizes = [1], strides = [1]} : vector<16xi32> to vector<1xi32>
      %squeeze3A_219 = vector.extract %slice3A_218[0] : i32 from vector<1xi32>
      %gt3A_220 = arith.constant 4544 : i32
      %gt3A_221 = arith.cmpi sgt, %squeeze3A_219, %gt3A_220 : i32
      %convert_element_type3A_222 = arith.extui %gt3A_221 : i1 to i32
      %cond3A_223 = arith.constant 0 : i32
      %cond3A_224 = arith.cmpi ne, %convert_element_type3A_222, %cond3A_223 : i32
      %cond3A_225 = scf.if %cond3A_224 -> (vector<16xi32>) {
        %slice3A_226 = vector.extract_strided_slice %scan3A_216 {offsets = [0], sizes = [1], strides = [1]} : vector<16xi32> to vector<1xi32>
        %squeeze3A_227 = vector.extract %slice3A_226[0] : i32 from vector<1xi32>
        %swap3A_228 = arith.index_cast %squeeze3A_227 : i32 to index
        %swap3A_229 = tpu.vector_load %arg12[%swap3A_228] {strides = array<i32>} : memref<6160xi32, #tpu.memory_space<vmem>>, vector<16xi32>,
        tpu.vector_store %arg12[%swap3A_228], %broadcast_in_dim3A_11 {strides = array<i32>} : memref<6160xi32, #tpu.memory_space<vmem>>, vector<16xi32>,
        %add3A_230 = arith.constant 15 : i32
        %add3A_231 = arith.addi %squeeze3A_227, %add3A_230 : i32
        %jit3A_232 = arith.constant 16 : i32
        %div3A_233 = arith.divsi %add3A_231, %jit3A_232 : i32
        %sign3A_234 = arith.constant 0 : i32
        %sign3A_235 = arith.cmpi sgt, %add3A_231, %sign3A_234 : i32
        %sign3A_236 = arith.extui %sign3A_235 : i1 to i32
        %sign3A_237 = arith.constant 0 : i32
        %sign3A_238 = arith.cmpi slt, %add3A_231, %sign3A_237 : i32
        %sign3A_239 = arith.extui %sign3A_238 : i1 to i32
        %sign3A_240 = arith.subi %sign3A_236, %sign3A_239 : i32
        %sign3A_241 = arith.constant 0 : i32
        %sign3A_242 = arith.cmpi sgt, %jit3A_232, %sign3A_241 : i32
        %sign3A_243 = arith.extui %sign3A_242 : i1 to i32
        %sign3A_244 = arith.constant 0 : i32
        %sign3A_245 = arith.cmpi slt, %jit3A_232, %sign3A_244 : i32
        %sign3A_246 = arith.extui %sign3A_245 : i1 to i32
        %sign3A_247 = arith.subi %sign3A_243, %sign3A_246 : i32
        %ne3A_248 = arith.cmpi ne, %sign3A_240, %sign3A_247 : i32
        %rem3A_249 = arith.remsi %add3A_231, %jit3A_232 : i32
        %ne3A_250 = arith.constant 0 : i32
        %ne3A_251 = arith.cmpi ne, %rem3A_249, %ne3A_250 : i32
        %and3A_252 = arith.andi %ne3A_248, %ne3A_251 : i1
        %sub3A_253 = arith.constant 1 : i32
        %sub3A_254 = arith.subi %div3A_233, %sub3A_253 : i32
        %select_n3A_255 = arith.select %and3A_252, %sub3A_254, %div3A_233 : i32
        %scan3A_256 = arith.constant 0 : i32
        %scan3A_257 = arith.constant 0 : i32
        %scan3A_258 = arith.constant 22 : i32
        %scan3A_259 = arith.addi %scan3A_257, %scan3A_258 : i32
        %scan3A_260 = arith.constant 1 : i32
        %scan3A_261 = scf.for %scan3A_353 = %scan3A_257 to %scan3A_259 step %scan3A_260 iter_args(%scan3A_354 = %scan3A_256) -> (i32)  : i32 {
          %mul3A_355 = arith.constant 16 : i32
          %mul3A_356 = arith.muli %scan3A_353, %mul3A_355 : i32
          %swap3A_357 = arith.index_cast %mul3A_356 : i32 to index
          %swap3A_358 = tpu.vector_load %arg14[%swap3A_357] {strides = array<i32>} : memref<352xi32, #tpu.memory_space<vmem>>, vector<16xi32>,
          tpu.vector_store %arg14[%swap3A_357], %broadcast_in_dim3A_9 {strides = array<i32>} : memref<352xi32, #tpu.memory_space<vmem>>, vector<16xi32>,
          %scan3A_359 = arith.constant 0 : i32
          scf.yield %scan3A_359 : i32
        }
        %scan3A_262 = arith.constant 22 : i32
        %while3A_263 = arith.constant 0 : i32
        %while3A_264 = arith.constant 0 : i32
        %while3A_265 = arith.subi %select_n3A_255, %while3A_263 : i32
        %while3A_266 = arith.addi %while3A_263, %while3A_265 : i32
        %while3A_267 = arith.constant 1 : i32
        %while3A_268 = arith.divsi %while3A_265, %while3A_267 : i32
        %while3A_269 = arith.muli %while3A_268, %while3A_267 : i32
        %while3A_270 = arith.addi %while3A_263, %while3A_269 : i32
        %while3A_271 = arith.constant 1 : i32
        %while3A_272 = scf.for %while3A_353 = %while3A_263 to %while3A_270 step %while3A_271 iter_args(%while3A_354 = %while3A_264) -> (i32)  : i32 {
          %mul3A_355 = arith.constant 16 : i32
          %mul3A_356 = arith.muli %while3A_353, %mul3A_355 : i32
          %get3A = arith.index_cast %mul3A_356 : i32 to index
          %get3A_357 = tpu.vector_load %arg12[%get3A] {strides = array<i32>} : memref<6160xi32, #tpu.memory_space<vmem>>, vector<16xi32>,
          %broadcast_in_dim3A_358 = arith.constant true
          %broadcast_in_dim3A_359 = vector.broadcast %broadcast_in_dim3A_358 : i1 to vector<16xi1>
          %unique3A, %unique3A_360 = tpu.scan_count mask(%broadcast_in_dim3A_359 : vector<16xi1>) value(%get3A_357 : vector<16xi32>) : vector<16xi1>, vector<16xi32>
          %gather3A = tpu.vector_load_idx %arg14[%get3A_357] : memref<352xi32, #tpu.memory_space<vmem>>[vector<16xi32>], vector<16xi32>,
          %add3A_361 = arith.addi %gather3A, %unique3A_360 : vector<16xi32>
          tpu.vector_store_idx %arg14[%get3A_357], %add3A_361 masked %unique3A : memref<352xi32, #tpu.memory_space<vmem>>[vector<16xi32>], vector<16xi32>, vector<16xi1>
          %while3A_362 = arith.constant 0 : i32
          scf.yield %while3A_362 : i32
        }
        %while3A_273 = arith.constant 1 : i32
        %while3A_274 = scf.for %while3A_353 = %while3A_270 to %while3A_266 step %while3A_273 iter_args(%while3A_354 = %while3A_272) -> (i32)  : i32 {
          %mul3A_355 = arith.constant 16 : i32
          %mul3A_356 = arith.muli %while3A_353, %mul3A_355 : i32
          %get3A = arith.index_cast %mul3A_356 : i32 to index
          %get3A_357 = tpu.vector_load %arg12[%get3A] {strides = array<i32>} : memref<6160xi32, #tpu.memory_space<vmem>>, vector<16xi32>,
          %broadcast_in_dim3A_358 = arith.constant true
          %broadcast_in_dim3A_359 = vector.broadcast %broadcast_in_dim3A_358 : i1 to vector<16xi1>
          %unique3A, %unique3A_360 = tpu.scan_count mask(%broadcast_in_dim3A_359 : vector<16xi1>) value(%get3A_357 : vector<16xi32>) : vector<16xi1>, vector<16xi32>
          %gather3A = tpu.vector_load_idx %arg14[%get3A_357] : memref<352xi32, #tpu.memory_space<vmem>>[vector<16xi32>], vector<16xi32>,
          %add3A_361 = arith.addi %gather3A, %unique3A_360 : vector<16xi32>
          tpu.vector_store_idx %arg14[%get3A_357], %add3A_361 masked %unique3A : memref<352xi32, #tpu.memory_space<vmem>>[vector<16xi32>], vector<16xi32>, vector<16xi1>
          %while3A_362 = arith.constant 0 : i32
          scf.yield %while3A_362 : i32
        }
        %scan3A_275 = arith.constant 0 : i32
        %scan3A_276 = arith.constant 0 : i32
        %scan3A_277 = arith.constant 22 : i32
        %scan3A_278 = arith.addi %scan3A_276, %scan3A_277 : i32
        %scan3A_279 = arith.constant 1 : i32
        %scan3A_280 = scf.for %scan3A_353 = %scan3A_276 to %scan3A_278 step %scan3A_279 iter_args(%scan3A_354 = %scan3A_275) -> (i32)  : i32 {
          %mul3A_355 = arith.constant 16 : i32
          %mul3A_356 = arith.muli %scan3A_353, %mul3A_355 : i32
          %get3A = arith.index_cast %mul3A_356 : i32 to index
          %get3A_357 = tpu.vector_load %arg14[%get3A] {strides = array<i32>} : memref<352xi32, #tpu.memory_space<vmem>>, vector<16xi32>,
          %broadcast_in_dim3A_358 = arith.constant true
          %broadcast_in_dim3A_359 = vector.broadcast %broadcast_in_dim3A_358 : i1 to vector<16xi1>
          %masked_cumsum3A = tpu.scan <sum>, %get3A_357 masked %broadcast_in_dim3A_359 : vector<16xi32>, vector<16xi1> -> vector<16xi32>
          %add3A_360 = vector.broadcast %scan3A_354 : i32 to vector<16xi32>
          %add3A_361 = arith.addi %add3A_360, %masked_cumsum3A : vector<16xi32>
          %sub3A_362 = arith.subi %add3A_361, %get3A_357 : vector<16xi32>
          %mul3A_363 = arith.constant 16 : i32
          %mul3A_364 = arith.muli %scan3A_353, %mul3A_363 : i32
          %swap3A_365 = arith.index_cast %mul3A_364 : i32 to index
          %swap3A_366 = tpu.vector_load %arg15[%swap3A_365] {strides = array<i32>} : memref<352xi32, #tpu.memory_space<vmem>>, vector<16xi32>,
          tpu.vector_store %arg15[%swap3A_365], %sub3A_362 {strides = array<i32>} : memref<352xi32, #tpu.memory_space<vmem>>, vector<16xi32>,
          %mul3A_367 = arith.constant 16 : i32
          %mul3A_368 = arith.muli %scan3A_353, %mul3A_367 : i32
          %swap3A_369 = arith.index_cast %mul3A_368 : i32 to index
          %swap3A_370 = tpu.vector_load %arg16[%swap3A_369] {strides = array<i32>} : memref<352xi32, #tpu.memory_space<vmem>>, vector<16xi32>,
          tpu.vector_store %arg16[%swap3A_369], %sub3A_362 {strides = array<i32>} : memref<352xi32, #tpu.memory_space<vmem>>, vector<16xi32>,
          %slice3A_371 = vector.extract_strided_slice %masked_cumsum3A {offsets = [15], sizes = [1], strides = [1]} : vector<16xi32> to vector<1xi32>
          %squeeze3A_372 = vector.extract %slice3A_371[0] : i32 from vector<1xi32>
          %add3A_373 = arith.addi %scan3A_354, %squeeze3A_372 : i32
          scf.yield %add3A_373 : i32
        }
        %scan3A_281 = arith.constant 22 : i32
        %while3A_282 = arith.constant 0 : i32
        %while3A_283 = arith.constant 0 : i32
        %while3A_284 = arith.subi %select_n3A_255, %while3A_282 : i32
        %while3A_285 = arith.addi %while3A_282, %while3A_284 : i32
        %while3A_286 = arith.constant 1 : i32
        %while3A_287 = arith.divsi %while3A_284, %while3A_286 : i32
        %while3A_288 = arith.muli %while3A_287, %while3A_286 : i32
        %while3A_289 = arith.addi %while3A_282, %while3A_288 : i32
        %while3A_290 = arith.constant 1 : i32
        %while3A_291 = scf.for %while3A_353 = %while3A_282 to %while3A_289 step %while3A_290 iter_args(%while3A_354 = %while3A_283) -> (i32)  : i32 {
          %mul3A_355 = arith.constant 16 : i32
          %mul3A_356 = arith.muli %while3A_353, %mul3A_355 : i32
          %get3A = arith.index_cast %mul3A_356 : i32 to index
          %get3A_357 = tpu.vector_load %arg12[%get3A] {strides = array<i32>} : memref<6160xi32, #tpu.memory_space<vmem>>, vector<16xi32>,
          %mul3A_358 = arith.constant 16 : i32
          %mul3A_359 = arith.muli %while3A_353, %mul3A_358 : i32
          %get3A_360 = arith.index_cast %mul3A_359 : i32 to index
          %get3A_361 = tpu.vector_load %arg11[%get3A_360] {strides = array<i32>} : memref<6160xi32, #tpu.memory_space<vmem>>, vector<16xi32>,
          %broadcast_in_dim3A_362 = arith.constant true
          %broadcast_in_dim3A_363 = vector.broadcast %broadcast_in_dim3A_362 : i1 to vector<16xi1>
          %unique3A, %unique3A_364 = tpu.scan_count mask(%broadcast_in_dim3A_363 : vector<16xi1>) value(%get3A_357 : vector<16xi32>) : vector<16xi1>, vector<16xi32>
          %gather3A = tpu.vector_load_idx %arg16[%get3A_357] : memref<352xi32, #tpu.memory_space<vmem>>[vector<16xi32>], vector<16xi32>,
          %add3A_365 = arith.addi %gather3A, %unique3A_364 : vector<16xi32>
          %sub3A_366 = arith.constant 1 : i32
          %sub3A_367 = vector.broadcast %sub3A_366 : i32 to vector<16xi32>
          %sub3A_368 = arith.subi %add3A_365, %sub3A_367 : vector<16xi32>
          tpu.vector_store_idx %arg13[%sub3A_368], %get3A_361 : memref<6192xi32, #tpu.memory_space<vmem>>[vector<16xi32>], vector<16xi32>,
          %add3A_369 = arith.addi %gather3A, %unique3A_364 : vector<16xi32>
          tpu.vector_store_idx %arg16[%get3A_357], %add3A_369 masked %unique3A : memref<352xi32, #tpu.memory_space<vmem>>[vector<16xi32>], vector<16xi32>, vector<16xi1>
          %while3A_370 = arith.constant 0 : i32
          scf.yield %while3A_370 : i32
        }
        %while3A_292 = arith.constant 1 : i32
        %while3A_293 = scf.for %while3A_353 = %while3A_289 to %while3A_285 step %while3A_292 iter_args(%while3A_354 = %while3A_291) -> (i32)  : i32 {
          %mul3A_355 = arith.constant 16 : i32
          %mul3A_356 = arith.muli %while3A_353, %mul3A_355 : i32
          %get3A = arith.index_cast %mul3A_356 : i32 to index
          %get3A_357 = tpu.vector_load %arg12[%get3A] {strides = array<i32>} : memref<6160xi32, #tpu.memory_space<vmem>>, vector<16xi32>,
          %mul3A_358 = arith.constant 16 : i32
          %mul3A_359 = arith.muli %while3A_353, %mul3A_358 : i32
          %get3A_360 = arith.index_cast %mul3A_359 : i32 to index
          %get3A_361 = tpu.vector_load %arg11[%get3A_360] {strides = array<i32>} : memref<6160xi32, #tpu.memory_space<vmem>>, vector<16xi32>,
          %broadcast_in_dim3A_362 = arith.constant true
          %broadcast_in_dim3A_363 = vector.broadcast %broadcast_in_dim3A_362 : i1 to vector<16xi1>
          %unique3A, %unique3A_364 = tpu.scan_count mask(%broadcast_in_dim3A_363 : vector<16xi1>) value(%get3A_357 : vector<16xi32>) : vector<16xi1>, vector<16xi32>
          %gather3A = tpu.vector_load_idx %arg16[%get3A_357] : memref<352xi32, #tpu.memory_space<vmem>>[vector<16xi32>], vector<16xi32>,
          %add3A_365 = arith.addi %gather3A, %unique3A_364 : vector<16xi32>
          %sub3A_366 = arith.constant 1 : i32
          %sub3A_367 = vector.broadcast %sub3A_366 : i32 to vector<16xi32>
          %sub3A_368 = arith.subi %add3A_365, %sub3A_367 : vector<16xi32>
          tpu.vector_store_idx %arg13[%sub3A_368], %get3A_361 : memref<6192xi32, #tpu.memory_space<vmem>>[vector<16xi32>], vector<16xi32>,
          %add3A_369 = arith.addi %gather3A, %unique3A_364 : vector<16xi32>
          tpu.vector_store_idx %arg16[%get3A_357], %add3A_369 masked %unique3A : memref<352xi32, #tpu.memory_space<vmem>>[vector<16xi32>], vector<16xi32>, vector<16xi1>
          %while3A_370 = arith.constant 0 : i32
          scf.yield %while3A_370 : i32
        }
        %add3A_294 = arith.constant 127 : i32
        %add3A_295 = arith.addi %squeeze3A_227, %add3A_294 : i32
        %jit3A_296 = arith.constant 128 : i32
        %div3A_297 = arith.divsi %add3A_295, %jit3A_296 : i32
        %sign3A_298 = arith.constant 0 : i32
        %sign3A_299 = arith.cmpi sgt, %add3A_295, %sign3A_298 : i32
        %sign3A_300 = arith.extui %sign3A_299 : i1 to i32
        %sign3A_301 = arith.constant 0 : i32
        %sign3A_302 = arith.cmpi slt, %add3A_295, %sign3A_301 : i32
        %sign3A_303 = arith.extui %sign3A_302 : i1 to i32
        %sign3A_304 = arith.subi %sign3A_300, %sign3A_303 : i32
        %sign3A_305 = arith.constant 0 : i32
        %sign3A_306 = arith.cmpi sgt, %jit3A_296, %sign3A_305 : i32
        %sign3A_307 = arith.extui %sign3A_306 : i1 to i32
        %sign3A_308 = arith.constant 0 : i32
        %sign3A_309 = arith.cmpi slt, %jit3A_296, %sign3A_308 : i32
        %sign3A_310 = arith.extui %sign3A_309 : i1 to i32
        %sign3A_311 = arith.subi %sign3A_307, %sign3A_310 : i32
        %ne3A_312 = arith.cmpi ne, %sign3A_304, %sign3A_311 : i32
        %rem3A_313 = arith.remsi %add3A_295, %jit3A_296 : i32
        %ne3A_314 = arith.constant 0 : i32
        %ne3A_315 = arith.cmpi ne, %rem3A_313, %ne3A_314 : i32
        %and3A_316 = arith.andi %ne3A_312, %ne3A_315 : i1
        %sub3A_317 = arith.constant 1 : i32
        %sub3A_318 = arith.subi %div3A_297, %sub3A_317 : i32
        %select_n3A_319 = arith.select %and3A_316, %sub3A_318, %div3A_297 : i32
        %gt3A_320 = arith.constant 0 : i32
        %gt3A_321 = arith.cmpi sgt, %select_n3A_319, %gt3A_320 : i32
        %convert_element_type3A_322 = arith.extui %gt3A_321 : i1 to i32
        %cond3A_323 = arith.constant 0 : i32
        %cond3A_324 = arith.cmpi ne, %convert_element_type3A_322, %cond3A_323 : i32
        scf.if %cond3A_324 {
          %dma_start3A_353 = arith.constant 0 : i32
          %dma_start3A_354 = arith.constant 0 : i32
          %dma_start3A_355 = tpu.memref_slice %arg17[%dma_start3A_353, %dma_start3A_354] : memref<512x64xf32, #tpu.memory_space<vmem>> -> memref<128x64xf32, #tpu.memory_space<vmem>>
          %dma_start3A_356 = arith.constant 0 : i32
          %dma_start3A_357 = tpu.memref_slice %arg13[%dma_start3A_356] : memref<6192xi32, #tpu.memory_space<vmem>> -> memref<128xi32, #tpu.memory_space<vmem>>
          %dma_start3A_358 = arith.constant 0 : i32
          %dma_start3A_359 = arith.constant 0 : i32
          %dma_start3A_360 = tpu.memref_slice %arg4[%dma_start3A_358, %dma_start3A_359] : memref<10240x64xf32, #tpu.memory_space<hbm>> -> memref<10240x64xf32, #tpu.memory_space<hbm>>
          tpu.enqueue_indirect_dma source(%dma_start3A_360 : memref<10240x64xf32, #tpu.memory_space<hbm>>) target(%dma_start3A_355 : memref<128x64xf32, #tpu.memory_space<vmem>>) offsets(%dma_start3A_357 : memref<128xi32, #tpu.memory_space<vmem>>) semaphore(%arg20 : memref<!tpu.dma_semaphore, #tpu.memory_space<semaphore_mem>>)
        } else {
        }
        %gt3A_325 = arith.constant 1 : i32
        %gt3A_326 = arith.cmpi sgt, %select_n3A_319, %gt3A_325 : i32
        %convert_element_type3A_327 = arith.extui %gt3A_326 : i1 to i32
        %cond3A_328 = arith.constant 0 : i32
        %cond3A_329 = arith.cmpi ne, %convert_element_type3A_327, %cond3A_328 : i32
        scf.if %cond3A_329 {
          %dma_start3A_353 = arith.constant 128 : i32
          %dma_start3A_354 = arith.constant 0 : i32
          %dma_start3A_355 = tpu.memref_slice %arg17[%dma_start3A_353, %dma_start3A_354] : memref<512x64xf32, #tpu.memory_space<vmem>> -> memref<128x64xf32, #tpu.memory_space<vmem>>
          %dma_start3A_356 = arith.constant 128 : i32
          %dma_start3A_357 = tpu.memref_slice %arg13[%dma_start3A_356] : memref<6192xi32, #tpu.memory_space<vmem>> -> memref<128xi32, #tpu.memory_space<vmem>>
          %dma_start3A_358 = arith.constant 0 : i32
          %dma_start3A_359 = arith.constant 0 : i32
          %dma_start3A_360 = tpu.memref_slice %arg4[%dma_start3A_358, %dma_start3A_359] : memref<10240x64xf32, #tpu.memory_space<hbm>> -> memref<10240x64xf32, #tpu.memory_space<hbm>>
          tpu.enqueue_indirect_dma source(%dma_start3A_360 : memref<10240x64xf32, #tpu.memory_space<hbm>>) target(%dma_start3A_355 : memref<128x64xf32, #tpu.memory_space<vmem>>) offsets(%dma_start3A_357 : memref<128xi32, #tpu.memory_space<vmem>>) semaphore(%arg20 : memref<!tpu.dma_semaphore, #tpu.memory_space<semaphore_mem>>)
        } else {
        }
        %gt3A_330 = arith.constant 2 : i32
        %gt3A_331 = arith.cmpi sgt, %select_n3A_319, %gt3A_330 : i32
        %convert_element_type3A_332 = arith.extui %gt3A_331 : i1 to i32
        %cond3A_333 = arith.constant 0 : i32
        %cond3A_334 = arith.cmpi ne, %convert_element_type3A_332, %cond3A_333 : i32
        scf.if %cond3A_334 {
          %dma_start3A_353 = arith.constant 256 : i32
          %dma_start3A_354 = arith.constant 0 : i32
          %dma_start3A_355 = tpu.memref_slice %arg17[%dma_start3A_353, %dma_start3A_354] : memref<512x64xf32, #tpu.memory_space<vmem>> -> memref<128x64xf32, #tpu.memory_space<vmem>>
          %dma_start3A_356 = arith.constant 256 : i32
          %dma_start3A_357 = tpu.memref_slice %arg13[%dma_start3A_356] : memref<6192xi32, #tpu.memory_space<vmem>> -> memref<128xi32, #tpu.memory_space<vmem>>
          %dma_start3A_358 = arith.constant 0 : i32
          %dma_start3A_359 = arith.constant 0 : i32
          %dma_start3A_360 = tpu.memref_slice %arg4[%dma_start3A_358, %dma_start3A_359] : memref<10240x64xf32, #tpu.memory_space<hbm>> -> memref<10240x64xf32, #tpu.memory_space<hbm>>
          tpu.enqueue_indirect_dma source(%dma_start3A_360 : memref<10240x64xf32, #tpu.memory_space<hbm>>) target(%dma_start3A_355 : memref<128x64xf32, #tpu.memory_space<vmem>>) offsets(%dma_start3A_357 : memref<128xi32, #tpu.memory_space<vmem>>) semaphore(%arg20 : memref<!tpu.dma_semaphore, #tpu.memory_space<semaphore_mem>>)
        } else {
        }
        %broadcast_in_dim3A_335 = arith.constant 0.000000e+00 : f32
        %broadcast_in_dim3A_336 = vector.broadcast %broadcast_in_dim3A_335 : f32 to vector<16xf32>
        %broadcast_in_dim3A_337 = arith.constant 0xFF800000 : f32
        %broadcast_in_dim3A_338 = vector.broadcast %broadcast_in_dim3A_337 : f32 to vector<16xf32>
        %while3A_339 = arith.constant 0 : i32
        %while3A_340 = arith.constant 0 : i32
        %while3A_341 = arith.subi %select_n3A_319, %while3A_339 : i32
        %while3A_342 = arith.addi %while3A_339, %while3A_341 : i32
        %while3A_343 = arith.constant 1 : i32
        %while3A_344 = arith.divsi %while3A_341, %while3A_343 : i32
        %while3A_345 = arith.muli %while3A_344, %while3A_343 : i32
        %while3A_346 = arith.addi %while3A_339, %while3A_345 : i32
        %while3A_347 = arith.constant 1 : i32
        %while3A_348:9 = scf.for %while3A_353 = %while3A_339 to %while3A_346 step %while3A_347 iter_args(%while3A_354 = %while3A_340, %while3A_355 = %broadcast_in_dim3A_336, %while3A_356 = %broadcast_in_dim3A_336, %while3A_357 = %broadcast_in_dim3A_336, %while3A_358 = %broadcast_in_dim3A_336, %while3A_359 = %broadcast_in_dim3A_338, %while3A_360 = %broadcast_in_dim3A_338, %while3A_361 = %broadcast_in_dim3A_338, %while3A_362 = %broadcast_in_dim3A_338) -> (i32, vector<16xf32>, vector<16xf32>, vector<16xf32>, vector<16xf32>, vector<16xf32>, vector<16xf32>, vector<16xf32>, vector<16xf32>)  : i32 {
          %jit3A_363 = arith.constant 4 : i32
          %eq3A = arith.constant 0 : i32
          %eq3A_364 = arith.cmpi eq, %jit3A_363, %eq3A : i32
          %jit3A_365 = arith.constant 1 : i32
          %select_n3A_366 = arith.select %eq3A_364, %jit3A_365, %jit3A_363 : i32
          %rem3A_367 = arith.remsi %while3A_353, %select_n3A_366 : i32
          %ne3A_368 = arith.constant 0 : i32
          %ne3A_369 = arith.cmpi ne, %rem3A_367, %ne3A_368 : i32
          %lt3A_370 = arith.constant 0 : i32
          %lt3A_371 = arith.cmpi slt, %rem3A_367, %lt3A_370 : i32
          %lt3A_372 = arith.constant 0 : i32
          %lt3A_373 = arith.cmpi slt, %select_n3A_366, %lt3A_372 : i32
          %ne3A_374 = arith.xori %lt3A_371, %lt3A_373 : i1
          %and3A_375 = arith.andi %ne3A_374, %ne3A_369 : i1
          %add3A_376 = arith.addi %rem3A_367, %select_n3A_366 : i32
          %select_n3A_377 = arith.select %and3A_375, %add3A_376, %rem3A_367 : i32
          %mul3A_378 = arith.constant 128 : i32
          %mul3A_379 = arith.muli %select_n3A_377, %mul3A_378 : i32
          %add3A_380 = arith.constant 3 : i32
          %add3A_381 = arith.addi %while3A_353, %add3A_380 : i32
          %jit3A_382 = arith.constant 4 : i32
          %eq3A_383 = arith.constant 0 : i32
          %eq3A_384 = arith.cmpi eq, %jit3A_382, %eq3A_383 : i32
          %jit3A_385 = arith.constant 1 : i32
          %select_n3A_386 = arith.select %eq3A_384, %jit3A_385, %jit3A_382 : i32
          %rem3A_387 = arith.remsi %add3A_381, %select_n3A_386 : i32
          %ne3A_388 = arith.constant 0 : i32
          %ne3A_389 = arith.cmpi ne, %rem3A_387, %ne3A_388 : i32
          %lt3A_390 = arith.constant 0 : i32
          %lt3A_391 = arith.cmpi slt, %rem3A_387, %lt3A_390 : i32
          %lt3A_392 = arith.constant 0 : i32
          %lt3A_393 = arith.cmpi slt, %select_n3A_386, %lt3A_392 : i32
          %ne3A_394 = arith.xori %lt3A_391, %lt3A_393 : i1
          %and3A_395 = arith.andi %ne3A_394, %ne3A_389 : i1
          %add3A_396 = arith.addi %rem3A_387, %select_n3A_386 : i32
          %select_n3A_397 = arith.select %and3A_395, %add3A_396, %rem3A_387 : i32
          %mul3A_398 = arith.constant 128 : i32
          %mul3A_399 = arith.muli %select_n3A_397, %mul3A_398 : i32
          %add3A_400 = arith.constant 3 : i32
          %add3A_401 = arith.addi %while3A_353, %add3A_400 : i32
          %lt3A_402 = arith.cmpi slt, %add3A_401, %select_n3A_319 : i32
          %convert_element_type3A_403 = arith.extui %lt3A_402 : i1 to i32
          %cond3A_404 = arith.constant 0 : i32
          %cond3A_405 = arith.cmpi ne, %convert_element_type3A_403, %cond3A_404 : i32
          scf.if %cond3A_405 {
            %add3A_428 = arith.constant 3 : i32
            %add3A_429 = arith.addi %while3A_353, %add3A_428 : i32
            %mul3A_430 = arith.constant 128 : i32
            %mul3A_431 = arith.muli %add3A_429, %mul3A_430 : i32
            %dma_start3A_432 = arith.constant 0 : i32
            %dma_start3A_433 = tpu.memref_slice %arg17[%mul3A_399, %dma_start3A_432] : memref<512x64xf32, #tpu.memory_space<vmem>> -> memref<128x64xf32, #tpu.memory_space<vmem>>
            %dma_start3A_434 = tpu.memref_slice %arg13[%mul3A_431] : memref<6192xi32, #tpu.memory_space<vmem>> -> memref<128xi32, #tpu.memory_space<vmem>>
            %dma_start3A_435 = arith.constant 0 : i32
            %dma_start3A_436 = arith.constant 0 : i32
            %dma_start3A_437 = tpu.memref_slice %arg4[%dma_start3A_435, %dma_start3A_436] : memref<10240x64xf32, #tpu.memory_space<hbm>> -> memref<10240x64xf32, #tpu.memory_space<hbm>>
            tpu.enqueue_indirect_dma source(%dma_start3A_437 : memref<10240x64xf32, #tpu.memory_space<hbm>>) target(%dma_start3A_433 : memref<128x64xf32, #tpu.memory_space<vmem>>) offsets(%dma_start3A_434 : memref<128xi32, #tpu.memory_space<vmem>>) semaphore(%arg20 : memref<!tpu.dma_semaphore, #tpu.memory_space<semaphore_mem>>)
          } else {
          }
          %dma_wait3A_406 = arith.constant 0 : i32
          %dma_wait3A_407 = tpu.memref_slice %arg17[%mul3A_379, %dma_wait3A_406] : memref<512x64xf32, #tpu.memory_space<vmem>> -> memref<128x64xf32, #tpu.memory_space<vmem>>
          %dma_wait3A_408 = arith.constant 0 : i32
          %dma_wait3A_409 = arith.constant 0 : i32
          %dma_wait3A_410 = tpu.memref_slice %arg4[%dma_wait3A_408, %dma_wait3A_409] : memref<10240x64xf32, #tpu.memory_space<hbm>> -> memref<128x64xf32, #tpu.memory_space<hbm>>
          %dma_wait3A_411 = arith.constant 0 : i32
          %dma_wait3A_412 = tpu.memref_slice %arg17[%mul3A_379, %dma_wait3A_411] : memref<512x64xf32, #tpu.memory_space<vmem>> -> memref<128x64xf32, #tpu.memory_space<vmem>>
          %dma_wait3A_413 = arith.constant 0 : i32
          %dma_wait3A_414 = arith.constant 0 : i32
          %dma_wait3A_415 = tpu.memref_slice %arg4[%dma_wait3A_413, %dma_wait3A_414] : memref<10240x64xf32, #tpu.memory_space<hbm>> -> memref<128x64xf32, #tpu.memory_space<hbm>>
          tpu.wait_dma2 semaphore(%arg20 : memref<!tpu.dma_semaphore, #tpu.memory_space<semaphore_mem>>) src(%dma_wait3A_415 : memref<128x64xf32, #tpu.memory_space<hbm>>) dst(%dma_wait3A_412 : memref<128x64xf32, #tpu.memory_space<vmem>>)
          %mul3A_416 = arith.constant 128 : i32
          %mul3A_417 = arith.muli %while3A_353, %mul3A_416 : i32
          %sub3A_418 = arith.subi %squeeze3A_227, %mul3A_417 : i32
          %min3A = arith.constant 128 : i32
          %min3A_419 = arith.minsi %min3A, %sub3A_418 : i32
          %add3A_420 = arith.addi %mul3A_417, %min3A_419 : i32
          %while3A_421:9 = scf.while (%while3A_428 = %while3A_354, %while3A_429 = %while3A_355, %while3A_430 = %while3A_356, %while3A_431 = %while3A_357, %while3A_432 = %while3A_358, %while3A_433 = %while3A_359, %while3A_434 = %while3A_360, %while3A_435 = %while3A_361, %while3A_436 = %while3A_362) : (i32, vector<16xf32>, vector<16xf32>, vector<16xf32>, vector<16xf32>, vector<16xf32>, vector<16xf32>, vector<16xf32>, vector<16xf32>) -> (i32, vector<16xf32>, vector<16xf32>, vector<16xf32>, vector<16xf32>, vector<16xf32>, vector<16xf32>, vector<16xf32>, vector<16xf32>) {
            %lt3A_437 = arith.constant 320 : i32
            %lt3A_438 = arith.cmpi slt, %while3A_428, %lt3A_437 : i32
            %add3A_439 = arith.constant 1 : i32
            %add3A_440 = arith.addi %while3A_428, %add3A_439 : i32
            %get3A = arith.index_cast %add3A_440 : i32 to index
            %get3A_441 = tpu.vector_load %arg15[%get3A] {strides = array<i32>} : memref<352xi32, #tpu.memory_space<vmem>>, vector<16xi32>,
            %slice3A_442 = vector.extract_strided_slice %get3A_441 {offsets = [0], sizes = [1], strides = [1]} : vector<16xi32> to vector<1xi32>
            %squeeze3A_443 = vector.extract %slice3A_442[0] : i32 from vector<1xi32>
            %le3A = arith.cmpi sle, %squeeze3A_443, %add3A_420 : i32
            %and3A_444 = arith.andi %lt3A_438, %le3A : i1
            scf.condition(%and3A_444) %while3A_428, %while3A_429, %while3A_430, %while3A_431, %while3A_432, %while3A_433, %while3A_434, %while3A_435, %while3A_436 : i32, vector<16xf32>, vector<16xf32>, vector<16xf32>, vector<16xf32>, vector<16xf32>, vector<16xf32>, vector<16xf32>, vector<16xf32>
          } do {
          ^bb0(%while3A_428: i32, %while3A_429: vector<16xf32>, %while3A_430: vector<16xf32>, %while3A_431: vector<16xf32>, %while3A_432: vector<16xf32>, %while3A_433: vector<16xf32>, %while3A_434: vector<16xf32>, %while3A_435: vector<16xf32>, %while3A_436: vector<16xf32>):
            %get3A = arith.index_cast %while3A_428 : i32 to index
            %get3A_437 = tpu.vector_load %arg15[%get3A] {strides = array<i32>} : memref<352xi32, #tpu.memory_space<vmem>>, vector<16xi32>,
            %slice3A_438 = vector.extract_strided_slice %get3A_437 {offsets = [0], sizes = [1], strides = [1]} : vector<16xi32> to vector<1xi32>
            %squeeze3A_439 = vector.extract %slice3A_438[0] : i32 from vector<1xi32>
            %add3A_440 = arith.constant 1 : i32
            %add3A_441 = arith.addi %while3A_428, %add3A_440 : i32
            %get3A_442 = arith.index_cast %add3A_441 : i32 to index
            %get3A_443 = tpu.vector_load %arg15[%get3A_442] {strides = array<i32>} : memref<352xi32, #tpu.memory_space<vmem>>, vector<16xi32>,
            %slice3A_444 = vector.extract_strided_slice %get3A_443 {offsets = [0], sizes = [1], strides = [1]} : vector<16xi32> to vector<1xi32>
            %squeeze3A_445 = vector.extract %slice3A_444[0] : i32 from vector<1xi32>
            %max3A = arith.maxsi %squeeze3A_439, %mul3A_417 : i32
            %while3A_446 = arith.subi %squeeze3A_445, %max3A : i32
            %while3A_447 = arith.addi %max3A, %while3A_446 : i32
            %while3A_448 = arith.constant 1 : i32
            %while3A_449 = arith.divsi %while3A_446, %while3A_448 : i32
            %while3A_450 = arith.muli %while3A_449, %while3A_448 : i32
            %while3A_451 = arith.addi %max3A, %while3A_450 : i32
            %while3A_452 = arith.constant 1 : i32
            %while3A_453:8 = scf.for %while3A_524 = %max3A to %while3A_451 step %while3A_452 iter_args(%while3A_525 = %while3A_429, %while3A_526 = %while3A_430, %while3A_527 = %while3A_431, %while3A_528 = %while3A_432, %while3A_529 = %while3A_433, %while3A_530 = %while3A_434, %while3A_531 = %while3A_435, %while3A_532 = %while3A_436) -> (vector<16xf32>, vector<16xf32>, vector<16xf32>, vector<16xf32>, vector<16xf32>, vector<16xf32>, vector<16xf32>, vector<16xf32>)  : i32 {
              %add3A_533 = arith.addi %mul3A_379, %while3A_524 : i32
              %sub3A_534 = arith.subi %add3A_533, %mul3A_417 : i32
              %get3A_535 = arith.index_cast %sub3A_534 : i32 to index
              %get3A_536 = arith.constant 0 : index
              %get3A_537 = tpu.vector_load %arg17[%get3A_535, %get3A_536] {strides = array<i32>} : memref<512x64xf32, #tpu.memory_space<vmem>>, vector<16xf32>,
              %get3A_538 = arith.index_cast %sub3A_534 : i32 to index
              %get3A_539 = arith.constant 16 : index
              %get3A_540 = tpu.vector_load %arg17[%get3A_538, %get3A_539] {strides = array<i32>} : memref<512x64xf32, #tpu.memory_space<vmem>>, vector<16xf32>,
              %get3A_541 = arith.index_cast %sub3A_534 : i32 to index
              %get3A_542 = arith.constant 32 : index
              %get3A_543 = tpu.vector_load %arg17[%get3A_541, %get3A_542] {strides = array<i32>} : memref<512x64xf32, #tpu.memory_space<vmem>>, vector<16xf32>,
              %get3A_544 = arith.index_cast %sub3A_534 : i32 to index
              %get3A_545 = arith.constant 48 : index
              %get3A_546 = tpu.vector_load %arg17[%get3A_544, %get3A_545] {strides = array<i32>} : memref<512x64xf32, #tpu.memory_space<vmem>>, vector<16xf32>,
              %add3A_547 = arith.addf %while3A_525, %get3A_537 : vector<16xf32>
              %add3A_548 = arith.addf %while3A_526, %get3A_540 : vector<16xf32>
              %add3A_549 = arith.addf %while3A_527, %get3A_543 : vector<16xf32>
              %add3A_550 = arith.addf %while3A_528, %get3A_546 : vector<16xf32>
              %max3A_551 = arith.maximumf %while3A_529, %get3A_537 : vector<16xf32>
              %max3A_552 = arith.maximumf %while3A_530, %get3A_540 : vector<16xf32>
              %max3A_553 = arith.maximumf %while3A_531, %get3A_543 : vector<16xf32>
              %max3A_554 = arith.maximumf %while3A_532, %get3A_546 : vector<16xf32>
              scf.yield %add3A_547, %add3A_548, %add3A_549, %add3A_550, %max3A_551, %max3A_552, %max3A_553, %max3A_554 : vector<16xf32>, vector<16xf32>, vector<16xf32>, vector<16xf32>, vector<16xf32>, vector<16xf32>, vector<16xf32>, vector<16xf32>
            }
            %while3A_454 = arith.constant 1 : i32
            %while3A_455:8 = scf.for %while3A_524 = %while3A_451 to %while3A_447 step %while3A_454 iter_args(%while3A_525 = %while3A_453#0, %while3A_526 = %while3A_453#1, %while3A_527 = %while3A_453#2, %while3A_528 = %while3A_453#3, %while3A_529 = %while3A_453#4, %while3A_530 = %while3A_453#5, %while3A_531 = %while3A_453#6, %while3A_532 = %while3A_453#7) -> (vector<16xf32>, vector<16xf32>, vector<16xf32>, vector<16xf32>, vector<16xf32>, vector<16xf32>, vector<16xf32>, vector<16xf32>)  : i32 {
              %add3A_533 = arith.addi %mul3A_379, %while3A_524 : i32
              %sub3A_534 = arith.subi %add3A_533, %mul3A_417 : i32
              %get3A_535 = arith.index_cast %sub3A_534 : i32 to index
              %get3A_536 = arith.constant 0 : index
              %get3A_537 = tpu.vector_load %arg17[%get3A_535, %get3A_536] {strides = array<i32>} : memref<512x64xf32, #tpu.memory_space<vmem>>, vector<16xf32>,
              %get3A_538 = arith.index_cast %sub3A_534 : i32 to index
              %get3A_539 = arith.constant 16 : index
              %get3A_540 = tpu.vector_load %arg17[%get3A_538, %get3A_539] {strides = array<i32>} : memref<512x64xf32, #tpu.memory_space<vmem>>, vector<16xf32>,
              %get3A_541 = arith.index_cast %sub3A_534 : i32 to index
              %get3A_542 = arith.constant 32 : index
              %get3A_543 = tpu.vector_load %arg17[%get3A_541, %get3A_542] {strides = array<i32>} : memref<512x64xf32, #tpu.memory_space<vmem>>, vector<16xf32>,
              %get3A_544 = arith.index_cast %sub3A_534 : i32 to index
              %get3A_545 = arith.constant 48 : index
              %get3A_546 = tpu.vector_load %arg17[%get3A_544, %get3A_545] {strides = array<i32>} : memref<512x64xf32, #tpu.memory_space<vmem>>, vector<16xf32>,
              %add3A_547 = arith.addf %while3A_525, %get3A_537 : vector<16xf32>
              %add3A_548 = arith.addf %while3A_526, %get3A_540 : vector<16xf32>
              %add3A_549 = arith.addf %while3A_527, %get3A_543 : vector<16xf32>
              %add3A_550 = arith.addf %while3A_528, %get3A_546 : vector<16xf32>
              %max3A_551 = arith.maximumf %while3A_529, %get3A_537 : vector<16xf32>
              %max3A_552 = arith.maximumf %while3A_530, %get3A_540 : vector<16xf32>
              %max3A_553 = arith.maximumf %while3A_531, %get3A_543 : vector<16xf32>
              %max3A_554 = arith.maximumf %while3A_532, %get3A_546 : vector<16xf32>
              scf.yield %add3A_547, %add3A_548, %add3A_549, %add3A_550, %max3A_551, %max3A_552, %max3A_553, %max3A_554 : vector<16xf32>, vector<16xf32>, vector<16xf32>, vector<16xf32>, vector<16xf32>, vector<16xf32>, vector<16xf32>, vector<16xf32>
            }
            %get3A_456 = arith.index_cast %while3A_428 : i32 to index
            %get3A_457 = arith.constant 0 : index
            %get3A_458 = tpu.vector_load %arg18[%get3A_456, %get3A_457] {strides = array<i32>} : memref<321x80xf32, #tpu.memory_space<vmem>>, vector<16xf32>,
            %add3A_459 = arith.addf %get3A_458, %while3A_455#0 : vector<16xf32>
            %swap3A_460 = arith.index_cast %while3A_428 : i32 to index
            %swap3A_461 = arith.constant 0 : index
            %swap3A_462 = tpu.vector_load %arg18[%swap3A_460, %swap3A_461] {strides = array<i32>} : memref<321x80xf32, #tpu.memory_space<vmem>>, vector<16xf32>,
            tpu.vector_store %arg18[%swap3A_460, %swap3A_461], %add3A_459 {strides = array<i32>} : memref<321x80xf32, #tpu.memory_space<vmem>>, vector<16xf32>,
            %get3A_463 = arith.index_cast %while3A_428 : i32 to index
            %get3A_464 = arith.constant 16 : index
            %get3A_465 = tpu.vector_load %arg18[%get3A_463, %get3A_464] {strides = array<i32>} : memref<321x80xf32, #tpu.memory_space<vmem>>, vector<16xf32>,
            %add3A_466 = arith.addf %get3A_465, %while3A_455#1 : vector<16xf32>
            %swap3A_467 = arith.index_cast %while3A_428 : i32 to index
            %swap3A_468 = arith.constant 16 : index
            %swap3A_469 = tpu.vector_load %arg18[%swap3A_467, %swap3A_468] {strides = array<i32>} : memref<321x80xf32, #tpu.memory_space<vmem>>, vector<16xf32>,
            tpu.vector_store %arg18[%swap3A_467, %swap3A_468], %add3A_466 {strides = array<i32>} : memref<321x80xf32, #tpu.memory_space<vmem>>, vector<16xf32>,
            %get3A_470 = arith.index_cast %while3A_428 : i32 to index
            %get3A_471 = arith.constant 32 : index
            %get3A_472 = tpu.vector_load %arg18[%get3A_470, %get3A_471] {strides = array<i32>} : memref<321x80xf32, #tpu.memory_space<vmem>>, vector<16xf32>,
            %add3A_473 = arith.addf %get3A_472, %while3A_455#2 : vector<16xf32>
            %swap3A_474 = arith.index_cast %while3A_428 : i32 to index
            %swap3A_475 = arith.constant 32 : index
            %swap3A_476 = tpu.vector_load %arg18[%swap3A_474, %swap3A_475] {strides = array<i32>} : memref<321x80xf32, #tpu.memory_space<vmem>>, vector<16xf32>,
            tpu.vector_store %arg18[%swap3A_474, %swap3A_475], %add3A_473 {strides = array<i32>} : memref<321x80xf32, #tpu.memory_space<vmem>>, vector<16xf32>,
            %get3A_477 = arith.index_cast %while3A_428 : i32 to index
            %get3A_478 = arith.constant 48 : index
            %get3A_479 = tpu.vector_load %arg18[%get3A_477, %get3A_478] {strides = array<i32>} : memref<321x80xf32, #tpu.memory_space<vmem>>, vector<16xf32>,
            %add3A_480 = arith.addf %get3A_479, %while3A_455#3 : vector<16xf32>
            %swap3A_481 = arith.index_cast %while3A_428 : i32 to index
            %swap3A_482 = arith.constant 48 : index
            %swap3A_483 = tpu.vector_load %arg18[%swap3A_481, %swap3A_482] {strides = array<i32>} : memref<321x80xf32, #tpu.memory_space<vmem>>, vector<16xf32>,
            tpu.vector_store %arg18[%swap3A_481, %swap3A_482], %add3A_480 {strides = array<i32>} : memref<321x80xf32, #tpu.memory_space<vmem>>, vector<16xf32>,
            %get3A_484 = arith.index_cast %while3A_428 : i32 to index
            %get3A_485 = arith.constant 0 : index
            %get3A_486 = tpu.vector_load %arg19[%get3A_484, %get3A_485] {strides = array<i32>} : memref<321x64xf32, #tpu.memory_space<vmem>>, vector<16xf32>,
            %max3A_487 = arith.maximumf %get3A_486, %while3A_455#4 : vector<16xf32>
            %swap3A_488 = arith.index_cast %while3A_428 : i32 to index
            %swap3A_489 = arith.constant 0 : index
            %swap3A_490 = tpu.vector_load %arg19[%swap3A_488, %swap3A_489] {strides = array<i32>} : memref<321x64xf32, #tpu.memory_space<vmem>>, vector<16xf32>,
            tpu.vector_store %arg19[%swap3A_488, %swap3A_489], %max3A_487 {strides = array<i32>} : memref<321x64xf32, #tpu.memory_space<vmem>>, vector<16xf32>,
            %get3A_491 = arith.index_cast %while3A_428 : i32 to index
            %get3A_492 = arith.constant 16 : index
            %get3A_493 = tpu.vector_load %arg19[%get3A_491, %get3A_492] {strides = array<i32>} : memref<321x64xf32, #tpu.memory_space<vmem>>, vector<16xf32>,
            %max3A_494 = arith.maximumf %get3A_493, %while3A_455#5 : vector<16xf32>
            %swap3A_495 = arith.index_cast %while3A_428 : i32 to index
            %swap3A_496 = arith.constant 16 : index
            %swap3A_497 = tpu.vector_load %arg19[%swap3A_495, %swap3A_496] {strides = array<i32>} : memref<321x64xf32, #tpu.memory_space<vmem>>, vector<16xf32>,
            tpu.vector_store %arg19[%swap3A_495, %swap3A_496], %max3A_494 {strides = array<i32>} : memref<321x64xf32, #tpu.memory_space<vmem>>, vector<16xf32>,
            %get3A_498 = arith.index_cast %while3A_428 : i32 to index
            %get3A_499 = arith.constant 32 : index
            %get3A_500 = tpu.vector_load %arg19[%get3A_498, %get3A_499] {strides = array<i32>} : memref<321x64xf32, #tpu.memory_space<vmem>>, vector<16xf32>,
            %max3A_501 = arith.maximumf %get3A_500, %while3A_455#6 : vector<16xf32>
            %swap3A_502 = arith.index_cast %while3A_428 : i32 to index
            %swap3A_503 = arith.constant 32 : index
            %swap3A_504 = tpu.vector_load %arg19[%swap3A_502, %swap3A_503] {strides = array<i32>} : memref<321x64xf32, #tpu.memory_space<vmem>>, vector<16xf32>,
            tpu.vector_store %arg19[%swap3A_502, %swap3A_503], %max3A_501 {strides = array<i32>} : memref<321x64xf32, #tpu.memory_space<vmem>>, vector<16xf32>,
            %get3A_505 = arith.index_cast %while3A_428 : i32 to index
            %get3A_506 = arith.constant 48 : index
            %get3A_507 = tpu.vector_load %arg19[%get3A_505, %get3A_506] {strides = array<i32>} : memref<321x64xf32, #tpu.memory_space<vmem>>, vector<16xf32>,
            %max3A_508 = arith.maximumf %get3A_507, %while3A_455#7 : vector<16xf32>
            %swap3A_509 = arith.index_cast %while3A_428 : i32 to index
            %swap3A_510 = arith.constant 48 : index
            %swap3A_511 = tpu.vector_load %arg19[%swap3A_509, %swap3A_510] {strides = array<i32>} : memref<321x64xf32, #tpu.memory_space<vmem>>, vector<16xf32>,
            tpu.vector_store %arg19[%swap3A_509, %swap3A_510], %max3A_508 {strides = array<i32>} : memref<321x64xf32, #tpu.memory_space<vmem>>, vector<16xf32>,
            %sub3A_512 = arith.subi %squeeze3A_445, %squeeze3A_439 : i32
            %convert_element_type3A_513 = arith.sitofp %sub3A_512 : i32 to f32
            %get3A_514 = arith.index_cast %while3A_428 : i32 to index
            %get3A_515 = arith.constant 64 : index
            %get3A_516 = tpu.vector_load %arg18[%get3A_514, %get3A_515] {strides = array<i32>} : memref<321x80xf32, #tpu.memory_space<vmem>>, vector<16xf32>,
            %add3A_517 = vector.broadcast %convert_element_type3A_513 : f32 to vector<16xf32>
            %add3A_518 = arith.addf %get3A_516, %add3A_517 : vector<16xf32>
            %swap3A_519 = arith.index_cast %while3A_428 : i32 to index
            %swap3A_520 = arith.constant 64 : index
            %swap3A_521 = tpu.vector_load %arg18[%swap3A_519, %swap3A_520] {strides = array<i32>} : memref<321x80xf32, #tpu.memory_space<vmem>>, vector<16xf32>,
            tpu.vector_store %arg18[%swap3A_519, %swap3A_520], %add3A_518 {strides = array<i32>} : memref<321x80xf32, #tpu.memory_space<vmem>>, vector<16xf32>,
            %add3A_522 = arith.constant 1 : i32
            %add3A_523 = arith.addi %while3A_428, %add3A_522 : i32
            scf.yield %add3A_523, %broadcast_in_dim3A_336, %broadcast_in_dim3A_336, %broadcast_in_dim3A_336, %broadcast_in_dim3A_336, %broadcast_in_dim3A_338, %broadcast_in_dim3A_338, %broadcast_in_dim3A_338, %broadcast_in_dim3A_338 : i32, vector<16xf32>, vector<16xf32>, vector<16xf32>, vector<16xf32>, vector<16xf32>, vector<16xf32>, vector<16xf32>, vector<16xf32>
          }
          %lt3A_422 = arith.constant 320 : i32
          %lt3A_423 = arith.cmpi slt, %while3A_421#0, %lt3A_422 : i32
          %convert_element_type3A_424 = arith.extui %lt3A_423 : i1 to i32
          %cond3A_425 = arith.constant 0 : i32
          %cond3A_426 = arith.cmpi ne, %convert_element_type3A_424, %cond3A_425 : i32
          %cond3A_427:8 = scf.if %cond3A_426 -> (vector<16xf32>, vector<16xf32>, vector<16xf32>, vector<16xf32>, vector<16xf32>, vector<16xf32>, vector<16xf32>, vector<16xf32>) {
            %get3A = arith.index_cast %while3A_421#0 : i32 to index
            %get3A_428 = tpu.vector_load %arg15[%get3A] {strides = array<i32>} : memref<352xi32, #tpu.memory_space<vmem>>, vector<16xi32>,
            %slice3A_429 = vector.extract_strided_slice %get3A_428 {offsets = [0], sizes = [1], strides = [1]} : vector<16xi32> to vector<1xi32>
            %squeeze3A_430 = vector.extract %slice3A_429[0] : i32 from vector<1xi32>
            %max3A = arith.maxsi %squeeze3A_430, %mul3A_417 : i32
            %while3A_431 = arith.subi %add3A_420, %max3A : i32
            %while3A_432 = arith.addi %max3A, %while3A_431 : i32
            %while3A_433 = arith.constant 1 : i32
            %while3A_434 = arith.divsi %while3A_431, %while3A_433 : i32
            %while3A_435 = arith.muli %while3A_434, %while3A_433 : i32
            %while3A_436 = arith.addi %max3A, %while3A_435 : i32
            %while3A_437 = arith.constant 1 : i32
            %while3A_438:8 = scf.for %while3A_441 = %max3A to %while3A_436 step %while3A_437 iter_args(%while3A_442 = %while3A_421#1, %while3A_443 = %while3A_421#2, %while3A_444 = %while3A_421#3, %while3A_445 = %while3A_421#4, %while3A_446 = %while3A_421#5, %while3A_447 = %while3A_421#6, %while3A_448 = %while3A_421#7, %while3A_449 = %while3A_421#8) -> (vector<16xf32>, vector<16xf32>, vector<16xf32>, vector<16xf32>, vector<16xf32>, vector<16xf32>, vector<16xf32>, vector<16xf32>)  : i32 {
              %add3A_450 = arith.addi %mul3A_379, %while3A_441 : i32
              %sub3A_451 = arith.subi %add3A_450, %mul3A_417 : i32
              %get3A_452 = arith.index_cast %sub3A_451 : i32 to index
              %get3A_453 = arith.constant 0 : index
              %get3A_454 = tpu.vector_load %arg17[%get3A_452, %get3A_453] {strides = array<i32>} : memref<512x64xf32, #tpu.memory_space<vmem>>, vector<16xf32>,
              %get3A_455 = arith.index_cast %sub3A_451 : i32 to index
              %get3A_456 = arith.constant 16 : index
              %get3A_457 = tpu.vector_load %arg17[%get3A_455, %get3A_456] {strides = array<i32>} : memref<512x64xf32, #tpu.memory_space<vmem>>, vector<16xf32>,
              %get3A_458 = arith.index_cast %sub3A_451 : i32 to index
              %get3A_459 = arith.constant 32 : index
              %get3A_460 = tpu.vector_load %arg17[%get3A_458, %get3A_459] {strides = array<i32>} : memref<512x64xf32, #tpu.memory_space<vmem>>, vector<16xf32>,
              %get3A_461 = arith.index_cast %sub3A_451 : i32 to index
              %get3A_462 = arith.constant 48 : index
              %get3A_463 = tpu.vector_load %arg17[%get3A_461, %get3A_462] {strides = array<i32>} : memref<512x64xf32, #tpu.memory_space<vmem>>, vector<16xf32>,
              %add3A_464 = arith.addf %while3A_442, %get3A_454 : vector<16xf32>
              %add3A_465 = arith.addf %while3A_443, %get3A_457 : vector<16xf32>
              %add3A_466 = arith.addf %while3A_444, %get3A_460 : vector<16xf32>
              %add3A_467 = arith.addf %while3A_445, %get3A_463 : vector<16xf32>
              %max3A_468 = arith.maximumf %while3A_446, %get3A_454 : vector<16xf32>
              %max3A_469 = arith.maximumf %while3A_447, %get3A_457 : vector<16xf32>
              %max3A_470 = arith.maximumf %while3A_448, %get3A_460 : vector<16xf32>
              %max3A_471 = arith.maximumf %while3A_449, %get3A_463 : vector<16xf32>
              scf.yield %add3A_464, %add3A_465, %add3A_466, %add3A_467, %max3A_468, %max3A_469, %max3A_470, %max3A_471 : vector<16xf32>, vector<16xf32>, vector<16xf32>, vector<16xf32>, vector<16xf32>, vector<16xf32>, vector<16xf32>, vector<16xf32>
            }
            %while3A_439 = arith.constant 1 : i32
            %while3A_440:8 = scf.for %while3A_441 = %while3A_436 to %while3A_432 step %while3A_439 iter_args(%while3A_442 = %while3A_438#0, %while3A_443 = %while3A_438#1, %while3A_444 = %while3A_438#2, %while3A_445 = %while3A_438#3, %while3A_446 = %while3A_438#4, %while3A_447 = %while3A_438#5, %while3A_448 = %while3A_438#6, %while3A_449 = %while3A_438#7) -> (vector<16xf32>, vector<16xf32>, vector<16xf32>, vector<16xf32>, vector<16xf32>, vector<16xf32>, vector<16xf32>, vector<16xf32>)  : i32 {
              %add3A_450 = arith.addi %mul3A_379, %while3A_441 : i32
              %sub3A_451 = arith.subi %add3A_450, %mul3A_417 : i32
              %get3A_452 = arith.index_cast %sub3A_451 : i32 to index
              %get3A_453 = arith.constant 0 : index
              %get3A_454 = tpu.vector_load %arg17[%get3A_452, %get3A_453] {strides = array<i32>} : memref<512x64xf32, #tpu.memory_space<vmem>>, vector<16xf32>,
              %get3A_455 = arith.index_cast %sub3A_451 : i32 to index
              %get3A_456 = arith.constant 16 : index
              %get3A_457 = tpu.vector_load %arg17[%get3A_455, %get3A_456] {strides = array<i32>} : memref<512x64xf32, #tpu.memory_space<vmem>>, vector<16xf32>,
              %get3A_458 = arith.index_cast %sub3A_451 : i32 to index
              %get3A_459 = arith.constant 32 : index
              %get3A_460 = tpu.vector_load %arg17[%get3A_458, %get3A_459] {strides = array<i32>} : memref<512x64xf32, #tpu.memory_space<vmem>>, vector<16xf32>,
              %get3A_461 = arith.index_cast %sub3A_451 : i32 to index
              %get3A_462 = arith.constant 48 : index
              %get3A_463 = tpu.vector_load %arg17[%get3A_461, %get3A_462] {strides = array<i32>} : memref<512x64xf32, #tpu.memory_space<vmem>>, vector<16xf32>,
              %add3A_464 = arith.addf %while3A_442, %get3A_454 : vector<16xf32>
              %add3A_465 = arith.addf %while3A_443, %get3A_457 : vector<16xf32>
              %add3A_466 = arith.addf %while3A_444, %get3A_460 : vector<16xf32>
              %add3A_467 = arith.addf %while3A_445, %get3A_463 : vector<16xf32>
              %max3A_468 = arith.maximumf %while3A_446, %get3A_454 : vector<16xf32>
              %max3A_469 = arith.maximumf %while3A_447, %get3A_457 : vector<16xf32>
              %max3A_470 = arith.maximumf %while3A_448, %get3A_460 : vector<16xf32>
              %max3A_471 = arith.maximumf %while3A_449, %get3A_463 : vector<16xf32>
              scf.yield %add3A_464, %add3A_465, %add3A_466, %add3A_467, %max3A_468, %max3A_469, %max3A_470, %max3A_471 : vector<16xf32>, vector<16xf32>, vector<16xf32>, vector<16xf32>, vector<16xf32>, vector<16xf32>, vector<16xf32>, vector<16xf32>
            }
            scf.yield %while3A_440#0, %while3A_440#1, %while3A_440#2, %while3A_440#3, %while3A_440#4, %while3A_440#5, %while3A_440#6, %while3A_440#7 : vector<16xf32>, vector<16xf32>, vector<16xf32>, vector<16xf32>, vector<16xf32>, vector<16xf32>, vector<16xf32>, vector<16xf32>
          } else {
            scf.yield %while3A_421#1, %while3A_421#2, %while3A_421#3, %while3A_421#4, %while3A_421#5, %while3A_421#6, %while3A_421#7, %while3A_421#8 : vector<16xf32>, vector<16xf32>, vector<16xf32>, vector<16xf32>, vector<16xf32>, vector<16xf32>, vector<16xf32>, vector<16xf32>
          }
          scf.yield %while3A_421#0, %cond3A_427#0, %cond3A_427#1, %cond3A_427#2, %cond3A_427#3, %cond3A_427#4, %cond3A_427#5, %cond3A_427#6, %cond3A_427#7 : i32, vector<16xf32>, vector<16xf32>, vector<16xf32>, vector<16xf32>, vector<16xf32>, vector<16xf32>, vector<16xf32>, vector<16xf32>
        }
        %while3A_349 = arith.constant 1 : i32
        %while3A_350:9 = scf.for %while3A_353 = %while3A_346 to %while3A_342 step %while3A_349 iter_args(%while3A_354 = %while3A_348#0, %while3A_355 = %while3A_348#1, %while3A_356 = %while3A_348#2, %while3A_357 = %while3A_348#3, %while3A_358 = %while3A_348#4, %while3A_359 = %while3A_348#5, %while3A_360 = %while3A_348#6, %while3A_361 = %while3A_348#7, %while3A_362 = %while3A_348#8) -> (i32, vector<16xf32>, vector<16xf32>, vector<16xf32>, vector<16xf32>, vector<16xf32>, vector<16xf32>, vector<16xf32>, vector<16xf32>)  : i32 {
          %jit3A_363 = arith.constant 4 : i32
          %eq3A = arith.constant 0 : i32
          %eq3A_364 = arith.cmpi eq, %jit3A_363, %eq3A : i32
          %jit3A_365 = arith.constant 1 : i32
          %select_n3A_366 = arith.select %eq3A_364, %jit3A_365, %jit3A_363 : i32
          %rem3A_367 = arith.remsi %while3A_353, %select_n3A_366 : i32
          %ne3A_368 = arith.constant 0 : i32
          %ne3A_369 = arith.cmpi ne, %rem3A_367, %ne3A_368 : i32
          %lt3A_370 = arith.constant 0 : i32
          %lt3A_371 = arith.cmpi slt, %rem3A_367, %lt3A_370 : i32
          %lt3A_372 = arith.constant 0 : i32
          %lt3A_373 = arith.cmpi slt, %select_n3A_366, %lt3A_372 : i32
          %ne3A_374 = arith.xori %lt3A_371, %lt3A_373 : i1
          %and3A_375 = arith.andi %ne3A_374, %ne3A_369 : i1
          %add3A_376 = arith.addi %rem3A_367, %select_n3A_366 : i32
          %select_n3A_377 = arith.select %and3A_375, %add3A_376, %rem3A_367 : i32
          %mul3A_378 = arith.constant 128 : i32
          %mul3A_379 = arith.muli %select_n3A_377, %mul3A_378 : i32
          %add3A_380 = arith.constant 3 : i32
          %add3A_381 = arith.addi %while3A_353, %add3A_380 : i32
          %jit3A_382 = arith.constant 4 : i32
          %eq3A_383 = arith.constant 0 : i32
          %eq3A_384 = arith.cmpi eq, %jit3A_382, %eq3A_383 : i32
          %jit3A_385 = arith.constant 1 : i32
          %select_n3A_386 = arith.select %eq3A_384, %jit3A_385, %jit3A_382 : i32
          %rem3A_387 = arith.remsi %add3A_381, %select_n3A_386 : i32
          %ne3A_388 = arith.constant 0 : i32
          %ne3A_389 = arith.cmpi ne, %rem3A_387, %ne3A_388 : i32
          %lt3A_390 = arith.constant 0 : i32
          %lt3A_391 = arith.cmpi slt, %rem3A_387, %lt3A_390 : i32
          %lt3A_392 = arith.constant 0 : i32
          %lt3A_393 = arith.cmpi slt, %select_n3A_386, %lt3A_392 : i32
          %ne3A_394 = arith.xori %lt3A_391, %lt3A_393 : i1
          %and3A_395 = arith.andi %ne3A_394, %ne3A_389 : i1
          %add3A_396 = arith.addi %rem3A_387, %select_n3A_386 : i32
          %select_n3A_397 = arith.select %and3A_395, %add3A_396, %rem3A_387 : i32
          %mul3A_398 = arith.constant 128 : i32
          %mul3A_399 = arith.muli %select_n3A_397, %mul3A_398 : i32
          %add3A_400 = arith.constant 3 : i32
          %add3A_401 = arith.addi %while3A_353, %add3A_400 : i32
          %lt3A_402 = arith.cmpi slt, %add3A_401, %select_n3A_319 : i32
          %convert_element_type3A_403 = arith.extui %lt3A_402 : i1 to i32
          %cond3A_404 = arith.constant 0 : i32
          %cond3A_405 = arith.cmpi ne, %convert_element_type3A_403, %cond3A_404 : i32
          scf.if %cond3A_405 {
            %add3A_428 = arith.constant 3 : i32
            %add3A_429 = arith.addi %while3A_353, %add3A_428 : i32
            %mul3A_430 = arith.constant 128 : i32
            %mul3A_431 = arith.muli %add3A_429, %mul3A_430 : i32
            %dma_start3A_432 = arith.constant 0 : i32
            %dma_start3A_433 = tpu.memref_slice %arg17[%mul3A_399, %dma_start3A_432] : memref<512x64xf32, #tpu.memory_space<vmem>> -> memref<128x64xf32, #tpu.memory_space<vmem>>
            %dma_start3A_434 = tpu.memref_slice %arg13[%mul3A_431] : memref<6192xi32, #tpu.memory_space<vmem>> -> memref<128xi32, #tpu.memory_space<vmem>>
            %dma_start3A_435 = arith.constant 0 : i32
            %dma_start3A_436 = arith.constant 0 : i32
            %dma_start3A_437 = tpu.memref_slice %arg4[%dma_start3A_435, %dma_start3A_436] : memref<10240x64xf32, #tpu.memory_space<hbm>> -> memref<10240x64xf32, #tpu.memory_space<hbm>>
            tpu.enqueue_indirect_dma source(%dma_start3A_437 : memref<10240x64xf32, #tpu.memory_space<hbm>>) target(%dma_start3A_433 : memref<128x64xf32, #tpu.memory_space<vmem>>) offsets(%dma_start3A_434 : memref<128xi32, #tpu.memory_space<vmem>>) semaphore(%arg20 : memref<!tpu.dma_semaphore, #tpu.memory_space<semaphore_mem>>)
          } else {
          }
          %dma_wait3A_406 = arith.constant 0 : i32
          %dma_wait3A_407 = tpu.memref_slice %arg17[%mul3A_379, %dma_wait3A_406] : memref<512x64xf32, #tpu.memory_space<vmem>> -> memref<128x64xf32, #tpu.memory_space<vmem>>
          %dma_wait3A_408 = arith.constant 0 : i32
          %dma_wait3A_409 = arith.constant 0 : i32
          %dma_wait3A_410 = tpu.memref_slice %arg4[%dma_wait3A_408, %dma_wait3A_409] : memref<10240x64xf32, #tpu.memory_space<hbm>> -> memref<128x64xf32, #tpu.memory_space<hbm>>
          %dma_wait3A_411 = arith.constant 0 : i32
          %dma_wait3A_412 = tpu.memref_slice %arg17[%mul3A_379, %dma_wait3A_411] : memref<512x64xf32, #tpu.memory_space<vmem>> -> memref<128x64xf32, #tpu.memory_space<vmem>>
          %dma_wait3A_413 = arith.constant 0 : i32
          %dma_wait3A_414 = arith.constant 0 : i32
          %dma_wait3A_415 = tpu.memref_slice %arg4[%dma_wait3A_413, %dma_wait3A_414] : memref<10240x64xf32, #tpu.memory_space<hbm>> -> memref<128x64xf32, #tpu.memory_space<hbm>>
          tpu.wait_dma2 semaphore(%arg20 : memref<!tpu.dma_semaphore, #tpu.memory_space<semaphore_mem>>) src(%dma_wait3A_415 : memref<128x64xf32, #tpu.memory_space<hbm>>) dst(%dma_wait3A_412 : memref<128x64xf32, #tpu.memory_space<vmem>>)
          %mul3A_416 = arith.constant 128 : i32
          %mul3A_417 = arith.muli %while3A_353, %mul3A_416 : i32
          %sub3A_418 = arith.subi %squeeze3A_227, %mul3A_417 : i32
          %min3A = arith.constant 128 : i32
          %min3A_419 = arith.minsi %min3A, %sub3A_418 : i32
          %add3A_420 = arith.addi %mul3A_417, %min3A_419 : i32
          %while3A_421:9 = scf.while (%while3A_428 = %while3A_354, %while3A_429 = %while3A_355, %while3A_430 = %while3A_356, %while3A_431 = %while3A_357, %while3A_432 = %while3A_358, %while3A_433 = %while3A_359, %while3A_434 = %while3A_360, %while3A_435 = %while3A_361, %while3A_436 = %while3A_362) : (i32, vector<16xf32>, vector<16xf32>, vector<16xf32>, vector<16xf32>, vector<16xf32>, vector<16xf32>, vector<16xf32>, vector<16xf32>) -> (i32, vector<16xf32>, vector<16xf32>, vector<16xf32>, vector<16xf32>, vector<16xf32>, vector<16xf32>, vector<16xf32>, vector<16xf32>) {
            %lt3A_437 = arith.constant 320 : i32
            %lt3A_438 = arith.cmpi slt, %while3A_428, %lt3A_437 : i32
            %add3A_439 = arith.constant 1 : i32
            %add3A_440 = arith.addi %while3A_428, %add3A_439 : i32
            %get3A = arith.index_cast %add3A_440 : i32 to index
            %get3A_441 = tpu.vector_load %arg15[%get3A] {strides = array<i32>} : memref<352xi32, #tpu.memory_space<vmem>>, vector<16xi32>,
            %slice3A_442 = vector.extract_strided_slice %get3A_441 {offsets = [0], sizes = [1], strides = [1]} : vector<16xi32> to vector<1xi32>
            %squeeze3A_443 = vector.extract %slice3A_442[0] : i32 from vector<1xi32>
            %le3A = arith.cmpi sle, %squeeze3A_443, %add3A_420 : i32
            %and3A_444 = arith.andi %lt3A_438, %le3A : i1
            scf.condition(%and3A_444) %while3A_428, %while3A_429, %while3A_430, %while3A_431, %while3A_432, %while3A_433, %while3A_434, %while3A_435, %while3A_436 : i32, vector<16xf32>, vector<16xf32>, vector<16xf32>, vector<16xf32>, vector<16xf32>, vector<16xf32>, vector<16xf32>, vector<16xf32>
          } do {
          ^bb0(%while3A_428: i32, %while3A_429: vector<16xf32>, %while3A_430: vector<16xf32>, %while3A_431: vector<16xf32>, %while3A_432: vector<16xf32>, %while3A_433: vector<16xf32>, %while3A_434: vector<16xf32>, %while3A_435: vector<16xf32>, %while3A_436: vector<16xf32>):
            %get3A = arith.index_cast %while3A_428 : i32 to index
            %get3A_437 = tpu.vector_load %arg15[%get3A] {strides = array<i32>} : memref<352xi32, #tpu.memory_space<vmem>>, vector<16xi32>,
            %slice3A_438 = vector.extract_strided_slice %get3A_437 {offsets = [0], sizes = [1], strides = [1]} : vector<16xi32> to vector<1xi32>
            %squeeze3A_439 = vector.extract %slice3A_438[0] : i32 from vector<1xi32>
            %add3A_440 = arith.constant 1 : i32
            %add3A_441 = arith.addi %while3A_428, %add3A_440 : i32
            %get3A_442 = arith.index_cast %add3A_441 : i32 to index
            %get3A_443 = tpu.vector_load %arg15[%get3A_442] {strides = array<i32>} : memref<352xi32, #tpu.memory_space<vmem>>, vector<16xi32>,
            %slice3A_444 = vector.extract_strided_slice %get3A_443 {offsets = [0], sizes = [1], strides = [1]} : vector<16xi32> to vector<1xi32>
            %squeeze3A_445 = vector.extract %slice3A_444[0] : i32 from vector<1xi32>
            %max3A = arith.maxsi %squeeze3A_439, %mul3A_417 : i32
            %while3A_446 = arith.subi %squeeze3A_445, %max3A : i32
            %while3A_447 = arith.addi %max3A, %while3A_446 : i32
            %while3A_448 = arith.constant 1 : i32
            %while3A_449 = arith.divsi %while3A_446, %while3A_448 : i32
            %while3A_450 = arith.muli %while3A_449, %while3A_448 : i32
            %while3A_451 = arith.addi %max3A, %while3A_450 : i32
            %while3A_452 = arith.constant 1 : i32
            %while3A_453:8 = scf.for %while3A_524 = %max3A to %while3A_451 step %while3A_452 iter_args(%while3A_525 = %while3A_429, %while3A_526 = %while3A_430, %while3A_527 = %while3A_431, %while3A_528 = %while3A_432, %while3A_529 = %while3A_433, %while3A_530 = %while3A_434, %while3A_531 = %while3A_435, %while3A_532 = %while3A_436) -> (vector<16xf32>, vector<16xf32>, vector<16xf32>, vector<16xf32>, vector<16xf32>, vector<16xf32>, vector<16xf32>, vector<16xf32>)  : i32 {
              %add3A_533 = arith.addi %mul3A_379, %while3A_524 : i32
              %sub3A_534 = arith.subi %add3A_533, %mul3A_417 : i32
              %get3A_535 = arith.index_cast %sub3A_534 : i32 to index
              %get3A_536 = arith.constant 0 : index
              %get3A_537 = tpu.vector_load %arg17[%get3A_535, %get3A_536] {strides = array<i32>} : memref<512x64xf32, #tpu.memory_space<vmem>>, vector<16xf32>,
              %get3A_538 = arith.index_cast %sub3A_534 : i32 to index
              %get3A_539 = arith.constant 16 : index
              %get3A_540 = tpu.vector_load %arg17[%get3A_538, %get3A_539] {strides = array<i32>} : memref<512x64xf32, #tpu.memory_space<vmem>>, vector<16xf32>,
              %get3A_541 = arith.index_cast %sub3A_534 : i32 to index
              %get3A_542 = arith.constant 32 : index
              %get3A_543 = tpu.vector_load %arg17[%get3A_541, %get3A_542] {strides = array<i32>} : memref<512x64xf32, #tpu.memory_space<vmem>>, vector<16xf32>,
              %get3A_544 = arith.index_cast %sub3A_534 : i32 to index
              %get3A_545 = arith.constant 48 : index
              %get3A_546 = tpu.vector_load %arg17[%get3A_544, %get3A_545] {strides = array<i32>} : memref<512x64xf32, #tpu.memory_space<vmem>>, vector<16xf32>,
              %add3A_547 = arith.addf %while3A_525, %get3A_537 : vector<16xf32>
              %add3A_548 = arith.addf %while3A_526, %get3A_540 : vector<16xf32>
              %add3A_549 = arith.addf %while3A_527, %get3A_543 : vector<16xf32>
              %add3A_550 = arith.addf %while3A_528, %get3A_546 : vector<16xf32>
              %max3A_551 = arith.maximumf %while3A_529, %get3A_537 : vector<16xf32>
              %max3A_552 = arith.maximumf %while3A_530, %get3A_540 : vector<16xf32>
              %max3A_553 = arith.maximumf %while3A_531, %get3A_543 : vector<16xf32>
              %max3A_554 = arith.maximumf %while3A_532, %get3A_546 : vector<16xf32>
              scf.yield %add3A_547, %add3A_548, %add3A_549, %add3A_550, %max3A_551, %max3A_552, %max3A_553, %max3A_554 : vector<16xf32>, vector<16xf32>, vector<16xf32>, vector<16xf32>, vector<16xf32>, vector<16xf32>, vector<16xf32>, vector<16xf32>
            }
            %while3A_454 = arith.constant 1 : i32
            %while3A_455:8 = scf.for %while3A_524 = %while3A_451 to %while3A_447 step %while3A_454 iter_args(%while3A_525 = %while3A_453#0, %while3A_526 = %while3A_453#1, %while3A_527 = %while3A_453#2, %while3A_528 = %while3A_453#3, %while3A_529 = %while3A_453#4, %while3A_530 = %while3A_453#5, %while3A_531 = %while3A_453#6, %while3A_532 = %while3A_453#7) -> (vector<16xf32>, vector<16xf32>, vector<16xf32>, vector<16xf32>, vector<16xf32>, vector<16xf32>, vector<16xf32>, vector<16xf32>)  : i32 {
              %add3A_533 = arith.addi %mul3A_379, %while3A_524 : i32
              %sub3A_534 = arith.subi %add3A_533, %mul3A_417 : i32
              %get3A_535 = arith.index_cast %sub3A_534 : i32 to index
              %get3A_536 = arith.constant 0 : index
              %get3A_537 = tpu.vector_load %arg17[%get3A_535, %get3A_536] {strides = array<i32>} : memref<512x64xf32, #tpu.memory_space<vmem>>, vector<16xf32>,
              %get3A_538 = arith.index_cast %sub3A_534 : i32 to index
              %get3A_539 = arith.constant 16 : index
              %get3A_540 = tpu.vector_load %arg17[%get3A_538, %get3A_539] {strides = array<i32>} : memref<512x64xf32, #tpu.memory_space<vmem>>, vector<16xf32>,
              %get3A_541 = arith.index_cast %sub3A_534 : i32 to index
              %get3A_542 = arith.constant 32 : index
              %get3A_543 = tpu.vector_load %arg17[%get3A_541, %get3A_542] {strides = array<i32>} : memref<512x64xf32, #tpu.memory_space<vmem>>, vector<16xf32>,
              %get3A_544 = arith.index_cast %sub3A_534 : i32 to index
              %get3A_545 = arith.constant 48 : index
              %get3A_546 = tpu.vector_load %arg17[%get3A_544, %get3A_545] {strides = array<i32>} : memref<512x64xf32, #tpu.memory_space<vmem>>, vector<16xf32>,
              %add3A_547 = arith.addf %while3A_525, %get3A_537 : vector<16xf32>
              %add3A_548 = arith.addf %while3A_526, %get3A_540 : vector<16xf32>
              %add3A_549 = arith.addf %while3A_527, %get3A_543 : vector<16xf32>
              %add3A_550 = arith.addf %while3A_528, %get3A_546 : vector<16xf32>
              %max3A_551 = arith.maximumf %while3A_529, %get3A_537 : vector<16xf32>
              %max3A_552 = arith.maximumf %while3A_530, %get3A_540 : vector<16xf32>
              %max3A_553 = arith.maximumf %while3A_531, %get3A_543 : vector<16xf32>
              %max3A_554 = arith.maximumf %while3A_532, %get3A_546 : vector<16xf32>
              scf.yield %add3A_547, %add3A_548, %add3A_549, %add3A_550, %max3A_551, %max3A_552, %max3A_553, %max3A_554 : vector<16xf32>, vector<16xf32>, vector<16xf32>, vector<16xf32>, vector<16xf32>, vector<16xf32>, vector<16xf32>, vector<16xf32>
            }
            %get3A_456 = arith.index_cast %while3A_428 : i32 to index
            %get3A_457 = arith.constant 0 : index
            %get3A_458 = tpu.vector_load %arg18[%get3A_456, %get3A_457] {strides = array<i32>} : memref<321x80xf32, #tpu.memory_space<vmem>>, vector<16xf32>,
            %add3A_459 = arith.addf %get3A_458, %while3A_455#0 : vector<16xf32>
            %swap3A_460 = arith.index_cast %while3A_428 : i32 to index
            %swap3A_461 = arith.constant 0 : index
            %swap3A_462 = tpu.vector_load %arg18[%swap3A_460, %swap3A_461] {strides = array<i32>} : memref<321x80xf32, #tpu.memory_space<vmem>>, vector<16xf32>,
            tpu.vector_store %arg18[%swap3A_460, %swap3A_461], %add3A_459 {strides = array<i32>} : memref<321x80xf32, #tpu.memory_space<vmem>>, vector<16xf32>,
            %get3A_463 = arith.index_cast %while3A_428 : i32 to index
            %get3A_464 = arith.constant 16 : index
            %get3A_465 = tpu.vector_load %arg18[%get3A_463, %get3A_464] {strides = array<i32>} : memref<321x80xf32, #tpu.memory_space<vmem>>, vector<16xf32>,
            %add3A_466 = arith.addf %get3A_465, %while3A_455#1 : vector<16xf32>
            %swap3A_467 = arith.index_cast %while3A_428 : i32 to index
            %swap3A_468 = arith.constant 16 : index
            %swap3A_469 = tpu.vector_load %arg18[%swap3A_467, %swap3A_468] {strides = array<i32>} : memref<321x80xf32, #tpu.memory_space<vmem>>, vector<16xf32>,
            tpu.vector_store %arg18[%swap3A_467, %swap3A_468], %add3A_466 {strides = array<i32>} : memref<321x80xf32, #tpu.memory_space<vmem>>, vector<16xf32>,
            %get3A_470 = arith.index_cast %while3A_428 : i32 to index
            %get3A_471 = arith.constant 32 : index
            %get3A_472 = tpu.vector_load %arg18[%get3A_470, %get3A_471] {strides = array<i32>} : memref<321x80xf32, #tpu.memory_space<vmem>>, vector<16xf32>,
            %add3A_473 = arith.addf %get3A_472, %while3A_455#2 : vector<16xf32>
            %swap3A_474 = arith.index_cast %while3A_428 : i32 to index
            %swap3A_475 = arith.constant 32 : index
            %swap3A_476 = tpu.vector_load %arg18[%swap3A_474, %swap3A_475] {strides = array<i32>} : memref<321x80xf32, #tpu.memory_space<vmem>>, vector<16xf32>,
            tpu.vector_store %arg18[%swap3A_474, %swap3A_475], %add3A_473 {strides = array<i32>} : memref<321x80xf32, #tpu.memory_space<vmem>>, vector<16xf32>,
            %get3A_477 = arith.index_cast %while3A_428 : i32 to index
            %get3A_478 = arith.constant 48 : index
            %get3A_479 = tpu.vector_load %arg18[%get3A_477, %get3A_478] {strides = array<i32>} : memref<321x80xf32, #tpu.memory_space<vmem>>, vector<16xf32>,
            %add3A_480 = arith.addf %get3A_479, %while3A_455#3 : vector<16xf32>
            %swap3A_481 = arith.index_cast %while3A_428 : i32 to index
            %swap3A_482 = arith.constant 48 : index
            %swap3A_483 = tpu.vector_load %arg18[%swap3A_481, %swap3A_482] {strides = array<i32>} : memref<321x80xf32, #tpu.memory_space<vmem>>, vector<16xf32>,
            tpu.vector_store %arg18[%swap3A_481, %swap3A_482], %add3A_480 {strides = array<i32>} : memref<321x80xf32, #tpu.memory_space<vmem>>, vector<16xf32>,
            %get3A_484 = arith.index_cast %while3A_428 : i32 to index
            %get3A_485 = arith.constant 0 : index
            %get3A_486 = tpu.vector_load %arg19[%get3A_484, %get3A_485] {strides = array<i32>} : memref<321x64xf32, #tpu.memory_space<vmem>>, vector<16xf32>,
            %max3A_487 = arith.maximumf %get3A_486, %while3A_455#4 : vector<16xf32>
            %swap3A_488 = arith.index_cast %while3A_428 : i32 to index
            %swap3A_489 = arith.constant 0 : index
            %swap3A_490 = tpu.vector_load %arg19[%swap3A_488, %swap3A_489] {strides = array<i32>} : memref<321x64xf32, #tpu.memory_space<vmem>>, vector<16xf32>,
            tpu.vector_store %arg19[%swap3A_488, %swap3A_489], %max3A_487 {strides = array<i32>} : memref<321x64xf32, #tpu.memory_space<vmem>>, vector<16xf32>,
            %get3A_491 = arith.index_cast %while3A_428 : i32 to index
            %get3A_492 = arith.constant 16 : index
            %get3A_493 = tpu.vector_load %arg19[%get3A_491, %get3A_492] {strides = array<i32>} : memref<321x64xf32, #tpu.memory_space<vmem>>, vector<16xf32>,
            %max3A_494 = arith.maximumf %get3A_493, %while3A_455#5 : vector<16xf32>
            %swap3A_495 = arith.index_cast %while3A_428 : i32 to index
            %swap3A_496 = arith.constant 16 : index
            %swap3A_497 = tpu.vector_load %arg19[%swap3A_495, %swap3A_496] {strides = array<i32>} : memref<321x64xf32, #tpu.memory_space<vmem>>, vector<16xf32>,
            tpu.vector_store %arg19[%swap3A_495, %swap3A_496], %max3A_494 {strides = array<i32>} : memref<321x64xf32, #tpu.memory_space<vmem>>, vector<16xf32>,
            %get3A_498 = arith.index_cast %while3A_428 : i32 to index
            %get3A_499 = arith.constant 32 : index
            %get3A_500 = tpu.vector_load %arg19[%get3A_498, %get3A_499] {strides = array<i32>} : memref<321x64xf32, #tpu.memory_space<vmem>>, vector<16xf32>,
            %max3A_501 = arith.maximumf %get3A_500, %while3A_455#6 : vector<16xf32>
            %swap3A_502 = arith.index_cast %while3A_428 : i32 to index
            %swap3A_503 = arith.constant 32 : index
            %swap3A_504 = tpu.vector_load %arg19[%swap3A_502, %swap3A_503] {strides = array<i32>} : memref<321x64xf32, #tpu.memory_space<vmem>>, vector<16xf32>,
            tpu.vector_store %arg19[%swap3A_502, %swap3A_503], %max3A_501 {strides = array<i32>} : memref<321x64xf32, #tpu.memory_space<vmem>>, vector<16xf32>,
            %get3A_505 = arith.index_cast %while3A_428 : i32 to index
            %get3A_506 = arith.constant 48 : index
            %get3A_507 = tpu.vector_load %arg19[%get3A_505, %get3A_506] {strides = array<i32>} : memref<321x64xf32, #tpu.memory_space<vmem>>, vector<16xf32>,
            %max3A_508 = arith.maximumf %get3A_507, %while3A_455#7 : vector<16xf32>
            %swap3A_509 = arith.index_cast %while3A_428 : i32 to index
            %swap3A_510 = arith.constant 48 : index
            %swap3A_511 = tpu.vector_load %arg19[%swap3A_509, %swap3A_510] {strides = array<i32>} : memref<321x64xf32, #tpu.memory_space<vmem>>, vector<16xf32>,
            tpu.vector_store %arg19[%swap3A_509, %swap3A_510], %max3A_508 {strides = array<i32>} : memref<321x64xf32, #tpu.memory_space<vmem>>, vector<16xf32>,
            %sub3A_512 = arith.subi %squeeze3A_445, %squeeze3A_439 : i32
            %convert_element_type3A_513 = arith.sitofp %sub3A_512 : i32 to f32
            %get3A_514 = arith.index_cast %while3A_428 : i32 to index
            %get3A_515 = arith.constant 64 : index
            %get3A_516 = tpu.vector_load %arg18[%get3A_514, %get3A_515] {strides = array<i32>} : memref<321x80xf32, #tpu.memory_space<vmem>>, vector<16xf32>,
            %add3A_517 = vector.broadcast %convert_element_type3A_513 : f32 to vector<16xf32>
            %add3A_518 = arith.addf %get3A_516, %add3A_517 : vector<16xf32>
            %swap3A_519 = arith.index_cast %while3A_428 : i32 to index
            %swap3A_520 = arith.constant 64 : index
            %swap3A_521 = tpu.vector_load %arg18[%swap3A_519, %swap3A_520] {strides = array<i32>} : memref<321x80xf32, #tpu.memory_space<vmem>>, vector<16xf32>,
            tpu.vector_store %arg18[%swap3A_519, %swap3A_520], %add3A_518 {strides = array<i32>} : memref<321x80xf32, #tpu.memory_space<vmem>>, vector<16xf32>,
            %add3A_522 = arith.constant 1 : i32
            %add3A_523 = arith.addi %while3A_428, %add3A_522 : i32
            scf.yield %add3A_523, %broadcast_in_dim3A_336, %broadcast_in_dim3A_336, %broadcast_in_dim3A_336, %broadcast_in_dim3A_336, %broadcast_in_dim3A_338, %broadcast_in_dim3A_338, %broadcast_in_dim3A_338, %broadcast_in_dim3A_338 : i32, vector<16xf32>, vector<16xf32>, vector<16xf32>, vector<16xf32>, vector<16xf32>, vector<16xf32>, vector<16xf32>, vector<16xf32>
          }
          %lt3A_422 = arith.constant 320 : i32
          %lt3A_423 = arith.cmpi slt, %while3A_421#0, %lt3A_422 : i32
          %convert_element_type3A_424 = arith.extui %lt3A_423 : i1 to i32
          %cond3A_425 = arith.constant 0 : i32
          %cond3A_426 = arith.cmpi ne, %convert_element_type3A_424, %cond3A_425 : i32
          %cond3A_427:8 = scf.if %cond3A_426 -> (vector<16xf32>, vector<16xf32>, vector<16xf32>, vector<16xf32>, vector<16xf32>, vector<16xf32>, vector<16xf32>, vector<16xf32>) {
            %get3A = arith.index_cast %while3A_421#0 : i32 to index
            %get3A_428 = tpu.vector_load %arg15[%get3A] {strides = array<i32>} : memref<352xi32, #tpu.memory_space<vmem>>, vector<16xi32>,
            %slice3A_429 = vector.extract_strided_slice %get3A_428 {offsets = [0], sizes = [1], strides = [1]} : vector<16xi32> to vector<1xi32>
            %squeeze3A_430 = vector.extract %slice3A_429[0] : i32 from vector<1xi32>
            %max3A = arith.maxsi %squeeze3A_430, %mul3A_417 : i32
            %while3A_431 = arith.subi %add3A_420, %max3A : i32
            %while3A_432 = arith.addi %max3A, %while3A_431 : i32
            %while3A_433 = arith.constant 1 : i32
            %while3A_434 = arith.divsi %while3A_431, %while3A_433 : i32
            %while3A_435 = arith.muli %while3A_434, %while3A_433 : i32
            %while3A_436 = arith.addi %max3A, %while3A_435 : i32
            %while3A_437 = arith.constant 1 : i32
            %while3A_438:8 = scf.for %while3A_441 = %max3A to %while3A_436 step %while3A_437 iter_args(%while3A_442 = %while3A_421#1, %while3A_443 = %while3A_421#2, %while3A_444 = %while3A_421#3, %while3A_445 = %while3A_421#4, %while3A_446 = %while3A_421#5, %while3A_447 = %while3A_421#6, %while3A_448 = %while3A_421#7, %while3A_449 = %while3A_421#8) -> (vector<16xf32>, vector<16xf32>, vector<16xf32>, vector<16xf32>, vector<16xf32>, vector<16xf32>, vector<16xf32>, vector<16xf32>)  : i32 {
              %add3A_450 = arith.addi %mul3A_379, %while3A_441 : i32
              %sub3A_451 = arith.subi %add3A_450, %mul3A_417 : i32
              %get3A_452 = arith.index_cast %sub3A_451 : i32 to index
              %get3A_453 = arith.constant 0 : index
              %get3A_454 = tpu.vector_load %arg17[%get3A_452, %get3A_453] {strides = array<i32>} : memref<512x64xf32, #tpu.memory_space<vmem>>, vector<16xf32>,
              %get3A_455 = arith.index_cast %sub3A_451 : i32 to index
              %get3A_456 = arith.constant 16 : index
              %get3A_457 = tpu.vector_load %arg17[%get3A_455, %get3A_456] {strides = array<i32>} : memref<512x64xf32, #tpu.memory_space<vmem>>, vector<16xf32>,
              %get3A_458 = arith.index_cast %sub3A_451 : i32 to index
              %get3A_459 = arith.constant 32 : index
              %get3A_460 = tpu.vector_load %arg17[%get3A_458, %get3A_459] {strides = array<i32>} : memref<512x64xf32, #tpu.memory_space<vmem>>, vector<16xf32>,
              %get3A_461 = arith.index_cast %sub3A_451 : i32 to index
              %get3A_462 = arith.constant 48 : index
              %get3A_463 = tpu.vector_load %arg17[%get3A_461, %get3A_462] {strides = array<i32>} : memref<512x64xf32, #tpu.memory_space<vmem>>, vector<16xf32>,
              %add3A_464 = arith.addf %while3A_442, %get3A_454 : vector<16xf32>
              %add3A_465 = arith.addf %while3A_443, %get3A_457 : vector<16xf32>
              %add3A_466 = arith.addf %while3A_444, %get3A_460 : vector<16xf32>
              %add3A_467 = arith.addf %while3A_445, %get3A_463 : vector<16xf32>
              %max3A_468 = arith.maximumf %while3A_446, %get3A_454 : vector<16xf32>
              %max3A_469 = arith.maximumf %while3A_447, %get3A_457 : vector<16xf32>
              %max3A_470 = arith.maximumf %while3A_448, %get3A_460 : vector<16xf32>
              %max3A_471 = arith.maximumf %while3A_449, %get3A_463 : vector<16xf32>
              scf.yield %add3A_464, %add3A_465, %add3A_466, %add3A_467, %max3A_468, %max3A_469, %max3A_470, %max3A_471 : vector<16xf32>, vector<16xf32>, vector<16xf32>, vector<16xf32>, vector<16xf32>, vector<16xf32>, vector<16xf32>, vector<16xf32>
            }
            %while3A_439 = arith.constant 1 : i32
            %while3A_440:8 = scf.for %while3A_441 = %while3A_436 to %while3A_432 step %while3A_439 iter_args(%while3A_442 = %while3A_438#0, %while3A_443 = %while3A_438#1, %while3A_444 = %while3A_438#2, %while3A_445 = %while3A_438#3, %while3A_446 = %while3A_438#4, %while3A_447 = %while3A_438#5, %while3A_448 = %while3A_438#6, %while3A_449 = %while3A_438#7) -> (vector<16xf32>, vector<16xf32>, vector<16xf32>, vector<16xf32>, vector<16xf32>, vector<16xf32>, vector<16xf32>, vector<16xf32>)  : i32 {
              %add3A_450 = arith.addi %mul3A_379, %while3A_441 : i32
              %sub3A_451 = arith.subi %add3A_450, %mul3A_417 : i32
              %get3A_452 = arith.index_cast %sub3A_451 : i32 to index
              %get3A_453 = arith.constant 0 : index
              %get3A_454 = tpu.vector_load %arg17[%get3A_452, %get3A_453] {strides = array<i32>} : memref<512x64xf32, #tpu.memory_space<vmem>>, vector<16xf32>,
              %get3A_455 = arith.index_cast %sub3A_451 : i32 to index
              %get3A_456 = arith.constant 16 : index
              %get3A_457 = tpu.vector_load %arg17[%get3A_455, %get3A_456] {strides = array<i32>} : memref<512x64xf32, #tpu.memory_space<vmem>>, vector<16xf32>,
              %get3A_458 = arith.index_cast %sub3A_451 : i32 to index
              %get3A_459 = arith.constant 32 : index
              %get3A_460 = tpu.vector_load %arg17[%get3A_458, %get3A_459] {strides = array<i32>} : memref<512x64xf32, #tpu.memory_space<vmem>>, vector<16xf32>,
              %get3A_461 = arith.index_cast %sub3A_451 : i32 to index
              %get3A_462 = arith.constant 48 : index
              %get3A_463 = tpu.vector_load %arg17[%get3A_461, %get3A_462] {strides = array<i32>} : memref<512x64xf32, #tpu.memory_space<vmem>>, vector<16xf32>,
              %add3A_464 = arith.addf %while3A_442, %get3A_454 : vector<16xf32>
              %add3A_465 = arith.addf %while3A_443, %get3A_457 : vector<16xf32>
              %add3A_466 = arith.addf %while3A_444, %get3A_460 : vector<16xf32>
              %add3A_467 = arith.addf %while3A_445, %get3A_463 : vector<16xf32>
              %max3A_468 = arith.maximumf %while3A_446, %get3A_454 : vector<16xf32>
              %max3A_469 = arith.maximumf %while3A_447, %get3A_457 : vector<16xf32>
              %max3A_470 = arith.maximumf %while3A_448, %get3A_460 : vector<16xf32>
              %max3A_471 = arith.maximumf %while3A_449, %get3A_463 : vector<16xf32>
              scf.yield %add3A_464, %add3A_465, %add3A_466, %add3A_467, %max3A_468, %max3A_469, %max3A_470, %max3A_471 : vector<16xf32>, vector<16xf32>, vector<16xf32>, vector<16xf32>, vector<16xf32>, vector<16xf32>, vector<16xf32>, vector<16xf32>
            }
            scf.yield %while3A_440#0, %while3A_440#1, %while3A_440#2, %while3A_440#3, %while3A_440#4, %while3A_440#5, %while3A_440#6, %while3A_440#7 : vector<16xf32>, vector<16xf32>, vector<16xf32>, vector<16xf32>, vector<16xf32>, vector<16xf32>, vector<16xf32>, vector<16xf32>
          } else {
            scf.yield %while3A_421#1, %while3A_421#2, %while3A_421#3, %while3A_421#4, %while3A_421#5, %while3A_421#6, %while3A_421#7, %while3A_421#8 : vector<16xf32>, vector<16xf32>, vector<16xf32>, vector<16xf32>, vector<16xf32>, vector<16xf32>, vector<16xf32>, vector<16xf32>
          }
          scf.yield %while3A_421#0, %cond3A_427#0, %cond3A_427#1, %cond3A_427#2, %cond3A_427#3, %cond3A_427#4, %cond3A_427#5, %cond3A_427#6, %cond3A_427#7 : i32, vector<16xf32>, vector<16xf32>, vector<16xf32>, vector<16xf32>, vector<16xf32>, vector<16xf32>, vector<16xf32>, vector<16xf32>
        }
        %broadcast_in_dim3A_351 = arith.constant 0 : i32
        %broadcast_in_dim3A_352 = vector.broadcast %broadcast_in_dim3A_351 : i32 to vector<16xi32>
        scf.yield %broadcast_in_dim3A_352 : vector<16xi32>
      } else {
        scf.yield %scan3A_216 : vector<16xi32>
      }
      scf.yield %cond3A_225 : vector<16xi32>
    }
    %scan3A_46 = arith.constant 100 : i32
    %slice3A = vector.extract_strided_slice %scan3A_45 {offsets = [0], sizes = [1], strides = [1]} : vector<16xi32> to vector<1xi32>
    %squeeze3A = vector.extract %slice3A[0] : i32 from vector<1xi32>
    %swap3A = arith.index_cast %squeeze3A : i32 to index
    %swap3A_47 = tpu.vector_load %arg12[%swap3A] {strides = array<i32>} : memref<6160xi32, #tpu.memory_space<vmem>>, vector<16xi32>,
    tpu.vector_store %arg12[%swap3A], %broadcast_in_dim3A_11 {strides = array<i32>} : memref<6160xi32, #tpu.memory_space<vmem>>, vector<16xi32>,
    %add3A_48 = arith.constant 15 : i32
    %add3A_49 = arith.addi %squeeze3A, %add3A_48 : i32
    %jit3A = arith.constant 16 : i32
    %div3A = arith.divsi %add3A_49, %jit3A : i32
    %sign3A = arith.constant 0 : i32
    %sign3A_50 = arith.cmpi sgt, %add3A_49, %sign3A : i32
    %sign3A_51 = arith.extui %sign3A_50 : i1 to i32
    %sign3A_52 = arith.constant 0 : i32
    %sign3A_53 = arith.cmpi slt, %add3A_49, %sign3A_52 : i32
    %sign3A_54 = arith.extui %sign3A_53 : i1 to i32
    %sign3A_55 = arith.subi %sign3A_51, %sign3A_54 : i32
    %sign3A_56 = arith.constant 0 : i32
    %sign3A_57 = arith.cmpi sgt, %jit3A, %sign3A_56 : i32
    %sign3A_58 = arith.extui %sign3A_57 : i1 to i32
    %sign3A_59 = arith.constant 0 : i32
    %sign3A_60 = arith.cmpi slt, %jit3A, %sign3A_59 : i32
    %sign3A_61 = arith.extui %sign3A_60 : i1 to i32
    %sign3A_62 = arith.subi %sign3A_58, %sign3A_61 : i32
    %ne3A = arith.cmpi ne, %sign3A_55, %sign3A_62 : i32
    %rem3A = arith.remsi %add3A_49, %jit3A : i32
    %ne3A_63 = arith.constant 0 : i32
    %ne3A_64 = arith.cmpi ne, %rem3A, %ne3A_63 : i32
    %and3A = arith.andi %ne3A, %ne3A_64 : i1
    %sub3A = arith.constant 1 : i32
    %sub3A_65 = arith.subi %div3A, %sub3A : i32
    %select_n3A = arith.select %and3A, %sub3A_65, %div3A : i32
    %scan3A_66 = arith.constant 0 : i32
    %scan3A_67 = arith.constant 0 : i32
    %scan3A_68 = arith.constant 22 : i32
    %scan3A_69 = arith.addi %scan3A_67, %scan3A_68 : i32
    %scan3A_70 = arith.constant 1 : i32
    %scan3A_71 = scf.for %scan3A_157 = %scan3A_67 to %scan3A_69 step %scan3A_70 iter_args(%scan3A_158 = %scan3A_66) -> (i32)  : i32 {
      %mul3A_159 = arith.constant 16 : i32
      %mul3A_160 = arith.muli %scan3A_157, %mul3A_159 : i32
      %swap3A_161 = arith.index_cast %mul3A_160 : i32 to index
      %swap3A_162 = tpu.vector_load %arg14[%swap3A_161] {strides = array<i32>} : memref<352xi32, #tpu.memory_space<vmem>>, vector<16xi32>,
      tpu.vector_store %arg14[%swap3A_161], %broadcast_in_dim3A_9 {strides = array<i32>} : memref<352xi32, #tpu.memory_space<vmem>>, vector<16xi32>,
      %scan3A_163 = arith.constant 0 : i32
      scf.yield %scan3A_163 : i32
    }
    %scan3A_72 = arith.constant 22 : i32
    %while3A = arith.constant 0 : i32
    %while3A_73 = arith.constant 0 : i32
    %while3A_74 = arith.subi %select_n3A, %while3A : i32
    %while3A_75 = arith.addi %while3A, %while3A_74 : i32
    %while3A_76 = arith.constant 1 : i32
    %while3A_77 = arith.divsi %while3A_74, %while3A_76 : i32
    %while3A_78 = arith.muli %while3A_77, %while3A_76 : i32
    %while3A_79 = arith.addi %while3A, %while3A_78 : i32
    %while3A_80 = arith.constant 1 : i32
    %while3A_81 = scf.for %while3A_157 = %while3A to %while3A_79 step %while3A_80 iter_args(%while3A_158 = %while3A_73) -> (i32)  : i32 {
      %mul3A_159 = arith.constant 16 : i32
      %mul3A_160 = arith.muli %while3A_157, %mul3A_159 : i32
      %get3A = arith.index_cast %mul3A_160 : i32 to index
      %get3A_161 = tpu.vector_load %arg12[%get3A] {strides = array<i32>} : memref<6160xi32, #tpu.memory_space<vmem>>, vector<16xi32>,
      %broadcast_in_dim3A_162 = arith.constant true
      %broadcast_in_dim3A_163 = vector.broadcast %broadcast_in_dim3A_162 : i1 to vector<16xi1>
      %unique3A, %unique3A_164 = tpu.scan_count mask(%broadcast_in_dim3A_163 : vector<16xi1>) value(%get3A_161 : vector<16xi32>) : vector<16xi1>, vector<16xi32>
      %gather3A = tpu.vector_load_idx %arg14[%get3A_161] : memref<352xi32, #tpu.memory_space<vmem>>[vector<16xi32>], vector<16xi32>,
      %add3A_165 = arith.addi %gather3A, %unique3A_164 : vector<16xi32>
      tpu.vector_store_idx %arg14[%get3A_161], %add3A_165 masked %unique3A : memref<352xi32, #tpu.memory_space<vmem>>[vector<16xi32>], vector<16xi32>, vector<16xi1>
      %while3A_166 = arith.constant 0 : i32
      scf.yield %while3A_166 : i32
    }
    %while3A_82 = arith.constant 1 : i32
    %while3A_83 = scf.for %while3A_157 = %while3A_79 to %while3A_75 step %while3A_82 iter_args(%while3A_158 = %while3A_81) -> (i32)  : i32 {
      %mul3A_159 = arith.constant 16 : i32
      %mul3A_160 = arith.muli %while3A_157, %mul3A_159 : i32
      %get3A = arith.index_cast %mul3A_160 : i32 to index
      %get3A_161 = tpu.vector_load %arg12[%get3A] {strides = array<i32>} : memref<6160xi32, #tpu.memory_space<vmem>>, vector<16xi32>,
      %broadcast_in_dim3A_162 = arith.constant true
      %broadcast_in_dim3A_163 = vector.broadcast %broadcast_in_dim3A_162 : i1 to vector<16xi1>
      %unique3A, %unique3A_164 = tpu.scan_count mask(%broadcast_in_dim3A_163 : vector<16xi1>) value(%get3A_161 : vector<16xi32>) : vector<16xi1>, vector<16xi32>
      %gather3A = tpu.vector_load_idx %arg14[%get3A_161] : memref<352xi32, #tpu.memory_space<vmem>>[vector<16xi32>], vector<16xi32>,
      %add3A_165 = arith.addi %gather3A, %unique3A_164 : vector<16xi32>
      tpu.vector_store_idx %arg14[%get3A_161], %add3A_165 masked %unique3A : memref<352xi32, #tpu.memory_space<vmem>>[vector<16xi32>], vector<16xi32>, vector<16xi1>
      %while3A_166 = arith.constant 0 : i32
      scf.yield %while3A_166 : i32
    }
    %scan3A_84 = arith.constant 0 : i32
    %scan3A_85 = arith.constant 0 : i32
    %scan3A_86 = arith.constant 22 : i32
    %scan3A_87 = arith.addi %scan3A_85, %scan3A_86 : i32
    %scan3A_88 = arith.constant 1 : i32
    %scan3A_89 = scf.for %scan3A_157 = %scan3A_85 to %scan3A_87 step %scan3A_88 iter_args(%scan3A_158 = %scan3A_84) -> (i32)  : i32 {
      %mul3A_159 = arith.constant 16 : i32
      %mul3A_160 = arith.muli %scan3A_157, %mul3A_159 : i32
      %get3A = arith.index_cast %mul3A_160 : i32 to index
      %get3A_161 = tpu.vector_load %arg14[%get3A] {strides = array<i32>} : memref<352xi32, #tpu.memory_space<vmem>>, vector<16xi32>,
      %broadcast_in_dim3A_162 = arith.constant true
      %broadcast_in_dim3A_163 = vector.broadcast %broadcast_in_dim3A_162 : i1 to vector<16xi1>
      %masked_cumsum3A = tpu.scan <sum>, %get3A_161 masked %broadcast_in_dim3A_163 : vector<16xi32>, vector<16xi1> -> vector<16xi32>
      %add3A_164 = vector.broadcast %scan3A_158 : i32 to vector<16xi32>
      %add3A_165 = arith.addi %add3A_164, %masked_cumsum3A : vector<16xi32>
      %sub3A_166 = arith.subi %add3A_165, %get3A_161 : vector<16xi32>
      %mul3A_167 = arith.constant 16 : i32
      %mul3A_168 = arith.muli %scan3A_157, %mul3A_167 : i32
      %swap3A_169 = arith.index_cast %mul3A_168 : i32 to index
      %swap3A_170 = tpu.vector_load %arg15[%swap3A_169] {strides = array<i32>} : memref<352xi32, #tpu.memory_space<vmem>>, vector<16xi32>,
      tpu.vector_store %arg15[%swap3A_169], %sub3A_166 {strides = array<i32>} : memref<352xi32, #tpu.memory_space<vmem>>, vector<16xi32>,
      %mul3A_171 = arith.constant 16 : i32
      %mul3A_172 = arith.muli %scan3A_157, %mul3A_171 : i32
      %swap3A_173 = arith.index_cast %mul3A_172 : i32 to index
      %swap3A_174 = tpu.vector_load %arg16[%swap3A_173] {strides = array<i32>} : memref<352xi32, #tpu.memory_space<vmem>>, vector<16xi32>,
      tpu.vector_store %arg16[%swap3A_173], %sub3A_166 {strides = array<i32>} : memref<352xi32, #tpu.memory_space<vmem>>, vector<16xi32>,
      %slice3A_175 = vector.extract_strided_slice %masked_cumsum3A {offsets = [15], sizes = [1], strides = [1]} : vector<16xi32> to vector<1xi32>
      %squeeze3A_176 = vector.extract %slice3A_175[0] : i32 from vector<1xi32>
      %add3A_177 = arith.addi %scan3A_158, %squeeze3A_176 : i32
      scf.yield %add3A_177 : i32
    }
    %scan3A_90 = arith.constant 22 : i32
    %while3A_91 = arith.constant 0 : i32
    %while3A_92 = arith.constant 0 : i32
    %while3A_93 = arith.subi %select_n3A, %while3A_91 : i32
    %while3A_94 = arith.addi %while3A_91, %while3A_93 : i32
    %while3A_95 = arith.constant 1 : i32
    %while3A_96 = arith.divsi %while3A_93, %while3A_95 : i32
    %while3A_97 = arith.muli %while3A_96, %while3A_95 : i32
    %while3A_98 = arith.addi %while3A_91, %while3A_97 : i32
    %while3A_99 = arith.constant 1 : i32
    %while3A_100 = scf.for %while3A_157 = %while3A_91 to %while3A_98 step %while3A_99 iter_args(%while3A_158 = %while3A_92) -> (i32)  : i32 {
      %mul3A_159 = arith.constant 16 : i32
      %mul3A_160 = arith.muli %while3A_157, %mul3A_159 : i32
      %get3A = arith.index_cast %mul3A_160 : i32 to index
      %get3A_161 = tpu.vector_load %arg12[%get3A] {strides = array<i32>} : memref<6160xi32, #tpu.memory_space<vmem>>, vector<16xi32>,
      %mul3A_162 = arith.constant 16 : i32
      %mul3A_163 = arith.muli %while3A_157, %mul3A_162 : i32
      %get3A_164 = arith.index_cast %mul3A_163 : i32 to index
      %get3A_165 = tpu.vector_load %arg11[%get3A_164] {strides = array<i32>} : memref<6160xi32, #tpu.memory_space<vmem>>, vector<16xi32>,
      %broadcast_in_dim3A_166 = arith.constant true
      %broadcast_in_dim3A_167 = vector.broadcast %broadcast_in_dim3A_166 : i1 to vector<16xi1>
      %unique3A, %unique3A_168 = tpu.scan_count mask(%broadcast_in_dim3A_167 : vector<16xi1>) value(%get3A_161 : vector<16xi32>) : vector<16xi1>, vector<16xi32>
      %gather3A = tpu.vector_load_idx %arg16[%get3A_161] : memref<352xi32, #tpu.memory_space<vmem>>[vector<16xi32>], vector<16xi32>,
      %add3A_169 = arith.addi %gather3A, %unique3A_168 : vector<16xi32>
      %sub3A_170 = arith.constant 1 : i32
      %sub3A_171 = vector.broadcast %sub3A_170 : i32 to vector<16xi32>
      %sub3A_172 = arith.subi %add3A_169, %sub3A_171 : vector<16xi32>
      tpu.vector_store_idx %arg13[%sub3A_172], %get3A_165 : memref<6192xi32, #tpu.memory_space<vmem>>[vector<16xi32>], vector<16xi32>,
      %add3A_173 = arith.addi %gather3A, %unique3A_168 : vector<16xi32>
      tpu.vector_store_idx %arg16[%get3A_161], %add3A_173 masked %unique3A : memref<352xi32, #tpu.memory_space<vmem>>[vector<16xi32>], vector<16xi32>, vector<16xi1>
      %while3A_174 = arith.constant 0 : i32
      scf.yield %while3A_174 : i32
    }
    %while3A_101 = arith.constant 1 : i32
    %while3A_102 = scf.for %while3A_157 = %while3A_98 to %while3A_94 step %while3A_101 iter_args(%while3A_158 = %while3A_100) -> (i32)  : i32 {
      %mul3A_159 = arith.constant 16 : i32
      %mul3A_160 = arith.muli %while3A_157, %mul3A_159 : i32
      %get3A = arith.index_cast %mul3A_160 : i32 to index
      %get3A_161 = tpu.vector_load %arg12[%get3A] {strides = array<i32>} : memref<6160xi32, #tpu.memory_space<vmem>>, vector<16xi32>,
      %mul3A_162 = arith.constant 16 : i32
      %mul3A_163 = arith.muli %while3A_157, %mul3A_162 : i32
      %get3A_164 = arith.index_cast %mul3A_163 : i32 to index
      %get3A_165 = tpu.vector_load %arg11[%get3A_164] {strides = array<i32>} : memref<6160xi32, #tpu.memory_space<vmem>>, vector<16xi32>,
      %broadcast_in_dim3A_166 = arith.constant true
      %broadcast_in_dim3A_167 = vector.broadcast %broadcast_in_dim3A_166 : i1 to vector<16xi1>
      %unique3A, %unique3A_168 = tpu.scan_count mask(%broadcast_in_dim3A_167 : vector<16xi1>) value(%get3A_161 : vector<16xi32>) : vector<16xi1>, vector<16xi32>
      %gather3A = tpu.vector_load_idx %arg16[%get3A_161] : memref<352xi32, #tpu.memory_space<vmem>>[vector<16xi32>], vector<16xi32>,
      %add3A_169 = arith.addi %gather3A, %unique3A_168 : vector<16xi32>
      %sub3A_170 = arith.constant 1 : i32
      %sub3A_171 = vector.broadcast %sub3A_170 : i32 to vector<16xi32>
      %sub3A_172 = arith.subi %add3A_169, %sub3A_171 : vector<16xi32>
      tpu.vector_store_idx %arg13[%sub3A_172], %get3A_165 : memref<6192xi32, #tpu.memory_space<vmem>>[vector<16xi32>], vector<16xi32>,
      %add3A_173 = arith.addi %gather3A, %unique3A_168 : vector<16xi32>
      tpu.vector_store_idx %arg16[%get3A_161], %add3A_173 masked %unique3A : memref<352xi32, #tpu.memory_space<vmem>>[vector<16xi32>], vector<16xi32>, vector<16xi1>
      %while3A_174 = arith.constant 0 : i32
      scf.yield %while3A_174 : i32
    }
    %add3A_103 = arith.constant 127 : i32
    %add3A_104 = arith.addi %squeeze3A, %add3A_103 : i32
    %jit3A_105 = arith.constant 128 : i32
    %div3A_106 = arith.divsi %add3A_104, %jit3A_105 : i32
    %sign3A_107 = arith.constant 0 : i32
    %sign3A_108 = arith.cmpi sgt, %add3A_104, %sign3A_107 : i32
    %sign3A_109 = arith.extui %sign3A_108 : i1 to i32
    %sign3A_110 = arith.constant 0 : i32
    %sign3A_111 = arith.cmpi slt, %add3A_104, %sign3A_110 : i32
    %sign3A_112 = arith.extui %sign3A_111 : i1 to i32
    %sign3A_113 = arith.subi %sign3A_109, %sign3A_112 : i32
    %sign3A_114 = arith.constant 0 : i32
    %sign3A_115 = arith.cmpi sgt, %jit3A_105, %sign3A_114 : i32
    %sign3A_116 = arith.extui %sign3A_115 : i1 to i32
    %sign3A_117 = arith.constant 0 : i32
    %sign3A_118 = arith.cmpi slt, %jit3A_105, %sign3A_117 : i32
    %sign3A_119 = arith.extui %sign3A_118 : i1 to i32
    %sign3A_120 = arith.subi %sign3A_116, %sign3A_119 : i32
    %ne3A_121 = arith.cmpi ne, %sign3A_113, %sign3A_120 : i32
    %rem3A_122 = arith.remsi %add3A_104, %jit3A_105 : i32
    %ne3A_123 = arith.constant 0 : i32
    %ne3A_124 = arith.cmpi ne, %rem3A_122, %ne3A_123 : i32
    %and3A_125 = arith.andi %ne3A_121, %ne3A_124 : i1
    %sub3A_126 = arith.constant 1 : i32
    %sub3A_127 = arith.subi %div3A_106, %sub3A_126 : i32
    %select_n3A_128 = arith.select %and3A_125, %sub3A_127, %div3A_106 : i32
    %gt3A = arith.constant 0 : i32
    %gt3A_129 = arith.cmpi sgt, %select_n3A_128, %gt3A : i32
    %convert_element_type3A = arith.extui %gt3A_129 : i1 to i32
    %cond3A = arith.constant 0 : i32
    %cond3A_130 = arith.cmpi ne, %convert_element_type3A, %cond3A : i32
    scf.if %cond3A_130 {
      %dma_start3A_157 = arith.constant 0 : i32
      %dma_start3A_158 = arith.constant 0 : i32
      %dma_start3A_159 = tpu.memref_slice %arg17[%dma_start3A_157, %dma_start3A_158] : memref<512x64xf32, #tpu.memory_space<vmem>> -> memref<128x64xf32, #tpu.memory_space<vmem>>
      %dma_start3A_160 = arith.constant 0 : i32
      %dma_start3A_161 = tpu.memref_slice %arg13[%dma_start3A_160] : memref<6192xi32, #tpu.memory_space<vmem>> -> memref<128xi32, #tpu.memory_space<vmem>>
      %dma_start3A_162 = arith.constant 0 : i32
      %dma_start3A_163 = arith.constant 0 : i32
      %dma_start3A_164 = tpu.memref_slice %arg4[%dma_start3A_162, %dma_start3A_163] : memref<10240x64xf32, #tpu.memory_space<hbm>> -> memref<10240x64xf32, #tpu.memory_space<hbm>>
      tpu.enqueue_indirect_dma source(%dma_start3A_164 : memref<10240x64xf32, #tpu.memory_space<hbm>>) target(%dma_start3A_159 : memref<128x64xf32, #tpu.memory_space<vmem>>) offsets(%dma_start3A_161 : memref<128xi32, #tpu.memory_space<vmem>>) semaphore(%arg20 : memref<!tpu.dma_semaphore, #tpu.memory_space<semaphore_mem>>)
    } else {
    }
    %gt3A_131 = arith.constant 1 : i32
    %gt3A_132 = arith.cmpi sgt, %select_n3A_128, %gt3A_131 : i32
    %convert_element_type3A_133 = arith.extui %gt3A_132 : i1 to i32
    %cond3A_134 = arith.constant 0 : i32
    %cond3A_135 = arith.cmpi ne, %convert_element_type3A_133, %cond3A_134 : i32
    scf.if %cond3A_135 {
      %dma_start3A_157 = arith.constant 128 : i32
      %dma_start3A_158 = arith.constant 0 : i32
      %dma_start3A_159 = tpu.memref_slice %arg17[%dma_start3A_157, %dma_start3A_158] : memref<512x64xf32, #tpu.memory_space<vmem>> -> memref<128x64xf32, #tpu.memory_space<vmem>>
      %dma_start3A_160 = arith.constant 128 : i32
      %dma_start3A_161 = tpu.memref_slice %arg13[%dma_start3A_160] : memref<6192xi32, #tpu.memory_space<vmem>> -> memref<128xi32, #tpu.memory_space<vmem>>
      %dma_start3A_162 = arith.constant 0 : i32
      %dma_start3A_163 = arith.constant 0 : i32
      %dma_start3A_164 = tpu.memref_slice %arg4[%dma_start3A_162, %dma_start3A_163] : memref<10240x64xf32, #tpu.memory_space<hbm>> -> memref<10240x64xf32, #tpu.memory_space<hbm>>
      tpu.enqueue_indirect_dma source(%dma_start3A_164 : memref<10240x64xf32, #tpu.memory_space<hbm>>) target(%dma_start3A_159 : memref<128x64xf32, #tpu.memory_space<vmem>>) offsets(%dma_start3A_161 : memref<128xi32, #tpu.memory_space<vmem>>) semaphore(%arg20 : memref<!tpu.dma_semaphore, #tpu.memory_space<semaphore_mem>>)
    } else {
    }
    %gt3A_136 = arith.constant 2 : i32
    %gt3A_137 = arith.cmpi sgt, %select_n3A_128, %gt3A_136 : i32
    %convert_element_type3A_138 = arith.extui %gt3A_137 : i1 to i32
    %cond3A_139 = arith.constant 0 : i32
    %cond3A_140 = arith.cmpi ne, %convert_element_type3A_138, %cond3A_139 : i32
    scf.if %cond3A_140 {
      %dma_start3A_157 = arith.constant 256 : i32
      %dma_start3A_158 = arith.constant 0 : i32
      %dma_start3A_159 = tpu.memref_slice %arg17[%dma_start3A_157, %dma_start3A_158] : memref<512x64xf32, #tpu.memory_space<vmem>> -> memref<128x64xf32, #tpu.memory_space<vmem>>
      %dma_start3A_160 = arith.constant 256 : i32
      %dma_start3A_161 = tpu.memref_slice %arg13[%dma_start3A_160] : memref<6192xi32, #tpu.memory_space<vmem>> -> memref<128xi32, #tpu.memory_space<vmem>>
      %dma_start3A_162 = arith.constant 0 : i32
      %dma_start3A_163 = arith.constant 0 : i32
      %dma_start3A_164 = tpu.memref_slice %arg4[%dma_start3A_162, %dma_start3A_163] : memref<10240x64xf32, #tpu.memory_space<hbm>> -> memref<10240x64xf32, #tpu.memory_space<hbm>>
      tpu.enqueue_indirect_dma source(%dma_start3A_164 : memref<10240x64xf32, #tpu.memory_space<hbm>>) target(%dma_start3A_159 : memref<128x64xf32, #tpu.memory_space<vmem>>) offsets(%dma_start3A_161 : memref<128xi32, #tpu.memory_space<vmem>>) semaphore(%arg20 : memref<!tpu.dma_semaphore, #tpu.memory_space<semaphore_mem>>)
    } else {
    }
    %broadcast_in_dim3A_141 = arith.constant 0.000000e+00 : f32
    %broadcast_in_dim3A_142 = vector.broadcast %broadcast_in_dim3A_141 : f32 to vector<16xf32>
    %broadcast_in_dim3A_143 = arith.constant 0xFF800000 : f32
    %broadcast_in_dim3A_144 = vector.broadcast %broadcast_in_dim3A_143 : f32 to vector<16xf32>
    %while3A_145 = arith.constant 0 : i32
    %while3A_146 = arith.constant 0 : i32
    %while3A_147 = arith.subi %select_n3A_128, %while3A_145 : i32
    %while3A_148 = arith.addi %while3A_145, %while3A_147 : i32
    %while3A_149 = arith.constant 1 : i32
    %while3A_150 = arith.divsi %while3A_147, %while3A_149 : i32
    %while3A_151 = arith.muli %while3A_150, %while3A_149 : i32
    %while3A_152 = arith.addi %while3A_145, %while3A_151 : i32
    %while3A_153 = arith.constant 1 : i32
    %while3A_154:9 = scf.for %while3A_157 = %while3A_145 to %while3A_152 step %while3A_153 iter_args(%while3A_158 = %while3A_146, %while3A_159 = %broadcast_in_dim3A_142, %while3A_160 = %broadcast_in_dim3A_142, %while3A_161 = %broadcast_in_dim3A_142, %while3A_162 = %broadcast_in_dim3A_142, %while3A_163 = %broadcast_in_dim3A_144, %while3A_164 = %broadcast_in_dim3A_144, %while3A_165 = %broadcast_in_dim3A_144, %while3A_166 = %broadcast_in_dim3A_144) -> (i32, vector<16xf32>, vector<16xf32>, vector<16xf32>, vector<16xf32>, vector<16xf32>, vector<16xf32>, vector<16xf32>, vector<16xf32>)  : i32 {
      %jit3A_167 = arith.constant 4 : i32
      %eq3A = arith.constant 0 : i32
      %eq3A_168 = arith.cmpi eq, %jit3A_167, %eq3A : i32
      %jit3A_169 = arith.constant 1 : i32
      %select_n3A_170 = arith.select %eq3A_168, %jit3A_169, %jit3A_167 : i32
      %rem3A_171 = arith.remsi %while3A_157, %select_n3A_170 : i32
      %ne3A_172 = arith.constant 0 : i32
      %ne3A_173 = arith.cmpi ne, %rem3A_171, %ne3A_172 : i32
      %lt3A = arith.constant 0 : i32
      %lt3A_174 = arith.cmpi slt, %rem3A_171, %lt3A : i32
      %lt3A_175 = arith.constant 0 : i32
      %lt3A_176 = arith.cmpi slt, %select_n3A_170, %lt3A_175 : i32
      %ne3A_177 = arith.xori %lt3A_174, %lt3A_176 : i1
      %and3A_178 = arith.andi %ne3A_177, %ne3A_173 : i1
      %add3A_179 = arith.addi %rem3A_171, %select_n3A_170 : i32
      %select_n3A_180 = arith.select %and3A_178, %add3A_179, %rem3A_171 : i32
      %mul3A_181 = arith.constant 128 : i32
      %mul3A_182 = arith.muli %select_n3A_180, %mul3A_181 : i32
      %add3A_183 = arith.constant 3 : i32
      %add3A_184 = arith.addi %while3A_157, %add3A_183 : i32
      %jit3A_185 = arith.constant 4 : i32
      %eq3A_186 = arith.constant 0 : i32
      %eq3A_187 = arith.cmpi eq, %jit3A_185, %eq3A_186 : i32
      %jit3A_188 = arith.constant 1 : i32
      %select_n3A_189 = arith.select %eq3A_187, %jit3A_188, %jit3A_185 : i32
      %rem3A_190 = arith.remsi %add3A_184, %select_n3A_189 : i32
      %ne3A_191 = arith.constant 0 : i32
      %ne3A_192 = arith.cmpi ne, %rem3A_190, %ne3A_191 : i32
      %lt3A_193 = arith.constant 0 : i32
      %lt3A_194 = arith.cmpi slt, %rem3A_190, %lt3A_193 : i32
      %lt3A_195 = arith.constant 0 : i32
      %lt3A_196 = arith.cmpi slt, %select_n3A_189, %lt3A_195 : i32
      %ne3A_197 = arith.xori %lt3A_194, %lt3A_196 : i1
      %and3A_198 = arith.andi %ne3A_197, %ne3A_192 : i1
      %add3A_199 = arith.addi %rem3A_190, %select_n3A_189 : i32
      %select_n3A_200 = arith.select %and3A_198, %add3A_199, %rem3A_190 : i32
      %mul3A_201 = arith.constant 128 : i32
      %mul3A_202 = arith.muli %select_n3A_200, %mul3A_201 : i32
      %add3A_203 = arith.constant 3 : i32
      %add3A_204 = arith.addi %while3A_157, %add3A_203 : i32
      %lt3A_205 = arith.cmpi slt, %add3A_204, %select_n3A_128 : i32
      %convert_element_type3A_206 = arith.extui %lt3A_205 : i1 to i32
      %cond3A_207 = arith.constant 0 : i32
      %cond3A_208 = arith.cmpi ne, %convert_element_type3A_206, %cond3A_207 : i32
      scf.if %cond3A_208 {
        %add3A_230 = arith.constant 3 : i32
        %add3A_231 = arith.addi %while3A_157, %add3A_230 : i32
        %mul3A_232 = arith.constant 128 : i32
        %mul3A_233 = arith.muli %add3A_231, %mul3A_232 : i32
        %dma_start3A_234 = arith.constant 0 : i32
        %dma_start3A_235 = tpu.memref_slice %arg17[%mul3A_202, %dma_start3A_234] : memref<512x64xf32, #tpu.memory_space<vmem>> -> memref<128x64xf32, #tpu.memory_space<vmem>>
        %dma_start3A_236 = tpu.memref_slice %arg13[%mul3A_233] : memref<6192xi32, #tpu.memory_space<vmem>> -> memref<128xi32, #tpu.memory_space<vmem>>
        %dma_start3A_237 = arith.constant 0 : i32
        %dma_start3A_238 = arith.constant 0 : i32
        %dma_start3A_239 = tpu.memref_slice %arg4[%dma_start3A_237, %dma_start3A_238] : memref<10240x64xf32, #tpu.memory_space<hbm>> -> memref<10240x64xf32, #tpu.memory_space<hbm>>
        tpu.enqueue_indirect_dma source(%dma_start3A_239 : memref<10240x64xf32, #tpu.memory_space<hbm>>) target(%dma_start3A_235 : memref<128x64xf32, #tpu.memory_space<vmem>>) offsets(%dma_start3A_236 : memref<128xi32, #tpu.memory_space<vmem>>) semaphore(%arg20 : memref<!tpu.dma_semaphore, #tpu.memory_space<semaphore_mem>>)
      } else {
      }
      %dma_wait3A = arith.constant 0 : i32
      %dma_wait3A_209 = tpu.memref_slice %arg17[%mul3A_182, %dma_wait3A] : memref<512x64xf32, #tpu.memory_space<vmem>> -> memref<128x64xf32, #tpu.memory_space<vmem>>
      %dma_wait3A_210 = arith.constant 0 : i32
      %dma_wait3A_211 = arith.constant 0 : i32
      %dma_wait3A_212 = tpu.memref_slice %arg4[%dma_wait3A_210, %dma_wait3A_211] : memref<10240x64xf32, #tpu.memory_space<hbm>> -> memref<128x64xf32, #tpu.memory_space<hbm>>
      %dma_wait3A_213 = arith.constant 0 : i32
      %dma_wait3A_214 = tpu.memref_slice %arg17[%mul3A_182, %dma_wait3A_213] : memref<512x64xf32, #tpu.memory_space<vmem>> -> memref<128x64xf32, #tpu.memory_space<vmem>>
      %dma_wait3A_215 = arith.constant 0 : i32
      %dma_wait3A_216 = arith.constant 0 : i32
      %dma_wait3A_217 = tpu.memref_slice %arg4[%dma_wait3A_215, %dma_wait3A_216] : memref<10240x64xf32, #tpu.memory_space<hbm>> -> memref<128x64xf32, #tpu.memory_space<hbm>>
      tpu.wait_dma2 semaphore(%arg20 : memref<!tpu.dma_semaphore, #tpu.memory_space<semaphore_mem>>) src(%dma_wait3A_217 : memref<128x64xf32, #tpu.memory_space<hbm>>) dst(%dma_wait3A_214 : memref<128x64xf32, #tpu.memory_space<vmem>>)
      %mul3A_218 = arith.constant 128 : i32
      %mul3A_219 = arith.muli %while3A_157, %mul3A_218 : i32
      %sub3A_220 = arith.subi %squeeze3A, %mul3A_219 : i32
      %min3A = arith.constant 128 : i32
      %min3A_221 = arith.minsi %min3A, %sub3A_220 : i32
      %add3A_222 = arith.addi %mul3A_219, %min3A_221 : i32
      %while3A_223:9 = scf.while (%while3A_230 = %while3A_158, %while3A_231 = %while3A_159, %while3A_232 = %while3A_160, %while3A_233 = %while3A_161, %while3A_234 = %while3A_162, %while3A_235 = %while3A_163, %while3A_236 = %while3A_164, %while3A_237 = %while3A_165, %while3A_238 = %while3A_166) : (i32, vector<16xf32>, vector<16xf32>, vector<16xf32>, vector<16xf32>, vector<16xf32>, vector<16xf32>, vector<16xf32>, vector<16xf32>) -> (i32, vector<16xf32>, vector<16xf32>, vector<16xf32>, vector<16xf32>, vector<16xf32>, vector<16xf32>, vector<16xf32>, vector<16xf32>) {
        %lt3A_239 = arith.constant 320 : i32
        %lt3A_240 = arith.cmpi slt, %while3A_230, %lt3A_239 : i32
        %add3A_241 = arith.constant 1 : i32
        %add3A_242 = arith.addi %while3A_230, %add3A_241 : i32
        %get3A = arith.index_cast %add3A_242 : i32 to index
        %get3A_243 = tpu.vector_load %arg15[%get3A] {strides = array<i32>} : memref<352xi32, #tpu.memory_space<vmem>>, vector<16xi32>,
        %slice3A_244 = vector.extract_strided_slice %get3A_243 {offsets = [0], sizes = [1], strides = [1]} : vector<16xi32> to vector<1xi32>
        %squeeze3A_245 = vector.extract %slice3A_244[0] : i32 from vector<1xi32>
        %le3A = arith.cmpi sle, %squeeze3A_245, %add3A_222 : i32
        %and3A_246 = arith.andi %lt3A_240, %le3A : i1
        scf.condition(%and3A_246) %while3A_230, %while3A_231, %while3A_232, %while3A_233, %while3A_234, %while3A_235, %while3A_236, %while3A_237, %while3A_238 : i32, vector<16xf32>, vector<16xf32>, vector<16xf32>, vector<16xf32>, vector<16xf32>, vector<16xf32>, vector<16xf32>, vector<16xf32>
      } do {
      ^bb0(%while3A_230: i32, %while3A_231: vector<16xf32>, %while3A_232: vector<16xf32>, %while3A_233: vector<16xf32>, %while3A_234: vector<16xf32>, %while3A_235: vector<16xf32>, %while3A_236: vector<16xf32>, %while3A_237: vector<16xf32>, %while3A_238: vector<16xf32>):
        %get3A = arith.index_cast %while3A_230 : i32 to index
        %get3A_239 = tpu.vector_load %arg15[%get3A] {strides = array<i32>} : memref<352xi32, #tpu.memory_space<vmem>>, vector<16xi32>,
        %slice3A_240 = vector.extract_strided_slice %get3A_239 {offsets = [0], sizes = [1], strides = [1]} : vector<16xi32> to vector<1xi32>
        %squeeze3A_241 = vector.extract %slice3A_240[0] : i32 from vector<1xi32>
        %add3A_242 = arith.constant 1 : i32
        %add3A_243 = arith.addi %while3A_230, %add3A_242 : i32
        %get3A_244 = arith.index_cast %add3A_243 : i32 to index
        %get3A_245 = tpu.vector_load %arg15[%get3A_244] {strides = array<i32>} : memref<352xi32, #tpu.memory_space<vmem>>, vector<16xi32>,
        %slice3A_246 = vector.extract_strided_slice %get3A_245 {offsets = [0], sizes = [1], strides = [1]} : vector<16xi32> to vector<1xi32>
        %squeeze3A_247 = vector.extract %slice3A_246[0] : i32 from vector<1xi32>
        %max3A = arith.maxsi %squeeze3A_241, %mul3A_219 : i32
        %while3A_248 = arith.subi %squeeze3A_247, %max3A : i32
        %while3A_249 = arith.addi %max3A, %while3A_248 : i32
        %while3A_250 = arith.constant 1 : i32
        %while3A_251 = arith.divsi %while3A_248, %while3A_250 : i32
        %while3A_252 = arith.muli %while3A_251, %while3A_250 : i32
        %while3A_253 = arith.addi %max3A, %while3A_252 : i32
        %while3A_254 = arith.constant 1 : i32
        %while3A_255:8 = scf.for %while3A_326 = %max3A to %while3A_253 step %while3A_254 iter_args(%while3A_327 = %while3A_231, %while3A_328 = %while3A_232, %while3A_329 = %while3A_233, %while3A_330 = %while3A_234, %while3A_331 = %while3A_235, %while3A_332 = %while3A_236, %while3A_333 = %while3A_237, %while3A_334 = %while3A_238) -> (vector<16xf32>, vector<16xf32>, vector<16xf32>, vector<16xf32>, vector<16xf32>, vector<16xf32>, vector<16xf32>, vector<16xf32>)  : i32 {
          %add3A_335 = arith.addi %mul3A_182, %while3A_326 : i32
          %sub3A_336 = arith.subi %add3A_335, %mul3A_219 : i32
          %get3A_337 = arith.index_cast %sub3A_336 : i32 to index
          %get3A_338 = arith.constant 0 : index
          %get3A_339 = tpu.vector_load %arg17[%get3A_337, %get3A_338] {strides = array<i32>} : memref<512x64xf32, #tpu.memory_space<vmem>>, vector<16xf32>,
          %get3A_340 = arith.index_cast %sub3A_336 : i32 to index
          %get3A_341 = arith.constant 16 : index
          %get3A_342 = tpu.vector_load %arg17[%get3A_340, %get3A_341] {strides = array<i32>} : memref<512x64xf32, #tpu.memory_space<vmem>>, vector<16xf32>,
          %get3A_343 = arith.index_cast %sub3A_336 : i32 to index
          %get3A_344 = arith.constant 32 : index
          %get3A_345 = tpu.vector_load %arg17[%get3A_343, %get3A_344] {strides = array<i32>} : memref<512x64xf32, #tpu.memory_space<vmem>>, vector<16xf32>,
          %get3A_346 = arith.index_cast %sub3A_336 : i32 to index
          %get3A_347 = arith.constant 48 : index
          %get3A_348 = tpu.vector_load %arg17[%get3A_346, %get3A_347] {strides = array<i32>} : memref<512x64xf32, #tpu.memory_space<vmem>>, vector<16xf32>,
          %add3A_349 = arith.addf %while3A_327, %get3A_339 : vector<16xf32>
          %add3A_350 = arith.addf %while3A_328, %get3A_342 : vector<16xf32>
          %add3A_351 = arith.addf %while3A_329, %get3A_345 : vector<16xf32>
          %add3A_352 = arith.addf %while3A_330, %get3A_348 : vector<16xf32>
          %max3A_353 = arith.maximumf %while3A_331, %get3A_339 : vector<16xf32>
          %max3A_354 = arith.maximumf %while3A_332, %get3A_342 : vector<16xf32>
          %max3A_355 = arith.maximumf %while3A_333, %get3A_345 : vector<16xf32>
          %max3A_356 = arith.maximumf %while3A_334, %get3A_348 : vector<16xf32>
          scf.yield %add3A_349, %add3A_350, %add3A_351, %add3A_352, %max3A_353, %max3A_354, %max3A_355, %max3A_356 : vector<16xf32>, vector<16xf32>, vector<16xf32>, vector<16xf32>, vector<16xf32>, vector<16xf32>, vector<16xf32>, vector<16xf32>
        }
        %while3A_256 = arith.constant 1 : i32
        %while3A_257:8 = scf.for %while3A_326 = %while3A_253 to %while3A_249 step %while3A_256 iter_args(%while3A_327 = %while3A_255#0, %while3A_328 = %while3A_255#1, %while3A_329 = %while3A_255#2, %while3A_330 = %while3A_255#3, %while3A_331 = %while3A_255#4, %while3A_332 = %while3A_255#5, %while3A_333 = %while3A_255#6, %while3A_334 = %while3A_255#7) -> (vector<16xf32>, vector<16xf32>, vector<16xf32>, vector<16xf32>, vector<16xf32>, vector<16xf32>, vector<16xf32>, vector<16xf32>)  : i32 {
          %add3A_335 = arith.addi %mul3A_182, %while3A_326 : i32
          %sub3A_336 = arith.subi %add3A_335, %mul3A_219 : i32
          %get3A_337 = arith.index_cast %sub3A_336 : i32 to index
          %get3A_338 = arith.constant 0 : index
          %get3A_339 = tpu.vector_load %arg17[%get3A_337, %get3A_338] {strides = array<i32>} : memref<512x64xf32, #tpu.memory_space<vmem>>, vector<16xf32>,
          %get3A_340 = arith.index_cast %sub3A_336 : i32 to index
          %get3A_341 = arith.constant 16 : index
          %get3A_342 = tpu.vector_load %arg17[%get3A_340, %get3A_341] {strides = array<i32>} : memref<512x64xf32, #tpu.memory_space<vmem>>, vector<16xf32>,
          %get3A_343 = arith.index_cast %sub3A_336 : i32 to index
          %get3A_344 = arith.constant 32 : index
          %get3A_345 = tpu.vector_load %arg17[%get3A_343, %get3A_344] {strides = array<i32>} : memref<512x64xf32, #tpu.memory_space<vmem>>, vector<16xf32>,
          %get3A_346 = arith.index_cast %sub3A_336 : i32 to index
          %get3A_347 = arith.constant 48 : index
          %get3A_348 = tpu.vector_load %arg17[%get3A_346, %get3A_347] {strides = array<i32>} : memref<512x64xf32, #tpu.memory_space<vmem>>, vector<16xf32>,
          %add3A_349 = arith.addf %while3A_327, %get3A_339 : vector<16xf32>
          %add3A_350 = arith.addf %while3A_328, %get3A_342 : vector<16xf32>
          %add3A_351 = arith.addf %while3A_329, %get3A_345 : vector<16xf32>
          %add3A_352 = arith.addf %while3A_330, %get3A_348 : vector<16xf32>
          %max3A_353 = arith.maximumf %while3A_331, %get3A_339 : vector<16xf32>
          %max3A_354 = arith.maximumf %while3A_332, %get3A_342 : vector<16xf32>
          %max3A_355 = arith.maximumf %while3A_333, %get3A_345 : vector<16xf32>
          %max3A_356 = arith.maximumf %while3A_334, %get3A_348 : vector<16xf32>
          scf.yield %add3A_349, %add3A_350, %add3A_351, %add3A_352, %max3A_353, %max3A_354, %max3A_355, %max3A_356 : vector<16xf32>, vector<16xf32>, vector<16xf32>, vector<16xf32>, vector<16xf32>, vector<16xf32>, vector<16xf32>, vector<16xf32>
        }
        %get3A_258 = arith.index_cast %while3A_230 : i32 to index
        %get3A_259 = arith.constant 0 : index
        %get3A_260 = tpu.vector_load %arg18[%get3A_258, %get3A_259] {strides = array<i32>} : memref<321x80xf32, #tpu.memory_space<vmem>>, vector<16xf32>,
        %add3A_261 = arith.addf %get3A_260, %while3A_257#0 : vector<16xf32>
        %swap3A_262 = arith.index_cast %while3A_230 : i32 to index
        %swap3A_263 = arith.constant 0 : index
        %swap3A_264 = tpu.vector_load %arg18[%swap3A_262, %swap3A_263] {strides = array<i32>} : memref<321x80xf32, #tpu.memory_space<vmem>>, vector<16xf32>,
        tpu.vector_store %arg18[%swap3A_262, %swap3A_263], %add3A_261 {strides = array<i32>} : memref<321x80xf32, #tpu.memory_space<vmem>>, vector<16xf32>,
        %get3A_265 = arith.index_cast %while3A_230 : i32 to index
        %get3A_266 = arith.constant 16 : index
        %get3A_267 = tpu.vector_load %arg18[%get3A_265, %get3A_266] {strides = array<i32>} : memref<321x80xf32, #tpu.memory_space<vmem>>, vector<16xf32>,
        %add3A_268 = arith.addf %get3A_267, %while3A_257#1 : vector<16xf32>
        %swap3A_269 = arith.index_cast %while3A_230 : i32 to index
        %swap3A_270 = arith.constant 16 : index
        %swap3A_271 = tpu.vector_load %arg18[%swap3A_269, %swap3A_270] {strides = array<i32>} : memref<321x80xf32, #tpu.memory_space<vmem>>, vector<16xf32>,
        tpu.vector_store %arg18[%swap3A_269, %swap3A_270], %add3A_268 {strides = array<i32>} : memref<321x80xf32, #tpu.memory_space<vmem>>, vector<16xf32>,
        %get3A_272 = arith.index_cast %while3A_230 : i32 to index
        %get3A_273 = arith.constant 32 : index
        %get3A_274 = tpu.vector_load %arg18[%get3A_272, %get3A_273] {strides = array<i32>} : memref<321x80xf32, #tpu.memory_space<vmem>>, vector<16xf32>,
        %add3A_275 = arith.addf %get3A_274, %while3A_257#2 : vector<16xf32>
        %swap3A_276 = arith.index_cast %while3A_230 : i32 to index
        %swap3A_277 = arith.constant 32 : index
        %swap3A_278 = tpu.vector_load %arg18[%swap3A_276, %swap3A_277] {strides = array<i32>} : memref<321x80xf32, #tpu.memory_space<vmem>>, vector<16xf32>,
        tpu.vector_store %arg18[%swap3A_276, %swap3A_277], %add3A_275 {strides = array<i32>} : memref<321x80xf32, #tpu.memory_space<vmem>>, vector<16xf32>,
        %get3A_279 = arith.index_cast %while3A_230 : i32 to index
        %get3A_280 = arith.constant 48 : index
        %get3A_281 = tpu.vector_load %arg18[%get3A_279, %get3A_280] {strides = array<i32>} : memref<321x80xf32, #tpu.memory_space<vmem>>, vector<16xf32>,
        %add3A_282 = arith.addf %get3A_281, %while3A_257#3 : vector<16xf32>
        %swap3A_283 = arith.index_cast %while3A_230 : i32 to index
        %swap3A_284 = arith.constant 48 : index
        %swap3A_285 = tpu.vector_load %arg18[%swap3A_283, %swap3A_284] {strides = array<i32>} : memref<321x80xf32, #tpu.memory_space<vmem>>, vector<16xf32>,
        tpu.vector_store %arg18[%swap3A_283, %swap3A_284], %add3A_282 {strides = array<i32>} : memref<321x80xf32, #tpu.memory_space<vmem>>, vector<16xf32>,
        %get3A_286 = arith.index_cast %while3A_230 : i32 to index
        %get3A_287 = arith.constant 0 : index
        %get3A_288 = tpu.vector_load %arg19[%get3A_286, %get3A_287] {strides = array<i32>} : memref<321x64xf32, #tpu.memory_space<vmem>>, vector<16xf32>,
        %max3A_289 = arith.maximumf %get3A_288, %while3A_257#4 : vector<16xf32>
        %swap3A_290 = arith.index_cast %while3A_230 : i32 to index
        %swap3A_291 = arith.constant 0 : index
        %swap3A_292 = tpu.vector_load %arg19[%swap3A_290, %swap3A_291] {strides = array<i32>} : memref<321x64xf32, #tpu.memory_space<vmem>>, vector<16xf32>,
        tpu.vector_store %arg19[%swap3A_290, %swap3A_291], %max3A_289 {strides = array<i32>} : memref<321x64xf32, #tpu.memory_space<vmem>>, vector<16xf32>,
        %get3A_293 = arith.index_cast %while3A_230 : i32 to index
        %get3A_294 = arith.constant 16 : index
        %get3A_295 = tpu.vector_load %arg19[%get3A_293, %get3A_294] {strides = array<i32>} : memref<321x64xf32, #tpu.memory_space<vmem>>, vector<16xf32>,
        %max3A_296 = arith.maximumf %get3A_295, %while3A_257#5 : vector<16xf32>
        %swap3A_297 = arith.index_cast %while3A_230 : i32 to index
        %swap3A_298 = arith.constant 16 : index
        %swap3A_299 = tpu.vector_load %arg19[%swap3A_297, %swap3A_298] {strides = array<i32>} : memref<321x64xf32, #tpu.memory_space<vmem>>, vector<16xf32>,
        tpu.vector_store %arg19[%swap3A_297, %swap3A_298], %max3A_296 {strides = array<i32>} : memref<321x64xf32, #tpu.memory_space<vmem>>, vector<16xf32>,
        %get3A_300 = arith.index_cast %while3A_230 : i32 to index
        %get3A_301 = arith.constant 32 : index
        %get3A_302 = tpu.vector_load %arg19[%get3A_300, %get3A_301] {strides = array<i32>} : memref<321x64xf32, #tpu.memory_space<vmem>>, vector<16xf32>,
        %max3A_303 = arith.maximumf %get3A_302, %while3A_257#6 : vector<16xf32>
        %swap3A_304 = arith.index_cast %while3A_230 : i32 to index
        %swap3A_305 = arith.constant 32 : index
        %swap3A_306 = tpu.vector_load %arg19[%swap3A_304, %swap3A_305] {strides = array<i32>} : memref<321x64xf32, #tpu.memory_space<vmem>>, vector<16xf32>,
        tpu.vector_store %arg19[%swap3A_304, %swap3A_305], %max3A_303 {strides = array<i32>} : memref<321x64xf32, #tpu.memory_space<vmem>>, vector<16xf32>,
        %get3A_307 = arith.index_cast %while3A_230 : i32 to index
        %get3A_308 = arith.constant 48 : index
        %get3A_309 = tpu.vector_load %arg19[%get3A_307, %get3A_308] {strides = array<i32>} : memref<321x64xf32, #tpu.memory_space<vmem>>, vector<16xf32>,
        %max3A_310 = arith.maximumf %get3A_309, %while3A_257#7 : vector<16xf32>
        %swap3A_311 = arith.index_cast %while3A_230 : i32 to index
        %swap3A_312 = arith.constant 48 : index
        %swap3A_313 = tpu.vector_load %arg19[%swap3A_311, %swap3A_312] {strides = array<i32>} : memref<321x64xf32, #tpu.memory_space<vmem>>, vector<16xf32>,
        tpu.vector_store %arg19[%swap3A_311, %swap3A_312], %max3A_310 {strides = array<i32>} : memref<321x64xf32, #tpu.memory_space<vmem>>, vector<16xf32>,
        %sub3A_314 = arith.subi %squeeze3A_247, %squeeze3A_241 : i32
        %convert_element_type3A_315 = arith.sitofp %sub3A_314 : i32 to f32
        %get3A_316 = arith.index_cast %while3A_230 : i32 to index
        %get3A_317 = arith.constant 64 : index
        %get3A_318 = tpu.vector_load %arg18[%get3A_316, %get3A_317] {strides = array<i32>} : memref<321x80xf32, #tpu.memory_space<vmem>>, vector<16xf32>,
        %add3A_319 = vector.broadcast %convert_element_type3A_315 : f32 to vector<16xf32>
        %add3A_320 = arith.addf %get3A_318, %add3A_319 : vector<16xf32>
        %swap3A_321 = arith.index_cast %while3A_230 : i32 to index
        %swap3A_322 = arith.constant 64 : index
        %swap3A_323 = tpu.vector_load %arg18[%swap3A_321, %swap3A_322] {strides = array<i32>} : memref<321x80xf32, #tpu.memory_space<vmem>>, vector<16xf32>,
        tpu.vector_store %arg18[%swap3A_321, %swap3A_322], %add3A_320 {strides = array<i32>} : memref<321x80xf32, #tpu.memory_space<vmem>>, vector<16xf32>,
        %add3A_324 = arith.constant 1 : i32
        %add3A_325 = arith.addi %while3A_230, %add3A_324 : i32
        scf.yield %add3A_325, %broadcast_in_dim3A_142, %broadcast_in_dim3A_142, %broadcast_in_dim3A_142, %broadcast_in_dim3A_142, %broadcast_in_dim3A_144, %broadcast_in_dim3A_144, %broadcast_in_dim3A_144, %broadcast_in_dim3A_144 : i32, vector<16xf32>, vector<16xf32>, vector<16xf32>, vector<16xf32>, vector<16xf32>, vector<16xf32>, vector<16xf32>, vector<16xf32>
      }
      %lt3A_224 = arith.constant 320 : i32
      %lt3A_225 = arith.cmpi slt, %while3A_223#0, %lt3A_224 : i32
      %convert_element_type3A_226 = arith.extui %lt3A_225 : i1 to i32
      %cond3A_227 = arith.constant 0 : i32
      %cond3A_228 = arith.cmpi ne, %convert_element_type3A_226, %cond3A_227 : i32
      %cond3A_229:8 = scf.if %cond3A_228 -> (vector<16xf32>, vector<16xf32>, vector<16xf32>, vector<16xf32>, vector<16xf32>, vector<16xf32>, vector<16xf32>, vector<16xf32>) {
        %get3A = arith.index_cast %while3A_223#0 : i32 to index
        %get3A_230 = tpu.vector_load %arg15[%get3A] {strides = array<i32>} : memref<352xi32, #tpu.memory_space<vmem>>, vector<16xi32>,
        %slice3A_231 = vector.extract_strided_slice %get3A_230 {offsets = [0], sizes = [1], strides = [1]} : vector<16xi32> to vector<1xi32>
        %squeeze3A_232 = vector.extract %slice3A_231[0] : i32 from vector<1xi32>
        %max3A = arith.maxsi %squeeze3A_232, %mul3A_219 : i32
        %while3A_233 = arith.subi %add3A_222, %max3A : i32
        %while3A_234 = arith.addi %max3A, %while3A_233 : i32
        %while3A_235 = arith.constant 1 : i32
        %while3A_236 = arith.divsi %while3A_233, %while3A_235 : i32
        %while3A_237 = arith.muli %while3A_236, %while3A_235 : i32
        %while3A_238 = arith.addi %max3A, %while3A_237 : i32
        %while3A_239 = arith.constant 1 : i32
        %while3A_240:8 = scf.for %while3A_243 = %max3A to %while3A_238 step %while3A_239 iter_args(%while3A_244 = %while3A_223#1, %while3A_245 = %while3A_223#2, %while3A_246 = %while3A_223#3, %while3A_247 = %while3A_223#4, %while3A_248 = %while3A_223#5, %while3A_249 = %while3A_223#6, %while3A_250 = %while3A_223#7, %while3A_251 = %while3A_223#8) -> (vector<16xf32>, vector<16xf32>, vector<16xf32>, vector<16xf32>, vector<16xf32>, vector<16xf32>, vector<16xf32>, vector<16xf32>)  : i32 {
          %add3A_252 = arith.addi %mul3A_182, %while3A_243 : i32
          %sub3A_253 = arith.subi %add3A_252, %mul3A_219 : i32
          %get3A_254 = arith.index_cast %sub3A_253 : i32 to index
          %get3A_255 = arith.constant 0 : index
          %get3A_256 = tpu.vector_load %arg17[%get3A_254, %get3A_255] {strides = array<i32>} : memref<512x64xf32, #tpu.memory_space<vmem>>, vector<16xf32>,
          %get3A_257 = arith.index_cast %sub3A_253 : i32 to index
          %get3A_258 = arith.constant 16 : index
          %get3A_259 = tpu.vector_load %arg17[%get3A_257, %get3A_258] {strides = array<i32>} : memref<512x64xf32, #tpu.memory_space<vmem>>, vector<16xf32>,
          %get3A_260 = arith.index_cast %sub3A_253 : i32 to index
          %get3A_261 = arith.constant 32 : index
          %get3A_262 = tpu.vector_load %arg17[%get3A_260, %get3A_261] {strides = array<i32>} : memref<512x64xf32, #tpu.memory_space<vmem>>, vector<16xf32>,
          %get3A_263 = arith.index_cast %sub3A_253 : i32 to index
          %get3A_264 = arith.constant 48 : index
          %get3A_265 = tpu.vector_load %arg17[%get3A_263, %get3A_264] {strides = array<i32>} : memref<512x64xf32, #tpu.memory_space<vmem>>, vector<16xf32>,
          %add3A_266 = arith.addf %while3A_244, %get3A_256 : vector<16xf32>
          %add3A_267 = arith.addf %while3A_245, %get3A_259 : vector<16xf32>
          %add3A_268 = arith.addf %while3A_246, %get3A_262 : vector<16xf32>
          %add3A_269 = arith.addf %while3A_247, %get3A_265 : vector<16xf32>
          %max3A_270 = arith.maximumf %while3A_248, %get3A_256 : vector<16xf32>
          %max3A_271 = arith.maximumf %while3A_249, %get3A_259 : vector<16xf32>
          %max3A_272 = arith.maximumf %while3A_250, %get3A_262 : vector<16xf32>
          %max3A_273 = arith.maximumf %while3A_251, %get3A_265 : vector<16xf32>
          scf.yield %add3A_266, %add3A_267, %add3A_268, %add3A_269, %max3A_270, %max3A_271, %max3A_272, %max3A_273 : vector<16xf32>, vector<16xf32>, vector<16xf32>, vector<16xf32>, vector<16xf32>, vector<16xf32>, vector<16xf32>, vector<16xf32>
        }
        %while3A_241 = arith.constant 1 : i32
        %while3A_242:8 = scf.for %while3A_243 = %while3A_238 to %while3A_234 step %while3A_241 iter_args(%while3A_244 = %while3A_240#0, %while3A_245 = %while3A_240#1, %while3A_246 = %while3A_240#2, %while3A_247 = %while3A_240#3, %while3A_248 = %while3A_240#4, %while3A_249 = %while3A_240#5, %while3A_250 = %while3A_240#6, %while3A_251 = %while3A_240#7) -> (vector<16xf32>, vector<16xf32>, vector<16xf32>, vector<16xf32>, vector<16xf32>, vector<16xf32>, vector<16xf32>, vector<16xf32>)  : i32 {
          %add3A_252 = arith.addi %mul3A_182, %while3A_243 : i32
          %sub3A_253 = arith.subi %add3A_252, %mul3A_219 : i32
          %get3A_254 = arith.index_cast %sub3A_253 : i32 to index
          %get3A_255 = arith.constant 0 : index
          %get3A_256 = tpu.vector_load %arg17[%get3A_254, %get3A_255] {strides = array<i32>} : memref<512x64xf32, #tpu.memory_space<vmem>>, vector<16xf32>,
          %get3A_257 = arith.index_cast %sub3A_253 : i32 to index
          %get3A_258 = arith.constant 16 : index
          %get3A_259 = tpu.vector_load %arg17[%get3A_257, %get3A_258] {strides = array<i32>} : memref<512x64xf32, #tpu.memory_space<vmem>>, vector<16xf32>,
          %get3A_260 = arith.index_cast %sub3A_253 : i32 to index
          %get3A_261 = arith.constant 32 : index
          %get3A_262 = tpu.vector_load %arg17[%get3A_260, %get3A_261] {strides = array<i32>} : memref<512x64xf32, #tpu.memory_space<vmem>>, vector<16xf32>,
          %get3A_263 = arith.index_cast %sub3A_253 : i32 to index
          %get3A_264 = arith.constant 48 : index
          %get3A_265 = tpu.vector_load %arg17[%get3A_263, %get3A_264] {strides = array<i32>} : memref<512x64xf32, #tpu.memory_space<vmem>>, vector<16xf32>,
          %add3A_266 = arith.addf %while3A_244, %get3A_256 : vector<16xf32>
          %add3A_267 = arith.addf %while3A_245, %get3A_259 : vector<16xf32>
          %add3A_268 = arith.addf %while3A_246, %get3A_262 : vector<16xf32>
          %add3A_269 = arith.addf %while3A_247, %get3A_265 : vector<16xf32>
          %max3A_270 = arith.maximumf %while3A_248, %get3A_256 : vector<16xf32>
          %max3A_271 = arith.maximumf %while3A_249, %get3A_259 : vector<16xf32>
          %max3A_272 = arith.maximumf %while3A_250, %get3A_262 : vector<16xf32>
          %max3A_273 = arith.maximumf %while3A_251, %get3A_265 : vector<16xf32>
          scf.yield %add3A_266, %add3A_267, %add3A_268, %add3A_269, %max3A_270, %max3A_271, %max3A_272, %max3A_273 : vector<16xf32>, vector<16xf32>, vector<16xf32>, vector<16xf32>, vector<16xf32>, vector<16xf32>, vector<16xf32>, vector<16xf32>
        }
        scf.yield %while3A_242#0, %while3A_242#1, %while3A_242#2, %while3A_242#3, %while3A_242#4, %while3A_242#5, %while3A_242#6, %while3A_242#7 : vector<16xf32>, vector<16xf32>, vector<16xf32>, vector<16xf32>, vector<16xf32>, vector<16xf32>, vector<16xf32>, vector<16xf32>
      } else {
        scf.yield %while3A_223#1, %while3A_223#2, %while3A_223#3, %while3A_223#4, %while3A_223#5, %while3A_223#6, %while3A_223#7, %while3A_223#8 : vector<16xf32>, vector<16xf32>, vector<16xf32>, vector<16xf32>, vector<16xf32>, vector<16xf32>, vector<16xf32>, vector<16xf32>
      }
      scf.yield %while3A_223#0, %cond3A_229#0, %cond3A_229#1, %cond3A_229#2, %cond3A_229#3, %cond3A_229#4, %cond3A_229#5, %cond3A_229#6, %cond3A_229#7 : i32, vector<16xf32>, vector<16xf32>, vector<16xf32>, vector<16xf32>, vector<16xf32>, vector<16xf32>, vector<16xf32>, vector<16xf32>
    }
    %while3A_155 = arith.constant 1 : i32
    %while3A_156:9 = scf.for %while3A_157 = %while3A_152 to %while3A_148 step %while3A_155 iter_args(%while3A_158 = %while3A_154#0, %while3A_159 = %while3A_154#1, %while3A_160 = %while3A_154#2, %while3A_161 = %while3A_154#3, %while3A_162 = %while3A_154#4, %while3A_163 = %while3A_154#5, %while3A_164 = %while3A_154#6, %while3A_165 = %while3A_154#7, %while3A_166 = %while3A_154#8) -> (i32, vector<16xf32>, vector<16xf32>, vector<16xf32>, vector<16xf32>, vector<16xf32>, vector<16xf32>, vector<16xf32>, vector<16xf32>)  : i32 {
      %jit3A_167 = arith.constant 4 : i32
      %eq3A = arith.constant 0 : i32
      %eq3A_168 = arith.cmpi eq, %jit3A_167, %eq3A : i32
      %jit3A_169 = arith.constant 1 : i32
      %select_n3A_170 = arith.select %eq3A_168, %jit3A_169, %jit3A_167 : i32
      %rem3A_171 = arith.remsi %while3A_157, %select_n3A_170 : i32
      %ne3A_172 = arith.constant 0 : i32
      %ne3A_173 = arith.cmpi ne, %rem3A_171, %ne3A_172 : i32
      %lt3A = arith.constant 0 : i32
      %lt3A_174 = arith.cmpi slt, %rem3A_171, %lt3A : i32
      %lt3A_175 = arith.constant 0 : i32
      %lt3A_176 = arith.cmpi slt, %select_n3A_170, %lt3A_175 : i32
      %ne3A_177 = arith.xori %lt3A_174, %lt3A_176 : i1
      %and3A_178 = arith.andi %ne3A_177, %ne3A_173 : i1
      %add3A_179 = arith.addi %rem3A_171, %select_n3A_170 : i32
      %select_n3A_180 = arith.select %and3A_178, %add3A_179, %rem3A_171 : i32
      %mul3A_181 = arith.constant 128 : i32
      %mul3A_182 = arith.muli %select_n3A_180, %mul3A_181 : i32
      %add3A_183 = arith.constant 3 : i32
      %add3A_184 = arith.addi %while3A_157, %add3A_183 : i32
      %jit3A_185 = arith.constant 4 : i32
      %eq3A_186 = arith.constant 0 : i32
      %eq3A_187 = arith.cmpi eq, %jit3A_185, %eq3A_186 : i32
      %jit3A_188 = arith.constant 1 : i32
      %select_n3A_189 = arith.select %eq3A_187, %jit3A_188, %jit3A_185 : i32
      %rem3A_190 = arith.remsi %add3A_184, %select_n3A_189 : i32
      %ne3A_191 = arith.constant 0 : i32
      %ne3A_192 = arith.cmpi ne, %rem3A_190, %ne3A_191 : i32
      %lt3A_193 = arith.constant 0 : i32
      %lt3A_194 = arith.cmpi slt, %rem3A_190, %lt3A_193 : i32
      %lt3A_195 = arith.constant 0 : i32
      %lt3A_196 = arith.cmpi slt, %select_n3A_189, %lt3A_195 : i32
      %ne3A_197 = arith.xori %lt3A_194, %lt3A_196 : i1
      %and3A_198 = arith.andi %ne3A_197, %ne3A_192 : i1
      %add3A_199 = arith.addi %rem3A_190, %select_n3A_189 : i32
      %select_n3A_200 = arith.select %and3A_198, %add3A_199, %rem3A_190 : i32
      %mul3A_201 = arith.constant 128 : i32
      %mul3A_202 = arith.muli %select_n3A_200, %mul3A_201 : i32
      %add3A_203 = arith.constant 3 : i32
      %add3A_204 = arith.addi %while3A_157, %add3A_203 : i32
      %lt3A_205 = arith.cmpi slt, %add3A_204, %select_n3A_128 : i32
      %convert_element_type3A_206 = arith.extui %lt3A_205 : i1 to i32
      %cond3A_207 = arith.constant 0 : i32
      %cond3A_208 = arith.cmpi ne, %convert_element_type3A_206, %cond3A_207 : i32
      scf.if %cond3A_208 {
        %add3A_230 = arith.constant 3 : i32
        %add3A_231 = arith.addi %while3A_157, %add3A_230 : i32
        %mul3A_232 = arith.constant 128 : i32
        %mul3A_233 = arith.muli %add3A_231, %mul3A_232 : i32
        %dma_start3A_234 = arith.constant 0 : i32
        %dma_start3A_235 = tpu.memref_slice %arg17[%mul3A_202, %dma_start3A_234] : memref<512x64xf32, #tpu.memory_space<vmem>> -> memref<128x64xf32, #tpu.memory_space<vmem>>
        %dma_start3A_236 = tpu.memref_slice %arg13[%mul3A_233] : memref<6192xi32, #tpu.memory_space<vmem>> -> memref<128xi32, #tpu.memory_space<vmem>>
        %dma_start3A_237 = arith.constant 0 : i32
        %dma_start3A_238 = arith.constant 0 : i32
        %dma_start3A_239 = tpu.memref_slice %arg4[%dma_start3A_237, %dma_start3A_238] : memref<10240x64xf32, #tpu.memory_space<hbm>> -> memref<10240x64xf32, #tpu.memory_space<hbm>>
        tpu.enqueue_indirect_dma source(%dma_start3A_239 : memref<10240x64xf32, #tpu.memory_space<hbm>>) target(%dma_start3A_235 : memref<128x64xf32, #tpu.memory_space<vmem>>) offsets(%dma_start3A_236 : memref<128xi32, #tpu.memory_space<vmem>>) semaphore(%arg20 : memref<!tpu.dma_semaphore, #tpu.memory_space<semaphore_mem>>)
      } else {
      }
      %dma_wait3A = arith.constant 0 : i32
      %dma_wait3A_209 = tpu.memref_slice %arg17[%mul3A_182, %dma_wait3A] : memref<512x64xf32, #tpu.memory_space<vmem>> -> memref<128x64xf32, #tpu.memory_space<vmem>>
      %dma_wait3A_210 = arith.constant 0 : i32
      %dma_wait3A_211 = arith.constant 0 : i32
      %dma_wait3A_212 = tpu.memref_slice %arg4[%dma_wait3A_210, %dma_wait3A_211] : memref<10240x64xf32, #tpu.memory_space<hbm>> -> memref<128x64xf32, #tpu.memory_space<hbm>>
      %dma_wait3A_213 = arith.constant 0 : i32
      %dma_wait3A_214 = tpu.memref_slice %arg17[%mul3A_182, %dma_wait3A_213] : memref<512x64xf32, #tpu.memory_space<vmem>> -> memref<128x64xf32, #tpu.memory_space<vmem>>
      %dma_wait3A_215 = arith.constant 0 : i32
      %dma_wait3A_216 = arith.constant 0 : i32
      %dma_wait3A_217 = tpu.memref_slice %arg4[%dma_wait3A_215, %dma_wait3A_216] : memref<10240x64xf32, #tpu.memory_space<hbm>> -> memref<128x64xf32, #tpu.memory_space<hbm>>
      tpu.wait_dma2 semaphore(%arg20 : memref<!tpu.dma_semaphore, #tpu.memory_space<semaphore_mem>>) src(%dma_wait3A_217 : memref<128x64xf32, #tpu.memory_space<hbm>>) dst(%dma_wait3A_214 : memref<128x64xf32, #tpu.memory_space<vmem>>)
      %mul3A_218 = arith.constant 128 : i32
      %mul3A_219 = arith.muli %while3A_157, %mul3A_218 : i32
      %sub3A_220 = arith.subi %squeeze3A, %mul3A_219 : i32
      %min3A = arith.constant 128 : i32
      %min3A_221 = arith.minsi %min3A, %sub3A_220 : i32
      %add3A_222 = arith.addi %mul3A_219, %min3A_221 : i32
      %while3A_223:9 = scf.while (%while3A_230 = %while3A_158, %while3A_231 = %while3A_159, %while3A_232 = %while3A_160, %while3A_233 = %while3A_161, %while3A_234 = %while3A_162, %while3A_235 = %while3A_163, %while3A_236 = %while3A_164, %while3A_237 = %while3A_165, %while3A_238 = %while3A_166) : (i32, vector<16xf32>, vector<16xf32>, vector<16xf32>, vector<16xf32>, vector<16xf32>, vector<16xf32>, vector<16xf32>, vector<16xf32>) -> (i32, vector<16xf32>, vector<16xf32>, vector<16xf32>, vector<16xf32>, vector<16xf32>, vector<16xf32>, vector<16xf32>, vector<16xf32>) {
        %lt3A_239 = arith.constant 320 : i32
        %lt3A_240 = arith.cmpi slt, %while3A_230, %lt3A_239 : i32
        %add3A_241 = arith.constant 1 : i32
        %add3A_242 = arith.addi %while3A_230, %add3A_241 : i32
        %get3A = arith.index_cast %add3A_242 : i32 to index
        %get3A_243 = tpu.vector_load %arg15[%get3A] {strides = array<i32>} : memref<352xi32, #tpu.memory_space<vmem>>, vector<16xi32>,
        %slice3A_244 = vector.extract_strided_slice %get3A_243 {offsets = [0], sizes = [1], strides = [1]} : vector<16xi32> to vector<1xi32>
        %squeeze3A_245 = vector.extract %slice3A_244[0] : i32 from vector<1xi32>
        %le3A = arith.cmpi sle, %squeeze3A_245, %add3A_222 : i32
        %and3A_246 = arith.andi %lt3A_240, %le3A : i1
        scf.condition(%and3A_246) %while3A_230, %while3A_231, %while3A_232, %while3A_233, %while3A_234, %while3A_235, %while3A_236, %while3A_237, %while3A_238 : i32, vector<16xf32>, vector<16xf32>, vector<16xf32>, vector<16xf32>, vector<16xf32>, vector<16xf32>, vector<16xf32>, vector<16xf32>
      } do {
      ^bb0(%while3A_230: i32, %while3A_231: vector<16xf32>, %while3A_232: vector<16xf32>, %while3A_233: vector<16xf32>, %while3A_234: vector<16xf32>, %while3A_235: vector<16xf32>, %while3A_236: vector<16xf32>, %while3A_237: vector<16xf32>, %while3A_238: vector<16xf32>):
        %get3A = arith.index_cast %while3A_230 : i32 to index
        %get3A_239 = tpu.vector_load %arg15[%get3A] {strides = array<i32>} : memref<352xi32, #tpu.memory_space<vmem>>, vector<16xi32>,
        %slice3A_240 = vector.extract_strided_slice %get3A_239 {offsets = [0], sizes = [1], strides = [1]} : vector<16xi32> to vector<1xi32>
        %squeeze3A_241 = vector.extract %slice3A_240[0] : i32 from vector<1xi32>
        %add3A_242 = arith.constant 1 : i32
        %add3A_243 = arith.addi %while3A_230, %add3A_242 : i32
        %get3A_244 = arith.index_cast %add3A_243 : i32 to index
        %get3A_245 = tpu.vector_load %arg15[%get3A_244] {strides = array<i32>} : memref<352xi32, #tpu.memory_space<vmem>>, vector<16xi32>,
        %slice3A_246 = vector.extract_strided_slice %get3A_245 {offsets = [0], sizes = [1], strides = [1]} : vector<16xi32> to vector<1xi32>
        %squeeze3A_247 = vector.extract %slice3A_246[0] : i32 from vector<1xi32>
        %max3A = arith.maxsi %squeeze3A_241, %mul3A_219 : i32
        %while3A_248 = arith.subi %squeeze3A_247, %max3A : i32
        %while3A_249 = arith.addi %max3A, %while3A_248 : i32
        %while3A_250 = arith.constant 1 : i32
        %while3A_251 = arith.divsi %while3A_248, %while3A_250 : i32
        %while3A_252 = arith.muli %while3A_251, %while3A_250 : i32
        %while3A_253 = arith.addi %max3A, %while3A_252 : i32
        %while3A_254 = arith.constant 1 : i32
        %while3A_255:8 = scf.for %while3A_326 = %max3A to %while3A_253 step %while3A_254 iter_args(%while3A_327 = %while3A_231, %while3A_328 = %while3A_232, %while3A_329 = %while3A_233, %while3A_330 = %while3A_234, %while3A_331 = %while3A_235, %while3A_332 = %while3A_236, %while3A_333 = %while3A_237, %while3A_334 = %while3A_238) -> (vector<16xf32>, vector<16xf32>, vector<16xf32>, vector<16xf32>, vector<16xf32>, vector<16xf32>, vector<16xf32>, vector<16xf32>)  : i32 {
          %add3A_335 = arith.addi %mul3A_182, %while3A_326 : i32
          %sub3A_336 = arith.subi %add3A_335, %mul3A_219 : i32
          %get3A_337 = arith.index_cast %sub3A_336 : i32 to index
          %get3A_338 = arith.constant 0 : index
          %get3A_339 = tpu.vector_load %arg17[%get3A_337, %get3A_338] {strides = array<i32>} : memref<512x64xf32, #tpu.memory_space<vmem>>, vector<16xf32>,
          %get3A_340 = arith.index_cast %sub3A_336 : i32 to index
          %get3A_341 = arith.constant 16 : index
          %get3A_342 = tpu.vector_load %arg17[%get3A_340, %get3A_341] {strides = array<i32>} : memref<512x64xf32, #tpu.memory_space<vmem>>, vector<16xf32>,
          %get3A_343 = arith.index_cast %sub3A_336 : i32 to index
          %get3A_344 = arith.constant 32 : index
          %get3A_345 = tpu.vector_load %arg17[%get3A_343, %get3A_344] {strides = array<i32>} : memref<512x64xf32, #tpu.memory_space<vmem>>, vector<16xf32>,
          %get3A_346 = arith.index_cast %sub3A_336 : i32 to index
          %get3A_347 = arith.constant 48 : index
          %get3A_348 = tpu.vector_load %arg17[%get3A_346, %get3A_347] {strides = array<i32>} : memref<512x64xf32, #tpu.memory_space<vmem>>, vector<16xf32>,
          %add3A_349 = arith.addf %while3A_327, %get3A_339 : vector<16xf32>
          %add3A_350 = arith.addf %while3A_328, %get3A_342 : vector<16xf32>
          %add3A_351 = arith.addf %while3A_329, %get3A_345 : vector<16xf32>
          %add3A_352 = arith.addf %while3A_330, %get3A_348 : vector<16xf32>
          %max3A_353 = arith.maximumf %while3A_331, %get3A_339 : vector<16xf32>
          %max3A_354 = arith.maximumf %while3A_332, %get3A_342 : vector<16xf32>
          %max3A_355 = arith.maximumf %while3A_333, %get3A_345 : vector<16xf32>
          %max3A_356 = arith.maximumf %while3A_334, %get3A_348 : vector<16xf32>
          scf.yield %add3A_349, %add3A_350, %add3A_351, %add3A_352, %max3A_353, %max3A_354, %max3A_355, %max3A_356 : vector<16xf32>, vector<16xf32>, vector<16xf32>, vector<16xf32>, vector<16xf32>, vector<16xf32>, vector<16xf32>, vector<16xf32>
        }
        %while3A_256 = arith.constant 1 : i32
        %while3A_257:8 = scf.for %while3A_326 = %while3A_253 to %while3A_249 step %while3A_256 iter_args(%while3A_327 = %while3A_255#0, %while3A_328 = %while3A_255#1, %while3A_329 = %while3A_255#2, %while3A_330 = %while3A_255#3, %while3A_331 = %while3A_255#4, %while3A_332 = %while3A_255#5, %while3A_333 = %while3A_255#6, %while3A_334 = %while3A_255#7) -> (vector<16xf32>, vector<16xf32>, vector<16xf32>, vector<16xf32>, vector<16xf32>, vector<16xf32>, vector<16xf32>, vector<16xf32>)  : i32 {
          %add3A_335 = arith.addi %mul3A_182, %while3A_326 : i32
          %sub3A_336 = arith.subi %add3A_335, %mul3A_219 : i32
          %get3A_337 = arith.index_cast %sub3A_336 : i32 to index
          %get3A_338 = arith.constant 0 : index
          %get3A_339 = tpu.vector_load %arg17[%get3A_337, %get3A_338] {strides = array<i32>} : memref<512x64xf32, #tpu.memory_space<vmem>>, vector<16xf32>,
          %get3A_340 = arith.index_cast %sub3A_336 : i32 to index
          %get3A_341 = arith.constant 16 : index
          %get3A_342 = tpu.vector_load %arg17[%get3A_340, %get3A_341] {strides = array<i32>} : memref<512x64xf32, #tpu.memory_space<vmem>>, vector<16xf32>,
          %get3A_343 = arith.index_cast %sub3A_336 : i32 to index
          %get3A_344 = arith.constant 32 : index
          %get3A_345 = tpu.vector_load %arg17[%get3A_343, %get3A_344] {strides = array<i32>} : memref<512x64xf32, #tpu.memory_space<vmem>>, vector<16xf32>,
          %get3A_346 = arith.index_cast %sub3A_336 : i32 to index
          %get3A_347 = arith.constant 48 : index
          %get3A_348 = tpu.vector_load %arg17[%get3A_346, %get3A_347] {strides = array<i32>} : memref<512x64xf32, #tpu.memory_space<vmem>>, vector<16xf32>,
          %add3A_349 = arith.addf %while3A_327, %get3A_339 : vector<16xf32>
          %add3A_350 = arith.addf %while3A_328, %get3A_342 : vector<16xf32>
          %add3A_351 = arith.addf %while3A_329, %get3A_345 : vector<16xf32>
          %add3A_352 = arith.addf %while3A_330, %get3A_348 : vector<16xf32>
          %max3A_353 = arith.maximumf %while3A_331, %get3A_339 : vector<16xf32>
          %max3A_354 = arith.maximumf %while3A_332, %get3A_342 : vector<16xf32>
          %max3A_355 = arith.maximumf %while3A_333, %get3A_345 : vector<16xf32>
          %max3A_356 = arith.maximumf %while3A_334, %get3A_348 : vector<16xf32>
          scf.yield %add3A_349, %add3A_350, %add3A_351, %add3A_352, %max3A_353, %max3A_354, %max3A_355, %max3A_356 : vector<16xf32>, vector<16xf32>, vector<16xf32>, vector<16xf32>, vector<16xf32>, vector<16xf32>, vector<16xf32>, vector<16xf32>
        }
        %get3A_258 = arith.index_cast %while3A_230 : i32 to index
        %get3A_259 = arith.constant 0 : index
        %get3A_260 = tpu.vector_load %arg18[%get3A_258, %get3A_259] {strides = array<i32>} : memref<321x80xf32, #tpu.memory_space<vmem>>, vector<16xf32>,
        %add3A_261 = arith.addf %get3A_260, %while3A_257#0 : vector<16xf32>
        %swap3A_262 = arith.index_cast %while3A_230 : i32 to index
        %swap3A_263 = arith.constant 0 : index
        %swap3A_264 = tpu.vector_load %arg18[%swap3A_262, %swap3A_263] {strides = array<i32>} : memref<321x80xf32, #tpu.memory_space<vmem>>, vector<16xf32>,
        tpu.vector_store %arg18[%swap3A_262, %swap3A_263], %add3A_261 {strides = array<i32>} : memref<321x80xf32, #tpu.memory_space<vmem>>, vector<16xf32>,
        %get3A_265 = arith.index_cast %while3A_230 : i32 to index
        %get3A_266 = arith.constant 16 : index
        %get3A_267 = tpu.vector_load %arg18[%get3A_265, %get3A_266] {strides = array<i32>} : memref<321x80xf32, #tpu.memory_space<vmem>>, vector<16xf32>,
        %add3A_268 = arith.addf %get3A_267, %while3A_257#1 : vector<16xf32>
        %swap3A_269 = arith.index_cast %while3A_230 : i32 to index
        %swap3A_270 = arith.constant 16 : index
        %swap3A_271 = tpu.vector_load %arg18[%swap3A_269, %swap3A_270] {strides = array<i32>} : memref<321x80xf32, #tpu.memory_space<vmem>>, vector<16xf32>,
        tpu.vector_store %arg18[%swap3A_269, %swap3A_270], %add3A_268 {strides = array<i32>} : memref<321x80xf32, #tpu.memory_space<vmem>>, vector<16xf32>,
        %get3A_272 = arith.index_cast %while3A_230 : i32 to index
        %get3A_273 = arith.constant 32 : index
        %get3A_274 = tpu.vector_load %arg18[%get3A_272, %get3A_273] {strides = array<i32>} : memref<321x80xf32, #tpu.memory_space<vmem>>, vector<16xf32>,
        %add3A_275 = arith.addf %get3A_274, %while3A_257#2 : vector<16xf32>
        %swap3A_276 = arith.index_cast %while3A_230 : i32 to index
        %swap3A_277 = arith.constant 32 : index
        %swap3A_278 = tpu.vector_load %arg18[%swap3A_276, %swap3A_277] {strides = array<i32>} : memref<321x80xf32, #tpu.memory_space<vmem>>, vector<16xf32>,
        tpu.vector_store %arg18[%swap3A_276, %swap3A_277], %add3A_275 {strides = array<i32>} : memref<321x80xf32, #tpu.memory_space<vmem>>, vector<16xf32>,
        %get3A_279 = arith.index_cast %while3A_230 : i32 to index
        %get3A_280 = arith.constant 48 : index
        %get3A_281 = tpu.vector_load %arg18[%get3A_279, %get3A_280] {strides = array<i32>} : memref<321x80xf32, #tpu.memory_space<vmem>>, vector<16xf32>,
        %add3A_282 = arith.addf %get3A_281, %while3A_257#3 : vector<16xf32>
        %swap3A_283 = arith.index_cast %while3A_230 : i32 to index
        %swap3A_284 = arith.constant 48 : index
        %swap3A_285 = tpu.vector_load %arg18[%swap3A_283, %swap3A_284] {strides = array<i32>} : memref<321x80xf32, #tpu.memory_space<vmem>>, vector<16xf32>,
        tpu.vector_store %arg18[%swap3A_283, %swap3A_284], %add3A_282 {strides = array<i32>} : memref<321x80xf32, #tpu.memory_space<vmem>>, vector<16xf32>,
        %get3A_286 = arith.index_cast %while3A_230 : i32 to index
        %get3A_287 = arith.constant 0 : index
        %get3A_288 = tpu.vector_load %arg19[%get3A_286, %get3A_287] {strides = array<i32>} : memref<321x64xf32, #tpu.memory_space<vmem>>, vector<16xf32>,
        %max3A_289 = arith.maximumf %get3A_288, %while3A_257#4 : vector<16xf32>
        %swap3A_290 = arith.index_cast %while3A_230 : i32 to index
        %swap3A_291 = arith.constant 0 : index
        %swap3A_292 = tpu.vector_load %arg19[%swap3A_290, %swap3A_291] {strides = array<i32>} : memref<321x64xf32, #tpu.memory_space<vmem>>, vector<16xf32>,
        tpu.vector_store %arg19[%swap3A_290, %swap3A_291], %max3A_289 {strides = array<i32>} : memref<321x64xf32, #tpu.memory_space<vmem>>, vector<16xf32>,
        %get3A_293 = arith.index_cast %while3A_230 : i32 to index
        %get3A_294 = arith.constant 16 : index
        %get3A_295 = tpu.vector_load %arg19[%get3A_293, %get3A_294] {strides = array<i32>} : memref<321x64xf32, #tpu.memory_space<vmem>>, vector<16xf32>,
        %max3A_296 = arith.maximumf %get3A_295, %while3A_257#5 : vector<16xf32>
        %swap3A_297 = arith.index_cast %while3A_230 : i32 to index
        %swap3A_298 = arith.constant 16 : index
        %swap3A_299 = tpu.vector_load %arg19[%swap3A_297, %swap3A_298] {strides = array<i32>} : memref<321x64xf32, #tpu.memory_space<vmem>>, vector<16xf32>,
        tpu.vector_store %arg19[%swap3A_297, %swap3A_298], %max3A_296 {strides = array<i32>} : memref<321x64xf32, #tpu.memory_space<vmem>>, vector<16xf32>,
        %get3A_300 = arith.index_cast %while3A_230 : i32 to index
        %get3A_301 = arith.constant 32 : index
        %get3A_302 = tpu.vector_load %arg19[%get3A_300, %get3A_301] {strides = array<i32>} : memref<321x64xf32, #tpu.memory_space<vmem>>, vector<16xf32>,
        %max3A_303 = arith.maximumf %get3A_302, %while3A_257#6 : vector<16xf32>
        %swap3A_304 = arith.index_cast %while3A_230 : i32 to index
        %swap3A_305 = arith.constant 32 : index
        %swap3A_306 = tpu.vector_load %arg19[%swap3A_304, %swap3A_305] {strides = array<i32>} : memref<321x64xf32, #tpu.memory_space<vmem>>, vector<16xf32>,
        tpu.vector_store %arg19[%swap3A_304, %swap3A_305], %max3A_303 {strides = array<i32>} : memref<321x64xf32, #tpu.memory_space<vmem>>, vector<16xf32>,
        %get3A_307 = arith.index_cast %while3A_230 : i32 to index
        %get3A_308 = arith.constant 48 : index
        %get3A_309 = tpu.vector_load %arg19[%get3A_307, %get3A_308] {strides = array<i32>} : memref<321x64xf32, #tpu.memory_space<vmem>>, vector<16xf32>,
        %max3A_310 = arith.maximumf %get3A_309, %while3A_257#7 : vector<16xf32>
        %swap3A_311 = arith.index_cast %while3A_230 : i32 to index
        %swap3A_312 = arith.constant 48 : index
        %swap3A_313 = tpu.vector_load %arg19[%swap3A_311, %swap3A_312] {strides = array<i32>} : memref<321x64xf32, #tpu.memory_space<vmem>>, vector<16xf32>,
        tpu.vector_store %arg19[%swap3A_311, %swap3A_312], %max3A_310 {strides = array<i32>} : memref<321x64xf32, #tpu.memory_space<vmem>>, vector<16xf32>,
        %sub3A_314 = arith.subi %squeeze3A_247, %squeeze3A_241 : i32
        %convert_element_type3A_315 = arith.sitofp %sub3A_314 : i32 to f32
        %get3A_316 = arith.index_cast %while3A_230 : i32 to index
        %get3A_317 = arith.constant 64 : index
        %get3A_318 = tpu.vector_load %arg18[%get3A_316, %get3A_317] {strides = array<i32>} : memref<321x80xf32, #tpu.memory_space<vmem>>, vector<16xf32>,
        %add3A_319 = vector.broadcast %convert_element_type3A_315 : f32 to vector<16xf32>
        %add3A_320 = arith.addf %get3A_318, %add3A_319 : vector<16xf32>
        %swap3A_321 = arith.index_cast %while3A_230 : i32 to index
        %swap3A_322 = arith.constant 64 : index
        %swap3A_323 = tpu.vector_load %arg18[%swap3A_321, %swap3A_322] {strides = array<i32>} : memref<321x80xf32, #tpu.memory_space<vmem>>, vector<16xf32>,
        tpu.vector_store %arg18[%swap3A_321, %swap3A_322], %add3A_320 {strides = array<i32>} : memref<321x80xf32, #tpu.memory_space<vmem>>, vector<16xf32>,
        %add3A_324 = arith.constant 1 : i32
        %add3A_325 = arith.addi %while3A_230, %add3A_324 : i32
        scf.yield %add3A_325, %broadcast_in_dim3A_142, %broadcast_in_dim3A_142, %broadcast_in_dim3A_142, %broadcast_in_dim3A_142, %broadcast_in_dim3A_144, %broadcast_in_dim3A_144, %broadcast_in_dim3A_144, %broadcast_in_dim3A_144 : i32, vector<16xf32>, vector<16xf32>, vector<16xf32>, vector<16xf32>, vector<16xf32>, vector<16xf32>, vector<16xf32>, vector<16xf32>
      }
      %lt3A_224 = arith.constant 320 : i32
      %lt3A_225 = arith.cmpi slt, %while3A_223#0, %lt3A_224 : i32
      %convert_element_type3A_226 = arith.extui %lt3A_225 : i1 to i32
      %cond3A_227 = arith.constant 0 : i32
      %cond3A_228 = arith.cmpi ne, %convert_element_type3A_226, %cond3A_227 : i32
      %cond3A_229:8 = scf.if %cond3A_228 -> (vector<16xf32>, vector<16xf32>, vector<16xf32>, vector<16xf32>, vector<16xf32>, vector<16xf32>, vector<16xf32>, vector<16xf32>) {
        %get3A = arith.index_cast %while3A_223#0 : i32 to index
        %get3A_230 = tpu.vector_load %arg15[%get3A] {strides = array<i32>} : memref<352xi32, #tpu.memory_space<vmem>>, vector<16xi32>,
        %slice3A_231 = vector.extract_strided_slice %get3A_230 {offsets = [0], sizes = [1], strides = [1]} : vector<16xi32> to vector<1xi32>
        %squeeze3A_232 = vector.extract %slice3A_231[0] : i32 from vector<1xi32>
        %max3A = arith.maxsi %squeeze3A_232, %mul3A_219 : i32
        %while3A_233 = arith.subi %add3A_222, %max3A : i32
        %while3A_234 = arith.addi %max3A, %while3A_233 : i32
        %while3A_235 = arith.constant 1 : i32
        %while3A_236 = arith.divsi %while3A_233, %while3A_235 : i32
        %while3A_237 = arith.muli %while3A_236, %while3A_235 : i32
        %while3A_238 = arith.addi %max3A, %while3A_237 : i32
        %while3A_239 = arith.constant 1 : i32
        %while3A_240:8 = scf.for %while3A_243 = %max3A to %while3A_238 step %while3A_239 iter_args(%while3A_244 = %while3A_223#1, %while3A_245 = %while3A_223#2, %while3A_246 = %while3A_223#3, %while3A_247 = %while3A_223#4, %while3A_248 = %while3A_223#5, %while3A_249 = %while3A_223#6, %while3A_250 = %while3A_223#7, %while3A_251 = %while3A_223#8) -> (vector<16xf32>, vector<16xf32>, vector<16xf32>, vector<16xf32>, vector<16xf32>, vector<16xf32>, vector<16xf32>, vector<16xf32>)  : i32 {
          %add3A_252 = arith.addi %mul3A_182, %while3A_243 : i32
          %sub3A_253 = arith.subi %add3A_252, %mul3A_219 : i32
          %get3A_254 = arith.index_cast %sub3A_253 : i32 to index
          %get3A_255 = arith.constant 0 : index
          %get3A_256 = tpu.vector_load %arg17[%get3A_254, %get3A_255] {strides = array<i32>} : memref<512x64xf32, #tpu.memory_space<vmem>>, vector<16xf32>,
          %get3A_257 = arith.index_cast %sub3A_253 : i32 to index
          %get3A_258 = arith.constant 16 : index
          %get3A_259 = tpu.vector_load %arg17[%get3A_257, %get3A_258] {strides = array<i32>} : memref<512x64xf32, #tpu.memory_space<vmem>>, vector<16xf32>,
          %get3A_260 = arith.index_cast %sub3A_253 : i32 to index
          %get3A_261 = arith.constant 32 : index
          %get3A_262 = tpu.vector_load %arg17[%get3A_260, %get3A_261] {strides = array<i32>} : memref<512x64xf32, #tpu.memory_space<vmem>>, vector<16xf32>,
          %get3A_263 = arith.index_cast %sub3A_253 : i32 to index
          %get3A_264 = arith.constant 48 : index
          %get3A_265 = tpu.vector_load %arg17[%get3A_263, %get3A_264] {strides = array<i32>} : memref<512x64xf32, #tpu.memory_space<vmem>>, vector<16xf32>,
          %add3A_266 = arith.addf %while3A_244, %get3A_256 : vector<16xf32>
          %add3A_267 = arith.addf %while3A_245, %get3A_259 : vector<16xf32>
          %add3A_268 = arith.addf %while3A_246, %get3A_262 : vector<16xf32>
          %add3A_269 = arith.addf %while3A_247, %get3A_265 : vector<16xf32>
          %max3A_270 = arith.maximumf %while3A_248, %get3A_256 : vector<16xf32>
          %max3A_271 = arith.maximumf %while3A_249, %get3A_259 : vector<16xf32>
          %max3A_272 = arith.maximumf %while3A_250, %get3A_262 : vector<16xf32>
          %max3A_273 = arith.maximumf %while3A_251, %get3A_265 : vector<16xf32>
          scf.yield %add3A_266, %add3A_267, %add3A_268, %add3A_269, %max3A_270, %max3A_271, %max3A_272, %max3A_273 : vector<16xf32>, vector<16xf32>, vector<16xf32>, vector<16xf32>, vector<16xf32>, vector<16xf32>, vector<16xf32>, vector<16xf32>
        }
        %while3A_241 = arith.constant 1 : i32
        %while3A_242:8 = scf.for %while3A_243 = %while3A_238 to %while3A_234 step %while3A_241 iter_args(%while3A_244 = %while3A_240#0, %while3A_245 = %while3A_240#1, %while3A_246 = %while3A_240#2, %while3A_247 = %while3A_240#3, %while3A_248 = %while3A_240#4, %while3A_249 = %while3A_240#5, %while3A_250 = %while3A_240#6, %while3A_251 = %while3A_240#7) -> (vector<16xf32>, vector<16xf32>, vector<16xf32>, vector<16xf32>, vector<16xf32>, vector<16xf32>, vector<16xf32>, vector<16xf32>)  : i32 {
          %add3A_252 = arith.addi %mul3A_182, %while3A_243 : i32
          %sub3A_253 = arith.subi %add3A_252, %mul3A_219 : i32
          %get3A_254 = arith.index_cast %sub3A_253 : i32 to index
          %get3A_255 = arith.constant 0 : index
          %get3A_256 = tpu.vector_load %arg17[%get3A_254, %get3A_255] {strides = array<i32>} : memref<512x64xf32, #tpu.memory_space<vmem>>, vector<16xf32>,
          %get3A_257 = arith.index_cast %sub3A_253 : i32 to index
          %get3A_258 = arith.constant 16 : index
          %get3A_259 = tpu.vector_load %arg17[%get3A_257, %get3A_258] {strides = array<i32>} : memref<512x64xf32, #tpu.memory_space<vmem>>, vector<16xf32>,
          %get3A_260 = arith.index_cast %sub3A_253 : i32 to index
          %get3A_261 = arith.constant 32 : index
          %get3A_262 = tpu.vector_load %arg17[%get3A_260, %get3A_261] {strides = array<i32>} : memref<512x64xf32, #tpu.memory_space<vmem>>, vector<16xf32>,
          %get3A_263 = arith.index_cast %sub3A_253 : i32 to index
          %get3A_264 = arith.constant 48 : index
          %get3A_265 = tpu.vector_load %arg17[%get3A_263, %get3A_264] {strides = array<i32>} : memref<512x64xf32, #tpu.memory_space<vmem>>, vector<16xf32>,
          %add3A_266 = arith.addf %while3A_244, %get3A_256 : vector<16xf32>
          %add3A_267 = arith.addf %while3A_245, %get3A_259 : vector<16xf32>
          %add3A_268 = arith.addf %while3A_246, %get3A_262 : vector<16xf32>
          %add3A_269 = arith.addf %while3A_247, %get3A_265 : vector<16xf32>
          %max3A_270 = arith.maximumf %while3A_248, %get3A_256 : vector<16xf32>
          %max3A_271 = arith.maximumf %while3A_249, %get3A_259 : vector<16xf32>
          %max3A_272 = arith.maximumf %while3A_250, %get3A_262 : vector<16xf32>
          %max3A_273 = arith.maximumf %while3A_251, %get3A_265 : vector<16xf32>
          scf.yield %add3A_266, %add3A_267, %add3A_268, %add3A_269, %max3A_270, %max3A_271, %max3A_272, %max3A_273 : vector<16xf32>, vector<16xf32>, vector<16xf32>, vector<16xf32>, vector<16xf32>, vector<16xf32>, vector<16xf32>, vector<16xf32>
        }
        scf.yield %while3A_242#0, %while3A_242#1, %while3A_242#2, %while3A_242#3, %while3A_242#4, %while3A_242#5, %while3A_242#6, %while3A_242#7 : vector<16xf32>, vector<16xf32>, vector<16xf32>, vector<16xf32>, vector<16xf32>, vector<16xf32>, vector<16xf32>, vector<16xf32>
      } else {
        scf.yield %while3A_223#1, %while3A_223#2, %while3A_223#3, %while3A_223#4, %while3A_223#5, %while3A_223#6, %while3A_223#7, %while3A_223#8 : vector<16xf32>, vector<16xf32>, vector<16xf32>, vector<16xf32>, vector<16xf32>, vector<16xf32>, vector<16xf32>, vector<16xf32>
      }
      scf.yield %while3A_223#0, %cond3A_229#0, %cond3A_229#1, %cond3A_229#2, %cond3A_229#3, %cond3A_229#4, %cond3A_229#5, %cond3A_229#6, %cond3A_229#7 : i32, vector<16xf32>, vector<16xf32>, vector<16xf32>, vector<16xf32>, vector<16xf32>, vector<16xf32>, vector<16xf32>, vector<16xf32>
    }
    "tpu.region"() ({
      %run_scoped3A = tpu.sem_alloc : memref<!tpu.dma_semaphore, #tpu.memory_space<semaphore_mem>>
      %dma_start3A_157 = arith.constant 0 : i32
      %dma_start3A_158 = arith.constant 0 : i32
      %dma_start3A_159 = tpu.memref_slice %arg18[%dma_start3A_157, %dma_start3A_158] : memref<321x80xf32, #tpu.memory_space<vmem>> -> memref<320x80xf32, #tpu.memory_space<vmem>>
      %dma_start3A_160 = arith.constant 0 : i32
      %dma_start3A_161 = tpu.memref_slice %arg5[%mul3A_2, %dma_start3A_160] : memref<10240x80xf32, #tpu.memory_space<hbm>> -> memref<320x80xf32, #tpu.memory_space<hbm>>
      %dma_start3A_162 = arith.constant 0 : i32
      %dma_start3A_163 = tpu.memref_slice %arg5[%mul3A_2, %dma_start3A_162] : memref<10240x80xf32, #tpu.memory_space<hbm>> -> memref<320x80xf32, #tpu.memory_space<hbm>>
      %dma_start3A_164 = arith.constant 0 : i32
      %dma_start3A_165 = arith.constant 0 : i32
      %dma_start3A_166 = tpu.memref_slice %arg18[%dma_start3A_164, %dma_start3A_165] : memref<321x80xf32, #tpu.memory_space<vmem>> -> memref<320x80xf32, #tpu.memory_space<vmem>>
      tpu.enqueue_dma source(%dma_start3A_166 : memref<320x80xf32, #tpu.memory_space<vmem>>) target(%dma_start3A_163 : memref<320x80xf32, #tpu.memory_space<hbm>>) target_semaphore(%run_scoped3A : memref<!tpu.dma_semaphore, #tpu.memory_space<semaphore_mem>>)
      %dma_wait3A = arith.constant 0 : i32
      %dma_wait3A_167 = arith.constant 0 : i32
      %dma_wait3A_168 = tpu.memref_slice %arg18[%dma_wait3A, %dma_wait3A_167] : memref<321x80xf32, #tpu.memory_space<vmem>> -> memref<320x80xf32, #tpu.memory_space<vmem>>
      %dma_wait3A_169 = arith.constant 0 : i32
      %dma_wait3A_170 = tpu.memref_slice %arg5[%mul3A_2, %dma_wait3A_169] : memref<10240x80xf32, #tpu.memory_space<hbm>> -> memref<320x80xf32, #tpu.memory_space<hbm>>
      %dma_wait3A_171 = arith.constant 0 : i32
      %dma_wait3A_172 = tpu.memref_slice %arg5[%mul3A_2, %dma_wait3A_171] : memref<10240x80xf32, #tpu.memory_space<hbm>> -> memref<320x80xf32, #tpu.memory_space<hbm>>
      %dma_wait3A_173 = arith.constant 0 : i32
      %dma_wait3A_174 = arith.constant 0 : i32
      %dma_wait3A_175 = tpu.memref_slice %arg18[%dma_wait3A_173, %dma_wait3A_174] : memref<321x80xf32, #tpu.memory_space<vmem>> -> memref<320x80xf32, #tpu.memory_space<vmem>>
      tpu.wait_dma2 semaphore(%run_scoped3A : memref<!tpu.dma_semaphore, #tpu.memory_space<semaphore_mem>>) src(%dma_wait3A_175 : memref<320x80xf32, #tpu.memory_space<vmem>>) dst(%dma_wait3A_172 : memref<320x80xf32, #tpu.memory_space<hbm>>)
      tpu.yield
    }) : () -> ()
    "tpu.region"() ({
      %run_scoped3A = tpu.sem_alloc : memref<!tpu.dma_semaphore, #tpu.memory_space<semaphore_mem>>
      %dma_start3A_157 = arith.constant 0 : i32
      %dma_start3A_158 = arith.constant 0 : i32
      %dma_start3A_159 = tpu.memref_slice %arg19[%dma_start3A_157, %dma_start3A_158] : memref<321x64xf32, #tpu.memory_space<vmem>> -> memref<320x64xf32, #tpu.memory_space<vmem>>
      %dma_start3A_160 = arith.constant 0 : i32
      %dma_start3A_161 = tpu.memref_slice %arg6[%mul3A_2, %dma_start3A_160] : memref<10240x64xf32, #tpu.memory_space<hbm>> -> memref<320x64xf32, #tpu.memory_space<hbm>>
      %dma_start3A_162 = arith.constant 0 : i32
      %dma_start3A_163 = tpu.memref_slice %arg6[%mul3A_2, %dma_start3A_162] : memref<10240x64xf32, #tpu.memory_space<hbm>> -> memref<320x64xf32, #tpu.memory_space<hbm>>
      %dma_start3A_164 = arith.constant 0 : i32
      %dma_start3A_165 = arith.constant 0 : i32
      %dma_start3A_166 = tpu.memref_slice %arg19[%dma_start3A_164, %dma_start3A_165] : memref<321x64xf32, #tpu.memory_space<vmem>> -> memref<320x64xf32, #tpu.memory_space<vmem>>
      tpu.enqueue_dma source(%dma_start3A_166 : memref<320x64xf32, #tpu.memory_space<vmem>>) target(%dma_start3A_163 : memref<320x64xf32, #tpu.memory_space<hbm>>) target_semaphore(%run_scoped3A : memref<!tpu.dma_semaphore, #tpu.memory_space<semaphore_mem>>)
      %dma_wait3A = arith.constant 0 : i32
      %dma_wait3A_167 = arith.constant 0 : i32
      %dma_wait3A_168 = tpu.memref_slice %arg19[%dma_wait3A, %dma_wait3A_167] : memref<321x64xf32, #tpu.memory_space<vmem>> -> memref<320x64xf32, #tpu.memory_space<vmem>>
      %dma_wait3A_169 = arith.constant 0 : i32
      %dma_wait3A_170 = tpu.memref_slice %arg6[%mul3A_2, %dma_wait3A_169] : memref<10240x64xf32, #tpu.memory_space<hbm>> -> memref<320x64xf32, #tpu.memory_space<hbm>>
      %dma_wait3A_171 = arith.constant 0 : i32
      %dma_wait3A_172 = tpu.memref_slice %arg6[%mul3A_2, %dma_wait3A_171] : memref<10240x64xf32, #tpu.memory_space<hbm>> -> memref<320x64xf32, #tpu.memory_space<hbm>>
      %dma_wait3A_173 = arith.constant 0 : i32
      %dma_wait3A_174 = arith.constant 0 : i32
      %dma_wait3A_175 = tpu.memref_slice %arg19[%dma_wait3A_173, %dma_wait3A_174] : memref<321x64xf32, #tpu.memory_space<vmem>> -> memref<320x64xf32, #tpu.memory_space<vmem>>
      tpu.wait_dma2 semaphore(%run_scoped3A : memref<!tpu.dma_semaphore, #tpu.memory_space<semaphore_mem>>) src(%dma_wait3A_175 : memref<320x64xf32, #tpu.memory_space<vmem>>) dst(%dma_wait3A_172 : memref<320x64xf32, #tpu.memory_space<hbm>>)
      tpu.yield
    }) : () -> ()
    return
  }
}

</mosaic_0001>

<sc_bundles>
// kernel: _sc_agg.3.cloned.1.call-start
scs
__scs_entry_jumppad:
0x0: {  	(pc) =	sbr.rel $0x88, $3  }
0x1: {  	(tag) =	ssettag $0x0;
	lr =	simm.s32 $0x1  }
0x2: {  	[smem:$0x3F9E] =	sst lr;
	_ =	strace $0xD0000000  }
0x3: {  	_ = 	snop  }
0x4: {  	_ = 	snop  }
0x5: {  	_ = 	snop  }
0x6: {  	_ = 	snop  }
0x7: {  	_ = 	snop  }
__scs_overlays_trampoline_lowered:
0x8: {  	[smem:$0x3FAD] =	sst s0  }
0x9: {  	[smem:$0x3FAE] =	sst s1  }
0xa: {  	[smem:$0x3FAF] =	sst s2  }
0xb: {  	[smem:$0x3FB0] =	sst s3  }
0xc: {  	[smem:$0x3FB1] =	sst s4  }
0xd: {  	[smem:$0x3FB2] =	sst s5  }
0xe: {  	[smem:$0x3FB3] =	sst s6  }
0xf: {  	[smem:$0x3FB4] =	sst s7  }
0x10: {  	[smem:$0x3FB5] =	sst s8  }
0x11: {  	[smem:$0x3FB6] =	sst s9;
	s0 =	simm.s32 @!p0 $0x0  }
0x12: {  	s1 =	sld [smem:$0x3F9C];
	s0 =	simm.s32 @p0 $0x1  }
0x13: {  	[smem:$0x3FB7] =	sst s0;
	s0 =	simm.s32 @!p1 $0x0  }
0x14: {  	s2 =	sld [smem:$0x3F9B];
	s0 =	simm.s32 @p1 $0x1  }
0x15: {  	[smem:$0x3FB8] =	sst s0;
	s0 =	simm.s32 @!p2 $0x0  }
0x16: {  	s3 =	sld [smem:$0x3FDB];
	s0 =	simm.s32 @p2 $0x1  }
0x17: {  	s4 =	simm.s32 $0x1BF5;
	[smem:$0x3FBA] =	sst s0  }
0x18: {  	s0 =	sld [smem:$0x3F9D];
	_ =	swait.ge [sflag:s4], $0x0  }
0x19: {  	s7 =	sld [smem:$0x3F9E]  }
0x1a: {  	s8 =	sadd.s32 $0xFFFFE003, lr  }
0x1b: {  	s9 =	sadd.s32 $0xFFFFFEF7, lr;
	s5 =	simm.s32 $0xFFFFFFFF;
	p2 =	slt.u32 s8, $0xFFFFF086  }
0x1c: {  	p1 =	slt.u32 s9, $0xF7A;
	s5 =	simm.s32 @!p2 $0x0  }
0x1d: {  	s5 =	simm.s32 @p1 $0x1;
	p0 =	seq.s32 s7, s2  }
0x1e: {  	s7 =	smul.u32 @!p0 $0xF7A, s2;
	p2 =	seq.s32 @!p0 s5, $0x0  }
0x1f: {  	s9 =	smul.u32 $0xF7A, s1;
	s8 =	simm.s32 @!p0 $0x1BF5;
	p2 =	por !p2, p0  }
0x20: {  	[sflag:s8] =	ssyncset.s32 @!p0 $0xFFFFF086;
	s6 =	sadd.s32 @!p0 s3, s7;
	s7 =	simm.s32 @!p0 $0x108  }
0x21: {  	s3 =	sadd.s32 s3, s9;
	s6 =	sadd.s32 @!p0 $0x88, s6;
	s7 =	simm.s32 @p2 $0x1082  }
0x22: {  	[simem:s7], [sflag:s8] =	dma.local @!p0 [hbm:s6], $0xF7A  }
0x23: {  	s9 =	sor.u32 $0xD0000000, s2;
	s6 =	simm.s32 $0x108;
	_ =	swait.ge @!p0 [sflag:s8], $0x0  }
0x24: {  	s3 =	sadd.s32 $0x88, s3;
	s6 =	simm.s32 @!p1 $0x1082;
	[sflag:s4] =	ssyncset.s32 $0xFFFFF086  }
0x25: {  	[simem:s6], [sflag:s4] =	dma.local [hbm:s3], $0xF7A  }
0x26: {  	[smem:$0x3F9E] =	sst s1;
	(tag) =	ssettag s2;
	_ =	strace s9  }
0x27: {  	s1 =	sld [smem:$0x3FAE]  }
0x28: {  	s2 =	sld [smem:$0x3FAF]  }
0x29: {  	s4 =	sld [smem:$0x3FB1]  }
0x2a: {  	p0 =	seq.s32 s5, $0x0;
	s5 =	sld [smem:$0x3FB2]  }
0x2b: {  	s6 =	sld [smem:$0x3FB3]  }
0x2c: {  	s7 =	sld [smem:$0x3FB4]  }
0x2d: {  	s3 =	simm.s32 $0x108;
	s8 =	sld [smem:$0x3FB5]  }
0x2e: {  	s3 =	simm.s32 @!p0 $0x1082;
	s9 =	sld [smem:$0x3FB6]  }
0x2f: {  	lr =	sadd.s32 s0, s3;
	s0 =	sld [smem:$0x3FAD]  }
0x30: {  	s3 =	sld [smem:$0x3FB0]  }
0x31: {  	[smem:$0x3FB9] =	sst s10  }
0x32: {  	s10 =	sld [smem:$0x3FB7];
	_ =	sdelay $0x3  }
0x33: {  	p0 =	seq.s32 s10, $0x1;
	s10 =	sld [smem:$0x3FB9];
	_ =	sdelay $0x3  }
0x34: {  	[smem:$0x3FB9] =	sst s10  }
0x35: {  	s10 =	sld [smem:$0x3FB8];
	_ =	sdelay $0x3  }
0x36: {  	p1 =	seq.s32 s10, $0x1;
	s10 =	sld [smem:$0x3FB9];
	_ =	sdelay $0x3  }
0x37: {  	[smem:$0x3FB9] =	sst s10  }
0x38: {  	s10 =	sld [smem:$0x3FBA]  }
0x39: {  	_ = 	snop;
	(pc) =	sbr.ind lr, $3  }
0x3a: {  	_ = 	snop  }
0x3b: {  	_ = 	snop  }
0x3c: {  	p2 =	seq.s32 s10, $0x1;
	s10 =	sld [smem:$0x3FB9]  }
0x3d: {  	_ =	shalt  }
0x3e: {  	_ =	shalt  }
0x3f: {  	_ =	shalt  }
0x40: {  	_ =	shalt  }
0x41: {  	_ =	shalt  }
0x42: {  	_ =	shalt  }
0x43: {  	_ =	shalt  }
0x44: {  	_ =	shalt  }
0x45: {  	_ =	shalt  }
0x46: {  	_ =	shalt  }
0x47: {  	_ =	shalt  }
0x48: {  	_ =	shalt  }
0x49: {  	_ =	shalt  }
0x4a: {  	_ =	shalt  }
0x4b: {  	_ =	shalt  }
0x4c: {  	_ =	shalt  }
0x4d: {  	_ =	shalt  }
0x4e: {  	_ =	shalt  }
0x4f: {  	_ =	shalt  }
0x50: {  	_ =	shalt  }
0x51: {  	_ =	shalt  }
0x52: {  	_ =	shalt  }
0x53: {  	_ =	shalt  }
0x54: {  	_ =	shalt  }
0x55: {  	_ =	shalt  }
0x56: {  	_ =	shalt  }
0x57: {  	_ =	shalt  }
0x58: {  	_ =	shalt  }
0x59: {  	_ =	shalt  }
0x5a: {  	_ =	shalt  }
0x5b: {  	_ =	shalt  }
0x5c: {  	_ =	shalt  }
0x5d: {  	_ =	shalt  }
0x5e: {  	_ =	shalt  }
0x5f: {  	_ =	shalt  }
0x60: {  	_ =	shalt  }
0x61: {  	_ =	shalt  }
0x62: {  	_ =	shalt  }
0x63: {  	_ =	shalt  }
0x64: {  	_ =	shalt  }
0x65: {  	_ =	shalt  }
0x66: {  	_ =	shalt  }
0x67: {  	_ =	shalt  }
0x68: {  	_ =	shalt  }
0x69: {  	_ =	shalt  }
0x6a: {  	_ =	shalt  }
0x6b: {  	_ =	shalt  }
0x6c: {  	_ =	shalt  }
0x6d: {  	_ =	shalt  }
0x6e: {  	_ =	shalt  }
0x6f: {  	_ =	shalt  }
0x70: {  	_ =	shalt  }
0x71: {  	_ =	shalt  }
0x72: {  	_ =	shalt  }
0x73: {  	_ =	shalt  }
0x74: {  	_ =	shalt  }
0x75: {  	_ =	shalt  }
0x76: {  	_ =	shalt  }
0x77: {  	_ =	shalt  }
0x78: {  	_ =	shalt  }
0x79: {  	_ =	shalt  }
0x7a: {  	_ =	shalt  }
0x7b: {  	_ =	shalt  }
0x7c: {  	_ =	shalt  }
0x7d: {  	_ =	shalt  }
0x7e: {  	_ =	shalt  }
0x7f: {  	_ =	shalt  }
0x80: {  	_ =	shalt  }
0x81: {  	_ =	shalt  }
0x82: {  	_ =	shalt  }
0x83: {  	_ =	shalt  }
0x84: {  	_ =	shalt  }
0x85: {  	_ =	shalt  }
0x86: {  	_ =	shalt  }
0x87: {  	_ =	shalt  }
.Lfunc_end0:
.L_simem_size_0:
called_computation_lowered:
.L_overlay_start_0:
0x88: {  	s2 =	sld [smem:$0x3FD9]  }
0x89: {  	s3 =	sld [smem:$0x3FFE];
	_ =	sdelay $0x1  }
0x8a: {  	s1 =	srdreg.scid  }
0x8b: {  	s0 =	sand.u32 $0x1, s1  }
0x8c: {  	s14 =	sshll.u32 s0, $0xA;
	s2 =	sadd.s32 s3, s2  }
0x8d: {  	s2 =	sadd.s32 s2, s14  }
0x8e: {  	[smem:$0x3FC5] =	sst s2  }
0x8f: {  	_ = 	snop  }
0x90: {  	s2 =	sld [smem:$0x3FD0];
	_ =	sdelay $0x1  }
0x91: {  	s15 =	sld [smem:$0x3FC9]  }
0x92: {  	s5 =	simm.s32 $0xA;
	s6 =	simm.s32 $0x10;
	s4 =	sld [smem:$0x3FC8]  }
0x93: {  	[smem:s6], [sflag:s5] =	dma.local [hbm:s2], $0x1  }
0x94: {  	_ =	swait.eq [sflag:s5], $0x1  }
0x95: {  	[sflag:s5] =	ssyncset.done $0x0  }
0x96: {  	s16 =	sld [smem:$0x10];
	[sflag:s5] =	ssyncadd.s32 $0xFFFFFFFF  }
0x97: {  	s17 =	sld [smem:$0x11];
	(tm) =	ssettm $0x1  }
0x98: {  	s18 =	sld [smem:$0x3FFB];
	_ =	sdelay $0x3  }
0x99: {  	_ =	strace s18  }
0x9a: {  	s6 =	sld [smem:$0x3FFC];
	_ =	sdelay $0x3  }
0x9b: {  	_ =	strace s6  }
0x9c: {  	s6 =	sld [smem:$0x3FFD];
	_ =	sdelay $0x3  }
0x9d: {  	_ =	strace s6  }
0x9e: {  	_ =	strace $0x8FFFFFFF  }
0x9f: {  	s19 =	sld [smem:$0x3FDB];
	_ =	sdelay $0x1  }
0xa0: {  	s7 =	simm.s32 $_scs_section_size  }
0xa1: {  	s8 =	simm.s32 $_size__tile_overlayer_lowered;
	s9 =	simm.s32 $_tile_overlayer_lowered  }
0xa2: {  	s22 =	simm.s32 $0x1BFF;
	s21 =	sshll.u32 s9, $0x1;
	s6 =	sadd.s32 s7, s19  }
0xa3: {  	s10 =	simm.s32 $0x0;
	s20 =	sshll.u32 s8, $0x1;
	s8 =	sadd.s32 s21, s6  }
0xa4: {  	[timem:s10], [sflag:s22] =	dma.local [hbm:s8], s20  }
0xa5: {  	_ =	swait.ge [sflag:s22], s20  }
0xa6: {  	s7 =	ssub.s32 $0x0, s20;
	[sflag:s22] =	ssyncset.done $0x0  }
0xa7: {  	[sflag:s22] =	ssyncadd.s32 s7;
	_ =	sdelay $0x1  }
0xa8: {  	s23 =	simm.s32 $0x1B8B  }
0xa9: {  	_ =	swait.ge [sflag:s23], $0x1  }
0xaa: {  	[sflag:s23] =	ssyncset.done $0x0  }
0xab: {  	s25 =	simm.s32 $0x1B8E;
	s24 =	sld [smem:$0x3FFE];
	[sflag:s23] =	ssyncadd.s32 $0xFFFFFFFF  }
0xac: {  	s26 =	simm.s32 $execute0_lowered;
	[smem:$0x3FD2] =	sst s25  }
0xad: {  	s8 =	sshll.u32 s26, $0x1;
	_ =	strace $0x80000046;
	[dreg:$0x1] =	wrdreg $0xFFFFFFFF  }
0xae: {  	s28 =	simm.s32 $_size_execute0_lowered;
	s6 =	sadd.s32 s6, s8;
	[dreg:$0x0] =	wrdreg $0x0  }
0xaf: {  	s8 =	sshll.u32 s28, $0x1;
	[dreg:$0x2] =	wrdreg s6  }
0xb0: {  	[dreg:$0x3] =	wrdreg s8  }
0xb1: {  	[dreg:$0x4] =	wrdreg $0xC0  }
0xb2: {  	_ =	task [dreg:s10], $0x5FFFF  }
0xb3: {  	[dreg:$0x1] =	wrdreg $0xFFFFFFFF  }
0xb4: {  	[dreg:$0x0] =	wrdreg $0x60  }
0xb5: {  	[dreg:$0x2] =	wrdreg s15  }
0xb6: {  	[dreg:$0x3] =	wrdreg s4  }
0xb7: {  	[dreg:$0x4] =	wrdreg s17  }
0xb8: {  	[dreg:$0x5] =	wrdreg s16  }
0xb9: {  	[dreg:$0x6] =	wrdreg s24  }
0xba: {  	[dreg:$0x7] =	wrdreg $0x9  }
0xbb: {  	_ =	task.clear_ibuf [dreg:s10], $0x8FFFF;
	_ =	strace $0x90000046  }
0xbc: {  	s29 =	simm.s32 $0x9;
	_ =	strace $0x80000048  }
0xbd: {  	_ =	swait.ge [sflag:s29], $0x1  }
0xbe: {  	[sflag:s29] =	ssyncadd.s32 $0xFFFFFFFF  }
0xbf: {  	_ =	strace $0x90000048  }
0xc0: {  	_ =	sfence  }
0xc1: {  	s30 =	sld [smem:$0x0];
	_ =	sdelay $0x2  }
0xc2: {  	s31 =	sshll.u32 s1, $0xD;
	s1 =	sshrl.u32 s1, $0x2  }
0xc3: {  	s3 =	sand.u32 $0x4000, s31;
	s1 =	sadd.s32 s1, s30  }
0xc4: {  	s0 =	sor.u32 s3, s0;
	s1 =	sshll.u32 s1, $0x11  }
0xc5: {  	s0 =	sor.u32 s1, s0  }
0xc6: {  	s0 =	sadd.s32 $0x8F2B, s0  }
0xc7: {  	[sflag:s0] =	ssyncadd.remote.s32 $0x1  }
0xc8: {  	_ =	sfence.sel $0xFFFF  }
0xc9: {  	[dreg:$0x0] =	wrdreg $0xFFFFFFFF;
	(pc) =	sbr.abs _section_cstart, $3  }
0xca: {  	[dreg:$0x1] =	wrdreg $0xFFFFFFFF  }
0xcb: {  	_ =	task.clear_ibuf [dreg:s10], $0x2FFFF;
	_ =	strace $0x9FFFFFFF  }
0xcc: {  	(tm) =	ssettm $0x7FFFFFFF  }
0xcd: {  	_ =	shalt  }
tec
execute0_lowered:
.L_overlay_start_1:
0x0: {  	(tag) =	ssettag $0x1  }
0x1: {  	s0 =	rddreg [dreg:$0x0]  }
0x2: {  	s2 =	rddreg [dreg:$0x1]  }
0x3: {  	s3 =	rddreg [dreg:$0x2]  }
0x4: {  	s1 =	rddreg [dreg:$0x3];
	s4 =	srdreg.scid  }
0x5: {  	s6 =	stileid.u32;
	s5 =	rddreg [dreg:$0x4]  }
0x6: {  	s8 =	simm.s32 $0x0;
	s11 =	simm.s32 $0x12C0;
	s12 =	simm.s32 $0x2  }
0x7: {  	s13 =	simm.s32 $0x1900;
	s4 =	sand.u32 $0x1, s4;
	s6 =	sshll.u32 s6, $0x1  }
0x8: {  	s14 =	simm.s32 $0x3110;
	s15 =	simm.s32 $0x1;
	s6 =	sor.u32 s4, s6  }
0x9: {  	s16 =	simm.s32 $0x6150;
	s17 =	simm.s32 $0x6410;
	s7 =	smul.u32 $0xA00, s6  }
0xa: {  	[smem:$0x7FF] =	sst s8;
	s4 =	ssub.s32 $0x2, s4;
	s9 =	smul.u32 $0xC80, s6  }
.Ltmp0:
0xb: {  	_ =	strace $0x80000047;
	s29 =	sshrl.u32 s4, $0x1;
	(pc) =	sbr.rel .LBB2_1-.Ltmp0, $4  }
0xc: {  	s6 =	smul.u32 $0x140, s6;
	s4 =	ssub.s32 s4, s29;
	s1 =	sadd.s32 s1, s9  }
0xd: {  	s5 =	sadd.s32 s7, s5;
	s31 =	smax.u32 s4, $0x1;
	[dreg:$0x6] =	wrdreg s1  }
0xe: {  	s18 =	simm.s32 $0x4920;
	v1 =	vimm.f32 $0.0e+00;
	v2 =	vimm.f32 $-Inf;
	s30 =	sadd.s32 $0xA00, s5;
	[dreg:$0x8] =	wrdreg s31  }
0xf: {  	s21 =	simm.s32 $0x3;
	v3 =	vimm.s32 $0x0;
	v4 =	vimm.s32 $0x140;
	v0 =	vmov s6;
	s4 =	simm.s32 $0x0;
	[dreg:$0x7] =	wrdreg s30  }
.LBB2_105:
0x10: {  	s1 =	simm.s32 $0x0  }
0x11: {  	s4 =	rddreg [dreg:$0x6];
	s5 =	simm.s32 $0xE570;
	s28 =	simm.s32 $0x4  }
0x12: {  	[hbm4b:s4+s1] =	stream.linear.scatter [tilespmem:s5], [sflag:$0x4], $0x6400, $0x38;
	[tilespmem:$0x19A00] =	vst v63  }
0x13: {  	_ =	swait.ge [sflag:s28], $0x6400  }
0x14: {  	[sflag:s28] =	ssyncset.done $0x0  }
0x15: {  	s6 =	simm.s32 $0x149C0;
	s29 =	rddreg [dreg:$0x7];
	[sflag:s28] =	ssyncadd.s32 $0xFFFF9C00  }
0x16: {  	[hbm4b:s29+s1] =	stream.linear.scatter [tilespmem:s6], [sflag:$0x4], $0x5000, $0x38;
	[tilespmem:$0x19A00] =	vst v63  }
0x17: {  	_ =	swait.ge [sflag:s28], $0x5000  }
0x18: {  	s30 =	rddreg [dreg:$0x9]  }
0x19: {  	s31 =	rddreg [dreg:$0x8];
	s4 =	sadd.s32 $0x1, s30  }
0x1a: {  	p0 =	sne.s32 s4, s31  }
.Ltmp1:
0x1b: {  	_ = 	snop;
	(pc) =	sbr.rel @!p0 .LBB2_106-.Ltmp1, $3  }
0x1c: {  	_ =	sdelay $0x1  }
0x1d: {  	[sflag:s28] =	ssyncset.done $0x0  }
0x1e: {  	[sflag:s28] =	ssyncadd.s32 $0xFFFFB000  }
.LBB2_1:
0x1f: {  	s1 =	simm.s32 $0xE590  }
0x20: {  	[tilespmem:s1+$0x20] =	vst v1  }
0x21: {  	[tilespmem:s1+$0xFFFFFFE0] =	vst v1  }
0x22: {  	[tilespmem:s1+$0xFFFFFFF0] =	vst v1  }
0x23: {  	[tilespmem:s1+$0x0] =	vst v1  }
0x24: {  	[dreg:$0x9] =	wrdreg s4;
	s5 =	simm.s32 $0x0;
	s4 =	simm.s32 $0x100;
	[tilespmem:s1+$0x10] =	vst v1  }
.LBB2_2:
0x25: {  	p0 =	sne.s32 s4, $0x13F00;
	[tilespmem:s5+$0x149F0] =	vst v2  }
0x26: {  	[tilespmem:s5+$0x149C0] =	vst v2  }
0x27: {  	[tilespmem:s5+$0x149D0] =	vst v2  }
0x28: {  	s1 =	sadd.s32 $0x50, s1;
	[tilespmem:s5+$0x149E0] =	vst v2  }
.Ltmp2:
0x29: {  	[tilespmem:s1+$0x20] =	vst v1;
	(pc) =	sbr.rel @p0 .LBB2_2-.Ltmp2, $4  }
0x2a: {  	[tilespmem:s1+$0xFFFFFFE0] =	vst v1  }
0x2b: {  	[tilespmem:s1+$0xFFFFFFF0] =	vst v1  }
0x2c: {  	[tilespmem:s1+$0x0] =	vst v1  }
0x2d: {  	s5 =	sshra.s32 s4, $0x2;
	s4 =	sadd.s32 $0x100, s4;
	[tilespmem:s1+$0x10] =	vst v1  }
0x2e: {  	[tilespmem:s5+$0x149F0] =	vst v2  }
0x2f: {  	[tilespmem:s5+$0x149C0] =	vst v2  }
0x30: {  	[tilespmem:s5+$0x149D0] =	vst v2  }
0x31: {  	[tilespmem:s5+$0x149E0] =	vst v2;
	s1 =	simm.s32 $0x40;
	s4 =	simm.s32 $0x0  }
.LBB2_4:
0x32: {  	p0 =	sne.s32 s1, $0x6000;
	[tilespmem:s4+$0x1900] =	vst v3;
	s4 =	smov.u32 s1;
	s1 =	sadd.s32 $0x40, s1  }
.Ltmp3:
0x33: {  	(pc) =	sbr.rel @p0 .LBB2_4-.Ltmp3, $2  }
0x34: {  	_ =	sdelay $0x2  }
0x35: {  	s4 =	sshra.s32 s4, $0x2  }
0x36: {  	[tilespmem:s4+$0x1900] =	vst v3;
	s1 =	simm.s32 $0x40;
	s4 =	simm.s32 $0x0  }
.LBB2_6:
0x37: {  	p0 =	sne.s32 s1, $0x6080;
	[tilespmem:s4+$0x4920] =	vst v3;
	s4 =	smov.u32 s1;
	s1 =	sadd.s32 $0x40, s1  }
.Ltmp4:
0x38: {  	(pc) =	sbr.rel @p0 .LBB2_6-.Ltmp4, $2  }
0x39: {  	_ =	sdelay $0x2  }
0x3a: {  	s4 =	sshra.s32 s4, $0x2  }
.Ltmp5:
0x3b: {  	(pc) =	sbr.rel .LBB2_8-.Ltmp5, $4  }
0x3c: {  	[tilespmem:s4+$0x4920] =	vst v3;
	s26 =	simm.s32 $0x0  }
0x3d: {  	[tilespmem:s26], [sflag:$0x2] =	stream.linear.gather [hbm4b:s0+s26], $0x640, $0x38;
	[tilespmem:$0x19A00] =	vst v63  }
0x3e: {  	s1 =	simm.s32 $0x640;
	s28 =	simm.s32 $0x0  }
0x3f: {  	v5 =	vimm.s32 $0x0;
	[tilespmem:s1], [sflag:$0x2] =	stream.linear.gather [hbm4b:s2+s26], $0x640, $0x38;
	[tilespmem:$0x19A00] =	vst v63  }
.LBB2_74:
0x40: {  	s28 =	sadd.s32 $0x1, s28  }
0x41: {  	p1 =	sne.s32 s28, $0x64  }
.Ltmp6:
0x42: {  	_ = 	snop;
	(pc) =	sbr.rel @!p1 .LBB2_75-.Ltmp6, $3  }
0x43: {  	_ =	sdelay $0x1  }
0x44: {  	p0 =	sgt.s32 s29, $0x11C0  }
0x45: {  	v5 =	vpsel p0, $0x0, v5  }
.LBB2_8:
0x46: {  	s29 =	smul.u32 $0xC80, s28;
	_ =	sdelay $0x1  }
0x47: {  	s1 =	sshrl.u32 s29, $0x3  }
0x48: {  	s1 =	sadd.s32 $0xC8, s1  }
0x49: {  	s5 =	simm.s32 $0xC80;
	s4 =	sadd.s32 s0, s1  }
0x4a: {  	[tilespmem:s5], [sflag:$0x3] =	stream.linear.gather [hbm4b:s4+s26], $0x640, $0x38;
	[tilespmem:$0x19A00] =	vst v63  }
0x4b: {  	s1 =	sadd.s32 s2, s1  }
0x4c: {  	[tilespmem:s11], [sflag:$0x3] =	stream.linear.gather [hbm4b:s1+s26], $0x640, $0x38;
	[tilespmem:$0x19A00] =	vst v63  }
0x4d: {  	_ =	swait.ge [sflag:s12], $0x640  }
0x4e: {  	[sflag:s12] =	ssyncset.done $0x0  }
0x4f: {  	[sflag:s12] =	ssyncadd.s32 $0xFFFFF9C0  }
0x50: {  	_ =	swait.ge [sflag:s12], $0x640  }
0x51: {  	[sflag:s12] =	ssyncset.done $0x0  }
0x52: {  	s1 =	simm.s32 $0x0;
	[sflag:s12] =	ssyncadd.s32 $0xFFFFF9C0  }
.LBB2_9:
0x53: {  	s4 =	sshra.s32 s1, $0x2  }
0x54: {  	v6 =	vld [tilespmem:s4+$0x0];
	_ =	sdelay $0x4  }
0x55: {  	v6 =	vsub.s32 v6, v0  }
0x56: {  	vm0 =	vlt.u32 v6, $0x140  }
0x57: {  	v7 =	vsel vm0, $0x1, v3  }
0x58: {  	(xrf0) =	vadd.scan.msk.s32 $0xffff, v7;
	_ =	sdelay $0x5  }
0x59: {  	v7, _, _ =	vpop (xrf0)  }
0x5a: {  	v7 =	vadd.s32 v7, v5  }
0x5b: {  	v8 =	vld [tilespmem:s4+$0x640];
	v7 =	vadd.s32 $0xFFFFFFFF, v7;
	_ =	sdelay $0x4  }
0x5c: {  	[tilespmem:v7+s13+$0x0] =	vst.idx.msk vm0, v8  }
0x5d: {  	[tilespmem:v7+s14+$0x0] =	vst.idx.msk vm0, v6  }
0x5e: {  	v6 =	vld [tilespmem:s4+$0x10];
	_ =	sdelay $0x4  }
0x5f: {  	v6 =	vsub.s32 v6, v0  }
0x60: {  	vm1 =	vlt.u32 v6, $0x140  }
0x61: {  	v7 =	vsel vm1, $0x1, v3  }
0x62: {  	(xrf0) =	vadd.scan.msk.s32 $0xffff, v7;
	_ =	sdelay $0x1  }
0x63: {  	v7 =	vmpcnt.ones.xlane vm0;
	_ =	sdelay $0x3  }
0x64: {  	v5 =	vadd.s32 v5, v7;
	v7, _, _ =	vpop (xrf0)  }
0x65: {  	v7 =	vadd.s32 v7, v5  }
0x66: {  	v8 =	vld [tilespmem:s4+$0x650];
	v7 =	vadd.s32 $0xFFFFFFFF, v7;
	_ =	sdelay $0x4  }
0x67: {  	[tilespmem:v7+s13+$0x0] =	vst.idx.msk vm1, v8  }
0x68: {  	[tilespmem:v7+s14+$0x0] =	vst.idx.msk vm1, v6  }
0x69: {  	v6 =	vld [tilespmem:s4+$0x20];
	_ =	sdelay $0x4  }
0x6a: {  	v6 =	vsub.s32 v6, v0  }
0x6b: {  	vm14 =	vlt.u32 v6, $0x140  }
0x6c: {  	v7 =	vsel vm14, $0x1, v3  }
0x6d: {  	(xrf0) =	vadd.scan.msk.s32 $0xffff, v7;
	_ =	sdelay $0x1  }
0x6e: {  	v7 =	vmpcnt.ones.xlane vm1;
	_ =	sdelay $0x3  }
0x6f: {  	v5 =	vadd.s32 v5, v7;
	v7, _, _ =	vpop (xrf0)  }
0x70: {  	v7 =	vadd.s32 v7, v5  }
0x71: {  	v8 =	vld [tilespmem:s4+$0x660];
	v7 =	vadd.s32 $0xFFFFFFFF, v7;
	_ =	sdelay $0x4  }
0x72: {  	[tilespmem:v7+s13+$0x0] =	vst.idx.msk vm14, v8  }
0x73: {  	[tilespmem:v7+s14+$0x0] =	vst.idx.msk vm14, v6  }
0x74: {  	v6 =	vld [tilespmem:s4+$0x30];
	_ =	sdelay $0x4  }
0x75: {  	v6 =	vsub.s32 v6, v0  }
0x76: {  	vm15 =	vlt.u32 v6, $0x140  }
0x77: {  	v7 =	vsel vm15, $0x1, v3  }
0x78: {  	(xrf0) =	vadd.scan.msk.s32 $0xffff, v7;
	_ =	sdelay $0x1  }
0x79: {  	v7 =	vmpcnt.ones.xlane vm14;
	_ =	sdelay $0x3  }
0x7a: {  	v5 =	vadd.s32 v5, v7;
	v7, _, _ =	vpop (xrf0)  }
0x7b: {  	v7 =	vadd.s32 v7, v5  }
0x7c: {  	v8 =	vld [tilespmem:s4+$0x670];
	v7 =	vadd.s32 $0xFFFFFFFF, v7  }
0x7d: {  	p0 =	sne.s32 s1, $0x1800  }
.Ltmp7:
0x7e: {  	_ = 	snop;
	(pc) =	sbr.rel @p0 .LBB2_9-.Ltmp7, $4  }
0x7f: {  	_ = 	snop  }
0x80: {  	v9 =	vmpcnt.ones.xlane vm15  }
0x81: {  	[tilespmem:v7+s13+$0x0] =	vst.idx.msk vm15, v8  }
0x82: {  	s1 =	sadd.s32 $0x100, s1;
	v5 =	vadd.s32 v5, v9;
	[tilespmem:v7+s14+$0x0] =	vst.idx.msk vm15, v6  }
0x83: {  	(v2sf) =	vpush v5, $0x0;
	_ =	sdelay $0xe  }
0x84: {  	s30 =	spop (v2sf)  }
0x85: {  	p0 =	slt.s32 s30, $0x11C1  }
.Ltmp8:
0x86: {  	_ = 	snop;
	(pc) =	sbr.rel @p0 .LBB2_41-.Ltmp8, $1  }
0x87: {  	_ =	sdelay $0x3  }
0x88: {  	[tilespmem:s30+$0x3110] =	vst v4  }
0x89: {  	[tilespmem:$0x6150] =	vst v3  }
0x8a: {  	[tilespmem:$0x6160] =	vst v3  }
0x8b: {  	[tilespmem:$0x6170] =	vst v3  }
0x8c: {  	[tilespmem:$0x6180] =	vst v3  }
0x8d: {  	[tilespmem:$0x6190] =	vst v3  }
0x8e: {  	[tilespmem:$0x61A0] =	vst v3  }
0x8f: {  	[tilespmem:$0x61B0] =	vst v3  }
0x90: {  	[tilespmem:$0x61C0] =	vst v3  }
0x91: {  	[tilespmem:$0x61D0] =	vst v3  }
0x92: {  	s1 =	sadd.s32 $0xF, s30;
	[tilespmem:$0x61E0] =	vst v3  }
0x93: {  	[tilespmem:$0x61F0] =	vst v3;
	s4 =	sand.u32 $0xF, s1  }
0x94: {  	[tilespmem:$0x6200] =	vst v3;
	s31 =	sshra.s32 s1, $0x1F;
	p1 =	slt.s32 s1, $0x0;
	p0 =	sne.s32 s4, $0x0  }
0x95: {  	[tilespmem:$0x6210] =	vst v3;
	s4 =	sshrl.u32 s31, $0x1C;
	p0 =	por !p1, !p0  }
0x96: {  	[tilespmem:$0x6220] =	vst v3;
	s1 =	sadd.s32 s4, s1;
	s4 =	simm.s32 $0x1;
	p0 =	por !p0, !p0  }
0x97: {  	[tilespmem:$0x6230] =	vst v3;
	s1 =	sshra.s32 s1, $0x4;
	s4 =	simm.s32 @!p0 $0x0  }
0x98: {  	[tilespmem:$0x6240] =	vst v3;
	s1 =	ssub.s32 s1, s4  }
0x99: {  	[tilespmem:$0x6250] =	vst v3;
	p0 =	sgt.s32 s1, $0x0  }
.Ltmp9:
0x9a: {  	[tilespmem:$0x6260] =	vst v3;
	(pc) =	sbr.rel @!p0 .LBB2_12-.Ltmp9, $4  }
0x9b: {  	[tilespmem:$0x6270] =	vst v3  }
0x9c: {  	[tilespmem:$0x6280] =	vst v3  }
0x9d: {  	[tilespmem:$0x6290] =	vst v3  }
0x9e: {  	[tilespmem:$0x62A0] =	vst v3;
	s4 =	simm.s32 $0x3110  }
0x9f: {  	p1 =	seq.s32 s1, $0x1  }
.Ltmp10:
0xa0: {  	_ = 	snop;
	(pc) =	sbr.rel @p1 .LBB2_19-.Ltmp10, $2  }
0xa1: {  	_ =	sdelay $0x2  }
0xa2: {  	v6 =	vld [tilespmem:s4+$0x0];
	s5 =	sadd.s32 $0xFFFFFFFF, s1  }
.LBB2_18:
0xa3: {  	p1 =	seq.s32 s5, $0x1;
	_ =	sdelay $0x3  }
0xa4: {  	(xrf1) =	vunique.msk.u32 $0xffff, v6;
	_ =	sdelay $0xc  }
0xa5: {  	v7 =	vld.idx.msk [tilespmem:v6+s16+$0x0], $0xffff  }
0xa6: {  	_, v8, vm0 =	vpop (xrf1);
	_ =	sdelay $0x2  }
.Ltmp11:
0xa7: {  	(pc) =	sbr.rel @!p1 .LBB2_18-.Ltmp11, $4  }
0xa8: {  	_ = 	snop  }
0xa9: {  	v7 =	vadd.s32 v7, v8  }
0xaa: {  	s4 =	sadd.s32 $0x10, s4;
	[tilespmem:v6+s16+$0x0] =	vst.idx.msk vm0, v7  }
0xab: {  	s5 =	sadd.s32 $0xFFFFFFFF, s5;
	v6 =	vld [tilespmem:s4+$0x0]  }
.LBB2_19:
0xac: {  	_ =	sdelay $0x3  }
0xad: {  	(xrf1) =	vunique.msk.u32 $0xffff, v6;
	_ =	sdelay $0xd  }
0xae: {  	v7 =	vld.idx.msk [tilespmem:v6+s16+$0x0], $0xffff;
	_, v8, vm0 =	vpop (xrf1);
	_ =	sdelay $0x4  }
0xaf: {  	v7 =	vadd.s32 v7, v8  }
0xb0: {  	[tilespmem:v6+s16+$0x0] =	vst.idx.msk vm0, v7  }
.LBB2_12:
0xb1: {  	s7 =	simm.s32 $0x0  }
0xb2: {  	s5 =	simm.s32 $0x10;
	v8 =	vld [tilespmem:s7+$0x6150]  }
0xb3: {  	v7 =	vld [tilespmem:s5+$0x6150];
	_ =	sdelay $0x3  }
0xb4: {  	(xrf0) =	vadd.scan.msk.s32 $0xffff, v8  }
0xb5: {  	(xrf0) =	vadd.scan.msk.s32 $0xffff, v7;
	_ =	sdelay $0x4  }
0xb6: {  	s4 =	simm.s32 $0x20;
	v11, _, _ =	vpop (xrf0)  }
0xb7: {  	v9 =	vld [tilespmem:s4+$0x6150];
	(v2sf) =	vpush v11, $0xF;
	v10, _, _ =	vpop (xrf0)  }
0xb8: {  	(v2sf) =	vpush v10, $0xF;
	_ =	sdelay $0x3  }
0xb9: {  	s6 =	simm.s32 $0x30;
	(xrf0) =	vadd.scan.msk.s32 $0xffff, v9  }
0xba: {  	v6 =	vld [tilespmem:s6+$0x6150];
	_ =	sdelay $0x3  }
0xbb: {  	s8 =	simm.s32 $0x0;
	s9 =	simm.s32 $0x100  }
.LBB2_13:
0xbc: {  	s19 =	sshra.s32 s9, $0x2;
	p1 =	seq.s32 s9, $0x540;
	s9 =	sadd.s32 $0x40, s9;
	(xrf0) =	vadd.scan.msk.s32 $0xffff, v6;
	v12, _, _ =	vpop (xrf0);
	v13 =	vsub.s32 s8, v8;
	v8 =	vmov v7;
	v7 =	vmov v9  }
.Ltmp12:
0xbd: {  	v9 =	vmovc v6;
	(v2sf) =	vpush v12, $0xF;
	v13 =	vadd.s32 v11, v13;
	v11 =	vmovc v10;
	v10 =	vmov v12;
	v6 =	vld [tilespmem:s19+$0x6150];
	(pc) =	sbr.rel @!p1 .LBB2_13-.Ltmp12, $4  }
0xbe: {  	[tilespmem:s7+$0x62B0] =	vst v13  }
0xbf: {  	[tilespmem:s7+$0x6410] =	vst v13;
	s7 =	smov.u32 s5;
	s5 =	smov.u32 s4;
	s4 =	smov.u32 s6  }
0xc0: {  	s6 =	smov.u32 s19;
	s20 =	spop (v2sf)  }
0xc1: {  	s8 =	sadd.s32 s8, s20  }
0xc2: {  	(xrf0) =	vadd.scan.msk.s32 $0xffff, v6  }
0xc3: {  	v12, _, _ =	vpop (xrf0)  }
0xc4: {  	(v2sf) =	vpush v12, $0xF;
	_ =	sdelay $0x3  }
0xc5: {  	v13, _, _ =	vpop (xrf0)  }
0xc6: {  	(v2sf) =	vpush v13, $0xF;
	_ =	sdelay $0x5  }
0xc7: {  	s9 =	spop (v2sf);
	v8 =	vsub.s32 s8, v8  }
0xc8: {  	v8 =	vadd.s32 v11, v8;
	s20 =	sadd.s32 s8, s9  }
0xc9: {  	[tilespmem:s7+$0x62B0] =	vst v8;
	v7 =	vsub.s32 s20, v7;
	s22 =	spop (v2sf)  }
0xca: {  	[tilespmem:s7+$0x6410] =	vst v8;
	v7 =	vadd.s32 v10, v7;
	s23 =	sadd.s32 s20, s22  }
0xcb: {  	[tilespmem:s5+$0x62B0] =	vst v7;
	v63 =	vsub.s32 s23, v9;
	s24 =	spop (v2sf)  }
.Ltmp13:
0xcc: {  	[tilespmem:s5+$0x6410] =	vst v7;
	v7 =	vadd.s32 v12, v63;
	s25 =	sadd.s32 s23, s24;
	(pc) =	sbr.rel @!p0 .LBB2_24-.Ltmp13, $4  }
0xcd: {  	[tilespmem:s4+$0x62B0] =	vst v7;
	v6 =	vsub.s32 s25, v6  }
0xce: {  	[tilespmem:s4+$0x6410] =	vst v7;
	v6 =	vadd.s32 v13, v6  }
0xcf: {  	[tilespmem:s6+$0x62B0] =	vst v6  }
0xd0: {  	[tilespmem:s6+$0x6410] =	vst v6;
	s31 =	spop (v2sf)  }
0xd1: {  	p1 =	sne.s32 s1, $0x1  }
.Ltmp14:
0xd2: {  	_ = 	snop;
	(pc) =	sbr.rel @!p1 .LBB2_16-.Ltmp14, $3  }
0xd3: {  	_ =	sdelay $0x1  }
0xd4: {  	s5 =	simm.s32 $0x3110  }
0xd5: {  	s4 =	simm.s32 $0x1900;
	s1 =	sadd.s32 $0xFFFFFFFF, s1;
	p0 =	por $0x0, $0x0;
	v6 =	vld [tilespmem:s5+$0x0]  }
0xd6: {  	_ =	sdelay $0x3  }
0xd7: {  	(xrf1) =	vunique.msk.u32 $0xffff, v6;
	_ =	sdelay $0x9  }
0xd8: {  	v7 =	vld.idx.msk [tilespmem:v6+s17+$0x0], $0xffff;
	_ =	sdelay $0x3  }
0xd9: {  	_, v8, vm0 =	vpop (xrf1)  }
0xda: {  	v7 =	vadd.s32 v8, v7  }
0xdb: {  	v8 =	vld [tilespmem:s4+$0x0];
	v9 =	vadd.s32 $0xFFFFFFFF, v7;
	_ =	sdelay $0x2  }
0xdc: {  	p1 =	sne.s32 s1, $0x1  }
.Ltmp15:
0xdd: {  	_ = 	snop;
	(pc) =	sbr.rel @!p1 .LBB2_21-.Ltmp15, $4  }
0xde: {  	[tilespmem:v9+s18+$0x0] =	vst.idx.msk $0xffff, v8  }
0xdf: {  	s5 =	simm.s32 $0x3120;
	[tilespmem:v6+s17+$0x0] =	vst.idx.msk vm0, v7  }
0xe0: {  	v6 =	vld [tilespmem:s5+$0x0]  }
0xe1: {  	s6 =	sadd.s32 $0xFFFFFFFF, s1;
	p0 =	por $0x1, $0x1;
	s1 =	simm.s32 $0x1900  }
.LBB2_22:
0xe2: {  	p1 =	sne.s32 s6, $0x1;
	_ =	sdelay $0x2  }
0xe3: {  	(xrf1) =	vunique.msk.u32 $0xffff, v6;
	_ =	sdelay $0x8  }
0xe4: {  	v7 =	vld.idx.msk [tilespmem:v6+s17+$0x0], $0xffff;
	_ =	sdelay $0x4  }
0xe5: {  	_, v8, vm0 =	vpop (xrf1)  }
0xe6: {  	s1 =	sadd.s32 $0x10, s1;
	v7 =	vadd.s32 v8, v7  }
0xe7: {  	v8 =	vld [tilespmem:s1+$0x0];
	v9 =	vadd.s32 $0xFFFFFFFF, v7;
	_ =	sdelay $0x3  }
.Ltmp16:
0xe8: {  	(pc) =	sbr.rel @p1 .LBB2_22-.Ltmp16, $4  }
0xe9: {  	[tilespmem:v9+s18+$0x0] =	vst.idx.msk $0xffff, v8  }
0xea: {  	s5 =	sadd.s32 $0x10, s5;
	[tilespmem:v6+s17+$0x0] =	vst.idx.msk vm0, v7  }
0xeb: {  	v6 =	vld [tilespmem:s5+$0x0]  }
0xec: {  	s6 =	sadd.s32 $0xFFFFFFFF, s6  }
.LBB2_23:
0xed: {  	_ =	sdelay $0x2  }
0xee: {  	(xrf1) =	vunique.msk.u32 $0xffff, v6;
	_ =	sdelay $0x9  }
0xef: {  	v7 =	vld.idx.msk [tilespmem:v6+s17+$0x0], $0xffff;
	_ =	sdelay $0x3  }
0xf0: {  	s1 =	sadd.s32 @p0 $0x10, s1;
	_, v8, vm0 =	vpop (xrf1)  }
0xf1: {  	s4 =	smov.u32 @p0 s1;
	v7 =	vadd.s32 v8, v7  }
0xf2: {  	v63 =	vld [tilespmem:s4+$0x0];
	v9 =	vadd.s32 $0xFFFFFFFF, v7;
	_ =	sdelay $0x4  }
0xf3: {  	[tilespmem:v9+s18+$0x0] =	vst.idx.msk $0xffff, v63  }
0xf4: {  	[tilespmem:v6+s17+$0x0] =	vst.idx.msk vm0, v7  }
.LBB2_24:
0xf5: {  	s1 =	sadd.s32 $0x7F, s30  }
0xf6: {  	s4 =	sand.u32 $0x7F, s1  }
0xf7: {  	s5 =	sshra.s32 s1, $0x1F;
	p0 =	slt.s32 s1, $0x0;
	p1 =	sne.s32 s4, $0x0  }
0xf8: {  	s25 =	sshrl.u32 s5, $0x19;
	p0 =	por !p0, !p1  }
0xf9: {  	s4 =	simm.s32 $0x1;
	s1 =	sadd.s32 s25, s1;
	p0 =	por !p0, !p0  }
0xfa: {  	s1 =	sshra.s32 s1, $0x7;
	s4 =	simm.s32 @!p0 $0x0  }
0xfb: {  	s31 =	ssub.s32 s1, s4  }
0xfc: {  	p0 =	slt.s32 s31, $0x1  }
.Ltmp17:
0xfd: {  	_ = 	snop;
	(pc) =	sbr.rel @p0 .LBB2_41-.Ltmp17, $1  }
0xfe: {  	_ =	sdelay $0x3  }
0xff: {  	s1 =	simm.s32 $0x80;
	s4 =	simm.s32 $0x6570;
	p0 =	seq.s32 s31, $0x1  }
0x100: {  	[tilespmem:s4], [sflag:$0x1] =	stream.indirect.gather [hbm4b:s3+s1], $0x40, s18, s1, $0xb8;
	[tilespmem:$0x19A00] =	vst v63  }
0x101: {  	s1 =	simm.s32 @!p0 $0x80;
	s4 =	simm.s32 @!p0 $0x49A0;
	s5 =	simm.s32 @!p0 $0x8570  }
0x102: {  	[tilespmem:s5], [sflag:$0x1] =	stream.indirect.gather @!p0 [hbm4b:s3+s1], $0x40, s4, s1, $0xb8;
	[tilespmem:$0x19A00] =	vst v63  }
.Ltmp18:
0x103: {  	p1 =	slt.u32 @!p0 s31, $0x3;
	(pc) =	sbr.rel .LBB2_26-.Ltmp18, $4  }
0x104: {  	s7 =	simm.s32 $0x0;
	p0 =	por p1, p0  }
0x105: {  	v9 =	vimm.f32 $0.0e+00;
	v7 =	vimm.f32 $-Inf;
	s1 =	simm.s32 @!p0 $0x80;
	s4 =	simm.s32 @!p0 $0x4A20;
	s5 =	simm.s32 @!p0 $0xA570  }
0x106: {  	v6 =	vimm.f32 $-Inf;
	v10 =	vimm.f32 $-Inf;
	v11 =	vimm.f32 $-Inf;
	[tilespmem:s5], [sflag:$0x1] =	stream.indirect.gather @!p0 [hbm4b:s3+s1], $0x40, s4, s1, $0xb8;
	[tilespmem:$0x19A00] =	vst v63  }
0x107: {  	v8 =	vimm.f32 $0.0e+00;
	v12 =	vimm.f32 $0.0e+00;
	v13 =	vimm.f32 $0.0e+00;
	s9 =	simm.s32 $0x0;
	s4 =	simm.s32 $0x0;
	s1 =	simm.s32 $0x0  }
.LBB2_36:
0x108: {  	v13 =	vpsel p0, v13, v13;
	v12 =	vpsel p0, v12, v12  }
0x109: {  	v8 =	vpsel p0, v8, v8;
	v9 =	vpsel p0, v9, v9;
	v11 =	vpsel p0, v11, v11  }
0x10a: {  	v10 =	vpsel p0, v10, v10;
	v6 =	vpsel p0, v6, v6;
	v7 =	vpsel p0, v7, v7  }
.LBB2_40:
0x10b: {  	s9 =	sadd.s32 $0x1, s9  }
0x10c: {  	p0 =	sne.s32 s9, s31  }
.Ltmp19:
0x10d: {  	_ = 	snop;
	(pc) =	sbr.rel @!p0 .LBB2_41-.Ltmp19, $2  }
0x10e: {  	_ =	sdelay $0x2  }
0x10f: {  	s1 =	sadd.s32 $0xFFFFFF80, s1;
	s4 =	sadd.s32 $0x80, s4  }
.LBB2_26:
0x110: {  	s5 =	sadd.s32 $0x3, s9  }
0x111: {  	p0 =	sge.s32 s5, s31  }
0x112: {  	s6 =	sshll.u32 @!p0 s5, $0xD;
	s5 =	sshll.u32 @!p0 s5, $0x9  }
0x113: {  	s6 =	sand.u32 @!p0 $0x6000, s6;
	s5 =	sshra.s32 @!p0 s5, $0x2  }
0x114: {  	s8 =	simm.s32 @!p0 $0x80;
	s6 =	sadd.s32 @!p0 $0x6570, s6;
	s5 =	sadd.s32 @!p0 $0x4920, s5  }
0x115: {  	[tilespmem:s6], [sflag:$0x1] =	stream.indirect.gather @!p0 [hbm4b:s3+s8], $0x40, s5, s8, $0xb8;
	[tilespmem:$0x19A00] =	vst v63  }
0x116: {  	_ =	swait.ge [sflag:s15], $0x2000  }
0x117: {  	[sflag:s15] =	ssyncset.done $0x0  }
0x118: {  	[sflag:s15] =	ssyncadd.s32 $0xFFFFE000  }
0x119: {  	v14 =	vld [tilespmem:s7+$0x62B1];
	_ =	sdelay $0x4  }
0x11a: {  	(v2sf) =	vpush v14, $0x0;
	_ =	sdelay $0xa  }
0x11b: {  	s6 =	sshll.u32 s9, $0x7  }
0x11c: {  	s5 =	ssub.s32 s30, s6  }
0x11d: {  	p0 =	slt.s32 s5, $0x80  }
0x11e: {  	s5 =	simm.s32 @!p0 $0x80  }
0x11f: {  	p1 =	sgt.s32 s7, $0x13F;
	s22 =	sadd.s32 s6, s5;
	s23 =	spop (v2sf)  }
0x120: {  	p0 =	sgt.s32 @!p1 s23, s22  }
0x121: {  	p0 =	por p1, p0  }
.Ltmp20:
0x122: {  	_ = 	snop;
	(pc) =	sbr.rel @p0 .LBB2_27-.Ltmp20, $2  }
0x123: {  	_ =	sdelay $0x2  }
0x124: {  	s5 =	sand.u32 $0x180, s4  }
.Ltmp21:
0x125: {  	(pc) =	sbr.rel .LBB2_29-.Ltmp21, $2  }
0x126: {  	_ =	sdelay $0x2  }
0x127: {  	s19 =	sadd.s32 $0x1, s7;
	s8 =	sadd.s32 s5, s1  }
.LBB2_32:
0x128: {  	v13 =	vadd.f32 v16, v13;
	v11 =	vmax.f32 v11, v16;
	v12 =	vadd.f32 v14, v12  }
0x129: {  	v9 =	vadd.f32 v15, v9;
	v10 =	vmax.f32 v10, v14;
	v7 =	vmax.f32 v7, v15  }
.LBB2_33:
0x12a: {  	s10 =	smul.u32 $0x140, s7;
	_ =	sdelay $0x1  }
0x12b: {  	s10 =	sshra.s32 s10, $0x2  }
0x12c: {  	v14 =	vld [tilespmem:s10+$0xE570]  }
0x12d: {  	v15 =	vld [tilespmem:s10+$0xE580]  }
0x12e: {  	v16 =	vld [tilespmem:s10+$0xE590]  }
0x12f: {  	v17 =	vld [tilespmem:s10+$0xE5A0];
	_ =	sdelay $0x1  }
0x130: {  	v13 =	vadd.f32 v14, v13  }
0x131: {  	v12 =	vadd.f32 v15, v12  }
0x132: {  	v8 =	vadd.f32 v16, v8;
	[tilespmem:s10+$0xE570] =	vst v13  }
0x133: {  	v9 =	vadd.f32 v17, v9;
	[tilespmem:s10+$0xE580] =	vst v12  }
0x134: {  	s20 =	sshll.u32 s7, $0x8;
	[tilespmem:s10+$0xE590] =	vst v8  }
0x135: {  	s7 =	sshra.s32 s20, $0x2;
	[tilespmem:s10+$0xE5A0] =	vst v9  }
0x136: {  	v8 =	vld [tilespmem:s7+$0x149C0]  }
0x137: {  	v12 =	vld [tilespmem:s7+$0x149E0]  }
0x138: {  	v9 =	vld [tilespmem:s7+$0x149D0]  }
0x139: {  	v13 =	vld [tilespmem:s7+$0x149F0];
	_ =	sdelay $0x1  }
0x13a: {  	v8 =	vmax.f32 v8, v11  }
0x13b: {  	v6 =	vmax.f32 v12, v6;
	[tilespmem:s7+$0x149C0] =	vst v8  }
0x13c: {  	v8 =	vmax.f32 v9, v10;
	[tilespmem:s7+$0x149E0] =	vst v6  }
0x13d: {  	v6 =	vmax.f32 v13, v7;
	[tilespmem:s7+$0x149D0] =	vst v8  }
0x13e: {  	[tilespmem:s7+$0x149F0] =	vst v6  }
0x13f: {  	v6 =	vld [tilespmem:s10+$0xE5B0];
	_ =	sdelay $0x1  }
0x140: {  	s25 =	ssub.s32 s23, s25  }
0x141: {  	s7 =	scvt.s32.f32 s25;
	_ =	sdelay $0x1  }
0x142: {  	v6 =	vadd.f32 s7, v6;
	_ =	sdelay $0x1  }
0x143: {  	[tilespmem:s10+$0xE5B0] =	vst v6  }
0x144: {  	v6 =	vld [tilespmem:s24+$0x62B1];
	_ =	sdelay $0x4  }
0x145: {  	(v2sf) =	vpush v6, $0x0;
	_ =	sdelay $0xe  }
0x146: {  	p1 =	sgt.s32 s24, $0x13F;
	s23 =	spop (v2sf)  }
0x147: {  	p0 =	sle.s32 @!p1 s23, s22  }
0x148: {  	p0 =	por p1, !p0  }
.Ltmp22:
0x149: {  	_ = 	snop;
	(pc) =	sbr.rel @p0 .LBB2_34-.Ltmp22, $4  }
0x14a: {  	_ = 	snop  }
0x14b: {  	v11 =	vimm.f32 $-Inf;
	v12 =	vimm.f32 $0.0e+00  }
0x14c: {  	v9 =	vimm.f32 $0.0e+00;
	v7 =	vimm.f32 $-Inf;
	v10 =	vimm.f32 $-Inf  }
0x14d: {  	s19 =	sadd.s32 $0x1, s24;
	v13 =	vimm.f32 $0.0e+00;
	v8 =	vimm.f32 $0.0e+00;
	s7 =	smov.u32 s24;
	v6 =	vimm.f32 $-Inf  }
.LBB2_29:
0x14e: {  	v14 =	vld [tilespmem:s7+$0x62B0];
	_ =	sdelay $0x4  }
0x14f: {  	(v2sf) =	vpush v14, $0x0;
	_ =	sdelay $0xe  }
0x150: {  	s25 =	spop (v2sf)  }
0x151: {  	s20 =	smov.u32 s6;
	p0 =	sgt.s32 s25, s6  }
0x152: {  	s20 =	smov.u32 @p0 s25  }
0x153: {  	p0 =	sge.s32 s20, s23  }
.Ltmp23:
0x154: {  	_ = 	snop;
	(pc) =	sbr.rel @p0 .LBB2_33-.Ltmp23, $2  }
0x155: {  	_ =	sdelay $0x2  }
0x156: {  	s24 =	smov.u32 s19  }
0x157: {  	p0 =	sgt.s32 s25, s4;
	s19 =	smov.u32 s4  }
0x158: {  	s19 =	smov.u32 @p0 s25  }
0x159: {  	s19 =	sadd.s32 s19, s8  }
0x15a: {  	s19 =	sshll.u32 s19, $0x8  }
0x15b: {  	s19 =	sshra.s32 s19, $0x2  }
0x15c: {  	s10 =	sadd.s32 $0x6590, s19  }
0x15d: {  	s19 =	sadd.s32 $0x1, s20;
	v17 =	vld [tilespmem:s10+$0x0]  }
0x15e: {  	v16 =	vld [tilespmem:s10+$0xFFFFFFE0];
	p0 =	slt.s32 s19, s23  }
.Ltmp24:
0x15f: {  	v14 =	vld [tilespmem:s10+$0xFFFFFFF0];
	(pc) =	sbr.rel @!p0 .LBB2_32-.Ltmp24, $2  }
0x160: {  	v15 =	vld [tilespmem:s10+$0x10];
	_ =	sdelay $0x2  }
0x161: {  	s20 =	sadd.s32 $0x40, s10;
	v8 =	vadd.f32 v17, v8;
	v6 =	vmax.f32 v6, v17  }
.LBB2_31:
0x162: {  	s19 =	sadd.s32 $0x1, s19  }
0x163: {  	v17 =	vld [tilespmem:s20+$0x0];
	v13 =	vadd.f32 v16, v13;
	v11 =	vmax.f32 v11, v16;
	p0 =	slt.s32 s19, s23  }
.Ltmp25:
0x164: {  	v12 =	vadd.f32 v14, v12;
	v16 =	vld [tilespmem:s20+$0xFFFFFFE0];
	(pc) =	sbr.rel @p0 .LBB2_31-.Ltmp25, $3  }
0x165: {  	v9 =	vadd.f32 v15, v9;
	v10 =	vmax.f32 v10, v14;
	v7 =	vmax.f32 v7, v15;
	v14 =	vld [tilespmem:s20+$0xFFFFFFF0]  }
0x166: {  	v15 =	vld [tilespmem:s20+$0x10];
	_ =	sdelay $0x1  }
0x167: {  	s20 =	sadd.s32 $0x40, s20;
	v8 =	vadd.f32 v17, v8;
	v6 =	vmax.f32 v6, v17  }
.Ltmp26:
0x168: {  	_ = 	snop;
	(pc) =	sbr.rel .LBB2_32-.Ltmp26, $1  }
0x169: {  	_ =	sdelay $0x3  }
.LBB2_34:
.Ltmp27:
0x16a: {  	(pc) =	sbr.rel .LBB2_35-.Ltmp27, $4  }
0x16b: {  	_ = 	snop  }
0x16c: {  	v13 =	vpsel p1, $0x0, v9;
	v12 =	vpsel p1, $0x0, v9  }
0x16d: {  	p0 =	slt.s32 s24, $0x140;
	s24 =	smov.u32 @p1 s24;
	v8 =	vpsel p1, $0x0, v9;
	v9 =	vpsel p1, $0x0, v9;
	v11 =	vpsel p1, $0xFF800000, v7  }
0x16e: {  	v10 =	vpsel p1, $0xFF800000, v7;
	v6 =	vpsel p1, $0xFF800000, v7;
	v7 =	vpsel p1, $0xFF800000, v7;
	p0 =	por @!p1 p0, p0;
	s7 =	smov.u32 s24  }
.LBB2_27:
0x16f: {  	v13 =	vpsel p1, v13, v13;
	v12 =	vpsel p1, v12, v12  }
0x170: {  	p0 =	slt.s32 s7, $0x140;
	v8 =	vpsel p1, v8, v8;
	v9 =	vpsel p1, v9, v9;
	v11 =	vpsel p1, v11, v11  }
0x171: {  	s7 =	smov.u32 @p1 s7;
	v10 =	vpsel p1, v10, v10;
	v6 =	vpsel p1, v6, v6;
	v7 =	vpsel p1, v7, v7;
	p0 =	por @!p1 p0, p0  }
.LBB2_35:
0x172: {  	v14 =	vld @p0 [tilespmem:s7+$0x62B0];
	_ =	sdelay $0x4  }
0x173: {  	(v2sf) =	vpush @p0 v14, $0x0;
	_ =	sdelay $0xe  }
0x174: {  	s19 =	spop @p0 (v2sf)  }
0x175: {  	p1 =	sgt.s32 @p0 s19, s6  }
0x176: {  	s8 =	smov.u32 s19;
	p1 =	por !p1, !p0  }
0x177: {  	s8 =	smov.u32 @p1 s6  }
0x178: {  	p1 =	sge.s32 @p0 s8, s22  }
0x179: {  	p1 =	por !p0, p1  }
.Ltmp28:
0x17a: {  	_ = 	snop;
	(pc) =	sbr.rel @p1 .LBB2_36-.Ltmp28, $1  }
0x17b: {  	_ =	sdelay $0x3  }
0x17c: {  	p0 =	sgt.s32 s19, s4;
	s6 =	smov.u32 s4  }
0x17d: {  	s6 =	smov.u32 @p0 s19  }
0x17e: {  	s6 =	sadd.s32 s1, s6  }
0x17f: {  	s5 =	sadd.s32 s5, s6  }
0x180: {  	s5 =	sshll.u32 s5, $0x8  }
0x181: {  	s5 =	sshra.s32 s5, $0x2  }
0x182: {  	s25 =	sadd.s32 $0x6590, s5;
	s5 =	sadd.s32 $0x1, s8  }
0x183: {  	v17 =	vld [tilespmem:s25+$0x0];
	p0 =	slt.s32 s5, s22  }
.Ltmp29:
0x184: {  	_ = 	snop;
	(pc) =	sbr.rel @!p0 .LBB2_39-.Ltmp29, $4  }
0x185: {  	v16 =	vld [tilespmem:s25+$0xFFFFFFE0]  }
0x186: {  	v14 =	vld [tilespmem:s25+$0xFFFFFFF0]  }
0x187: {  	v15 =	vld [tilespmem:s25+$0x10]  }
0x188: {  	s6 =	sadd.s32 $0x40, s25;
	v8 =	vadd.f32 v17, v8;
	v6 =	vmax.f32 v6, v17  }
.LBB2_38:
0x189: {  	s5 =	sadd.s32 $0x1, s5  }
0x18a: {  	v17 =	vld [tilespmem:s6+$0x0];
	v13 =	vadd.f32 v16, v13;
	v11 =	vmax.f32 v11, v16;
	p0 =	slt.s32 s5, s22  }
.Ltmp30:
0x18b: {  	v16 =	vld [tilespmem:s6+$0xFFFFFFE0];
	v12 =	vadd.f32 v14, v12;
	(pc) =	sbr.rel @p0 .LBB2_38-.Ltmp30, $3  }
0x18c: {  	v10 =	vmax.f32 v10, v14;
	v9 =	vadd.f32 v15, v9;
	v14 =	vld [tilespmem:s6+$0xFFFFFFF0];
	v7 =	vmax.f32 v7, v15  }
0x18d: {  	v15 =	vld [tilespmem:s6+$0x10];
	_ =	sdelay $0x1  }
0x18e: {  	s6 =	sadd.s32 $0x40, s6;
	v8 =	vadd.f32 v17, v8;
	v6 =	vmax.f32 v6, v17  }
.LBB2_39:
.Ltmp31:
0x18f: {  	(pc) =	sbr.rel .LBB2_40-.Ltmp31, $3  }
0x190: {  	_ =	sdelay $0x1  }
0x191: {  	v13 =	vadd.f32 v16, v13;
	v11 =	vmax.f32 v11, v16;
	v12 =	vadd.f32 v14, v12  }
0x192: {  	v10 =	vmax.f32 v10, v14;
	v9 =	vadd.f32 v15, v9;
	v7 =	vmax.f32 v7, v15  }
.LBB2_41:
0x193: {  	p0 =	seq.s32 s28, $0x63  }
0x194: {  	s1 =	sshrl.u32 @!p0 s29, $0x3  }
0x195: {  	s1 =	sadd.s32 @!p0 $0x190, s1  }
0x196: {  	s5 =	simm.s32 @!p0 $0x0;
	s4 =	sadd.s32 @!p0 s0, s1  }
0x197: {  	[tilespmem:s5], [sflag:$0x2] =	stream.linear.gather @!p0 [hbm4b:s4+s5], $0x640, $0x38;
	[tilespmem:$0x19A00] =	vst v63  }
0x198: {  	s1 =	sadd.s32 @!p0 s2, s1;
	s4 =	simm.s32 @!p0 $0x640  }
0x199: {  	[tilespmem:s4], [sflag:$0x2] =	stream.linear.gather @!p0 [hbm4b:s1+s5], $0x640, $0x38;
	[tilespmem:$0x19A00] =	vst v63  }
0x19a: {  	_ =	swait.ge [sflag:s21], $0x640  }
0x19b: {  	[sflag:s21] =	ssyncset.done $0x0  }
0x19c: {  	[sflag:s21] =	ssyncadd.s32 $0xFFFFF9C0  }
0x19d: {  	_ =	swait.ge [sflag:s21], $0x640  }
0x19e: {  	p6 =	sgt.s32 s30, $0x11C0;
	[sflag:s21] =	ssyncset.done $0x0  }
0x19f: {  	v5 =	vpsel p6, $0x0, v5;
	s1 =	simm.s32 $0x0;
	[sflag:s21] =	ssyncadd.s32 $0xFFFFF9C0  }
.LBB2_42:
0x1a0: {  	s4 =	sshra.s32 s1, $0x2  }
0x1a1: {  	v6 =	vld [tilespmem:s4+$0xC80];
	_ =	sdelay $0x4  }
0x1a2: {  	v6 =	vsub.s32 v6, v0  }
0x1a3: {  	vm0 =	vlt.u32 v6, $0x140  }
0x1a4: {  	v7 =	vsel vm0, $0x1, v3  }
0x1a5: {  	(xrf0) =	vadd.scan.msk.s32 $0xffff, v7;
	_ =	sdelay $0x5  }
0x1a6: {  	v7, _, _ =	vpop (xrf0)  }
0x1a7: {  	v7 =	vadd.s32 v7, v5  }
0x1a8: {  	v8 =	vld [tilespmem:s4+$0x12C0];
	v7 =	vadd.s32 $0xFFFFFFFF, v7;
	_ =	sdelay $0x4  }
0x1a9: {  	[tilespmem:v7+s13+$0x0] =	vst.idx.msk vm0, v8  }
0x1aa: {  	[tilespmem:v7+s14+$0x0] =	vst.idx.msk vm0, v6  }
0x1ab: {  	v6 =	vld [tilespmem:s4+$0xC90];
	_ =	sdelay $0x4  }
0x1ac: {  	v6 =	vsub.s32 v6, v0  }
0x1ad: {  	vm1 =	vlt.u32 v6, $0x140  }
0x1ae: {  	v7 =	vsel vm1, $0x1, v3  }
0x1af: {  	(xrf0) =	vadd.scan.msk.s32 $0xffff, v7;
	_ =	sdelay $0x1  }
0x1b0: {  	v7 =	vmpcnt.ones.xlane vm0;
	_ =	sdelay $0x3  }
0x1b1: {  	v5 =	vadd.s32 v5, v7;
	v7, _, _ =	vpop (xrf0)  }
0x1b2: {  	v7 =	vadd.s32 v7, v5  }
0x1b3: {  	v8 =	vld [tilespmem:s4+$0x12D0];
	v7 =	vadd.s32 $0xFFFFFFFF, v7;
	_ =	sdelay $0x4  }
0x1b4: {  	[tilespmem:v7+s13+$0x0] =	vst.idx.msk vm1, v8  }
0x1b5: {  	[tilespmem:v7+s14+$0x0] =	vst.idx.msk vm1, v6  }
0x1b6: {  	v6 =	vld [tilespmem:s4+$0xCA0];
	_ =	sdelay $0x4  }
0x1b7: {  	v6 =	vsub.s32 v6, v0  }
0x1b8: {  	vm14 =	vlt.u32 v6, $0x140  }
0x1b9: {  	v7 =	vsel vm14, $0x1, v3  }
0x1ba: {  	(xrf0) =	vadd.scan.msk.s32 $0xffff, v7;
	_ =	sdelay $0x1  }
0x1bb: {  	v7 =	vmpcnt.ones.xlane vm1;
	_ =	sdelay $0x3  }
0x1bc: {  	v5 =	vadd.s32 v5, v7;
	v7, _, _ =	vpop (xrf0)  }
0x1bd: {  	v7 =	vadd.s32 v7, v5  }
0x1be: {  	v8 =	vld [tilespmem:s4+$0x12E0];
	v7 =	vadd.s32 $0xFFFFFFFF, v7;
	_ =	sdelay $0x4  }
0x1bf: {  	[tilespmem:v7+s13+$0x0] =	vst.idx.msk vm14, v8  }
0x1c0: {  	[tilespmem:v7+s14+$0x0] =	vst.idx.msk vm14, v6  }
0x1c1: {  	v6 =	vld [tilespmem:s4+$0xCB0];
	_ =	sdelay $0x4  }
0x1c2: {  	v6 =	vsub.s32 v6, v0  }
0x1c3: {  	vm15 =	vlt.u32 v6, $0x140  }
0x1c4: {  	v7 =	vsel vm15, $0x1, v3  }
0x1c5: {  	(xrf0) =	vadd.scan.msk.s32 $0xffff, v7;
	_ =	sdelay $0x1  }
0x1c6: {  	v7 =	vmpcnt.ones.xlane vm14;
	_ =	sdelay $0x3  }
0x1c7: {  	v5 =	vadd.s32 v5, v7;
	v7, _, _ =	vpop (xrf0)  }
0x1c8: {  	v7 =	vadd.s32 v7, v5  }
0x1c9: {  	v8 =	vld [tilespmem:s4+$0x12F0];
	v7 =	vadd.s32 $0xFFFFFFFF, v7  }
0x1ca: {  	p0 =	sne.s32 s1, $0x1800  }
.Ltmp32:
0x1cb: {  	_ = 	snop;
	(pc) =	sbr.rel @p0 .LBB2_42-.Ltmp32, $4  }
0x1cc: {  	_ = 	snop  }
0x1cd: {  	v9 =	vmpcnt.ones.xlane vm15  }
0x1ce: {  	[tilespmem:v7+s13+$0x0] =	vst.idx.msk vm15, v8  }
0x1cf: {  	s1 =	sadd.s32 $0x100, s1;
	v5 =	vadd.s32 v5, v9;
	[tilespmem:v7+s14+$0x0] =	vst.idx.msk vm15, v6  }
0x1d0: {  	(v2sf) =	vpush v5, $0x0;
	_ =	sdelay $0xe  }
0x1d1: {  	s29 =	spop (v2sf)  }
0x1d2: {  	p0 =	slt.s32 s29, $0x11C1  }
.Ltmp33:
0x1d3: {  	_ = 	snop;
	(pc) =	sbr.rel @p0 .LBB2_74-.Ltmp33, $1  }
0x1d4: {  	_ =	sdelay $0x3  }
0x1d5: {  	[tilespmem:s29+$0x3110] =	vst v4  }
0x1d6: {  	[tilespmem:$0x6150] =	vst v3  }
0x1d7: {  	[tilespmem:$0x6160] =	vst v3  }
0x1d8: {  	[tilespmem:$0x6170] =	vst v3  }
0x1d9: {  	[tilespmem:$0x6180] =	vst v3  }
0x1da: {  	[tilespmem:$0x6190] =	vst v3  }
0x1db: {  	[tilespmem:$0x61A0] =	vst v3  }
0x1dc: {  	[tilespmem:$0x61B0] =	vst v3  }
0x1dd: {  	[tilespmem:$0x61C0] =	vst v3  }
0x1de: {  	[tilespmem:$0x61D0] =	vst v3  }
0x1df: {  	s1 =	sadd.s32 $0xF, s29;
	[tilespmem:$0x61E0] =	vst v3  }
0x1e0: {  	[tilespmem:$0x61F0] =	vst v3;
	s4 =	sand.u32 $0xF, s1  }
0x1e1: {  	[tilespmem:$0x6200] =	vst v3;
	s31 =	sshra.s32 s1, $0x1F;
	p1 =	slt.s32 s1, $0x0;
	p0 =	sne.s32 s4, $0x0  }
0x1e2: {  	[tilespmem:$0x6210] =	vst v3;
	s4 =	sshrl.u32 s31, $0x1C;
	p0 =	por !p1, !p0  }
0x1e3: {  	[tilespmem:$0x6220] =	vst v3;
	s1 =	sadd.s32 s4, s1;
	s4 =	simm.s32 $0x1;
	p0 =	por !p0, !p0  }
0x1e4: {  	[tilespmem:$0x6230] =	vst v3;
	s1 =	sshra.s32 s1, $0x4;
	s4 =	simm.s32 @!p0 $0x0  }
0x1e5: {  	[tilespmem:$0x6240] =	vst v3;
	s1 =	ssub.s32 s1, s4  }
0x1e6: {  	[tilespmem:$0x6250] =	vst v3;
	p0 =	sgt.s32 s1, $0x0  }
.Ltmp34:
0x1e7: {  	[tilespmem:$0x6260] =	vst v3;
	(pc) =	sbr.rel @!p0 .LBB2_45-.Ltmp34, $4  }
0x1e8: {  	[tilespmem:$0x6270] =	vst v3  }
0x1e9: {  	[tilespmem:$0x6280] =	vst v3  }
0x1ea: {  	[tilespmem:$0x6290] =	vst v3  }
0x1eb: {  	[tilespmem:$0x62A0] =	vst v3;
	s4 =	simm.s32 $0x3110  }
0x1ec: {  	p1 =	seq.s32 s1, $0x1  }
.Ltmp35:
0x1ed: {  	_ = 	snop;
	(pc) =	sbr.rel @p1 .LBB2_52-.Ltmp35, $2  }
0x1ee: {  	_ =	sdelay $0x2  }
0x1ef: {  	v6 =	vld [tilespmem:s4+$0x0];
	s5 =	sadd.s32 $0xFFFFFFFF, s1  }
.LBB2_51:
0x1f0: {  	p1 =	seq.s32 s5, $0x1;
	_ =	sdelay $0x3  }
0x1f1: {  	(xrf1) =	vunique.msk.u32 $0xffff, v6;
	_ =	sdelay $0xc  }
0x1f2: {  	v7 =	vld.idx.msk [tilespmem:v6+s16+$0x0], $0xffff  }
0x1f3: {  	_, v8, vm0 =	vpop (xrf1);
	_ =	sdelay $0x2  }
.Ltmp36:
0x1f4: {  	(pc) =	sbr.rel @!p1 .LBB2_51-.Ltmp36, $4  }
0x1f5: {  	_ = 	snop  }
0x1f6: {  	v7 =	vadd.s32 v7, v8  }
0x1f7: {  	s4 =	sadd.s32 $0x10, s4;
	[tilespmem:v6+s16+$0x0] =	vst.idx.msk vm0, v7  }
0x1f8: {  	s5 =	sadd.s32 $0xFFFFFFFF, s5;
	v6 =	vld [tilespmem:s4+$0x0]  }
.LBB2_52:
0x1f9: {  	_ =	sdelay $0x3  }
0x1fa: {  	(xrf1) =	vunique.msk.u32 $0xffff, v6;
	_ =	sdelay $0xd  }
0x1fb: {  	v7 =	vld.idx.msk [tilespmem:v6+s16+$0x0], $0xffff;
	_, v8, vm0 =	vpop (xrf1);
	_ =	sdelay $0x4  }
0x1fc: {  	v7 =	vadd.s32 v7, v8  }
0x1fd: {  	[tilespmem:v6+s16+$0x0] =	vst.idx.msk vm0, v7  }
.LBB2_45:
0x1fe: {  	s7 =	simm.s32 $0x0  }
0x1ff: {  	s5 =	simm.s32 $0x10;
	v8 =	vld [tilespmem:s7+$0x6150]  }
0x200: {  	v7 =	vld [tilespmem:s5+$0x6150];
	_ =	sdelay $0x3  }
0x201: {  	(xrf0) =	vadd.scan.msk.s32 $0xffff, v8  }
0x202: {  	(xrf0) =	vadd.scan.msk.s32 $0xffff, v7;
	_ =	sdelay $0x4  }
0x203: {  	s4 =	simm.s32 $0x20;
	v11, _, _ =	vpop (xrf0)  }
0x204: {  	v9 =	vld [tilespmem:s4+$0x6150];
	(v2sf) =	vpush v11, $0xF;
	v10, _, _ =	vpop (xrf0)  }
0x205: {  	(v2sf) =	vpush v10, $0xF;
	_ =	sdelay $0x3  }
0x206: {  	s6 =	simm.s32 $0x30;
	(xrf0) =	vadd.scan.msk.s32 $0xffff, v9  }
0x207: {  	v6 =	vld [tilespmem:s6+$0x6150];
	_ =	sdelay $0x3  }
0x208: {  	s8 =	simm.s32 $0x0;
	s9 =	simm.s32 $0x100  }
.LBB2_46:
0x209: {  	s10 =	sshra.s32 s9, $0x2;
	p1 =	seq.s32 s9, $0x540;
	s9 =	sadd.s32 $0x40, s9;
	(xrf0) =	vadd.scan.msk.s32 $0xffff, v6;
	v12, _, _ =	vpop (xrf0);
	v13 =	vsub.s32 s8, v8;
	v8 =	vmov v7;
	v7 =	vmov v9  }
.Ltmp37:
0x20a: {  	v9 =	vmovc v6;
	(v2sf) =	vpush v12, $0xF;
	v13 =	vadd.s32 v11, v13;
	v11 =	vmovc v10;
	v10 =	vmov v12;
	v6 =	vld [tilespmem:s10+$0x6150];
	(pc) =	sbr.rel @!p1 .LBB2_46-.Ltmp37, $4  }
0x20b: {  	[tilespmem:s7+$0x62B0] =	vst v13  }
0x20c: {  	[tilespmem:s7+$0x6410] =	vst v13;
	s7 =	smov.u32 s5;
	s5 =	smov.u32 s4;
	s4 =	smov.u32 s6  }
0x20d: {  	s6 =	smov.u32 s10;
	s19 =	spop (v2sf)  }
0x20e: {  	s8 =	sadd.s32 s8, s19  }
0x20f: {  	(xrf0) =	vadd.scan.msk.s32 $0xffff, v6  }
0x210: {  	v12, _, _ =	vpop (xrf0)  }
0x211: {  	(v2sf) =	vpush v12, $0xF;
	_ =	sdelay $0x3  }
0x212: {  	v13, _, _ =	vpop (xrf0)  }
0x213: {  	(v2sf) =	vpush v13, $0xF;
	_ =	sdelay $0x5  }
0x214: {  	s9 =	spop (v2sf);
	v8 =	vsub.s32 s8, v8  }
0x215: {  	v8 =	vadd.s32 v11, v8;
	s22 =	sadd.s32 s8, s9  }
0x216: {  	[tilespmem:s7+$0x62B0] =	vst v8;
	v7 =	vsub.s32 s22, v7;
	s23 =	spop (v2sf)  }
0x217: {  	[tilespmem:s7+$0x6410] =	vst v8;
	v7 =	vadd.s32 v10, v7;
	s24 =	sadd.s32 s22, s23  }
0x218: {  	[tilespmem:s5+$0x62B0] =	vst v7;
	v63 =	vsub.s32 s24, v9;
	s25 =	spop (v2sf)  }
.Ltmp38:
0x219: {  	[tilespmem:s5+$0x6410] =	vst v7;
	v7 =	vadd.s32 v12, v63;
	s30 =	sadd.s32 s24, s25;
	(pc) =	sbr.rel @!p0 .LBB2_57-.Ltmp38, $4  }
0x21a: {  	[tilespmem:s4+$0x62B0] =	vst v7;
	v6 =	vsub.s32 s30, v6  }
0x21b: {  	[tilespmem:s4+$0x6410] =	vst v7;
	v6 =	vadd.s32 v13, v6  }
0x21c: {  	[tilespmem:s6+$0x62B0] =	vst v6  }
0x21d: {  	[tilespmem:s6+$0x6410] =	vst v6;
	s31 =	spop (v2sf)  }
0x21e: {  	p1 =	sne.s32 s1, $0x1  }
.Ltmp39:
0x21f: {  	_ = 	snop;
	(pc) =	sbr.rel @!p1 .LBB2_49-.Ltmp39, $3  }
0x220: {  	_ =	sdelay $0x1  }
0x221: {  	s5 =	simm.s32 $0x3110  }
0x222: {  	s4 =	simm.s32 $0x1900;
	s1 =	sadd.s32 $0xFFFFFFFF, s1;
	p0 =	por $0x0, $0x0;
	v6 =	vld [tilespmem:s5+$0x0]  }
0x223: {  	_ =	sdelay $0x3  }
0x224: {  	(xrf1) =	vunique.msk.u32 $0xffff, v6;
	_ =	sdelay $0x9  }
0x225: {  	v7 =	vld.idx.msk [tilespmem:v6+s17+$0x0], $0xffff;
	_ =	sdelay $0x3  }
0x226: {  	_, v8, vm0 =	vpop (xrf1)  }
0x227: {  	v7 =	vadd.s32 v8, v7  }
0x228: {  	v8 =	vld [tilespmem:s4+$0x0];
	v9 =	vadd.s32 $0xFFFFFFFF, v7;
	_ =	sdelay $0x2  }
0x229: {  	p1 =	sne.s32 s1, $0x1  }
.Ltmp40:
0x22a: {  	_ = 	snop;
	(pc) =	sbr.rel @!p1 .LBB2_54-.Ltmp40, $4  }
0x22b: {  	[tilespmem:v9+s18+$0x0] =	vst.idx.msk $0xffff, v8  }
0x22c: {  	s5 =	simm.s32 $0x3120;
	[tilespmem:v6+s17+$0x0] =	vst.idx.msk vm0, v7  }
0x22d: {  	v6 =	vld [tilespmem:s5+$0x0]  }
0x22e: {  	s6 =	sadd.s32 $0xFFFFFFFF, s1;
	p0 =	por $0x1, $0x1;
	s1 =	simm.s32 $0x1900  }
.LBB2_55:
0x22f: {  	p1 =	sne.s32 s6, $0x1;
	_ =	sdelay $0x2  }
0x230: {  	(xrf1) =	vunique.msk.u32 $0xffff, v6;
	_ =	sdelay $0x8  }
0x231: {  	v7 =	vld.idx.msk [tilespmem:v6+s17+$0x0], $0xffff;
	_ =	sdelay $0x4  }
0x232: {  	_, v8, vm0 =	vpop (xrf1)  }
0x233: {  	s1 =	sadd.s32 $0x10, s1;
	v7 =	vadd.s32 v8, v7  }
0x234: {  	v8 =	vld [tilespmem:s1+$0x0];
	v9 =	vadd.s32 $0xFFFFFFFF, v7;
	_ =	sdelay $0x3  }
.Ltmp41:
0x235: {  	(pc) =	sbr.rel @p1 .LBB2_55-.Ltmp41, $4  }
0x236: {  	[tilespmem:v9+s18+$0x0] =	vst.idx.msk $0xffff, v8  }
0x237: {  	s5 =	sadd.s32 $0x10, s5;
	[tilespmem:v6+s17+$0x0] =	vst.idx.msk vm0, v7  }
0x238: {  	v6 =	vld [tilespmem:s5+$0x0]  }
0x239: {  	s6 =	sadd.s32 $0xFFFFFFFF, s6  }
.LBB2_56:
0x23a: {  	_ =	sdelay $0x2  }
0x23b: {  	(xrf1) =	vunique.msk.u32 $0xffff, v6;
	_ =	sdelay $0x9  }
0x23c: {  	v7 =	vld.idx.msk [tilespmem:v6+s17+$0x0], $0xffff;
	_ =	sdelay $0x3  }
0x23d: {  	s1 =	sadd.s32 @p0 $0x10, s1;
	_, v8, vm0 =	vpop (xrf1)  }
0x23e: {  	s4 =	smov.u32 @p0 s1;
	v7 =	vadd.s32 v8, v7  }
0x23f: {  	v63 =	vld [tilespmem:s4+$0x0];
	v9 =	vadd.s32 $0xFFFFFFFF, v7;
	_ =	sdelay $0x4  }
0x240: {  	[tilespmem:v9+s18+$0x0] =	vst.idx.msk $0xffff, v63  }
0x241: {  	[tilespmem:v6+s17+$0x0] =	vst.idx.msk vm0, v7  }
.LBB2_57:
0x242: {  	s1 =	sadd.s32 $0x7F, s29  }
0x243: {  	s4 =	sand.u32 $0x7F, s1  }
0x244: {  	s5 =	sshra.s32 s1, $0x1F;
	p0 =	slt.s32 s1, $0x0;
	p1 =	sne.s32 s4, $0x0  }
0x245: {  	s31 =	sshrl.u32 s5, $0x19;
	p0 =	por !p0, !p1  }
0x246: {  	s4 =	simm.s32 $0x1;
	s1 =	sadd.s32 s31, s1;
	p0 =	por !p0, !p0  }
0x247: {  	s1 =	sshra.s32 s1, $0x7;
	s4 =	simm.s32 @!p0 $0x0  }
0x248: {  	s30 =	ssub.s32 s1, s4  }
0x249: {  	p0 =	slt.s32 s30, $0x1  }
.Ltmp42:
0x24a: {  	_ = 	snop;
	(pc) =	sbr.rel @p0 .LBB2_74-.Ltmp42, $1  }
0x24b: {  	_ =	sdelay $0x3  }
0x24c: {  	s1 =	simm.s32 $0x80;
	s4 =	simm.s32 $0x6570;
	p0 =	seq.s32 s30, $0x1  }
0x24d: {  	[tilespmem:s4], [sflag:$0x1] =	stream.indirect.gather [hbm4b:s3+s1], $0x40, s18, s1, $0xb8;
	[tilespmem:$0x19A00] =	vst v63  }
0x24e: {  	s1 =	simm.s32 @!p0 $0x80;
	s4 =	simm.s32 @!p0 $0x49A0;
	s5 =	simm.s32 @!p0 $0x8570  }
0x24f: {  	[tilespmem:s5], [sflag:$0x1] =	stream.indirect.gather @!p0 [hbm4b:s3+s1], $0x40, s4, s1, $0xb8;
	[tilespmem:$0x19A00] =	vst v63  }
.Ltmp43:
0x250: {  	p1 =	slt.u32 @!p0 s30, $0x3;
	(pc) =	sbr.rel .LBB2_59-.Ltmp43, $4  }
0x251: {  	s24 =	simm.s32 $0x0;
	p0 =	por p1, p0  }
0x252: {  	v9 =	vimm.f32 $0.0e+00;
	v7 =	vimm.f32 $-Inf;
	s1 =	simm.s32 @!p0 $0x80;
	s4 =	simm.s32 @!p0 $0x4A20;
	s5 =	simm.s32 @!p0 $0xA570  }
0x253: {  	v6 =	vimm.f32 $-Inf;
	v10 =	vimm.f32 $-Inf;
	v11 =	vimm.f32 $-Inf;
	[tilespmem:s5], [sflag:$0x1] =	stream.indirect.gather @!p0 [hbm4b:s3+s1], $0x40, s4, s1, $0xb8;
	[tilespmem:$0x19A00] =	vst v63  }
0x254: {  	v8 =	vimm.f32 $0.0e+00;
	v12 =	vimm.f32 $0.0e+00;
	v13 =	vimm.f32 $0.0e+00;
	s9 =	simm.s32 $0x0;
	s4 =	simm.s32 $0x0;
	s1 =	simm.s32 $0x0  }
.LBB2_69:
0x255: {  	v13 =	vpsel p0, v13, v13;
	v12 =	vpsel p0, v12, v12  }
0x256: {  	v8 =	vpsel p0, v8, v8;
	v9 =	vpsel p0, v9, v9;
	v11 =	vpsel p0, v11, v11  }
0x257: {  	v10 =	vpsel p0, v10, v10;
	v6 =	vpsel p0, v6, v6;
	v7 =	vpsel p0, v7, v7  }
.LBB2_73:
0x258: {  	s9 =	sadd.s32 $0x1, s9  }
0x259: {  	p0 =	sne.s32 s9, s30  }
.Ltmp44:
0x25a: {  	_ = 	snop;
	(pc) =	sbr.rel @!p0 .LBB2_74-.Ltmp44, $2  }
0x25b: {  	_ =	sdelay $0x2  }
0x25c: {  	s1 =	sadd.s32 $0xFFFFFF80, s1;
	s4 =	sadd.s32 $0x80, s4  }
.LBB2_59:
0x25d: {  	s5 =	sadd.s32 $0x3, s9  }
0x25e: {  	p0 =	sge.s32 s5, s30  }
0x25f: {  	s6 =	sshll.u32 @!p0 s5, $0xD;
	s5 =	sshll.u32 @!p0 s5, $0x9  }
0x260: {  	s6 =	sand.u32 @!p0 $0x6000, s6;
	s5 =	sshra.s32 @!p0 s5, $0x2  }
0x261: {  	s7 =	simm.s32 @!p0 $0x80;
	s6 =	sadd.s32 @!p0 $0x6570, s6;
	s5 =	sadd.s32 @!p0 $0x4920, s5  }
0x262: {  	[tilespmem:s6], [sflag:$0x1] =	stream.indirect.gather @!p0 [hbm4b:s3+s7], $0x40, s5, s7, $0xb8;
	[tilespmem:$0x19A00] =	vst v63  }
0x263: {  	_ =	swait.ge [sflag:s15], $0x2000  }
0x264: {  	[sflag:s15] =	ssyncset.done $0x0  }
0x265: {  	[sflag:s15] =	ssyncadd.s32 $0xFFFFE000  }
0x266: {  	v14 =	vld [tilespmem:s24+$0x62B1];
	_ =	sdelay $0x4  }
0x267: {  	(v2sf) =	vpush v14, $0x0;
	_ =	sdelay $0xa  }
0x268: {  	s6 =	sshll.u32 s9, $0x7  }
0x269: {  	s5 =	ssub.s32 s29, s6  }
0x26a: {  	p0 =	slt.s32 s5, $0x80  }
0x26b: {  	s5 =	simm.s32 @!p0 $0x80  }
0x26c: {  	p1 =	sgt.s32 s24, $0x13F;
	s22 =	sadd.s32 s6, s5;
	s23 =	spop (v2sf)  }
0x26d: {  	p0 =	sgt.s32 @!p1 s23, s22  }
0x26e: {  	p0 =	por p1, p0  }
.Ltmp45:
0x26f: {  	_ = 	snop;
	(pc) =	sbr.rel @p0 .LBB2_60-.Ltmp45, $2  }
0x270: {  	_ =	sdelay $0x2  }
0x271: {  	s5 =	sand.u32 $0x180, s4  }
.Ltmp46:
0x272: {  	(pc) =	sbr.rel .LBB2_62-.Ltmp46, $2  }
0x273: {  	_ =	sdelay $0x2  }
0x274: {  	s19 =	sadd.s32 $0x1, s24;
	s8 =	sadd.s32 s5, s1  }
.LBB2_65:
0x275: {  	v13 =	vadd.f32 v16, v13;
	v11 =	vmax.f32 v11, v16;
	v12 =	vadd.f32 v14, v12  }
0x276: {  	v9 =	vadd.f32 v15, v9;
	v10 =	vmax.f32 v10, v14;
	v7 =	vmax.f32 v7, v15  }
.LBB2_66:
0x277: {  	s10 =	smul.u32 $0x140, s24;
	_ =	sdelay $0x1  }
0x278: {  	s10 =	sshra.s32 s10, $0x2  }
0x279: {  	v14 =	vld [tilespmem:s10+$0xE570]  }
0x27a: {  	v15 =	vld [tilespmem:s10+$0xE580]  }
0x27b: {  	v16 =	vld [tilespmem:s10+$0xE590]  }
0x27c: {  	v17 =	vld [tilespmem:s10+$0xE5A0];
	_ =	sdelay $0x1  }
0x27d: {  	v13 =	vadd.f32 v14, v13  }
0x27e: {  	v12 =	vadd.f32 v15, v12  }
0x27f: {  	v8 =	vadd.f32 v16, v8;
	[tilespmem:s10+$0xE570] =	vst v13  }
0x280: {  	v9 =	vadd.f32 v17, v9;
	[tilespmem:s10+$0xE580] =	vst v12  }
0x281: {  	s19 =	sshll.u32 s24, $0x8;
	[tilespmem:s10+$0xE590] =	vst v8  }
0x282: {  	s19 =	sshra.s32 s19, $0x2;
	[tilespmem:s10+$0xE5A0] =	vst v9  }
0x283: {  	v8 =	vld [tilespmem:s19+$0x149C0]  }
0x284: {  	v12 =	vld [tilespmem:s19+$0x149E0]  }
0x285: {  	v9 =	vld [tilespmem:s19+$0x149D0]  }
0x286: {  	v13 =	vld [tilespmem:s19+$0x149F0];
	_ =	sdelay $0x1  }
0x287: {  	v8 =	vmax.f32 v8, v11  }
0x288: {  	v6 =	vmax.f32 v12, v6;
	[tilespmem:s19+$0x149C0] =	vst v8  }
0x289: {  	v8 =	vmax.f32 v9, v10;
	[tilespmem:s19+$0x149E0] =	vst v6  }
0x28a: {  	v6 =	vmax.f32 v13, v7;
	[tilespmem:s19+$0x149D0] =	vst v8  }
0x28b: {  	[tilespmem:s19+$0x149F0] =	vst v6  }
0x28c: {  	v6 =	vld [tilespmem:s10+$0xE5B0];
	_ =	sdelay $0x1  }
0x28d: {  	s31 =	ssub.s32 s23, s25  }
0x28e: {  	s19 =	scvt.s32.f32 s31;
	_ =	sdelay $0x1  }
0x28f: {  	v6 =	vadd.f32 s19, v6;
	_ =	sdelay $0x1  }
0x290: {  	[tilespmem:s10+$0xE5B0] =	vst v6  }
0x291: {  	v6 =	vld [tilespmem:s7+$0x62B1];
	_ =	sdelay $0x4  }
0x292: {  	(v2sf) =	vpush v6, $0x0;
	_ =	sdelay $0xe  }
0x293: {  	p1 =	sgt.s32 s7, $0x13F;
	s23 =	spop (v2sf)  }
0x294: {  	p0 =	sle.s32 @!p1 s23, s22  }
0x295: {  	p0 =	por p1, !p0  }
.Ltmp47:
0x296: {  	_ = 	snop;
	(pc) =	sbr.rel @p0 .LBB2_67-.Ltmp47, $4  }
0x297: {  	_ = 	snop  }
0x298: {  	v11 =	vimm.f32 $-Inf;
	v12 =	vimm.f32 $0.0e+00  }
0x299: {  	v9 =	vimm.f32 $0.0e+00;
	v7 =	vimm.f32 $-Inf;
	v10 =	vimm.f32 $-Inf  }
0x29a: {  	s24 =	smov.u32 s7;
	v13 =	vimm.f32 $0.0e+00;
	v8 =	vimm.f32 $0.0e+00;
	s19 =	sadd.s32 $0x1, s7;
	v6 =	vimm.f32 $-Inf  }
.LBB2_62:
0x29b: {  	v14 =	vld [tilespmem:s24+$0x62B0];
	_ =	sdelay $0x4  }
0x29c: {  	(v2sf) =	vpush v14, $0x0;
	_ =	sdelay $0xe  }
0x29d: {  	s25 =	spop (v2sf)  }
0x29e: {  	s20 =	smov.u32 s6;
	p0 =	sgt.s32 s25, s6  }
0x29f: {  	s20 =	smov.u32 @p0 s25  }
0x2a0: {  	p0 =	sge.s32 s20, s23  }
.Ltmp48:
0x2a1: {  	_ = 	snop;
	(pc) =	sbr.rel @p0 .LBB2_66-.Ltmp48, $2  }
0x2a2: {  	_ =	sdelay $0x2  }
0x2a3: {  	s7 =	smov.u32 s19  }
0x2a4: {  	p0 =	sgt.s32 s25, s4;
	s10 =	smov.u32 s4  }
0x2a5: {  	s10 =	smov.u32 @p0 s25  }
0x2a6: {  	s10 =	sadd.s32 s10, s8  }
0x2a7: {  	s10 =	sshll.u32 s10, $0x8  }
0x2a8: {  	s10 =	sshra.s32 s10, $0x2  }
0x2a9: {  	s10 =	sadd.s32 $0x6590, s10  }
0x2aa: {  	s19 =	sadd.s32 $0x1, s20;
	v17 =	vld [tilespmem:s10+$0x0]  }
0x2ab: {  	p0 =	slt.s32 s19, s23;
	v16 =	vld [tilespmem:s10+$0xFFFFFFE0]  }
.Ltmp49:
0x2ac: {  	v14 =	vld [tilespmem:s10+$0xFFFFFFF0];
	(pc) =	sbr.rel @!p0 .LBB2_65-.Ltmp49, $2  }
0x2ad: {  	v15 =	vld [tilespmem:s10+$0x10];
	_ =	sdelay $0x2  }
0x2ae: {  	s20 =	sadd.s32 $0x40, s10;
	v8 =	vadd.f32 v17, v8;
	v6 =	vmax.f32 v6, v17  }
.LBB2_64:
0x2af: {  	s19 =	sadd.s32 $0x1, s19  }
0x2b0: {  	v17 =	vld [tilespmem:s20+$0x0];
	v13 =	vadd.f32 v16, v13;
	v11 =	vmax.f32 v11, v16;
	p0 =	slt.s32 s19, s23  }
.Ltmp50:
0x2b1: {  	v12 =	vadd.f32 v14, v12;
	v16 =	vld [tilespmem:s20+$0xFFFFFFE0];
	(pc) =	sbr.rel @p0 .LBB2_64-.Ltmp50, $3  }
0x2b2: {  	v9 =	vadd.f32 v15, v9;
	v10 =	vmax.f32 v10, v14;
	v7 =	vmax.f32 v7, v15;
	v14 =	vld [tilespmem:s20+$0xFFFFFFF0]  }
0x2b3: {  	v15 =	vld [tilespmem:s20+$0x10];
	_ =	sdelay $0x1  }
0x2b4: {  	s20 =	sadd.s32 $0x40, s20;
	v8 =	vadd.f32 v17, v8;
	v6 =	vmax.f32 v6, v17  }
.Ltmp51:
0x2b5: {  	_ = 	snop;
	(pc) =	sbr.rel .LBB2_65-.Ltmp51, $1  }
0x2b6: {  	_ =	sdelay $0x3  }
.LBB2_67:
.Ltmp52:
0x2b7: {  	(pc) =	sbr.rel .LBB2_68-.Ltmp52, $4  }
0x2b8: {  	_ = 	snop  }
0x2b9: {  	v13 =	vpsel p1, $0x0, v9;
	v12 =	vpsel p1, $0x0, v9  }
0x2ba: {  	p0 =	slt.s32 s7, $0x140;
	s7 =	smov.u32 @p1 s7;
	v8 =	vpsel p1, $0x0, v9;
	v9 =	vpsel p1, $0x0, v9;
	v11 =	vpsel p1, $0xFF800000, v7  }
0x2bb: {  	v10 =	vpsel p1, $0xFF800000, v7;
	v6 =	vpsel p1, $0xFF800000, v7;
	v7 =	vpsel p1, $0xFF800000, v7;
	p0 =	por @!p1 p0, p0;
	s24 =	smov.u32 s7  }
.LBB2_60:
0x2bc: {  	v13 =	vpsel p1, v13, v13;
	v12 =	vpsel p1, v12, v12  }
0x2bd: {  	p0 =	slt.s32 s24, $0x140;
	v8 =	vpsel p1, v8, v8;
	v9 =	vpsel p1, v9, v9;
	v11 =	vpsel p1, v11, v11  }
0x2be: {  	s24 =	smov.u32 @p1 s24;
	v10 =	vpsel p1, v10, v10;
	v6 =	vpsel p1, v6, v6;
	v7 =	vpsel p1, v7, v7;
	p0 =	por @!p1 p0, p0  }
.LBB2_68:
0x2bf: {  	v14 =	vld @p0 [tilespmem:s24+$0x62B0];
	_ =	sdelay $0x4  }
0x2c0: {  	(v2sf) =	vpush @p0 v14, $0x0;
	_ =	sdelay $0xe  }
0x2c1: {  	s8 =	spop @p0 (v2sf)  }
0x2c2: {  	p1 =	sgt.s32 @p0 s8, s6  }
0x2c3: {  	s7 =	smov.u32 s8;
	p1 =	por !p1, !p0  }
0x2c4: {  	s7 =	smov.u32 @p1 s6  }
0x2c5: {  	p1 =	sge.s32 @p0 s7, s22  }
0x2c6: {  	p1 =	por !p0, p1  }
.Ltmp53:
0x2c7: {  	_ = 	snop;
	(pc) =	sbr.rel @p1 .LBB2_69-.Ltmp53, $1  }
0x2c8: {  	_ =	sdelay $0x3  }
0x2c9: {  	p0 =	sgt.s32 s8, s4;
	s6 =	smov.u32 s4  }
0x2ca: {  	s6 =	smov.u32 @p0 s8  }
0x2cb: {  	s6 =	sadd.s32 s1, s6  }
0x2cc: {  	s5 =	sadd.s32 s5, s6  }
0x2cd: {  	s5 =	sshll.u32 s5, $0x8  }
0x2ce: {  	s5 =	sshra.s32 s5, $0x2  }
0x2cf: {  	s31 =	sadd.s32 $0x6590, s5;
	s5 =	sadd.s32 $0x1, s7  }
0x2d0: {  	v17 =	vld [tilespmem:s31+$0x0];
	p0 =	slt.s32 s5, s22  }
.Ltmp54:
0x2d1: {  	_ = 	snop;
	(pc) =	sbr.rel @!p0 .LBB2_72-.Ltmp54, $4  }
0x2d2: {  	v16 =	vld [tilespmem:s31+$0xFFFFFFE0]  }
0x2d3: {  	v14 =	vld [tilespmem:s31+$0xFFFFFFF0]  }
0x2d4: {  	v15 =	vld [tilespmem:s31+$0x10]  }
0x2d5: {  	s6 =	sadd.s32 $0x40, s31;
	v8 =	vadd.f32 v17, v8;
	v6 =	vmax.f32 v6, v17  }
.LBB2_71:
0x2d6: {  	s5 =	sadd.s32 $0x1, s5  }
0x2d7: {  	v17 =	vld [tilespmem:s6+$0x0];
	v13 =	vadd.f32 v16, v13;
	v11 =	vmax.f32 v11, v16;
	p0 =	slt.s32 s5, s22  }
.Ltmp55:
0x2d8: {  	v16 =	vld [tilespmem:s6+$0xFFFFFFE0];
	v12 =	vadd.f32 v14, v12;
	(pc) =	sbr.rel @p0 .LBB2_71-.Ltmp55, $3  }
0x2d9: {  	v10 =	vmax.f32 v10, v14;
	v9 =	vadd.f32 v15, v9;
	v14 =	vld [tilespmem:s6+$0xFFFFFFF0];
	v7 =	vmax.f32 v7, v15  }
0x2da: {  	v15 =	vld [tilespmem:s6+$0x10];
	_ =	sdelay $0x1  }
0x2db: {  	s6 =	sadd.s32 $0x40, s6;
	v8 =	vadd.f32 v17, v8;
	v6 =	vmax.f32 v6, v17  }
.LBB2_72:
.Ltmp56:
0x2dc: {  	(pc) =	sbr.rel .LBB2_73-.Ltmp56, $3  }
0x2dd: {  	_ =	sdelay $0x1  }
0x2de: {  	v13 =	vadd.f32 v16, v13;
	v11 =	vmax.f32 v11, v16;
	v12 =	vadd.f32 v14, v12  }
0x2df: {  	v10 =	vmax.f32 v10, v14;
	v9 =	vadd.f32 v15, v9;
	v7 =	vmax.f32 v7, v15  }
.LBB2_16:
.Ltmp57:
0x2e0: {  	(pc) =	sbr.rel .LBB2_23-.Ltmp57, $2  }
0x2e1: {  	_ =	sdelay $0x2  }
0x2e2: {  	s1 =	simm.s32 $0x1900  }
.LBB2_49:
.Ltmp58:
0x2e3: {  	(pc) =	sbr.rel .LBB2_56-.Ltmp58, $2  }
0x2e4: {  	_ =	sdelay $0x2  }
0x2e5: {  	s1 =	simm.s32 $0x1900  }
.LBB2_21:
.Ltmp59:
0x2e6: {  	(pc) =	sbr.rel .LBB2_23-.Ltmp59, $2  }
0x2e7: {  	_ =	sdelay $0x2  }
0x2e8: {  	s1 =	simm.s32 $0x1900  }
.LBB2_54:
.Ltmp60:
0x2e9: {  	(pc) =	sbr.rel .LBB2_56-.Ltmp60, $2  }
0x2ea: {  	_ =	sdelay $0x2  }
0x2eb: {  	s1 =	simm.s32 $0x1900  }
.LBB2_75:
0x2ec: {  	(v2sf) =	vpush v5, $0x0;
	_ =	sdelay $0xe  }
0x2ed: {  	s26 =	spop (v2sf)  }
0x2ee: {  	[tilespmem:s26+$0x3110] =	vst v4  }
0x2ef: {  	[tilespmem:$0x6150] =	vst v3  }
0x2f0: {  	[tilespmem:$0x6160] =	vst v3  }
0x2f1: {  	[tilespmem:$0x6170] =	vst v3  }
0x2f2: {  	[tilespmem:$0x6180] =	vst v3  }
0x2f3: {  	[tilespmem:$0x6190] =	vst v3  }
0x2f4: {  	[tilespmem:$0x61A0] =	vst v3  }
0x2f5: {  	[tilespmem:$0x61B0] =	vst v3  }
0x2f6: {  	[tilespmem:$0x61C0] =	vst v3  }
0x2f7: {  	[tilespmem:$0x61D0] =	vst v3  }
0x2f8: {  	s1 =	sadd.s32 $0xF, s26;
	[tilespmem:$0x61E0] =	vst v3  }
0x2f9: {  	[tilespmem:$0x61F0] =	vst v3;
	s4 =	sand.u32 $0xF, s1  }
0x2fa: {  	[tilespmem:$0x6200] =	vst v3;
	s31 =	sshra.s32 s1, $0x1F;
	p1 =	slt.s32 s1, $0x1;
	p0 =	sne.s32 s4, $0x0  }
0x2fb: {  	[tilespmem:$0x6210] =	vst v3;
	s4 =	sshrl.u32 s31, $0x1C;
	p0 =	por !p1, !p0  }
0x2fc: {  	[tilespmem:$0x6220] =	vst v3;
	s1 =	sadd.s32 s4, s1;
	s4 =	simm.s32 $0x1;
	p0 =	por !p0, !p0  }
0x2fd: {  	[tilespmem:$0x6230] =	vst v3;
	s1 =	sshra.s32 s1, $0x4;
	s4 =	simm.s32 @!p0 $0x0  }
0x2fe: {  	[tilespmem:$0x6240] =	vst v3;
	s1 =	ssub.s32 s1, s4  }
0x2ff: {  	[tilespmem:$0x6250] =	vst v3;
	p0 =	sgt.s32 s1, $0x0  }
.Ltmp61:
0x300: {  	[tilespmem:$0x6260] =	vst v3;
	(pc) =	sbr.rel @!p0 .LBB2_76-.Ltmp61, $4  }
0x301: {  	[tilespmem:$0x6270] =	vst v3  }
0x302: {  	[tilespmem:$0x6280] =	vst v3  }
0x303: {  	[tilespmem:$0x6290] =	vst v3  }
0x304: {  	[tilespmem:$0x62A0] =	vst v3;
	s4 =	simm.s32 $0x3110  }
0x305: {  	p1 =	seq.s32 s1, $0x1  }
.Ltmp62:
0x306: {  	_ = 	snop;
	(pc) =	sbr.rel @p1 .LBB2_83-.Ltmp62, $2  }
0x307: {  	_ =	sdelay $0x2  }
0x308: {  	v5 =	vld [tilespmem:s4+$0x0];
	s5 =	sadd.s32 $0xFFFFFFFF, s1  }
.LBB2_82:
0x309: {  	p1 =	seq.s32 s5, $0x1;
	_ =	sdelay $0x3  }
0x30a: {  	(xrf1) =	vunique.msk.u32 $0xffff, v5;
	_ =	sdelay $0xc  }
0x30b: {  	v6 =	vld.idx.msk [tilespmem:v5+s16+$0x0], $0xffff  }
0x30c: {  	_, v7, vm0 =	vpop (xrf1);
	_ =	sdelay $0x2  }
.Ltmp63:
0x30d: {  	(pc) =	sbr.rel @!p1 .LBB2_82-.Ltmp63, $4  }
0x30e: {  	_ = 	snop  }
0x30f: {  	v6 =	vadd.s32 v6, v7  }
0x310: {  	s4 =	sadd.s32 $0x10, s4;
	[tilespmem:v5+s16+$0x0] =	vst.idx.msk vm0, v6  }
0x311: {  	s5 =	sadd.s32 $0xFFFFFFFF, s5;
	v5 =	vld [tilespmem:s4+$0x0]  }
.LBB2_83:
0x312: {  	_ =	sdelay $0x3  }
0x313: {  	(xrf1) =	vunique.msk.u32 $0xffff, v5;
	_ =	sdelay $0xd  }
0x314: {  	v6 =	vld.idx.msk [tilespmem:v5+s16+$0x0], $0xffff;
	_, v7, vm0 =	vpop (xrf1);
	_ =	sdelay $0x4  }
0x315: {  	v6 =	vadd.s32 v6, v7  }
0x316: {  	[tilespmem:v5+s16+$0x0] =	vst.idx.msk vm0, v6  }
.LBB2_76:
0x317: {  	s7 =	simm.s32 $0x0  }
0x318: {  	s5 =	simm.s32 $0x10;
	v7 =	vld [tilespmem:s7+$0x6150]  }
0x319: {  	v6 =	vld [tilespmem:s5+$0x6150];
	_ =	sdelay $0x3  }
0x31a: {  	(xrf0) =	vadd.scan.msk.s32 $0xffff, v7  }
0x31b: {  	(xrf0) =	vadd.scan.msk.s32 $0xffff, v6;
	_ =	sdelay $0x4  }
0x31c: {  	s4 =	simm.s32 $0x20;
	v10, _, _ =	vpop (xrf0)  }
0x31d: {  	v8 =	vld [tilespmem:s4+$0x6150];
	(v2sf) =	vpush v10, $0xF;
	v9, _, _ =	vpop (xrf0)  }
0x31e: {  	(v2sf) =	vpush v9, $0xF;
	_ =	sdelay $0x3  }
0x31f: {  	s6 =	simm.s32 $0x30;
	(xrf0) =	vadd.scan.msk.s32 $0xffff, v8  }
0x320: {  	v5 =	vld [tilespmem:s6+$0x6150];
	_ =	sdelay $0x3  }
0x321: {  	s8 =	simm.s32 $0x0;
	s9 =	simm.s32 $0x100  }
.LBB2_77:
0x322: {  	s10 =	sshra.s32 s9, $0x2;
	p1 =	seq.s32 s9, $0x540;
	s9 =	sadd.s32 $0x40, s9;
	(xrf0) =	vadd.scan.msk.s32 $0xffff, v5;
	v11, _, _ =	vpop (xrf0);
	v12 =	vsub.s32 s8, v7;
	v7 =	vmov v6;
	v6 =	vmov v8  }
.Ltmp64:
0x323: {  	v8 =	vmovc v5;
	(v2sf) =	vpush v11, $0xF;
	v12 =	vadd.s32 v10, v12;
	v10 =	vmovc v9;
	v9 =	vmov v11;
	v5 =	vld [tilespmem:s10+$0x6150];
	(pc) =	sbr.rel @!p1 .LBB2_77-.Ltmp64, $4  }
0x324: {  	[tilespmem:s7+$0x62B0] =	vst v12  }
0x325: {  	[tilespmem:s7+$0x6410] =	vst v12;
	s7 =	smov.u32 s5;
	s5 =	smov.u32 s4;
	s4 =	smov.u32 s6  }
0x326: {  	s6 =	smov.u32 s10;
	s19 =	spop (v2sf)  }
0x327: {  	s8 =	sadd.s32 s8, s19  }
0x328: {  	(xrf0) =	vadd.scan.msk.s32 $0xffff, v5  }
0x329: {  	v11, _, _ =	vpop (xrf0)  }
0x32a: {  	(v2sf) =	vpush v11, $0xF;
	_ =	sdelay $0x3  }
0x32b: {  	v12, _, _ =	vpop (xrf0)  }
0x32c: {  	(v2sf) =	vpush v12, $0xF;
	_ =	sdelay $0x5  }
0x32d: {  	s9 =	spop (v2sf);
	v7 =	vsub.s32 s8, v7  }
0x32e: {  	v7 =	vadd.s32 v10, v7;
	s24 =	sadd.s32 s8, s9  }
0x32f: {  	[tilespmem:s7+$0x62B0] =	vst v7;
	v6 =	vsub.s32 s24, v6;
	s25 =	spop (v2sf)  }
0x330: {  	[tilespmem:s7+$0x6410] =	vst v7;
	v6 =	vadd.s32 v9, v6;
	s28 =	sadd.s32 s24, s25  }
0x331: {  	[tilespmem:s5+$0x62B0] =	vst v6;
	v7 =	vsub.s32 s28, v8;
	s29 =	spop (v2sf)  }
.Ltmp65:
0x332: {  	[tilespmem:s5+$0x6410] =	vst v6;
	v6 =	vadd.s32 v11, v7;
	s30 =	sadd.s32 s28, s29;
	(pc) =	sbr.rel @!p0 .LBB2_88-.Ltmp65, $4  }
0x333: {  	[tilespmem:s4+$0x62B0] =	vst v6;
	v5 =	vsub.s32 s30, v5  }
0x334: {  	[tilespmem:s4+$0x6410] =	vst v6;
	v5 =	vadd.s32 v12, v5  }
0x335: {  	[tilespmem:s6+$0x62B0] =	vst v5  }
0x336: {  	[tilespmem:s6+$0x6410] =	vst v5;
	s31 =	spop (v2sf)  }
0x337: {  	p1 =	sne.s32 s1, $0x1  }
.Ltmp66:
0x338: {  	_ = 	snop;
	(pc) =	sbr.rel @!p1 .LBB2_80-.Ltmp66, $3  }
0x339: {  	_ =	sdelay $0x1  }
0x33a: {  	s5 =	simm.s32 $0x3110  }
0x33b: {  	s4 =	simm.s32 $0x1900;
	s1 =	sadd.s32 $0xFFFFFFFF, s1;
	p0 =	por $0x0, $0x0;
	v5 =	vld [tilespmem:s5+$0x0]  }
0x33c: {  	_ =	sdelay $0x3  }
0x33d: {  	(xrf1) =	vunique.msk.u32 $0xffff, v5;
	_ =	sdelay $0x9  }
0x33e: {  	v6 =	vld.idx.msk [tilespmem:v5+s17+$0x0], $0xffff;
	_ =	sdelay $0x3  }
0x33f: {  	_, v7, vm0 =	vpop (xrf1)  }
0x340: {  	v6 =	vadd.s32 v7, v6  }
0x341: {  	v7 =	vld [tilespmem:s4+$0x0];
	v8 =	vadd.s32 $0xFFFFFFFF, v6;
	_ =	sdelay $0x2  }
0x342: {  	p1 =	sne.s32 s1, $0x1  }
.Ltmp67:
0x343: {  	_ = 	snop;
	(pc) =	sbr.rel @!p1 .LBB2_85-.Ltmp67, $4  }
0x344: {  	[tilespmem:v8+s18+$0x0] =	vst.idx.msk $0xffff, v7  }
0x345: {  	s5 =	simm.s32 $0x3120;
	[tilespmem:v5+s17+$0x0] =	vst.idx.msk vm0, v6  }
0x346: {  	v5 =	vld [tilespmem:s5+$0x0]  }
0x347: {  	s6 =	sadd.s32 $0xFFFFFFFF, s1;
	p0 =	por $0x1, $0x1;
	s1 =	simm.s32 $0x1900  }
.LBB2_86:
0x348: {  	p1 =	sne.s32 s6, $0x1;
	_ =	sdelay $0x2  }
0x349: {  	(xrf1) =	vunique.msk.u32 $0xffff, v5;
	_ =	sdelay $0x8  }
0x34a: {  	v6 =	vld.idx.msk [tilespmem:v5+s17+$0x0], $0xffff;
	_ =	sdelay $0x4  }
0x34b: {  	_, v7, vm0 =	vpop (xrf1)  }
0x34c: {  	s1 =	sadd.s32 $0x10, s1;
	v6 =	vadd.s32 v7, v6  }
0x34d: {  	v7 =	vld [tilespmem:s1+$0x0];
	v8 =	vadd.s32 $0xFFFFFFFF, v6;
	_ =	sdelay $0x3  }
.Ltmp68:
0x34e: {  	(pc) =	sbr.rel @p1 .LBB2_86-.Ltmp68, $4  }
0x34f: {  	[tilespmem:v8+s18+$0x0] =	vst.idx.msk $0xffff, v7  }
0x350: {  	s5 =	sadd.s32 $0x10, s5;
	[tilespmem:v5+s17+$0x0] =	vst.idx.msk vm0, v6  }
0x351: {  	v5 =	vld [tilespmem:s5+$0x0]  }
0x352: {  	s6 =	sadd.s32 $0xFFFFFFFF, s6  }
.LBB2_87:
0x353: {  	_ =	sdelay $0x2  }
0x354: {  	(xrf1) =	vunique.msk.u32 $0xffff, v5;
	_ =	sdelay $0x9  }
0x355: {  	v6 =	vld.idx.msk [tilespmem:v5+s17+$0x0], $0xffff;
	_ =	sdelay $0x3  }
0x356: {  	s1 =	sadd.s32 @p0 $0x10, s1;
	_, v7, vm0 =	vpop (xrf1)  }
0x357: {  	s4 =	smov.u32 @p0 s1;
	v6 =	vadd.s32 v7, v6  }
0x358: {  	v7 =	vld [tilespmem:s4+$0x0];
	v8 =	vadd.s32 $0xFFFFFFFF, v6;
	_ =	sdelay $0x4  }
0x359: {  	[tilespmem:v8+s18+$0x0] =	vst.idx.msk $0xffff, v7  }
0x35a: {  	[tilespmem:v5+s17+$0x0] =	vst.idx.msk vm0, v6  }
.LBB2_88:
0x35b: {  	s1 =	sadd.s32 $0x7F, s26  }
0x35c: {  	s4 =	sand.u32 $0x7F, s1  }
0x35d: {  	s5 =	sshra.s32 s1, $0x1F;
	p0 =	slt.s32 s1, $0x1;
	p1 =	sne.s32 s4, $0x0  }
0x35e: {  	s31 =	sshrl.u32 s5, $0x19;
	p0 =	por !p0, !p1  }
0x35f: {  	s4 =	simm.s32 $0x1;
	s1 =	sadd.s32 s31, s1;
	p0 =	por !p0, !p0  }
0x360: {  	s1 =	sshra.s32 s1, $0x7;
	s4 =	simm.s32 @!p0 $0x0  }
0x361: {  	s28 =	ssub.s32 s1, s4  }
0x362: {  	p0 =	slt.s32 s28, $0x1  }
.Ltmp69:
0x363: {  	_ = 	snop;
	(pc) =	sbr.rel @p0 .LBB2_105-.Ltmp69, $1  }
0x364: {  	_ =	sdelay $0x3  }
0x365: {  	s1 =	simm.s32 $0x80;
	s4 =	simm.s32 $0x6570;
	p0 =	seq.s32 s28, $0x1  }
0x366: {  	[tilespmem:s4], [sflag:$0x1] =	stream.indirect.gather [hbm4b:s3+s1], $0x40, s18, s1, $0xb8;
	[tilespmem:$0x19A00] =	vst v63  }
0x367: {  	s1 =	simm.s32 @!p0 $0x80;
	s4 =	simm.s32 @!p0 $0x49A0;
	s5 =	simm.s32 @!p0 $0x8570  }
0x368: {  	[tilespmem:s5], [sflag:$0x1] =	stream.indirect.gather @!p0 [hbm4b:s3+s1], $0x40, s4, s1, $0xb8;
	[tilespmem:$0x19A00] =	vst v63  }
.Ltmp70:
0x369: {  	p1 =	slt.u32 @!p0 s28, $0x3;
	(pc) =	sbr.rel .LBB2_90-.Ltmp70, $4  }
0x36a: {  	s24 =	simm.s32 $0x0;
	p0 =	por p1, p0  }
0x36b: {  	v8 =	vimm.f32 $0.0e+00;
	v6 =	vimm.f32 $-Inf;
	s1 =	simm.s32 @!p0 $0x80;
	s4 =	simm.s32 @!p0 $0x4A20;
	s5 =	simm.s32 @!p0 $0xA570  }
0x36c: {  	v5 =	vimm.f32 $-Inf;
	v9 =	vimm.f32 $-Inf;
	v10 =	vimm.f32 $-Inf;
	[tilespmem:s5], [sflag:$0x1] =	stream.indirect.gather @!p0 [hbm4b:s3+s1], $0x40, s4, s1, $0xb8;
	[tilespmem:$0x19A00] =	vst v63  }
0x36d: {  	v7 =	vimm.f32 $0.0e+00;
	v11 =	vimm.f32 $0.0e+00;
	v12 =	vimm.f32 $0.0e+00;
	s9 =	simm.s32 $0x0;
	s4 =	simm.s32 $0x0;
	s1 =	simm.s32 $0x0  }
.LBB2_100:
0x36e: {  	v12 =	vpsel p0, v12, v12;
	v11 =	vpsel p0, v11, v11  }
0x36f: {  	v7 =	vpsel p0, v7, v7;
	v8 =	vpsel p0, v8, v8;
	v10 =	vpsel p0, v10, v10  }
0x370: {  	v9 =	vpsel p0, v9, v9;
	v5 =	vpsel p0, v5, v5;
	v6 =	vpsel p0, v6, v6  }
.LBB2_104:
0x371: {  	s9 =	sadd.s32 $0x1, s9  }
0x372: {  	p0 =	sne.s32 s9, s28  }
.Ltmp71:
0x373: {  	_ = 	snop;
	(pc) =	sbr.rel @!p0 .LBB2_105-.Ltmp71, $2  }
0x374: {  	_ =	sdelay $0x2  }
0x375: {  	s1 =	sadd.s32 $0xFFFFFF80, s1;
	s4 =	sadd.s32 $0x80, s4  }
.LBB2_90:
0x376: {  	s5 =	sadd.s32 $0x3, s9  }
0x377: {  	p0 =	sge.s32 s5, s28  }
0x378: {  	s6 =	sshll.u32 @!p0 s5, $0xD;
	s5 =	sshll.u32 @!p0 s5, $0x9  }
0x379: {  	s6 =	sand.u32 @!p0 $0x6000, s6;
	s5 =	sshra.s32 @!p0 s5, $0x2  }
0x37a: {  	s7 =	simm.s32 @!p0 $0x80;
	s6 =	sadd.s32 @!p0 $0x6570, s6;
	s5 =	sadd.s32 @!p0 $0x4920, s5  }
0x37b: {  	[tilespmem:s6], [sflag:$0x1] =	stream.indirect.gather @!p0 [hbm4b:s3+s7], $0x40, s5, s7, $0xb8;
	[tilespmem:$0x19A00] =	vst v63  }
0x37c: {  	_ =	swait.ge [sflag:s15], $0x2000  }
0x37d: {  	[sflag:s15] =	ssyncset.done $0x0  }
0x37e: {  	[sflag:s15] =	ssyncadd.s32 $0xFFFFE000  }
0x37f: {  	v13 =	vld [tilespmem:s24+$0x62B1];
	_ =	sdelay $0x4  }
0x380: {  	(v2sf) =	vpush v13, $0x0;
	_ =	sdelay $0xa  }
0x381: {  	s6 =	sshll.u32 s9, $0x7  }
0x382: {  	s5 =	ssub.s32 s26, s6  }
0x383: {  	p0 =	slt.s32 s5, $0x80  }
0x384: {  	s5 =	simm.s32 @!p0 $0x80  }
0x385: {  	p1 =	sgt.s32 s24, $0x13F;
	s22 =	sadd.s32 s6, s5;
	s23 =	spop (v2sf)  }
0x386: {  	p0 =	sgt.s32 @!p1 s23, s22  }
0x387: {  	p0 =	por p1, p0  }
.Ltmp72:
0x388: {  	_ = 	snop;
	(pc) =	sbr.rel @p0 .LBB2_91-.Ltmp72, $2  }
0x389: {  	_ =	sdelay $0x2  }
0x38a: {  	s5 =	sand.u32 $0x180, s4  }
.Ltmp73:
0x38b: {  	(pc) =	sbr.rel .LBB2_93-.Ltmp73, $2  }
0x38c: {  	_ =	sdelay $0x2  }
0x38d: {  	s19 =	sadd.s32 $0x1, s24;
	s8 =	sadd.s32 s5, s1  }
.LBB2_96:
0x38e: {  	v12 =	vadd.f32 v15, v12;
	v10 =	vmax.f32 v10, v15;
	v11 =	vadd.f32 v13, v11  }
0x38f: {  	v8 =	vadd.f32 v14, v8;
	v9 =	vmax.f32 v9, v13;
	v6 =	vmax.f32 v6, v14  }
.LBB2_97:
0x390: {  	s10 =	smul.u32 $0x140, s24;
	_ =	sdelay $0x1  }
0x391: {  	s10 =	sshra.s32 s10, $0x2  }
0x392: {  	v13 =	vld [tilespmem:s10+$0xE570]  }
0x393: {  	v14 =	vld [tilespmem:s10+$0xE580]  }
0x394: {  	v15 =	vld [tilespmem:s10+$0xE590]  }
0x395: {  	v16 =	vld [tilespmem:s10+$0xE5A0];
	_ =	sdelay $0x1  }
0x396: {  	v12 =	vadd.f32 v13, v12  }
0x397: {  	v11 =	vadd.f32 v14, v11  }
0x398: {  	v7 =	vadd.f32 v15, v7;
	[tilespmem:s10+$0xE570] =	vst v12  }
0x399: {  	v8 =	vadd.f32 v16, v8;
	[tilespmem:s10+$0xE580] =	vst v11  }
0x39a: {  	s19 =	sshll.u32 s24, $0x8;
	[tilespmem:s10+$0xE590] =	vst v7  }
0x39b: {  	s19 =	sshra.s32 s19, $0x2;
	[tilespmem:s10+$0xE5A0] =	vst v8  }
0x39c: {  	v7 =	vld [tilespmem:s19+$0x149C0]  }
0x39d: {  	v11 =	vld [tilespmem:s19+$0x149E0]  }
0x39e: {  	v8 =	vld [tilespmem:s19+$0x149D0]  }
0x39f: {  	v12 =	vld [tilespmem:s19+$0x149F0];
	_ =	sdelay $0x1  }
0x3a0: {  	v7 =	vmax.f32 v7, v10  }
0x3a1: {  	v5 =	vmax.f32 v11, v5;
	[tilespmem:s19+$0x149C0] =	vst v7  }
0x3a2: {  	v7 =	vmax.f32 v8, v9;
	[tilespmem:s19+$0x149E0] =	vst v5  }
0x3a3: {  	v5 =	vmax.f32 v12, v6;
	[tilespmem:s19+$0x149D0] =	vst v7  }
0x3a4: {  	[tilespmem:s19+$0x149F0] =	vst v5  }
0x3a5: {  	v5 =	vld [tilespmem:s10+$0xE5B0];
	_ =	sdelay $0x1  }
0x3a6: {  	s31 =	ssub.s32 s23, s25  }
0x3a7: {  	s19 =	scvt.s32.f32 s31;
	_ =	sdelay $0x1  }
0x3a8: {  	v5 =	vadd.f32 s19, v5;
	_ =	sdelay $0x1  }
0x3a9: {  	[tilespmem:s10+$0xE5B0] =	vst v5  }
0x3aa: {  	v5 =	vld [tilespmem:s7+$0x62B1];
	_ =	sdelay $0x4  }
0x3ab: {  	(v2sf) =	vpush v5, $0x0;
	_ =	sdelay $0xe  }
0x3ac: {  	p1 =	sgt.s32 s7, $0x13F;
	s23 =	spop (v2sf)  }
0x3ad: {  	p0 =	sle.s32 @!p1 s23, s22  }
0x3ae: {  	p0 =	por p1, !p0  }
.Ltmp74:
0x3af: {  	_ = 	snop;
	(pc) =	sbr.rel @p0 .LBB2_98-.Ltmp74, $4  }
0x3b0: {  	_ = 	snop  }
0x3b1: {  	v10 =	vimm.f32 $-Inf;
	v11 =	vimm.f32 $0.0e+00  }
0x3b2: {  	v8 =	vimm.f32 $0.0e+00;
	v6 =	vimm.f32 $-Inf;
	v9 =	vimm.f32 $-Inf  }
0x3b3: {  	s24 =	smov.u32 s7;
	v12 =	vimm.f32 $0.0e+00;
	v7 =	vimm.f32 $0.0e+00;
	s19 =	sadd.s32 $0x1, s7;
	v5 =	vimm.f32 $-Inf  }
.LBB2_93:
0x3b4: {  	v13 =	vld [tilespmem:s24+$0x62B0];
	_ =	sdelay $0x4  }
0x3b5: {  	(v2sf) =	vpush v13, $0x0;
	_ =	sdelay $0xe  }
0x3b6: {  	s25 =	spop (v2sf)  }
0x3b7: {  	s20 =	smov.u32 s6;
	p0 =	sgt.s32 s25, s6  }
0x3b8: {  	s20 =	smov.u32 @p0 s25  }
0x3b9: {  	p0 =	sge.s32 s20, s23  }
.Ltmp75:
0x3ba: {  	_ = 	snop;
	(pc) =	sbr.rel @p0 .LBB2_97-.Ltmp75, $2  }
0x3bb: {  	_ =	sdelay $0x2  }
0x3bc: {  	s7 =	smov.u32 s19  }
0x3bd: {  	p0 =	sgt.s32 s25, s4;
	s10 =	smov.u32 s4  }
0x3be: {  	s10 =	smov.u32 @p0 s25  }
0x3bf: {  	s10 =	sadd.s32 s10, s8  }
0x3c0: {  	s10 =	sshll.u32 s10, $0x8  }
0x3c1: {  	s10 =	sshra.s32 s10, $0x2  }
0x3c2: {  	s10 =	sadd.s32 $0x6590, s10  }
0x3c3: {  	s19 =	sadd.s32 $0x1, s20;
	v16 =	vld [tilespmem:s10+$0x0]  }
0x3c4: {  	p0 =	slt.s32 s19, s23;
	v15 =	vld [tilespmem:s10+$0xFFFFFFE0]  }
.Ltmp76:
0x3c5: {  	v13 =	vld [tilespmem:s10+$0xFFFFFFF0];
	(pc) =	sbr.rel @!p0 .LBB2_96-.Ltmp76, $2  }
0x3c6: {  	v14 =	vld [tilespmem:s10+$0x10];
	_ =	sdelay $0x2  }
0x3c7: {  	s20 =	sadd.s32 $0x40, s10;
	v7 =	vadd.f32 v16, v7;
	v5 =	vmax.f32 v5, v16  }
.LBB2_95:
0x3c8: {  	s19 =	sadd.s32 $0x1, s19  }
0x3c9: {  	v16 =	vld [tilespmem:s20+$0x0];
	v12 =	vadd.f32 v15, v12;
	v10 =	vmax.f32 v10, v15;
	p0 =	slt.s32 s19, s23  }
.Ltmp77:
0x3ca: {  	v11 =	vadd.f32 v13, v11;
	v15 =	vld [tilespmem:s20+$0xFFFFFFE0];
	(pc) =	sbr.rel @p0 .LBB2_95-.Ltmp77, $3  }
0x3cb: {  	v8 =	vadd.f32 v14, v8;
	v9 =	vmax.f32 v9, v13;
	v6 =	vmax.f32 v6, v14;
	v13 =	vld [tilespmem:s20+$0xFFFFFFF0]  }
0x3cc: {  	v14 =	vld [tilespmem:s20+$0x10];
	_ =	sdelay $0x1  }
0x3cd: {  	s20 =	sadd.s32 $0x40, s20;
	v7 =	vadd.f32 v16, v7;
	v5 =	vmax.f32 v5, v16  }
.Ltmp78:
0x3ce: {  	_ = 	snop;
	(pc) =	sbr.rel .LBB2_96-.Ltmp78, $1  }
0x3cf: {  	_ =	sdelay $0x3  }
.LBB2_98:
.Ltmp79:
0x3d0: {  	(pc) =	sbr.rel .LBB2_99-.Ltmp79, $4  }
0x3d1: {  	_ = 	snop  }
0x3d2: {  	v12 =	vpsel p1, $0x0, v8;
	v11 =	vpsel p1, $0x0, v8  }
0x3d3: {  	p0 =	slt.s32 s7, $0x140;
	s7 =	smov.u32 @p1 s7;
	v7 =	vpsel p1, $0x0, v8;
	v8 =	vpsel p1, $0x0, v8;
	v10 =	vpsel p1, $0xFF800000, v6  }
0x3d4: {  	v9 =	vpsel p1, $0xFF800000, v6;
	v5 =	vpsel p1, $0xFF800000, v6;
	v6 =	vpsel p1, $0xFF800000, v6;
	p0 =	por @!p1 p0, p0;
	s24 =	smov.u32 s7  }
.LBB2_91:
0x3d5: {  	v12 =	vpsel p1, v12, v12;
	v11 =	vpsel p1, v11, v11  }
0x3d6: {  	p0 =	slt.s32 s24, $0x140;
	v7 =	vpsel p1, v7, v7;
	v8 =	vpsel p1, v8, v8;
	v10 =	vpsel p1, v10, v10  }
0x3d7: {  	s24 =	smov.u32 @p1 s24;
	v9 =	vpsel p1, v9, v9;
	v5 =	vpsel p1, v5, v5;
	v6 =	vpsel p1, v6, v6;
	p0 =	por @!p1 p0, p0  }
.LBB2_99:
0x3d8: {  	v13 =	vld @p0 [tilespmem:s24+$0x62B0];
	_ =	sdelay $0x4  }
0x3d9: {  	(v2sf) =	vpush @p0 v13, $0x0;
	_ =	sdelay $0xe  }
0x3da: {  	s8 =	spop @p0 (v2sf)  }
0x3db: {  	p1 =	sgt.s32 @p0 s8, s6  }
0x3dc: {  	s7 =	smov.u32 s8;
	p1 =	por !p1, !p0  }
0x3dd: {  	s7 =	smov.u32 @p1 s6  }
0x3de: {  	p1 =	sge.s32 @p0 s7, s22  }
0x3df: {  	p1 =	por !p0, p1  }
.Ltmp80:
0x3e0: {  	_ = 	snop;
	(pc) =	sbr.rel @p1 .LBB2_100-.Ltmp80, $1  }
0x3e1: {  	_ =	sdelay $0x3  }
0x3e2: {  	p0 =	sgt.s32 s8, s4;
	s6 =	smov.u32 s4  }
0x3e3: {  	s6 =	smov.u32 @p0 s8  }
0x3e4: {  	s6 =	sadd.s32 s1, s6  }
0x3e5: {  	s5 =	sadd.s32 s5, s6  }
0x3e6: {  	s5 =	sshll.u32 s5, $0x8  }
0x3e7: {  	s5 =	sshra.s32 s5, $0x2  }
0x3e8: {  	s31 =	sadd.s32 $0x6590, s5;
	s5 =	sadd.s32 $0x1, s7  }
0x3e9: {  	v16 =	vld [tilespmem:s31+$0x0];
	p0 =	slt.s32 s5, s22  }
.Ltmp81:
0x3ea: {  	_ = 	snop;
	(pc) =	sbr.rel @!p0 .LBB2_103-.Ltmp81, $4  }
0x3eb: {  	v15 =	vld [tilespmem:s31+$0xFFFFFFE0]  }
0x3ec: {  	v13 =	vld [tilespmem:s31+$0xFFFFFFF0]  }
0x3ed: {  	v14 =	vld [tilespmem:s31+$0x10]  }
0x3ee: {  	s6 =	sadd.s32 $0x40, s31;
	v7 =	vadd.f32 v16, v7;
	v5 =	vmax.f32 v5, v16  }
.LBB2_102:
0x3ef: {  	s5 =	sadd.s32 $0x1, s5  }
0x3f0: {  	v16 =	vld [tilespmem:s6+$0x0];
	v12 =	vadd.f32 v15, v12;
	v10 =	vmax.f32 v10, v15;
	p0 =	slt.s32 s5, s22  }
.Ltmp82:
0x3f1: {  	v15 =	vld [tilespmem:s6+$0xFFFFFFE0];
	v11 =	vadd.f32 v13, v11;
	(pc) =	sbr.rel @p0 .LBB2_102-.Ltmp82, $3  }
0x3f2: {  	v9 =	vmax.f32 v9, v13;
	v8 =	vadd.f32 v14, v8;
	v13 =	vld [tilespmem:s6+$0xFFFFFFF0];
	v6 =	vmax.f32 v6, v14  }
0x3f3: {  	v14 =	vld [tilespmem:s6+$0x10];
	_ =	sdelay $0x1  }
0x3f4: {  	s6 =	sadd.s32 $0x40, s6;
	v7 =	vadd.f32 v16, v7;
	v5 =	vmax.f32 v5, v16  }
.LBB2_103:
.Ltmp83:
0x3f5: {  	(pc) =	sbr.rel .LBB2_104-.Ltmp83, $3  }
0x3f6: {  	_ =	sdelay $0x1  }
0x3f7: {  	v12 =	vadd.f32 v15, v12;
	v10 =	vmax.f32 v10, v15;
	v11 =	vadd.f32 v13, v11  }
0x3f8: {  	v9 =	vmax.f32 v9, v13;
	v8 =	vadd.f32 v14, v8;
	v6 =	vmax.f32 v6, v14  }
.LBB2_80:
.Ltmp84:
0x3f9: {  	(pc) =	sbr.rel .LBB2_87-.Ltmp84, $2  }
0x3fa: {  	_ =	sdelay $0x2  }
0x3fb: {  	s1 =	simm.s32 $0x1900  }
.LBB2_85:
.Ltmp85:
0x3fc: {  	(pc) =	sbr.rel .LBB2_87-.Ltmp85, $2  }
0x3fd: {  	_ =	sdelay $0x2  }
0x3fe: {  	s1 =	simm.s32 $0x1900  }
.LBB2_106:
0x3ff: {  	_ =	sfence.sel $0x180000  }
0x400: {  	[bflag:$0x0] =	sbarrier.arrive $0xFFFF  }
0x401: {  	_ =	strace $0x90000047  }
0x402: {  	s0 =	stileid.u32;
	[bflag:$0x2] =	sbarrier.arrive $0xFFFF  }
0x403: {  	p0 =	sne.s32 s0, $0x0;
	s0 =	rddreg [dreg:$0x5]  }
0x404: {  	s0 =	sadd.s32 @!p0 $0x100000, s0  }
0x405: {  	[sflag:s0] =	ssyncadd.tile.s32 @!p0 $0x1;
	_ =	shalt  }
.Lfunc_end2:
_tile_overlayer_lowered:
.L_overlay_start_2:
0x406: {  	(tag) =	ssettag $0x2  }
0x407: {  	s0 =	rddreg [dreg:$0x0];
	s2 =	stileid.u32  }
0x408: {  	s1 =	rddreg [dreg:$0x1];
	p0 =	sne.s32 s2, $0x0  }
0x409: {  	s3 =	rddreg [dreg:$0x2];
	[bflag:$0x3] =	sbarrier.arrive $0xFFFF;
	s2 =	simm.s32 @!p0 $0x1C04  }
0x40a: {  	[timem:s3], [sflag:s2] =	dma.local @!p0 [hbm:s0], s1  }
0x40b: {  	s0 =	simm.s32 @!p0 $0x4  }
0x40c: {  	_ =	swait.ge @!p0 [sflag:s0], s1  }
0x40d: {  	s1 =	ssub.s32 @!p0 $0x0, s1;
	[sflag:s0] =	ssyncset.done @!p0 $0x0  }
0x40e: {  	[sflag:s0] =	ssyncadd.s32 @!p0 s1  }
0x40f: {  	[bflag:$0x3] =	sbarrier.arrive $0xFFFF  }
0x410: {  	_ =	shalt  }

</sc_bundles>
